<compile_context>
chip_gen: v7x
topology: tpu7x:2x2x1
jax: 0.10.2.dev20260603
libtpu: 0.0.44.dev20260713+nightly
codegen_flags: <defaults>
</compile_context>

<pallas_src>
import functools

import jax
import jax.numpy as jnp
from jax import lax
from jax.experimental import pallas as pl
from jax.experimental.pallas import tpu as pltpu
from jax.experimental.pallas import tpu_sc as plsc

N = 10000
E = 320000
NP = 10240
EP = 327680
CH = 128
NW = 32
NCH = EP // (NW * CH)
KB = 8
NBLK = NCH // KB
NSUB = 16
RPT = NP // NSUB

_mesh = plsc.VectorSubcoreMesh(core_axis_name="c", subcore_axis_name="s")
_sc_params = pltpu.CompilerParams(use_tc_tiling_on_sc=False)



def _deg_body(eir_hbm, ones_hbm, zeros_hbm, out_hbm, idx_a, idx_b, ones_v,
              acc, isem_a, isem_b, ssem_a, ssem_b):
    dstr_hbm = eir_hbm.at[1]
    cid = lax.axis_index("c")
    sid = lax.axis_index("s")
    r0 = pl.multiple_of(sid * RPT, RPT)
    pltpu.sync_copy(zeros_hbm.at[pl.ds(r0, RPT)], acc.at[pl.ds(r0, RPT)])
    pltpu.sync_copy(ones_hbm, ones_v)
    plsc.subcore_barrier()
    w = cid * NSUB + sid

    def blk_src(b):
        bb = lax.min(b, NBLK - 1)
        return dstr_hbm.at[pl.ds(pl.multiple_of((w * NBLK + bb) * KB, KB), KB)]

    pltpu.async_copy(blk_src(0), idx_a, isem_a)
    pltpu.async_copy(ones_v, acc.at[pl.ds(N, CH)], ssem_b)

    def block(b, idx_cur, idx_nxt, isem_cur, isem_nxt):
        pltpu.make_async_copy(blk_src(b), idx_cur, isem_cur).wait()
        pltpu.async_copy(blk_src(b + 1), idx_nxt, isem_nxt)
        for kk in range(KB):
            sc, sn = (ssem_a, ssem_b) if kk % 2 == 0 else (ssem_b, ssem_a)
            pltpu.async_copy(ones_v, acc.at[idx_cur.at[kk]], add=True, sem=sc)
            pltpu.make_async_copy(ones_v, acc.at[idx_cur.at[kk]], sn).wait()

    def body(p, carry):
        block(p * 2, idx_a, idx_b, isem_a, isem_b)
        block(p * 2 + 1, idx_b, idx_a, isem_b, isem_a)
        return carry

    lax.fori_loop(0, NBLK // 2, body, 0)
    pltpu.make_async_copy(ones_v, acc.at[idx_b.at[KB - 1]], ssem_b).wait()
    pltpu.make_async_copy(blk_src(NBLK - 1), idx_a, isem_a).wait()
    plsc.subcore_barrier()
    pltpu.sync_copy(acc.at[pl.ds(r0, RPT)], out_hbm.at[cid, pl.ds(r0, RPT)])


_deg_call = pl.kernel(
    _deg_body,
    out_type=jax.ShapeDtypeStruct((2, NP, 16), jnp.float32),
    mesh=_mesh,
    scratch_types=[
        pltpu.VMEM((KB, CH), jnp.int32),
        pltpu.VMEM((KB, CH), jnp.int32),
        pltpu.VMEM((CH, 16), jnp.float32),
        pltpu.VMEM_SHARED((NP, 16), jnp.float32),
        pltpu.SemaphoreType.DMA,
        pltpu.SemaphoreType.DMA,
        pltpu.SemaphoreType.DMA,
        pltpu.SemaphoreType.DMA,
    ],
    compiler_params=_sc_params,
)



def _make_agg(W):
    def body_fn(g_hbm, eir_hbm, zeros_hbm, out_hbm,
                sidx_a, sidx_b, didx_a, didx_b, rows_a, rows_b, tbl, acc,
                isem_a, isem_b, gsem_a, gsem_b, ssem_a, ssem_b):
        cid = lax.axis_index("c")
        sid = lax.axis_index("s")
        r0 = pl.multiple_of(sid * RPT, RPT)
        pltpu.sync_copy(g_hbm.at[pl.ds(r0, RPT)], tbl.at[pl.ds(r0, RPT)])
        pltpu.sync_copy(zeros_hbm.at[pl.ds(r0, RPT)], acc.at[pl.ds(r0, RPT)])
        plsc.subcore_barrier()
        w = cid * NSUB + sid

        srcr_hbm = eir_hbm.at[0]
        dstr_hbm = eir_hbm.at[1]

        def blk(ref, b):
            bb = lax.min(b, NBLK - 1)
            return ref.at[pl.ds(pl.multiple_of((w * NBLK + bb) * KB, KB), KB)]

        pltpu.sync_copy(blk(srcr_hbm, 0), sidx_a)
        pltpu.sync_copy(blk(dstr_hbm, 0), didx_a)
        pltpu.async_copy(tbl.at[sidx_a.at[0]], rows_a, gsem_a)
        pltpu.async_copy(rows_b, acc.at[pl.ds(N, CH)], ssem_b)

        def stage(scur, dcur, snxt, rows_cur, rows_nxt,
                  gsem_cur, gsem_nxt, ssem_cur, ssem_nxt):
            pltpu.make_async_copy(tbl.at[scur], rows_cur, gsem_cur).wait()
            pltpu.async_copy(rows_cur, acc.at[dcur], ssem_cur, add=True)
            pltpu.make_async_copy(rows_nxt, acc.at[dcur], ssem_nxt).wait()
            pltpu.async_copy(tbl.at[snxt], rows_nxt, gsem_nxt)

        def block(b, scur_b, snxt_b, dcur_b, dnxt_b, isem_nxt):
            pltpu.async_copy(blk(srcr_hbm, b + 1), snxt_b, isem_nxt)
            pltpu.async_copy(blk(dstr_hbm, b + 1), dnxt_b, isem_nxt)
            for kk in range(KB):
                sems = ((gsem_a, gsem_b, ssem_a, ssem_b) if kk % 2 == 0
                        else (gsem_b, gsem_a, ssem_b, ssem_a))
                if kk < KB - 1:
                    scur, snxt = scur_b.at[kk], scur_b.at[kk + 1]
                else:
                    pltpu.make_async_copy(blk(srcr_hbm, b + 1), snxt_b,
                                          isem_nxt).wait()
                    pltpu.make_async_copy(blk(dstr_hbm, b + 1), dnxt_b,
                                          isem_nxt).wait()
                    scur, snxt = scur_b.at[kk], snxt_b.at[0]
                rc, rn = (rows_a, rows_b) if kk % 2 == 0 else (rows_b, rows_a)
                stage(scur, dcur_b.at[kk], snxt, rc, rn, *sems)

        def body(p, carry):
            block(p * 2, sidx_a, sidx_b, didx_a, didx_b, isem_b)
            block(p * 2 + 1, sidx_b, sidx_a, didx_b, didx_a, isem_a)
            return carry

        lax.fori_loop(0, NBLK // 2, body, 0)
        pltpu.make_async_copy(tbl.at[sidx_a.at[0]], rows_a, gsem_a).wait()
        pltpu.make_async_copy(rows_b, acc.at[didx_b.at[KB - 1]],
                              ssem_b).wait()
        plsc.subcore_barrier()
        pltpu.sync_copy(acc.at[pl.ds(r0, RPT)], out_hbm.at[cid, pl.ds(r0, RPT)])

    return pl.kernel(
        body_fn,
        out_type=jax.ShapeDtypeStruct((2, NP, W), jnp.float32),
        mesh=_mesh,
        scratch_types=[
            pltpu.VMEM((KB, CH), jnp.int32),
            pltpu.VMEM((KB, CH), jnp.int32),
            pltpu.VMEM((KB, CH), jnp.int32),
            pltpu.VMEM((KB, CH), jnp.int32),
            pltpu.VMEM((CH, W), jnp.float32),
            pltpu.VMEM((CH, W), jnp.float32),
            pltpu.VMEM_SHARED((NP, W), jnp.float32),
            pltpu.VMEM_SHARED((NP, W), jnp.float32),
            pltpu.SemaphoreType.DMA,
            pltpu.SemaphoreType.DMA,
            pltpu.SemaphoreType.DMA,
            pltpu.SemaphoreType.DMA,
            pltpu.SemaphoreType.DMA,
            pltpu.SemaphoreType.DMA,
        ],
        compiler_params=_sc_params,
    )


_agg64 = _make_agg(64)
_agg32 = _make_agg(32)



R = 2048
GRID = NP // R
R3 = 2000
GRID3 = N // R3


def _dis(d_ref):
    deg = d_ref[0, :, 0:1] + d_ref[1, :, 0:1] + 1.0
    return lax.rsqrt(deg)


def _l1_body(x_ref, w_ref, d_ref, o_ref):
    h = jnp.dot(x_ref[...], w_ref[...], preferred_element_type=jnp.float32)
    o_ref[...] = h * _dis(d_ref)


def _l1(xp, W1, degp):
    return pl.pallas_call(
        _l1_body,
        grid=(GRID,),
        in_specs=[
            pl.BlockSpec((R, 128), lambda i: (i, 0)),
            pl.BlockSpec((128, 64), lambda i: (0, 0)),
            pl.BlockSpec((2, R, 16), lambda i: (0, i, 0)),
        ],
        out_specs=pl.BlockSpec((R, 64), lambda i: (i, 0)),
        out_shape=jax.ShapeDtypeStruct((NP, 64), jnp.float32),
    )(xp, W1, degp)


def _l2_body(a_ref, g_ref, d_ref, b_ref, w_ref, o_ref):
    dis = _dis(d_ref)
    agg = a_ref[0] + a_ref[1] + g_ref[...]
    h = jnp.maximum(agg * dis + b_ref[...], 0.0)
    o_ref[...] = jnp.dot(h, w_ref[...], preferred_element_type=jnp.float32) * dis


def _l2(a1, g1, degp, b1, W2):
    return pl.pallas_call(
        _l2_body,
        grid=(GRID,),
        in_specs=[
            pl.BlockSpec((2, R, 64), lambda i: (0, i, 0)),
            pl.BlockSpec((R, 64), lambda i: (i, 0)),
            pl.BlockSpec((2, R, 16), lambda i: (0, i, 0)),
            pl.BlockSpec((1, 64), lambda i: (0, 0)),
            pl.BlockSpec((64, 32), lambda i: (0, 0)),
        ],
        out_specs=pl.BlockSpec((R, 32), lambda i: (i, 0)),
        out_shape=jax.ShapeDtypeStruct((NP, 32), jnp.float32),
    )(a1, g1, degp, b1, W2)


def _l3_body(a_ref, g_ref, d_ref, b_ref, o_ref):
    dis = _dis(d_ref)
    agg = a_ref[0] + a_ref[1] + g_ref[...]
    o_ref[...] = jnp.maximum(agg * dis + b_ref[...], 0.0)


def _l3(a2, g2, degp, b2):
    return pl.pallas_call(
        _l3_body,
        grid=(GRID3,),
        in_specs=[
            pl.BlockSpec((2, R3, 32), lambda i: (0, i, 0)),
            pl.BlockSpec((R3, 32), lambda i: (i, 0)),
            pl.BlockSpec((2, R3, 16), lambda i: (0, i, 0)),
            pl.BlockSpec((1, 32), lambda i: (0, 0)),
        ],
        out_specs=pl.BlockSpec((R3, 32), lambda i: (i, 0)),
        out_shape=jax.ShapeDtypeStruct((N, 32), jnp.float32),
    )(a2, g2, degp, b2)



def kernel(x, edge_index, W1, b1, W2, b2):
    ei = edge_index.astype(jnp.int32)
    eir = jnp.pad(ei, ((0, 0), (0, EP - E)),
                  constant_values=N).reshape(2, EP // CH, CH)
    xp = jnp.zeros((NP, 128), jnp.float32).at[:N].set(x)
    ones16 = jnp.ones((CH, 16), jnp.float32)
    z16 = jnp.zeros((NP, 16), jnp.float32)
    z64 = jnp.zeros((NP, 64), jnp.float32)
    z32 = jnp.zeros((NP, 32), jnp.float32)

    degp = _deg_call(eir, ones16, z16)
    g1 = _l1(xp, W1, degp)
    a1 = _agg64(g1, eir, z64)
    g2 = _l2(a1, g1, degp, b1.reshape(1, 64), W2)
    a2 = _agg32(g2, eir, z32)
    return _l3(a2, g2, degp, b2.reshape(1, 32))

# --- scband reference (transcript-rebuilt; emitter-appended) ---
"""Pipeline reference for scband-gaeencoder-39367670235137 (READ-ONLY COPY).

The authoritative reference and input builder live on the scoring server;
editing this copy changes nothing except your own understanding.
"""

import jax, jax.numpy as jnp
import numpy as np

N_NODES = 10000
N_EDGES = 320000
IN_CH = 128
HID_CH = 64
OUT_CH = 32


def setup_inputs(seed: int = 0) -> dict:
    key = jax.random.key(seed)
    k1, k2, k3, k4, k5, k6 = jax.random.split(key, 6)
    x = jax.random.normal(k1, (N_NODES, IN_CH), dtype=jnp.float32)
    edge_index = jax.random.randint(k2, (2, N_EDGES), 0, N_NODES, dtype=jnp.int64)
    W1 = jax.random.normal(k3, (IN_CH, HID_CH), dtype=jnp.float32) * (1.0 / np.sqrt(IN_CH))
    b1 = jnp.zeros((HID_CH,), dtype=jnp.float32)
    W2 = jax.random.normal(k4, (HID_CH, OUT_CH), dtype=jnp.float32) * (1.0 / np.sqrt(HID_CH))
    b2 = jnp.zeros((OUT_CH,), dtype=jnp.float32)
    return {"x": x, "edge_index": edge_index, "W1": W1, "b1": b1, "W2": W2, "b2": b2}


def _gcn_conv(x, edge_index, W, b):
    # Faithful PyG GCNConv: add self-loops, symmetric normalization, scatter-add aggregation.
    N = x.shape[0]
    loop = jnp.arange(N, dtype=edge_index.dtype)
    src = jnp.concatenate([edge_index[0], loop])
    dst = jnp.concatenate([edge_index[1], loop])
    deg = jnp.zeros((N,), dtype=jnp.float32).at[dst].add(1.0)
    deg_inv_sqrt = jnp.where(deg > 0, deg ** -0.5, 0.0)
    norm = deg_inv_sqrt[src] * deg_inv_sqrt[dst]
    h = x @ W
    msg = h[src] * norm[:, None]
    out = jnp.zeros((N, h.shape[1]), dtype=h.dtype).at[dst].add(msg)
    return out + b


def reference(x, edge_index, W1, b1, W2, b2):
    h = jax.nn.relu(_gcn_conv(x, edge_index, W1, b1))
    z = jax.nn.relu(_gcn_conv(h, edge_index, W2, b2))
    return z

if __name__ == "__main__":
    import jax
    _d = setup_inputs()
    print(jax.jit(kernel)(*tuple(_d.values())))

</pallas_src>

<mosaic_0001>
#map = affine_map<(d0, d1) -> (0, 0)>
#map1 = affine_map<(d0, d1) -> (0, 0, 0)>
module attributes {stable_mosaic.version = 14 : i64} {
  func.func @body_fn(%arg0: i32, %arg1: i32, %arg2: memref<10240x32xf32, #tpu.memory_space<hbm>>, %arg3: memref<2x2560x128xi32, #tpu.memory_space<hbm>>, %arg4: memref<10240x32xf32, #tpu.memory_space<hbm>>, %arg5: memref<2x10240x32xf32, #tpu.memory_space<hbm>>, %arg6: memref<8x128xi32, #tpu.memory_space<vmem>>, %arg7: memref<8x128xi32, #tpu.memory_space<vmem>>, %arg8: memref<8x128xi32, #tpu.memory_space<vmem>>, %arg9: memref<8x128xi32, #tpu.memory_space<vmem>>, %arg10: memref<128x32xf32, #tpu.memory_space<vmem>>, %arg11: memref<128x32xf32, #tpu.memory_space<vmem>>, %arg12: memref<10240x32xf32, #tpu.memory_space<vmem_shared>>, %arg13: memref<10240x32xf32, #tpu.memory_space<vmem_shared>>, %arg14: memref<!tpu.dma_semaphore, #tpu.memory_space<semaphore_mem>>, %arg15: memref<!tpu.dma_semaphore, #tpu.memory_space<semaphore_mem>>, %arg16: memref<!tpu.dma_semaphore, #tpu.memory_space<semaphore_mem>>, %arg17: memref<!tpu.dma_semaphore, #tpu.memory_space<semaphore_mem>>, %arg18: memref<!tpu.dma_semaphore, #tpu.memory_space<semaphore_mem>>, %arg19: memref<!tpu.dma_semaphore, #tpu.memory_space<semaphore_mem>>) attributes {dimension_semantics = [#tpu.dimension_semantics<core_parallel>, #tpu.dimension_semantics<subcore_parallel>], iteration_bounds = array<i64: 2, 16>, scalar_prefetch = 0 : i64, scratch_operands = 14 : i64, tpu.core_type = #tpu.core_type<sc_vector_subcore>, window_params = [{transform_indices = #map}, {transform_indices = #map1}, {transform_indices = #map}, {transform_indices = #map1}]} {
    %mul3A = arith.constant 640 : i32
    %mul3A_0 = arith.muli %arg1, %mul3A : i32
    %multiple_of3A = tpu.assume_multiple %mul3A_0, 640 : i32
    "tpu.region"() ({
      %run_scoped3A_54 = tpu.sem_alloc : memref<!tpu.dma_semaphore, #tpu.memory_space<semaphore_mem>>
      %dma_start3A_55 = arith.constant 0 : i32
      %dma_start3A_56 = tpu.memref_slice %arg12[%multiple_of3A, %dma_start3A_55] : memref<10240x32xf32, #tpu.memory_space<vmem_shared>> -> memref<640x32xf32, #tpu.memory_space<vmem_shared>>
      %dma_start3A_57 = arith.constant 0 : i32
      %dma_start3A_58 = tpu.memref_slice %arg2[%multiple_of3A, %dma_start3A_57] : memref<10240x32xf32, #tpu.memory_space<hbm>> -> memref<640x32xf32, #tpu.memory_space<hbm>>
      tpu.enqueue_dma source(%dma_start3A_58 : memref<640x32xf32, #tpu.memory_space<hbm>>) target(%dma_start3A_56 : memref<640x32xf32, #tpu.memory_space<vmem_shared>>) target_semaphore(%run_scoped3A_54 : memref<!tpu.dma_semaphore, #tpu.memory_space<semaphore_mem>>)
      %dma_wait3A_59 = arith.constant 0 : i32
      %dma_wait3A_60 = tpu.memref_slice %arg12[%multiple_of3A, %dma_wait3A_59] : memref<10240x32xf32, #tpu.memory_space<vmem_shared>> -> memref<640x32xf32, #tpu.memory_space<vmem_shared>>
      %dma_wait3A_61 = arith.constant 0 : i32
      %dma_wait3A_62 = tpu.memref_slice %arg2[%multiple_of3A, %dma_wait3A_61] : memref<10240x32xf32, #tpu.memory_space<hbm>> -> memref<640x32xf32, #tpu.memory_space<hbm>>
      tpu.wait_dma2 semaphore(%run_scoped3A_54 : memref<!tpu.dma_semaphore, #tpu.memory_space<semaphore_mem>>) src(%dma_wait3A_62 : memref<640x32xf32, #tpu.memory_space<hbm>>) dst(%dma_wait3A_60 : memref<640x32xf32, #tpu.memory_space<vmem_shared>>)
      tpu.yield
    }) : () -> ()
    "tpu.region"() ({
      %run_scoped3A_54 = tpu.sem_alloc : memref<!tpu.dma_semaphore, #tpu.memory_space<semaphore_mem>>
      %dma_start3A_55 = arith.constant 0 : i32
      %dma_start3A_56 = tpu.memref_slice %arg13[%multiple_of3A, %dma_start3A_55] : memref<10240x32xf32, #tpu.memory_space<vmem_shared>> -> memref<640x32xf32, #tpu.memory_space<vmem_shared>>
      %dma_start3A_57 = arith.constant 0 : i32
      %dma_start3A_58 = tpu.memref_slice %arg4[%multiple_of3A, %dma_start3A_57] : memref<10240x32xf32, #tpu.memory_space<hbm>> -> memref<640x32xf32, #tpu.memory_space<hbm>>
      tpu.enqueue_dma source(%dma_start3A_58 : memref<640x32xf32, #tpu.memory_space<hbm>>) target(%dma_start3A_56 : memref<640x32xf32, #tpu.memory_space<vmem_shared>>) target_semaphore(%run_scoped3A_54 : memref<!tpu.dma_semaphore, #tpu.memory_space<semaphore_mem>>)
      %dma_wait3A_59 = arith.constant 0 : i32
      %dma_wait3A_60 = tpu.memref_slice %arg13[%multiple_of3A, %dma_wait3A_59] : memref<10240x32xf32, #tpu.memory_space<vmem_shared>> -> memref<640x32xf32, #tpu.memory_space<vmem_shared>>
      %dma_wait3A_61 = arith.constant 0 : i32
      %dma_wait3A_62 = tpu.memref_slice %arg4[%multiple_of3A, %dma_wait3A_61] : memref<10240x32xf32, #tpu.memory_space<hbm>> -> memref<640x32xf32, #tpu.memory_space<hbm>>
      tpu.wait_dma2 semaphore(%run_scoped3A_54 : memref<!tpu.dma_semaphore, #tpu.memory_space<semaphore_mem>>) src(%dma_wait3A_62 : memref<640x32xf32, #tpu.memory_space<hbm>>) dst(%dma_wait3A_60 : memref<640x32xf32, #tpu.memory_space<vmem_shared>>)
      tpu.yield
    }) : () -> ()
    %barrier3A = arith.constant 0 : index
    tpu.barrier barrier_id(%barrier3A)
    %mul3A_1 = arith.constant 16 : i32
    %mul3A_2 = arith.muli %arg0, %mul3A_1 : i32
    %add3A = arith.addi %mul3A_2, %arg1 : i32
    %min3A = arith.constant 0 : i32
    %min3A_3 = arith.constant 9 : i32
    %min3A_4 = arith.minsi %min3A, %min3A_3 : i32
    %mul3A_5 = arith.constant 10 : i32
    %mul3A_6 = arith.muli %add3A, %mul3A_5 : i32
    %add3A_7 = arith.addi %mul3A_6, %min3A_4 : i32
    %mul3A_8 = arith.constant 8 : i32
    %mul3A_9 = arith.muli %add3A_7, %mul3A_8 : i32
    %multiple_of3A_10 = tpu.assume_multiple %mul3A_9, 8 : i32
    %run_scoped3A = arith.constant 0 : i32
    "tpu.region"() ({
      %run_scoped3A_54 = tpu.sem_alloc : memref<!tpu.dma_semaphore, #tpu.memory_space<semaphore_mem>>
      %dma_start3A_55 = arith.constant 0 : i32
      %dma_start3A_56 = arith.constant 0 : i32
      %dma_start3A_57 = tpu.memref_slice %arg3[%run_scoped3A, %dma_start3A_55, %dma_start3A_56] : memref<2x2560x128xi32, #tpu.memory_space<hbm>> -> memref<1x2560x128xi32, #tpu.memory_space<hbm>>
      %dma_start3A_58 = tpu.memref_squeeze %dma_start3A_57 : memref<1x2560x128xi32, #tpu.memory_space<hbm>> -> memref<2560x128xi32, #tpu.memory_space<hbm>>
      %dma_start3A_59 = arith.constant 0 : i32
      %dma_start3A_60 = tpu.memref_slice %dma_start3A_58[%multiple_of3A_10, %dma_start3A_59] : memref<2560x128xi32, #tpu.memory_space<hbm>> -> memref<8x128xi32, #tpu.memory_space<hbm>>
      %dma_start3A_61 = arith.constant 0 : i32
      %dma_start3A_62 = arith.constant 0 : i32
      %dma_start3A_63 = tpu.memref_slice %arg3[%run_scoped3A, %dma_start3A_61, %dma_start3A_62] : memref<2x2560x128xi32, #tpu.memory_space<hbm>> -> memref<1x2560x128xi32, #tpu.memory_space<hbm>>
      %dma_start3A_64 = tpu.memref_squeeze %dma_start3A_63 : memref<1x2560x128xi32, #tpu.memory_space<hbm>> -> memref<2560x128xi32, #tpu.memory_space<hbm>>
      %dma_start3A_65 = arith.constant 0 : i32
      %dma_start3A_66 = tpu.memref_slice %dma_start3A_64[%multiple_of3A_10, %dma_start3A_65] : memref<2560x128xi32, #tpu.memory_space<hbm>> -> memref<8x128xi32, #tpu.memory_space<hbm>>
      tpu.enqueue_dma source(%dma_start3A_66 : memref<8x128xi32, #tpu.memory_space<hbm>>) target(%arg6 : memref<8x128xi32, #tpu.memory_space<vmem>>) target_semaphore(%run_scoped3A_54 : memref<!tpu.dma_semaphore, #tpu.memory_space<semaphore_mem>>)
      %dma_wait3A_67 = arith.constant 0 : i32
      %dma_wait3A_68 = arith.constant 0 : i32
      %dma_wait3A_69 = tpu.memref_slice %arg3[%run_scoped3A, %dma_wait3A_67, %dma_wait3A_68] : memref<2x2560x128xi32, #tpu.memory_space<hbm>> -> memref<1x2560x128xi32, #tpu.memory_space<hbm>>
      %dma_wait3A_70 = tpu.memref_squeeze %dma_wait3A_69 : memref<1x2560x128xi32, #tpu.memory_space<hbm>> -> memref<2560x128xi32, #tpu.memory_space<hbm>>
      %dma_wait3A_71 = arith.constant 0 : i32
      %dma_wait3A_72 = tpu.memref_slice %dma_wait3A_70[%multiple_of3A_10, %dma_wait3A_71] : memref<2560x128xi32, #tpu.memory_space<hbm>> -> memref<8x128xi32, #tpu.memory_space<hbm>>
      %dma_wait3A_73 = arith.constant 0 : i32
      %dma_wait3A_74 = arith.constant 0 : i32
      %dma_wait3A_75 = tpu.memref_slice %arg3[%run_scoped3A, %dma_wait3A_73, %dma_wait3A_74] : memref<2x2560x128xi32, #tpu.memory_space<hbm>> -> memref<1x2560x128xi32, #tpu.memory_space<hbm>>
      %dma_wait3A_76 = tpu.memref_squeeze %dma_wait3A_75 : memref<1x2560x128xi32, #tpu.memory_space<hbm>> -> memref<2560x128xi32, #tpu.memory_space<hbm>>
      %dma_wait3A_77 = arith.constant 0 : i32
      %dma_wait3A_78 = tpu.memref_slice %dma_wait3A_76[%multiple_of3A_10, %dma_wait3A_77] : memref<2560x128xi32, #tpu.memory_space<hbm>> -> memref<8x128xi32, #tpu.memory_space<hbm>>
      tpu.wait_dma2 semaphore(%run_scoped3A_54 : memref<!tpu.dma_semaphore, #tpu.memory_space<semaphore_mem>>) src(%dma_wait3A_78 : memref<8x128xi32, #tpu.memory_space<hbm>>) dst(%arg6 : memref<8x128xi32, #tpu.memory_space<vmem>>)
      tpu.yield
    }) : () -> ()
    %min3A_11 = arith.constant 0 : i32
    %min3A_12 = arith.constant 9 : i32
    %min3A_13 = arith.minsi %min3A_11, %min3A_12 : i32
    %mul3A_14 = arith.constant 10 : i32
    %mul3A_15 = arith.muli %add3A, %mul3A_14 : i32
    %add3A_16 = arith.addi %mul3A_15, %min3A_13 : i32
    %mul3A_17 = arith.constant 8 : i32
    %mul3A_18 = arith.muli %add3A_16, %mul3A_17 : i32
    %multiple_of3A_19 = tpu.assume_multiple %mul3A_18, 8 : i32
    %run_scoped3A_20 = arith.constant 1 : i32
    "tpu.region"() ({
      %run_scoped3A_54 = tpu.sem_alloc : memref<!tpu.dma_semaphore, #tpu.memory_space<semaphore_mem>>
      %dma_start3A_55 = arith.constant 0 : i32
      %dma_start3A_56 = arith.constant 0 : i32
      %dma_start3A_57 = tpu.memref_slice %arg3[%run_scoped3A_20, %dma_start3A_55, %dma_start3A_56] : memref<2x2560x128xi32, #tpu.memory_space<hbm>> -> memref<1x2560x128xi32, #tpu.memory_space<hbm>>
      %dma_start3A_58 = tpu.memref_squeeze %dma_start3A_57 : memref<1x2560x128xi32, #tpu.memory_space<hbm>> -> memref<2560x128xi32, #tpu.memory_space<hbm>>
      %dma_start3A_59 = arith.constant 0 : i32
      %dma_start3A_60 = tpu.memref_slice %dma_start3A_58[%multiple_of3A_19, %dma_start3A_59] : memref<2560x128xi32, #tpu.memory_space<hbm>> -> memref<8x128xi32, #tpu.memory_space<hbm>>
      %dma_start3A_61 = arith.constant 0 : i32
      %dma_start3A_62 = arith.constant 0 : i32
      %dma_start3A_63 = tpu.memref_slice %arg3[%run_scoped3A_20, %dma_start3A_61, %dma_start3A_62] : memref<2x2560x128xi32, #tpu.memory_space<hbm>> -> memref<1x2560x128xi32, #tpu.memory_space<hbm>>
      %dma_start3A_64 = tpu.memref_squeeze %dma_start3A_63 : memref<1x2560x128xi32, #tpu.memory_space<hbm>> -> memref<2560x128xi32, #tpu.memory_space<hbm>>
      %dma_start3A_65 = arith.constant 0 : i32
      %dma_start3A_66 = tpu.memref_slice %dma_start3A_64[%multiple_of3A_19, %dma_start3A_65] : memref<2560x128xi32, #tpu.memory_space<hbm>> -> memref<8x128xi32, #tpu.memory_space<hbm>>
      tpu.enqueue_dma source(%dma_start3A_66 : memref<8x128xi32, #tpu.memory_space<hbm>>) target(%arg8 : memref<8x128xi32, #tpu.memory_space<vmem>>) target_semaphore(%run_scoped3A_54 : memref<!tpu.dma_semaphore, #tpu.memory_space<semaphore_mem>>)
      %dma_wait3A_67 = arith.constant 0 : i32
      %dma_wait3A_68 = arith.constant 0 : i32
      %dma_wait3A_69 = tpu.memref_slice %arg3[%run_scoped3A_20, %dma_wait3A_67, %dma_wait3A_68] : memref<2x2560x128xi32, #tpu.memory_space<hbm>> -> memref<1x2560x128xi32, #tpu.memory_space<hbm>>
      %dma_wait3A_70 = tpu.memref_squeeze %dma_wait3A_69 : memref<1x2560x128xi32, #tpu.memory_space<hbm>> -> memref<2560x128xi32, #tpu.memory_space<hbm>>
      %dma_wait3A_71 = arith.constant 0 : i32
      %dma_wait3A_72 = tpu.memref_slice %dma_wait3A_70[%multiple_of3A_19, %dma_wait3A_71] : memref<2560x128xi32, #tpu.memory_space<hbm>> -> memref<8x128xi32, #tpu.memory_space<hbm>>
      %dma_wait3A_73 = arith.constant 0 : i32
      %dma_wait3A_74 = arith.constant 0 : i32
      %dma_wait3A_75 = tpu.memref_slice %arg3[%run_scoped3A_20, %dma_wait3A_73, %dma_wait3A_74] : memref<2x2560x128xi32, #tpu.memory_space<hbm>> -> memref<1x2560x128xi32, #tpu.memory_space<hbm>>
      %dma_wait3A_76 = tpu.memref_squeeze %dma_wait3A_75 : memref<1x2560x128xi32, #tpu.memory_space<hbm>> -> memref<2560x128xi32, #tpu.memory_space<hbm>>
      %dma_wait3A_77 = arith.constant 0 : i32
      %dma_wait3A_78 = tpu.memref_slice %dma_wait3A_76[%multiple_of3A_19, %dma_wait3A_77] : memref<2560x128xi32, #tpu.memory_space<hbm>> -> memref<8x128xi32, #tpu.memory_space<hbm>>
      tpu.wait_dma2 semaphore(%run_scoped3A_54 : memref<!tpu.dma_semaphore, #tpu.memory_space<semaphore_mem>>) src(%dma_wait3A_78 : memref<8x128xi32, #tpu.memory_space<hbm>>) dst(%arg8 : memref<8x128xi32, #tpu.memory_space<vmem>>)
      tpu.yield
    }) : () -> ()
    %dma_start3A = arith.constant 0 : i32
    %dma_start3A_21 = arith.constant 0 : i32
    %dma_start3A_22 = tpu.memref_slice %arg6[%dma_start3A, %dma_start3A_21] : memref<8x128xi32, #tpu.memory_space<vmem>> -> memref<1x128xi32, #tpu.memory_space<vmem>>
    %dma_start3A_23 = tpu.memref_squeeze %dma_start3A_22 : memref<1x128xi32, #tpu.memory_space<vmem>> -> memref<128xi32, #tpu.memory_space<vmem>>
    %dma_start3A_24 = arith.constant 0 : i32
    %dma_start3A_25 = arith.constant 0 : i32
    %dma_start3A_26 = tpu.memref_slice %arg12[%dma_start3A_24, %dma_start3A_25] : memref<10240x32xf32, #tpu.memory_space<vmem_shared>> -> memref<10240x32xf32, #tpu.memory_space<vmem_shared>>
    tpu.enqueue_indirect_dma source(%dma_start3A_26 : memref<10240x32xf32, #tpu.memory_space<vmem_shared>>) target(%arg10 : memref<128x32xf32, #tpu.memory_space<vmem>>) offsets(%dma_start3A_23 : memref<128xi32, #tpu.memory_space<vmem>>) semaphore(%arg16 : memref<!tpu.dma_semaphore, #tpu.memory_space<semaphore_mem>>)
    %dma_start3A_27 = arith.constant 10000 : i32
    %dma_start3A_28 = arith.constant 0 : i32
    %dma_start3A_29 = tpu.memref_slice %arg13[%dma_start3A_27, %dma_start3A_28] : memref<10240x32xf32, #tpu.memory_space<vmem_shared>> -> memref<128x32xf32, #tpu.memory_space<vmem_shared>>
    %dma_start3A_30 = arith.constant 10000 : i32
    %dma_start3A_31 = arith.constant 0 : i32
    %dma_start3A_32 = tpu.memref_slice %arg13[%dma_start3A_30, %dma_start3A_31] : memref<10240x32xf32, #tpu.memory_space<vmem_shared>> -> memref<128x32xf32, #tpu.memory_space<vmem_shared>>
    tpu.enqueue_dma source(%arg11 : memref<128x32xf32, #tpu.memory_space<vmem>>) target(%dma_start3A_32 : memref<128x32xf32, #tpu.memory_space<vmem_shared>>) target_semaphore(%arg19 : memref<!tpu.dma_semaphore, #tpu.memory_space<semaphore_mem>>)
    %scan3A = arith.constant 0 : i32
    %scan3A_33 = arith.constant 0 : i32
    %scan3A_34 = arith.constant 1 : i32
    %scan3A_35 = arith.constant 0 : i32
    %scan3A_36 = arith.constant 5 : i32
    %scan3A_37 = arith.addi %scan3A_35, %scan3A_36 : i32
    %scan3A_38 = arith.constant 1 : i32
    scf.for %scan3A_54 = %scan3A_35 to %scan3A_37 step %scan3A_38  : i32 {
      %mul3A_55 = arith.constant 2 : i32
      %mul3A_56 = arith.muli %scan3A_54, %mul3A_55 : i32
      %add3A_57 = arith.constant 1 : i32
      %add3A_58 = arith.addi %mul3A_56, %add3A_57 : i32
      %min3A_59 = arith.constant 9 : i32
      %min3A_60 = arith.minsi %add3A_58, %min3A_59 : i32
      %mul3A_61 = arith.constant 10 : i32
      %mul3A_62 = arith.muli %add3A, %mul3A_61 : i32
      %add3A_63 = arith.addi %mul3A_62, %min3A_60 : i32
      %mul3A_64 = arith.constant 8 : i32
      %mul3A_65 = arith.muli %add3A_63, %mul3A_64 : i32
      %multiple_of3A_66 = tpu.assume_multiple %mul3A_65, 8 : i32
      %dma_start3A_67 = arith.constant 0 : i32
      %dma_start3A_68 = arith.constant 0 : i32
      %dma_start3A_69 = tpu.memref_slice %arg3[%scan3A_33, %dma_start3A_67, %dma_start3A_68] : memref<2x2560x128xi32, #tpu.memory_space<hbm>> -> memref<1x2560x128xi32, #tpu.memory_space<hbm>>
      %dma_start3A_70 = tpu.memref_squeeze %dma_start3A_69 : memref<1x2560x128xi32, #tpu.memory_space<hbm>> -> memref<2560x128xi32, #tpu.memory_space<hbm>>
      %dma_start3A_71 = arith.constant 0 : i32
      %dma_start3A_72 = tpu.memref_slice %dma_start3A_70[%multiple_of3A_66, %dma_start3A_71] : memref<2560x128xi32, #tpu.memory_space<hbm>> -> memref<8x128xi32, #tpu.memory_space<hbm>>
      %dma_start3A_73 = arith.constant 0 : i32
      %dma_start3A_74 = arith.constant 0 : i32
      %dma_start3A_75 = tpu.memref_slice %arg3[%scan3A_33, %dma_start3A_73, %dma_start3A_74] : memref<2x2560x128xi32, #tpu.memory_space<hbm>> -> memref<1x2560x128xi32, #tpu.memory_space<hbm>>
      %dma_start3A_76 = tpu.memref_squeeze %dma_start3A_75 : memref<1x2560x128xi32, #tpu.memory_space<hbm>> -> memref<2560x128xi32, #tpu.memory_space<hbm>>
      %dma_start3A_77 = arith.constant 0 : i32
      %dma_start3A_78 = tpu.memref_slice %dma_start3A_76[%multiple_of3A_66, %dma_start3A_77] : memref<2560x128xi32, #tpu.memory_space<hbm>> -> memref<8x128xi32, #tpu.memory_space<hbm>>
      tpu.enqueue_dma source(%dma_start3A_78 : memref<8x128xi32, #tpu.memory_space<hbm>>) target(%arg7 : memref<8x128xi32, #tpu.memory_space<vmem>>) target_semaphore(%arg15 : memref<!tpu.dma_semaphore, #tpu.memory_space<semaphore_mem>>)
      %add3A_79 = arith.constant 1 : i32
      %add3A_80 = arith.addi %mul3A_56, %add3A_79 : i32
      %min3A_81 = arith.constant 9 : i32
      %min3A_82 = arith.minsi %add3A_80, %min3A_81 : i32
      %mul3A_83 = arith.constant 10 : i32
      %mul3A_84 = arith.muli %add3A, %mul3A_83 : i32
      %add3A_85 = arith.addi %mul3A_84, %min3A_82 : i32
      %mul3A_86 = arith.constant 8 : i32
      %mul3A_87 = arith.muli %add3A_85, %mul3A_86 : i32
      %multiple_of3A_88 = tpu.assume_multiple %mul3A_87, 8 : i32
      %dma_start3A_89 = arith.constant 0 : i32
      %dma_start3A_90 = arith.constant 0 : i32
      %dma_start3A_91 = tpu.memref_slice %arg3[%scan3A_34, %dma_start3A_89, %dma_start3A_90] : memref<2x2560x128xi32, #tpu.memory_space<hbm>> -> memref<1x2560x128xi32, #tpu.memory_space<hbm>>
      %dma_start3A_92 = tpu.memref_squeeze %dma_start3A_91 : memref<1x2560x128xi32, #tpu.memory_space<hbm>> -> memref<2560x128xi32, #tpu.memory_space<hbm>>
      %dma_start3A_93 = arith.constant 0 : i32
      %dma_start3A_94 = tpu.memref_slice %dma_start3A_92[%multiple_of3A_88, %dma_start3A_93] : memref<2560x128xi32, #tpu.memory_space<hbm>> -> memref<8x128xi32, #tpu.memory_space<hbm>>
      %dma_start3A_95 = arith.constant 0 : i32
      %dma_start3A_96 = arith.constant 0 : i32
      %dma_start3A_97 = tpu.memref_slice %arg3[%scan3A_34, %dma_start3A_95, %dma_start3A_96] : memref<2x2560x128xi32, #tpu.memory_space<hbm>> -> memref<1x2560x128xi32, #tpu.memory_space<hbm>>
      %dma_start3A_98 = tpu.memref_squeeze %dma_start3A_97 : memref<1x2560x128xi32, #tpu.memory_space<hbm>> -> memref<2560x128xi32, #tpu.memory_space<hbm>>
      %dma_start3A_99 = arith.constant 0 : i32
      %dma_start3A_100 = tpu.memref_slice %dma_start3A_98[%multiple_of3A_88, %dma_start3A_99] : memref<2560x128xi32, #tpu.memory_space<hbm>> -> memref<8x128xi32, #tpu.memory_space<hbm>>
      tpu.enqueue_dma source(%dma_start3A_100 : memref<8x128xi32, #tpu.memory_space<hbm>>) target(%arg9 : memref<8x128xi32, #tpu.memory_space<vmem>>) target_semaphore(%arg15 : memref<!tpu.dma_semaphore, #tpu.memory_space<semaphore_mem>>)
      %dma_wait3A_101 = arith.constant 0 : i32
      %dma_wait3A_102 = arith.constant 0 : i32
      %dma_wait3A_103 = tpu.memref_slice %arg6[%dma_wait3A_101, %dma_wait3A_102] : memref<8x128xi32, #tpu.memory_space<vmem>> -> memref<1x128xi32, #tpu.memory_space<vmem>>
      %dma_wait3A_104 = tpu.memref_squeeze %dma_wait3A_103 : memref<1x128xi32, #tpu.memory_space<vmem>> -> memref<128xi32, #tpu.memory_space<vmem>>
      %dma_wait3A_105 = arith.constant 0 : i32
      %dma_wait3A_106 = arith.constant 0 : i32
      %dma_wait3A_107 = tpu.memref_slice %arg12[%dma_wait3A_105, %dma_wait3A_106] : memref<10240x32xf32, #tpu.memory_space<vmem_shared>> -> memref<10240x32xf32, #tpu.memory_space<vmem_shared>>
      tpu.wait_indirect_dma semaphore(%arg16 : memref<!tpu.dma_semaphore, #tpu.memory_space<semaphore_mem>>) src(%dma_wait3A_107 : memref<10240x32xf32, #tpu.memory_space<vmem_shared>>) dst(%arg10 : memref<128x32xf32, #tpu.memory_space<vmem>>)
      %dma_start3A_108 = arith.constant 0 : i32
      %dma_start3A_109 = arith.constant 0 : i32
      %dma_start3A_110 = tpu.memref_slice %arg8[%dma_start3A_108, %dma_start3A_109] : memref<8x128xi32, #tpu.memory_space<vmem>> -> memref<1x128xi32, #tpu.memory_space<vmem>>
      %dma_start3A_111 = tpu.memref_squeeze %dma_start3A_110 : memref<1x128xi32, #tpu.memory_space<vmem>> -> memref<128xi32, #tpu.memory_space<vmem>>
      %dma_start3A_112 = arith.constant 0 : i32
      %dma_start3A_113 = arith.constant 0 : i32
      %dma_start3A_114 = tpu.memref_slice %arg13[%dma_start3A_112, %dma_start3A_113] : memref<10240x32xf32, #tpu.memory_space<vmem_shared>> -> memref<10240x32xf32, #tpu.memory_space<vmem_shared>>
      tpu.enqueue_indirect_dma source(%arg10 : memref<128x32xf32, #tpu.memory_space<vmem>>) target(%dma_start3A_114 : memref<10240x32xf32, #tpu.memory_space<vmem_shared>>) offsets(%dma_start3A_111 : memref<128xi32, #tpu.memory_space<vmem>>) semaphore(%arg18 : memref<!tpu.dma_semaphore, #tpu.memory_space<semaphore_mem>>) {add = true}
      %dma_wait3A_115 = arith.constant 0 : i32
      %dma_wait3A_116 = arith.constant 0 : i32
      %dma_wait3A_117 = tpu.memref_slice %arg8[%dma_wait3A_115, %dma_wait3A_116] : memref<8x128xi32, #tpu.memory_space<vmem>> -> memref<1x128xi32, #tpu.memory_space<vmem>>
      %dma_wait3A_118 = tpu.memref_squeeze %dma_wait3A_117 : memref<1x128xi32, #tpu.memory_space<vmem>> -> memref<128xi32, #tpu.memory_space<vmem>>
      %dma_wait3A_119 = arith.constant 0 : i32
      %dma_wait3A_120 = arith.constant 0 : i32
      %dma_wait3A_121 = tpu.memref_slice %arg13[%dma_wait3A_119, %dma_wait3A_120] : memref<10240x32xf32, #tpu.memory_space<vmem_shared>> -> memref<10240x32xf32, #tpu.memory_space<vmem_shared>>
      tpu.wait_indirect_dma semaphore(%arg19 : memref<!tpu.dma_semaphore, #tpu.memory_space<semaphore_mem>>) src(%arg11 : memref<128x32xf32, #tpu.memory_space<vmem>>) dst(%dma_wait3A_121 : memref<10240x32xf32, #tpu.memory_space<vmem_shared>>)
      %dma_start3A_122 = arith.constant 1 : i32
      %dma_start3A_123 = arith.constant 0 : i32
      %dma_start3A_124 = tpu.memref_slice %arg6[%dma_start3A_122, %dma_start3A_123] : memref<8x128xi32, #tpu.memory_space<vmem>> -> memref<1x128xi32, #tpu.memory_space<vmem>>
      %dma_start3A_125 = tpu.memref_squeeze %dma_start3A_124 : memref<1x128xi32, #tpu.memory_space<vmem>> -> memref<128xi32, #tpu.memory_space<vmem>>
      %dma_start3A_126 = arith.constant 0 : i32
      %dma_start3A_127 = arith.constant 0 : i32
      %dma_start3A_128 = tpu.memref_slice %arg12[%dma_start3A_126, %dma_start3A_127] : memref<10240x32xf32, #tpu.memory_space<vmem_shared>> -> memref<10240x32xf32, #tpu.memory_space<vmem_shared>>
      tpu.enqueue_indirect_dma source(%dma_start3A_128 : memref<10240x32xf32, #tpu.memory_space<vmem_shared>>) target(%arg11 : memref<128x32xf32, #tpu.memory_space<vmem>>) offsets(%dma_start3A_125 : memref<128xi32, #tpu.memory_space<vmem>>) semaphore(%arg17 : memref<!tpu.dma_semaphore, #tpu.memory_space<semaphore_mem>>)
      %dma_wait3A_129 = arith.constant 1 : i32
      %dma_wait3A_130 = arith.constant 0 : i32
      %dma_wait3A_131 = tpu.memref_slice %arg6[%dma_wait3A_129, %dma_wait3A_130] : memref<8x128xi32, #tpu.memory_space<vmem>> -> memref<1x128xi32, #tpu.memory_space<vmem>>
      %dma_wait3A_132 = tpu.memref_squeeze %dma_wait3A_131 : memref<1x128xi32, #tpu.memory_space<vmem>> -> memref<128xi32, #tpu.memory_space<vmem>>
      %dma_wait3A_133 = arith.constant 0 : i32
      %dma_wait3A_134 = arith.constant 0 : i32
      %dma_wait3A_135 = tpu.memref_slice %arg12[%dma_wait3A_133, %dma_wait3A_134] : memref<10240x32xf32, #tpu.memory_space<vmem_shared>> -> memref<10240x32xf32, #tpu.memory_space<vmem_shared>>
      tpu.wait_indirect_dma semaphore(%arg17 : memref<!tpu.dma_semaphore, #tpu.memory_space<semaphore_mem>>) src(%dma_wait3A_135 : memref<10240x32xf32, #tpu.memory_space<vmem_shared>>) dst(%arg11 : memref<128x32xf32, #tpu.memory_space<vmem>>)
      %dma_start3A_136 = arith.constant 1 : i32
      %dma_start3A_137 = arith.constant 0 : i32
      %dma_start3A_138 = tpu.memref_slice %arg8[%dma_start3A_136, %dma_start3A_137] : memref<8x128xi32, #tpu.memory_space<vmem>> -> memref<1x128xi32, #tpu.memory_space<vmem>>
      %dma_start3A_139 = tpu.memref_squeeze %dma_start3A_138 : memref<1x128xi32, #tpu.memory_space<vmem>> -> memref<128xi32, #tpu.memory_space<vmem>>
      %dma_start3A_140 = arith.constant 0 : i32
      %dma_start3A_141 = arith.constant 0 : i32
      %dma_start3A_142 = tpu.memref_slice %arg13[%dma_start3A_140, %dma_start3A_141] : memref<10240x32xf32, #tpu.memory_space<vmem_shared>> -> memref<10240x32xf32, #tpu.memory_space<vmem_shared>>
      tpu.enqueue_indirect_dma source(%arg11 : memref<128x32xf32, #tpu.memory_space<vmem>>) target(%dma_start3A_142 : memref<10240x32xf32, #tpu.memory_space<vmem_shared>>) offsets(%dma_start3A_139 : memref<128xi32, #tpu.memory_space<vmem>>) semaphore(%arg19 : memref<!tpu.dma_semaphore, #tpu.memory_space<semaphore_mem>>) {add = true}
      %dma_wait3A_143 = arith.constant 1 : i32
      %dma_wait3A_144 = arith.constant 0 : i32
      %dma_wait3A_145 = tpu.memref_slice %arg8[%dma_wait3A_143, %dma_wait3A_144] : memref<8x128xi32, #tpu.memory_space<vmem>> -> memref<1x128xi32, #tpu.memory_space<vmem>>
      %dma_wait3A_146 = tpu.memref_squeeze %dma_wait3A_145 : memref<1x128xi32, #tpu.memory_space<vmem>> -> memref<128xi32, #tpu.memory_space<vmem>>
      %dma_wait3A_147 = arith.constant 0 : i32
      %dma_wait3A_148 = arith.constant 0 : i32
      %dma_wait3A_149 = tpu.memref_slice %arg13[%dma_wait3A_147, %dma_wait3A_148] : memref<10240x32xf32, #tpu.memory_space<vmem_shared>> -> memref<10240x32xf32, #tpu.memory_space<vmem_shared>>
      tpu.wait_indirect_dma semaphore(%arg18 : memref<!tpu.dma_semaphore, #tpu.memory_space<semaphore_mem>>) src(%arg10 : memref<128x32xf32, #tpu.memory_space<vmem>>) dst(%dma_wait3A_149 : memref<10240x32xf32, #tpu.memory_space<vmem_shared>>)
      %dma_start3A_150 = arith.constant 2 : i32
      %dma_start3A_151 = arith.constant 0 : i32
      %dma_start3A_152 = tpu.memref_slice %arg6[%dma_start3A_150, %dma_start3A_151] : memref<8x128xi32, #tpu.memory_space<vmem>> -> memref<1x128xi32, #tpu.memory_space<vmem>>
      %dma_start3A_153 = tpu.memref_squeeze %dma_start3A_152 : memref<1x128xi32, #tpu.memory_space<vmem>> -> memref<128xi32, #tpu.memory_space<vmem>>
      %dma_start3A_154 = arith.constant 0 : i32
      %dma_start3A_155 = arith.constant 0 : i32
      %dma_start3A_156 = tpu.memref_slice %arg12[%dma_start3A_154, %dma_start3A_155] : memref<10240x32xf32, #tpu.memory_space<vmem_shared>> -> memref<10240x32xf32, #tpu.memory_space<vmem_shared>>
      tpu.enqueue_indirect_dma source(%dma_start3A_156 : memref<10240x32xf32, #tpu.memory_space<vmem_shared>>) target(%arg10 : memref<128x32xf32, #tpu.memory_space<vmem>>) offsets(%dma_start3A_153 : memref<128xi32, #tpu.memory_space<vmem>>) semaphore(%arg16 : memref<!tpu.dma_semaphore, #tpu.memory_space<semaphore_mem>>)
      %dma_wait3A_157 = arith.constant 2 : i32
      %dma_wait3A_158 = arith.constant 0 : i32
      %dma_wait3A_159 = tpu.memref_slice %arg6[%dma_wait3A_157, %dma_wait3A_158] : memref<8x128xi32, #tpu.memory_space<vmem>> -> memref<1x128xi32, #tpu.memory_space<vmem>>
      %dma_wait3A_160 = tpu.memref_squeeze %dma_wait3A_159 : memref<1x128xi32, #tpu.memory_space<vmem>> -> memref<128xi32, #tpu.memory_space<vmem>>
      %dma_wait3A_161 = arith.constant 0 : i32
      %dma_wait3A_162 = arith.constant 0 : i32
      %dma_wait3A_163 = tpu.memref_slice %arg12[%dma_wait3A_161, %dma_wait3A_162] : memref<10240x32xf32, #tpu.memory_space<vmem_shared>> -> memref<10240x32xf32, #tpu.memory_space<vmem_shared>>
      tpu.wait_indirect_dma semaphore(%arg16 : memref<!tpu.dma_semaphore, #tpu.memory_space<semaphore_mem>>) src(%dma_wait3A_163 : memref<10240x32xf32, #tpu.memory_space<vmem_shared>>) dst(%arg10 : memref<128x32xf32, #tpu.memory_space<vmem>>)
      %dma_start3A_164 = arith.constant 2 : i32
      %dma_start3A_165 = arith.constant 0 : i32
      %dma_start3A_166 = tpu.memref_slice %arg8[%dma_start3A_164, %dma_start3A_165] : memref<8x128xi32, #tpu.memory_space<vmem>> -> memref<1x128xi32, #tpu.memory_space<vmem>>
      %dma_start3A_167 = tpu.memref_squeeze %dma_start3A_166 : memref<1x128xi32, #tpu.memory_space<vmem>> -> memref<128xi32, #tpu.memory_space<vmem>>
      %dma_start3A_168 = arith.constant 0 : i32
      %dma_start3A_169 = arith.constant 0 : i32
      %dma_start3A_170 = tpu.memref_slice %arg13[%dma_start3A_168, %dma_start3A_169] : memref<10240x32xf32, #tpu.memory_space<vmem_shared>> -> memref<10240x32xf32, #tpu.memory_space<vmem_shared>>
      tpu.enqueue_indirect_dma source(%arg10 : memref<128x32xf32, #tpu.memory_space<vmem>>) target(%dma_start3A_170 : memref<10240x32xf32, #tpu.memory_space<vmem_shared>>) offsets(%dma_start3A_167 : memref<128xi32, #tpu.memory_space<vmem>>) semaphore(%arg18 : memref<!tpu.dma_semaphore, #tpu.memory_space<semaphore_mem>>) {add = true}
      %dma_wait3A_171 = arith.constant 2 : i32
      %dma_wait3A_172 = arith.constant 0 : i32
      %dma_wait3A_173 = tpu.memref_slice %arg8[%dma_wait3A_171, %dma_wait3A_172] : memref<8x128xi32, #tpu.memory_space<vmem>> -> memref<1x128xi32, #tpu.memory_space<vmem>>
      %dma_wait3A_174 = tpu.memref_squeeze %dma_wait3A_173 : memref<1x128xi32, #tpu.memory_space<vmem>> -> memref<128xi32, #tpu.memory_space<vmem>>
      %dma_wait3A_175 = arith.constant 0 : i32
      %dma_wait3A_176 = arith.constant 0 : i32
      %dma_wait3A_177 = tpu.memref_slice %arg13[%dma_wait3A_175, %dma_wait3A_176] : memref<10240x32xf32, #tpu.memory_space<vmem_shared>> -> memref<10240x32xf32, #tpu.memory_space<vmem_shared>>
      tpu.wait_indirect_dma semaphore(%arg19 : memref<!tpu.dma_semaphore, #tpu.memory_space<semaphore_mem>>) src(%arg11 : memref<128x32xf32, #tpu.memory_space<vmem>>) dst(%dma_wait3A_177 : memref<10240x32xf32, #tpu.memory_space<vmem_shared>>)
      %dma_start3A_178 = arith.constant 3 : i32
      %dma_start3A_179 = arith.constant 0 : i32
      %dma_start3A_180 = tpu.memref_slice %arg6[%dma_start3A_178, %dma_start3A_179] : memref<8x128xi32, #tpu.memory_space<vmem>> -> memref<1x128xi32, #tpu.memory_space<vmem>>
      %dma_start3A_181 = tpu.memref_squeeze %dma_start3A_180 : memref<1x128xi32, #tpu.memory_space<vmem>> -> memref<128xi32, #tpu.memory_space<vmem>>
      %dma_start3A_182 = arith.constant 0 : i32
      %dma_start3A_183 = arith.constant 0 : i32
      %dma_start3A_184 = tpu.memref_slice %arg12[%dma_start3A_182, %dma_start3A_183] : memref<10240x32xf32, #tpu.memory_space<vmem_shared>> -> memref<10240x32xf32, #tpu.memory_space<vmem_shared>>
      tpu.enqueue_indirect_dma source(%dma_start3A_184 : memref<10240x32xf32, #tpu.memory_space<vmem_shared>>) target(%arg11 : memref<128x32xf32, #tpu.memory_space<vmem>>) offsets(%dma_start3A_181 : memref<128xi32, #tpu.memory_space<vmem>>) semaphore(%arg17 : memref<!tpu.dma_semaphore, #tpu.memory_space<semaphore_mem>>)
      %dma_wait3A_185 = arith.constant 3 : i32
      %dma_wait3A_186 = arith.constant 0 : i32
      %dma_wait3A_187 = tpu.memref_slice %arg6[%dma_wait3A_185, %dma_wait3A_186] : memref<8x128xi32, #tpu.memory_space<vmem>> -> memref<1x128xi32, #tpu.memory_space<vmem>>
      %dma_wait3A_188 = tpu.memref_squeeze %dma_wait3A_187 : memref<1x128xi32, #tpu.memory_space<vmem>> -> memref<128xi32, #tpu.memory_space<vmem>>
      %dma_wait3A_189 = arith.constant 0 : i32
      %dma_wait3A_190 = arith.constant 0 : i32
      %dma_wait3A_191 = tpu.memref_slice %arg12[%dma_wait3A_189, %dma_wait3A_190] : memref<10240x32xf32, #tpu.memory_space<vmem_shared>> -> memref<10240x32xf32, #tpu.memory_space<vmem_shared>>
      tpu.wait_indirect_dma semaphore(%arg17 : memref<!tpu.dma_semaphore, #tpu.memory_space<semaphore_mem>>) src(%dma_wait3A_191 : memref<10240x32xf32, #tpu.memory_space<vmem_shared>>) dst(%arg11 : memref<128x32xf32, #tpu.memory_space<vmem>>)
      %dma_start3A_192 = arith.constant 3 : i32
      %dma_start3A_193 = arith.constant 0 : i32
      %dma_start3A_194 = tpu.memref_slice %arg8[%dma_start3A_192, %dma_start3A_193] : memref<8x128xi32, #tpu.memory_space<vmem>> -> memref<1x128xi32, #tpu.memory_space<vmem>>
      %dma_start3A_195 = tpu.memref_squeeze %dma_start3A_194 : memref<1x128xi32, #tpu.memory_space<vmem>> -> memref<128xi32, #tpu.memory_space<vmem>>
      %dma_start3A_196 = arith.constant 0 : i32
      %dma_start3A_197 = arith.constant 0 : i32
      %dma_start3A_198 = tpu.memref_slice %arg13[%dma_start3A_196, %dma_start3A_197] : memref<10240x32xf32, #tpu.memory_space<vmem_shared>> -> memref<10240x32xf32, #tpu.memory_space<vmem_shared>>
      tpu.enqueue_indirect_dma source(%arg11 : memref<128x32xf32, #tpu.memory_space<vmem>>) target(%dma_start3A_198 : memref<10240x32xf32, #tpu.memory_space<vmem_shared>>) offsets(%dma_start3A_195 : memref<128xi32, #tpu.memory_space<vmem>>) semaphore(%arg19 : memref<!tpu.dma_semaphore, #tpu.memory_space<semaphore_mem>>) {add = true}
      %dma_wait3A_199 = arith.constant 3 : i32
      %dma_wait3A_200 = arith.constant 0 : i32
      %dma_wait3A_201 = tpu.memref_slice %arg8[%dma_wait3A_199, %dma_wait3A_200] : memref<8x128xi32, #tpu.memory_space<vmem>> -> memref<1x128xi32, #tpu.memory_space<vmem>>
      %dma_wait3A_202 = tpu.memref_squeeze %dma_wait3A_201 : memref<1x128xi32, #tpu.memory_space<vmem>> -> memref<128xi32, #tpu.memory_space<vmem>>
      %dma_wait3A_203 = arith.constant 0 : i32
      %dma_wait3A_204 = arith.constant 0 : i32
      %dma_wait3A_205 = tpu.memref_slice %arg13[%dma_wait3A_203, %dma_wait3A_204] : memref<10240x32xf32, #tpu.memory_space<vmem_shared>> -> memref<10240x32xf32, #tpu.memory_space<vmem_shared>>
      tpu.wait_indirect_dma semaphore(%arg18 : memref<!tpu.dma_semaphore, #tpu.memory_space<semaphore_mem>>) src(%arg10 : memref<128x32xf32, #tpu.memory_space<vmem>>) dst(%dma_wait3A_205 : memref<10240x32xf32, #tpu.memory_space<vmem_shared>>)
      %dma_start3A_206 = arith.constant 4 : i32
      %dma_start3A_207 = arith.constant 0 : i32
      %dma_start3A_208 = tpu.memref_slice %arg6[%dma_start3A_206, %dma_start3A_207] : memref<8x128xi32, #tpu.memory_space<vmem>> -> memref<1x128xi32, #tpu.memory_space<vmem>>
      %dma_start3A_209 = tpu.memref_squeeze %dma_start3A_208 : memref<1x128xi32, #tpu.memory_space<vmem>> -> memref<128xi32, #tpu.memory_space<vmem>>
      %dma_start3A_210 = arith.constant 0 : i32
      %dma_start3A_211 = arith.constant 0 : i32
      %dma_start3A_212 = tpu.memref_slice %arg12[%dma_start3A_210, %dma_start3A_211] : memref<10240x32xf32, #tpu.memory_space<vmem_shared>> -> memref<10240x32xf32, #tpu.memory_space<vmem_shared>>
      tpu.enqueue_indirect_dma source(%dma_start3A_212 : memref<10240x32xf32, #tpu.memory_space<vmem_shared>>) target(%arg10 : memref<128x32xf32, #tpu.memory_space<vmem>>) offsets(%dma_start3A_209 : memref<128xi32, #tpu.memory_space<vmem>>) semaphore(%arg16 : memref<!tpu.dma_semaphore, #tpu.memory_space<semaphore_mem>>)
      %dma_wait3A_213 = arith.constant 4 : i32
      %dma_wait3A_214 = arith.constant 0 : i32
      %dma_wait3A_215 = tpu.memref_slice %arg6[%dma_wait3A_213, %dma_wait3A_214] : memref<8x128xi32, #tpu.memory_space<vmem>> -> memref<1x128xi32, #tpu.memory_space<vmem>>
      %dma_wait3A_216 = tpu.memref_squeeze %dma_wait3A_215 : memref<1x128xi32, #tpu.memory_space<vmem>> -> memref<128xi32, #tpu.memory_space<vmem>>
      %dma_wait3A_217 = arith.constant 0 : i32
      %dma_wait3A_218 = arith.constant 0 : i32
      %dma_wait3A_219 = tpu.memref_slice %arg12[%dma_wait3A_217, %dma_wait3A_218] : memref<10240x32xf32, #tpu.memory_space<vmem_shared>> -> memref<10240x32xf32, #tpu.memory_space<vmem_shared>>
      tpu.wait_indirect_dma semaphore(%arg16 : memref<!tpu.dma_semaphore, #tpu.memory_space<semaphore_mem>>) src(%dma_wait3A_219 : memref<10240x32xf32, #tpu.memory_space<vmem_shared>>) dst(%arg10 : memref<128x32xf32, #tpu.memory_space<vmem>>)
      %dma_start3A_220 = arith.constant 4 : i32
      %dma_start3A_221 = arith.constant 0 : i32
      %dma_start3A_222 = tpu.memref_slice %arg8[%dma_start3A_220, %dma_start3A_221] : memref<8x128xi32, #tpu.memory_space<vmem>> -> memref<1x128xi32, #tpu.memory_space<vmem>>
      %dma_start3A_223 = tpu.memref_squeeze %dma_start3A_222 : memref<1x128xi32, #tpu.memory_space<vmem>> -> memref<128xi32, #tpu.memory_space<vmem>>
      %dma_start3A_224 = arith.constant 0 : i32
      %dma_start3A_225 = arith.constant 0 : i32
      %dma_start3A_226 = tpu.memref_slice %arg13[%dma_start3A_224, %dma_start3A_225] : memref<10240x32xf32, #tpu.memory_space<vmem_shared>> -> memref<10240x32xf32, #tpu.memory_space<vmem_shared>>
      tpu.enqueue_indirect_dma source(%arg10 : memref<128x32xf32, #tpu.memory_space<vmem>>) target(%dma_start3A_226 : memref<10240x32xf32, #tpu.memory_space<vmem_shared>>) offsets(%dma_start3A_223 : memref<128xi32, #tpu.memory_space<vmem>>) semaphore(%arg18 : memref<!tpu.dma_semaphore, #tpu.memory_space<semaphore_mem>>) {add = true}
      %dma_wait3A_227 = arith.constant 4 : i32
      %dma_wait3A_228 = arith.constant 0 : i32
      %dma_wait3A_229 = tpu.memref_slice %arg8[%dma_wait3A_227, %dma_wait3A_228] : memref<8x128xi32, #tpu.memory_space<vmem>> -> memref<1x128xi32, #tpu.memory_space<vmem>>
      %dma_wait3A_230 = tpu.memref_squeeze %dma_wait3A_229 : memref<1x128xi32, #tpu.memory_space<vmem>> -> memref<128xi32, #tpu.memory_space<vmem>>
      %dma_wait3A_231 = arith.constant 0 : i32
      %dma_wait3A_232 = arith.constant 0 : i32
      %dma_wait3A_233 = tpu.memref_slice %arg13[%dma_wait3A_231, %dma_wait3A_232] : memref<10240x32xf32, #tpu.memory_space<vmem_shared>> -> memref<10240x32xf32, #tpu.memory_space<vmem_shared>>
      tpu.wait_indirect_dma semaphore(%arg19 : memref<!tpu.dma_semaphore, #tpu.memory_space<semaphore_mem>>) src(%arg11 : memref<128x32xf32, #tpu.memory_space<vmem>>) dst(%dma_wait3A_233 : memref<10240x32xf32, #tpu.memory_space<vmem_shared>>)
      %dma_start3A_234 = arith.constant 5 : i32
      %dma_start3A_235 = arith.constant 0 : i32
      %dma_start3A_236 = tpu.memref_slice %arg6[%dma_start3A_234, %dma_start3A_235] : memref<8x128xi32, #tpu.memory_space<vmem>> -> memref<1x128xi32, #tpu.memory_space<vmem>>
      %dma_start3A_237 = tpu.memref_squeeze %dma_start3A_236 : memref<1x128xi32, #tpu.memory_space<vmem>> -> memref<128xi32, #tpu.memory_space<vmem>>
      %dma_start3A_238 = arith.constant 0 : i32
      %dma_start3A_239 = arith.constant 0 : i32
      %dma_start3A_240 = tpu.memref_slice %arg12[%dma_start3A_238, %dma_start3A_239] : memref<10240x32xf32, #tpu.memory_space<vmem_shared>> -> memref<10240x32xf32, #tpu.memory_space<vmem_shared>>
      tpu.enqueue_indirect_dma source(%dma_start3A_240 : memref<10240x32xf32, #tpu.memory_space<vmem_shared>>) target(%arg11 : memref<128x32xf32, #tpu.memory_space<vmem>>) offsets(%dma_start3A_237 : memref<128xi32, #tpu.memory_space<vmem>>) semaphore(%arg17 : memref<!tpu.dma_semaphore, #tpu.memory_space<semaphore_mem>>)
      %dma_wait3A_241 = arith.constant 5 : i32
      %dma_wait3A_242 = arith.constant 0 : i32
      %dma_wait3A_243 = tpu.memref_slice %arg6[%dma_wait3A_241, %dma_wait3A_242] : memref<8x128xi32, #tpu.memory_space<vmem>> -> memref<1x128xi32, #tpu.memory_space<vmem>>
      %dma_wait3A_244 = tpu.memref_squeeze %dma_wait3A_243 : memref<1x128xi32, #tpu.memory_space<vmem>> -> memref<128xi32, #tpu.memory_space<vmem>>
      %dma_wait3A_245 = arith.constant 0 : i32
      %dma_wait3A_246 = arith.constant 0 : i32
      %dma_wait3A_247 = tpu.memref_slice %arg12[%dma_wait3A_245, %dma_wait3A_246] : memref<10240x32xf32, #tpu.memory_space<vmem_shared>> -> memref<10240x32xf32, #tpu.memory_space<vmem_shared>>
      tpu.wait_indirect_dma semaphore(%arg17 : memref<!tpu.dma_semaphore, #tpu.memory_space<semaphore_mem>>) src(%dma_wait3A_247 : memref<10240x32xf32, #tpu.memory_space<vmem_shared>>) dst(%arg11 : memref<128x32xf32, #tpu.memory_space<vmem>>)
      %dma_start3A_248 = arith.constant 5 : i32
      %dma_start3A_249 = arith.constant 0 : i32
      %dma_start3A_250 = tpu.memref_slice %arg8[%dma_start3A_248, %dma_start3A_249] : memref<8x128xi32, #tpu.memory_space<vmem>> -> memref<1x128xi32, #tpu.memory_space<vmem>>
      %dma_start3A_251 = tpu.memref_squeeze %dma_start3A_250 : memref<1x128xi32, #tpu.memory_space<vmem>> -> memref<128xi32, #tpu.memory_space<vmem>>
      %dma_start3A_252 = arith.constant 0 : i32
      %dma_start3A_253 = arith.constant 0 : i32
      %dma_start3A_254 = tpu.memref_slice %arg13[%dma_start3A_252, %dma_start3A_253] : memref<10240x32xf32, #tpu.memory_space<vmem_shared>> -> memref<10240x32xf32, #tpu.memory_space<vmem_shared>>
      tpu.enqueue_indirect_dma source(%arg11 : memref<128x32xf32, #tpu.memory_space<vmem>>) target(%dma_start3A_254 : memref<10240x32xf32, #tpu.memory_space<vmem_shared>>) offsets(%dma_start3A_251 : memref<128xi32, #tpu.memory_space<vmem>>) semaphore(%arg19 : memref<!tpu.dma_semaphore, #tpu.memory_space<semaphore_mem>>) {add = true}
      %dma_wait3A_255 = arith.constant 5 : i32
      %dma_wait3A_256 = arith.constant 0 : i32
      %dma_wait3A_257 = tpu.memref_slice %arg8[%dma_wait3A_255, %dma_wait3A_256] : memref<8x128xi32, #tpu.memory_space<vmem>> -> memref<1x128xi32, #tpu.memory_space<vmem>>
      %dma_wait3A_258 = tpu.memref_squeeze %dma_wait3A_257 : memref<1x128xi32, #tpu.memory_space<vmem>> -> memref<128xi32, #tpu.memory_space<vmem>>
      %dma_wait3A_259 = arith.constant 0 : i32
      %dma_wait3A_260 = arith.constant 0 : i32
      %dma_wait3A_261 = tpu.memref_slice %arg13[%dma_wait3A_259, %dma_wait3A_260] : memref<10240x32xf32, #tpu.memory_space<vmem_shared>> -> memref<10240x32xf32, #tpu.memory_space<vmem_shared>>
      tpu.wait_indirect_dma semaphore(%arg18 : memref<!tpu.dma_semaphore, #tpu.memory_space<semaphore_mem>>) src(%arg10 : memref<128x32xf32, #tpu.memory_space<vmem>>) dst(%dma_wait3A_261 : memref<10240x32xf32, #tpu.memory_space<vmem_shared>>)
      %dma_start3A_262 = arith.constant 6 : i32
      %dma_start3A_263 = arith.constant 0 : i32
      %dma_start3A_264 = tpu.memref_slice %arg6[%dma_start3A_262, %dma_start3A_263] : memref<8x128xi32, #tpu.memory_space<vmem>> -> memref<1x128xi32, #tpu.memory_space<vmem>>
      %dma_start3A_265 = tpu.memref_squeeze %dma_start3A_264 : memref<1x128xi32, #tpu.memory_space<vmem>> -> memref<128xi32, #tpu.memory_space<vmem>>
      %dma_start3A_266 = arith.constant 0 : i32
      %dma_start3A_267 = arith.constant 0 : i32
      %dma_start3A_268 = tpu.memref_slice %arg12[%dma_start3A_266, %dma_start3A_267] : memref<10240x32xf32, #tpu.memory_space<vmem_shared>> -> memref<10240x32xf32, #tpu.memory_space<vmem_shared>>
      tpu.enqueue_indirect_dma source(%dma_start3A_268 : memref<10240x32xf32, #tpu.memory_space<vmem_shared>>) target(%arg10 : memref<128x32xf32, #tpu.memory_space<vmem>>) offsets(%dma_start3A_265 : memref<128xi32, #tpu.memory_space<vmem>>) semaphore(%arg16 : memref<!tpu.dma_semaphore, #tpu.memory_space<semaphore_mem>>)
      %dma_wait3A_269 = arith.constant 6 : i32
      %dma_wait3A_270 = arith.constant 0 : i32
      %dma_wait3A_271 = tpu.memref_slice %arg6[%dma_wait3A_269, %dma_wait3A_270] : memref<8x128xi32, #tpu.memory_space<vmem>> -> memref<1x128xi32, #tpu.memory_space<vmem>>
      %dma_wait3A_272 = tpu.memref_squeeze %dma_wait3A_271 : memref<1x128xi32, #tpu.memory_space<vmem>> -> memref<128xi32, #tpu.memory_space<vmem>>
      %dma_wait3A_273 = arith.constant 0 : i32
      %dma_wait3A_274 = arith.constant 0 : i32
      %dma_wait3A_275 = tpu.memref_slice %arg12[%dma_wait3A_273, %dma_wait3A_274] : memref<10240x32xf32, #tpu.memory_space<vmem_shared>> -> memref<10240x32xf32, #tpu.memory_space<vmem_shared>>
      tpu.wait_indirect_dma semaphore(%arg16 : memref<!tpu.dma_semaphore, #tpu.memory_space<semaphore_mem>>) src(%dma_wait3A_275 : memref<10240x32xf32, #tpu.memory_space<vmem_shared>>) dst(%arg10 : memref<128x32xf32, #tpu.memory_space<vmem>>)
      %dma_start3A_276 = arith.constant 6 : i32
      %dma_start3A_277 = arith.constant 0 : i32
      %dma_start3A_278 = tpu.memref_slice %arg8[%dma_start3A_276, %dma_start3A_277] : memref<8x128xi32, #tpu.memory_space<vmem>> -> memref<1x128xi32, #tpu.memory_space<vmem>>
      %dma_start3A_279 = tpu.memref_squeeze %dma_start3A_278 : memref<1x128xi32, #tpu.memory_space<vmem>> -> memref<128xi32, #tpu.memory_space<vmem>>
      %dma_start3A_280 = arith.constant 0 : i32
      %dma_start3A_281 = arith.constant 0 : i32
      %dma_start3A_282 = tpu.memref_slice %arg13[%dma_start3A_280, %dma_start3A_281] : memref<10240x32xf32, #tpu.memory_space<vmem_shared>> -> memref<10240x32xf32, #tpu.memory_space<vmem_shared>>
      tpu.enqueue_indirect_dma source(%arg10 : memref<128x32xf32, #tpu.memory_space<vmem>>) target(%dma_start3A_282 : memref<10240x32xf32, #tpu.memory_space<vmem_shared>>) offsets(%dma_start3A_279 : memref<128xi32, #tpu.memory_space<vmem>>) semaphore(%arg18 : memref<!tpu.dma_semaphore, #tpu.memory_space<semaphore_mem>>) {add = true}
      %dma_wait3A_283 = arith.constant 6 : i32
      %dma_wait3A_284 = arith.constant 0 : i32
      %dma_wait3A_285 = tpu.memref_slice %arg8[%dma_wait3A_283, %dma_wait3A_284] : memref<8x128xi32, #tpu.memory_space<vmem>> -> memref<1x128xi32, #tpu.memory_space<vmem>>
      %dma_wait3A_286 = tpu.memref_squeeze %dma_wait3A_285 : memref<1x128xi32, #tpu.memory_space<vmem>> -> memref<128xi32, #tpu.memory_space<vmem>>
      %dma_wait3A_287 = arith.constant 0 : i32
      %dma_wait3A_288 = arith.constant 0 : i32
      %dma_wait3A_289 = tpu.memref_slice %arg13[%dma_wait3A_287, %dma_wait3A_288] : memref<10240x32xf32, #tpu.memory_space<vmem_shared>> -> memref<10240x32xf32, #tpu.memory_space<vmem_shared>>
      tpu.wait_indirect_dma semaphore(%arg19 : memref<!tpu.dma_semaphore, #tpu.memory_space<semaphore_mem>>) src(%arg11 : memref<128x32xf32, #tpu.memory_space<vmem>>) dst(%dma_wait3A_289 : memref<10240x32xf32, #tpu.memory_space<vmem_shared>>)
      %dma_start3A_290 = arith.constant 7 : i32
      %dma_start3A_291 = arith.constant 0 : i32
      %dma_start3A_292 = tpu.memref_slice %arg6[%dma_start3A_290, %dma_start3A_291] : memref<8x128xi32, #tpu.memory_space<vmem>> -> memref<1x128xi32, #tpu.memory_space<vmem>>
      %dma_start3A_293 = tpu.memref_squeeze %dma_start3A_292 : memref<1x128xi32, #tpu.memory_space<vmem>> -> memref<128xi32, #tpu.memory_space<vmem>>
      %dma_start3A_294 = arith.constant 0 : i32
      %dma_start3A_295 = arith.constant 0 : i32
      %dma_start3A_296 = tpu.memref_slice %arg12[%dma_start3A_294, %dma_start3A_295] : memref<10240x32xf32, #tpu.memory_space<vmem_shared>> -> memref<10240x32xf32, #tpu.memory_space<vmem_shared>>
      tpu.enqueue_indirect_dma source(%dma_start3A_296 : memref<10240x32xf32, #tpu.memory_space<vmem_shared>>) target(%arg11 : memref<128x32xf32, #tpu.memory_space<vmem>>) offsets(%dma_start3A_293 : memref<128xi32, #tpu.memory_space<vmem>>) semaphore(%arg17 : memref<!tpu.dma_semaphore, #tpu.memory_space<semaphore_mem>>)
      %add3A_297 = arith.constant 1 : i32
      %add3A_298 = arith.addi %mul3A_56, %add3A_297 : i32
      %min3A_299 = arith.constant 9 : i32
      %min3A_300 = arith.minsi %add3A_298, %min3A_299 : i32
      %mul3A_301 = arith.constant 10 : i32
      %mul3A_302 = arith.muli %add3A, %mul3A_301 : i32
      %add3A_303 = arith.addi %mul3A_302, %min3A_300 : i32
      %mul3A_304 = arith.constant 8 : i32
      %mul3A_305 = arith.muli %add3A_303, %mul3A_304 : i32
      %multiple_of3A_306 = tpu.assume_multiple %mul3A_305, 8 : i32
      %dma_wait3A_307 = arith.constant 0 : i32
      %dma_wait3A_308 = arith.constant 0 : i32
      %dma_wait3A_309 = tpu.memref_slice %arg3[%scan3A_33, %dma_wait3A_307, %dma_wait3A_308] : memref<2x2560x128xi32, #tpu.memory_space<hbm>> -> memref<1x2560x128xi32, #tpu.memory_space<hbm>>
      %dma_wait3A_310 = tpu.memref_squeeze %dma_wait3A_309 : memref<1x2560x128xi32, #tpu.memory_space<hbm>> -> memref<2560x128xi32, #tpu.memory_space<hbm>>
      %dma_wait3A_311 = arith.constant 0 : i32
      %dma_wait3A_312 = tpu.memref_slice %dma_wait3A_310[%multiple_of3A_306, %dma_wait3A_311] : memref<2560x128xi32, #tpu.memory_space<hbm>> -> memref<8x128xi32, #tpu.memory_space<hbm>>
      %dma_wait3A_313 = arith.constant 0 : i32
      %dma_wait3A_314 = arith.constant 0 : i32
      %dma_wait3A_315 = tpu.memref_slice %arg3[%scan3A_33, %dma_wait3A_313, %dma_wait3A_314] : memref<2x2560x128xi32, #tpu.memory_space<hbm>> -> memref<1x2560x128xi32, #tpu.memory_space<hbm>>
      %dma_wait3A_316 = tpu.memref_squeeze %dma_wait3A_315 : memref<1x2560x128xi32, #tpu.memory_space<hbm>> -> memref<2560x128xi32, #tpu.memory_space<hbm>>
      %dma_wait3A_317 = arith.constant 0 : i32
      %dma_wait3A_318 = tpu.memref_slice %dma_wait3A_316[%multiple_of3A_306, %dma_wait3A_317] : memref<2560x128xi32, #tpu.memory_space<hbm>> -> memref<8x128xi32, #tpu.memory_space<hbm>>
      tpu.wait_dma2 semaphore(%arg15 : memref<!tpu.dma_semaphore, #tpu.memory_space<semaphore_mem>>) src(%dma_wait3A_318 : memref<8x128xi32, #tpu.memory_space<hbm>>) dst(%arg7 : memref<8x128xi32, #tpu.memory_space<vmem>>)
      %add3A_319 = arith.constant 1 : i32
      %add3A_320 = arith.addi %mul3A_56, %add3A_319 : i32
      %min3A_321 = arith.constant 9 : i32
      %min3A_322 = arith.minsi %add3A_320, %min3A_321 : i32
      %mul3A_323 = arith.constant 10 : i32
      %mul3A_324 = arith.muli %add3A, %mul3A_323 : i32
      %add3A_325 = arith.addi %mul3A_324, %min3A_322 : i32
      %mul3A_326 = arith.constant 8 : i32
      %mul3A_327 = arith.muli %add3A_325, %mul3A_326 : i32
      %multiple_of3A_328 = tpu.assume_multiple %mul3A_327, 8 : i32
      %dma_wait3A_329 = arith.constant 0 : i32
      %dma_wait3A_330 = arith.constant 0 : i32
      %dma_wait3A_331 = tpu.memref_slice %arg3[%scan3A_34, %dma_wait3A_329, %dma_wait3A_330] : memref<2x2560x128xi32, #tpu.memory_space<hbm>> -> memref<1x2560x128xi32, #tpu.memory_space<hbm>>
      %dma_wait3A_332 = tpu.memref_squeeze %dma_wait3A_331 : memref<1x2560x128xi32, #tpu.memory_space<hbm>> -> memref<2560x128xi32, #tpu.memory_space<hbm>>
      %dma_wait3A_333 = arith.constant 0 : i32
      %dma_wait3A_334 = tpu.memref_slice %dma_wait3A_332[%multiple_of3A_328, %dma_wait3A_333] : memref<2560x128xi32, #tpu.memory_space<hbm>> -> memref<8x128xi32, #tpu.memory_space<hbm>>
      %dma_wait3A_335 = arith.constant 0 : i32
      %dma_wait3A_336 = arith.constant 0 : i32
      %dma_wait3A_337 = tpu.memref_slice %arg3[%scan3A_34, %dma_wait3A_335, %dma_wait3A_336] : memref<2x2560x128xi32, #tpu.memory_space<hbm>> -> memref<1x2560x128xi32, #tpu.memory_space<hbm>>
      %dma_wait3A_338 = tpu.memref_squeeze %dma_wait3A_337 : memref<1x2560x128xi32, #tpu.memory_space<hbm>> -> memref<2560x128xi32, #tpu.memory_space<hbm>>
      %dma_wait3A_339 = arith.constant 0 : i32
      %dma_wait3A_340 = tpu.memref_slice %dma_wait3A_338[%multiple_of3A_328, %dma_wait3A_339] : memref<2560x128xi32, #tpu.memory_space<hbm>> -> memref<8x128xi32, #tpu.memory_space<hbm>>
      tpu.wait_dma2 semaphore(%arg15 : memref<!tpu.dma_semaphore, #tpu.memory_space<semaphore_mem>>) src(%dma_wait3A_340 : memref<8x128xi32, #tpu.memory_space<hbm>>) dst(%arg9 : memref<8x128xi32, #tpu.memory_space<vmem>>)
      %dma_wait3A_341 = arith.constant 7 : i32
      %dma_wait3A_342 = arith.constant 0 : i32
      %dma_wait3A_343 = tpu.memref_slice %arg6[%dma_wait3A_341, %dma_wait3A_342] : memref<8x128xi32, #tpu.memory_space<vmem>> -> memref<1x128xi32, #tpu.memory_space<vmem>>
      %dma_wait3A_344 = tpu.memref_squeeze %dma_wait3A_343 : memref<1x128xi32, #tpu.memory_space<vmem>> -> memref<128xi32, #tpu.memory_space<vmem>>
      %dma_wait3A_345 = arith.constant 0 : i32
      %dma_wait3A_346 = arith.constant 0 : i32
      %dma_wait3A_347 = tpu.memref_slice %arg12[%dma_wait3A_345, %dma_wait3A_346] : memref<10240x32xf32, #tpu.memory_space<vmem_shared>> -> memref<10240x32xf32, #tpu.memory_space<vmem_shared>>
      tpu.wait_indirect_dma semaphore(%arg17 : memref<!tpu.dma_semaphore, #tpu.memory_space<semaphore_mem>>) src(%dma_wait3A_347 : memref<10240x32xf32, #tpu.memory_space<vmem_shared>>) dst(%arg11 : memref<128x32xf32, #tpu.memory_space<vmem>>)
      %dma_start3A_348 = arith.constant 7 : i32
      %dma_start3A_349 = arith.constant 0 : i32
      %dma_start3A_350 = tpu.memref_slice %arg8[%dma_start3A_348, %dma_start3A_349] : memref<8x128xi32, #tpu.memory_space<vmem>> -> memref<1x128xi32, #tpu.memory_space<vmem>>
      %dma_start3A_351 = tpu.memref_squeeze %dma_start3A_350 : memref<1x128xi32, #tpu.memory_space<vmem>> -> memref<128xi32, #tpu.memory_space<vmem>>
      %dma_start3A_352 = arith.constant 0 : i32
      %dma_start3A_353 = arith.constant 0 : i32
      %dma_start3A_354 = tpu.memref_slice %arg13[%dma_start3A_352, %dma_start3A_353] : memref<10240x32xf32, #tpu.memory_space<vmem_shared>> -> memref<10240x32xf32, #tpu.memory_space<vmem_shared>>
      tpu.enqueue_indirect_dma source(%arg11 : memref<128x32xf32, #tpu.memory_space<vmem>>) target(%dma_start3A_354 : memref<10240x32xf32, #tpu.memory_space<vmem_shared>>) offsets(%dma_start3A_351 : memref<128xi32, #tpu.memory_space<vmem>>) semaphore(%arg19 : memref<!tpu.dma_semaphore, #tpu.memory_space<semaphore_mem>>) {add = true}
      %dma_wait3A_355 = arith.constant 7 : i32
      %dma_wait3A_356 = arith.constant 0 : i32
      %dma_wait3A_357 = tpu.memref_slice %arg8[%dma_wait3A_355, %dma_wait3A_356] : memref<8x128xi32, #tpu.memory_space<vmem>> -> memref<1x128xi32, #tpu.memory_space<vmem>>
      %dma_wait3A_358 = tpu.memref_squeeze %dma_wait3A_357 : memref<1x128xi32, #tpu.memory_space<vmem>> -> memref<128xi32, #tpu.memory_space<vmem>>
      %dma_wait3A_359 = arith.constant 0 : i32
      %dma_wait3A_360 = arith.constant 0 : i32
      %dma_wait3A_361 = tpu.memref_slice %arg13[%dma_wait3A_359, %dma_wait3A_360] : memref<10240x32xf32, #tpu.memory_space<vmem_shared>> -> memref<10240x32xf32, #tpu.memory_space<vmem_shared>>
      tpu.wait_indirect_dma semaphore(%arg18 : memref<!tpu.dma_semaphore, #tpu.memory_space<semaphore_mem>>) src(%arg10 : memref<128x32xf32, #tpu.memory_space<vmem>>) dst(%dma_wait3A_361 : memref<10240x32xf32, #tpu.memory_space<vmem_shared>>)
      %dma_start3A_362 = arith.constant 0 : i32
      %dma_start3A_363 = arith.constant 0 : i32
      %dma_start3A_364 = tpu.memref_slice %arg7[%dma_start3A_362, %dma_start3A_363] : memref<8x128xi32, #tpu.memory_space<vmem>> -> memref<1x128xi32, #tpu.memory_space<vmem>>
      %dma_start3A_365 = tpu.memref_squeeze %dma_start3A_364 : memref<1x128xi32, #tpu.memory_space<vmem>> -> memref<128xi32, #tpu.memory_space<vmem>>
      %dma_start3A_366 = arith.constant 0 : i32
      %dma_start3A_367 = arith.constant 0 : i32
      %dma_start3A_368 = tpu.memref_slice %arg12[%dma_start3A_366, %dma_start3A_367] : memref<10240x32xf32, #tpu.memory_space<vmem_shared>> -> memref<10240x32xf32, #tpu.memory_space<vmem_shared>>
      tpu.enqueue_indirect_dma source(%dma_start3A_368 : memref<10240x32xf32, #tpu.memory_space<vmem_shared>>) target(%arg10 : memref<128x32xf32, #tpu.memory_space<vmem>>) offsets(%dma_start3A_365 : memref<128xi32, #tpu.memory_space<vmem>>) semaphore(%arg16 : memref<!tpu.dma_semaphore, #tpu.memory_space<semaphore_mem>>)
      %mul3A_369 = arith.constant 2 : i32
      %mul3A_370 = arith.muli %scan3A_54, %mul3A_369 : i32
      %add3A_371 = arith.constant 1 : i32
      %add3A_372 = arith.addi %mul3A_370, %add3A_371 : i32
      %add3A_373 = arith.constant 1 : i32
      %add3A_374 = arith.addi %add3A_372, %add3A_373 : i32
      %min3A_375 = arith.constant 9 : i32
      %min3A_376 = arith.minsi %add3A_374, %min3A_375 : i32
      %mul3A_377 = arith.constant 10 : i32
      %mul3A_378 = arith.muli %add3A, %mul3A_377 : i32
      %add3A_379 = arith.addi %mul3A_378, %min3A_376 : i32
      %mul3A_380 = arith.constant 8 : i32
      %mul3A_381 = arith.muli %add3A_379, %mul3A_380 : i32
      %multiple_of3A_382 = tpu.assume_multiple %mul3A_381, 8 : i32
      %dma_start3A_383 = arith.constant 0 : i32
      %dma_start3A_384 = arith.constant 0 : i32
      %dma_start3A_385 = tpu.memref_slice %arg3[%scan3A_33, %dma_start3A_383, %dma_start3A_384] : memref<2x2560x128xi32, #tpu.memory_space<hbm>> -> memref<1x2560x128xi32, #tpu.memory_space<hbm>>
      %dma_start3A_386 = tpu.memref_squeeze %dma_start3A_385 : memref<1x2560x128xi32, #tpu.memory_space<hbm>> -> memref<2560x128xi32, #tpu.memory_space<hbm>>
      %dma_start3A_387 = arith.constant 0 : i32
      %dma_start3A_388 = tpu.memref_slice %dma_start3A_386[%multiple_of3A_382, %dma_start3A_387] : memref<2560x128xi32, #tpu.memory_space<hbm>> -> memref<8x128xi32, #tpu.memory_space<hbm>>
      %dma_start3A_389 = arith.constant 0 : i32
      %dma_start3A_390 = arith.constant 0 : i32
      %dma_start3A_391 = tpu.memref_slice %arg3[%scan3A_33, %dma_start3A_389, %dma_start3A_390] : memref<2x2560x128xi32, #tpu.memory_space<hbm>> -> memref<1x2560x128xi32, #tpu.memory_space<hbm>>
      %dma_start3A_392 = tpu.memref_squeeze %dma_start3A_391 : memref<1x2560x128xi32, #tpu.memory_space<hbm>> -> memref<2560x128xi32, #tpu.memory_space<hbm>>
      %dma_start3A_393 = arith.constant 0 : i32
      %dma_start3A_394 = tpu.memref_slice %dma_start3A_392[%multiple_of3A_382, %dma_start3A_393] : memref<2560x128xi32, #tpu.memory_space<hbm>> -> memref<8x128xi32, #tpu.memory_space<hbm>>
      tpu.enqueue_dma source(%dma_start3A_394 : memref<8x128xi32, #tpu.memory_space<hbm>>) target(%arg6 : memref<8x128xi32, #tpu.memory_space<vmem>>) target_semaphore(%arg14 : memref<!tpu.dma_semaphore, #tpu.memory_space<semaphore_mem>>)
      %add3A_395 = arith.constant 1 : i32
      %add3A_396 = arith.addi %add3A_372, %add3A_395 : i32
      %min3A_397 = arith.constant 9 : i32
      %min3A_398 = arith.minsi %add3A_396, %min3A_397 : i32
      %mul3A_399 = arith.constant 10 : i32
      %mul3A_400 = arith.muli %add3A, %mul3A_399 : i32
      %add3A_401 = arith.addi %mul3A_400, %min3A_398 : i32
      %mul3A_402 = arith.constant 8 : i32
      %mul3A_403 = arith.muli %add3A_401, %mul3A_402 : i32
      %multiple_of3A_404 = tpu.assume_multiple %mul3A_403, 8 : i32
      %dma_start3A_405 = arith.constant 0 : i32
      %dma_start3A_406 = arith.constant 0 : i32
      %dma_start3A_407 = tpu.memref_slice %arg3[%scan3A_34, %dma_start3A_405, %dma_start3A_406] : memref<2x2560x128xi32, #tpu.memory_space<hbm>> -> memref<1x2560x128xi32, #tpu.memory_space<hbm>>
      %dma_start3A_408 = tpu.memref_squeeze %dma_start3A_407 : memref<1x2560x128xi32, #tpu.memory_space<hbm>> -> memref<2560x128xi32, #tpu.memory_space<hbm>>
      %dma_start3A_409 = arith.constant 0 : i32
      %dma_start3A_410 = tpu.memref_slice %dma_start3A_408[%multiple_of3A_404, %dma_start3A_409] : memref<2560x128xi32, #tpu.memory_space<hbm>> -> memref<8x128xi32, #tpu.memory_space<hbm>>
      %dma_start3A_411 = arith.constant 0 : i32
      %dma_start3A_412 = arith.constant 0 : i32
      %dma_start3A_413 = tpu.memref_slice %arg3[%scan3A_34, %dma_start3A_411, %dma_start3A_412] : memref<2x2560x128xi32, #tpu.memory_space<hbm>> -> memref<1x2560x128xi32, #tpu.memory_space<hbm>>
      %dma_start3A_414 = tpu.memref_squeeze %dma_start3A_413 : memref<1x2560x128xi32, #tpu.memory_space<hbm>> -> memref<2560x128xi32, #tpu.memory_space<hbm>>
      %dma_start3A_415 = arith.constant 0 : i32
      %dma_start3A_416 = tpu.memref_slice %dma_start3A_414[%multiple_of3A_404, %dma_start3A_415] : memref<2560x128xi32, #tpu.memory_space<hbm>> -> memref<8x128xi32, #tpu.memory_space<hbm>>
      tpu.enqueue_dma source(%dma_start3A_416 : memref<8x128xi32, #tpu.memory_space<hbm>>) target(%arg8 : memref<8x128xi32, #tpu.memory_space<vmem>>) target_semaphore(%arg14 : memref<!tpu.dma_semaphore, #tpu.memory_space<semaphore_mem>>)
      %dma_wait3A_417 = arith.constant 0 : i32
      %dma_wait3A_418 = arith.constant 0 : i32
      %dma_wait3A_419 = tpu.memref_slice %arg7[%dma_wait3A_417, %dma_wait3A_418] : memref<8x128xi32, #tpu.memory_space<vmem>> -> memref<1x128xi32, #tpu.memory_space<vmem>>
      %dma_wait3A_420 = tpu.memref_squeeze %dma_wait3A_419 : memref<1x128xi32, #tpu.memory_space<vmem>> -> memref<128xi32, #tpu.memory_space<vmem>>
      %dma_wait3A_421 = arith.constant 0 : i32
      %dma_wait3A_422 = arith.constant 0 : i32
      %dma_wait3A_423 = tpu.memref_slice %arg12[%dma_wait3A_421, %dma_wait3A_422] : memref<10240x32xf32, #tpu.memory_space<vmem_shared>> -> memref<10240x32xf32, #tpu.memory_space<vmem_shared>>
      tpu.wait_indirect_dma semaphore(%arg16 : memref<!tpu.dma_semaphore, #tpu.memory_space<semaphore_mem>>) src(%dma_wait3A_423 : memref<10240x32xf32, #tpu.memory_space<vmem_shared>>) dst(%arg10 : memref<128x32xf32, #tpu.memory_space<vmem>>)
      %dma_start3A_424 = arith.constant 0 : i32
      %dma_start3A_425 = arith.constant 0 : i32
      %dma_start3A_426 = tpu.memref_slice %arg9[%dma_start3A_424, %dma_start3A_425] : memref<8x128xi32, #tpu.memory_space<vmem>> -> memref<1x128xi32, #tpu.memory_space<vmem>>
      %dma_start3A_427 = tpu.memref_squeeze %dma_start3A_426 : memref<1x128xi32, #tpu.memory_space<vmem>> -> memref<128xi32, #tpu.memory_space<vmem>>
      %dma_start3A_428 = arith.constant 0 : i32
      %dma_start3A_429 = arith.constant 0 : i32
      %dma_start3A_430 = tpu.memref_slice %arg13[%dma_start3A_428, %dma_start3A_429] : memref<10240x32xf32, #tpu.memory_space<vmem_shared>> -> memref<10240x32xf32, #tpu.memory_space<vmem_shared>>
      tpu.enqueue_indirect_dma source(%arg10 : memref<128x32xf32, #tpu.memory_space<vmem>>) target(%dma_start3A_430 : memref<10240x32xf32, #tpu.memory_space<vmem_shared>>) offsets(%dma_start3A_427 : memref<128xi32, #tpu.memory_space<vmem>>) semaphore(%arg18 : memref<!tpu.dma_semaphore, #tpu.memory_space<semaphore_mem>>) {add = true}
      %dma_wait3A_431 = arith.constant 0 : i32
      %dma_wait3A_432 = arith.constant 0 : i32
      %dma_wait3A_433 = tpu.memref_slice %arg9[%dma_wait3A_431, %dma_wait3A_432] : memref<8x128xi32, #tpu.memory_space<vmem>> -> memref<1x128xi32, #tpu.memory_space<vmem>>
      %dma_wait3A_434 = tpu.memref_squeeze %dma_wait3A_433 : memref<1x128xi32, #tpu.memory_space<vmem>> -> memref<128xi32, #tpu.memory_space<vmem>>
      %dma_wait3A_435 = arith.constant 0 : i32
      %dma_wait3A_436 = arith.constant 0 : i32
      %dma_wait3A_437 = tpu.memref_slice %arg13[%dma_wait3A_435, %dma_wait3A_436] : memref<10240x32xf32, #tpu.memory_space<vmem_shared>> -> memref<10240x32xf32, #tpu.memory_space<vmem_shared>>
      tpu.wait_indirect_dma semaphore(%arg19 : memref<!tpu.dma_semaphore, #tpu.memory_space<semaphore_mem>>) src(%arg11 : memref<128x32xf32, #tpu.memory_space<vmem>>) dst(%dma_wait3A_437 : memref<10240x32xf32, #tpu.memory_space<vmem_shared>>)
      %dma_start3A_438 = arith.constant 1 : i32
      %dma_start3A_439 = arith.constant 0 : i32
      %dma_start3A_440 = tpu.memref_slice %arg7[%dma_start3A_438, %dma_start3A_439] : memref<8x128xi32, #tpu.memory_space<vmem>> -> memref<1x128xi32, #tpu.memory_space<vmem>>
      %dma_start3A_441 = tpu.memref_squeeze %dma_start3A_440 : memref<1x128xi32, #tpu.memory_space<vmem>> -> memref<128xi32, #tpu.memory_space<vmem>>
      %dma_start3A_442 = arith.constant 0 : i32
      %dma_start3A_443 = arith.constant 0 : i32
      %dma_start3A_444 = tpu.memref_slice %arg12[%dma_start3A_442, %dma_start3A_443] : memref<10240x32xf32, #tpu.memory_space<vmem_shared>> -> memref<10240x32xf32, #tpu.memory_space<vmem_shared>>
      tpu.enqueue_indirect_dma source(%dma_start3A_444 : memref<10240x32xf32, #tpu.memory_space<vmem_shared>>) target(%arg11 : memref<128x32xf32, #tpu.memory_space<vmem>>) offsets(%dma_start3A_441 : memref<128xi32, #tpu.memory_space<vmem>>) semaphore(%arg17 : memref<!tpu.dma_semaphore, #tpu.memory_space<semaphore_mem>>)
      %dma_wait3A_445 = arith.constant 1 : i32
      %dma_wait3A_446 = arith.constant 0 : i32
      %dma_wait3A_447 = tpu.memref_slice %arg7[%dma_wait3A_445, %dma_wait3A_446] : memref<8x128xi32, #tpu.memory_space<vmem>> -> memref<1x128xi32, #tpu.memory_space<vmem>>
      %dma_wait3A_448 = tpu.memref_squeeze %dma_wait3A_447 : memref<1x128xi32, #tpu.memory_space<vmem>> -> memref<128xi32, #tpu.memory_space<vmem>>
      %dma_wait3A_449 = arith.constant 0 : i32
      %dma_wait3A_450 = arith.constant 0 : i32
      %dma_wait3A_451 = tpu.memref_slice %arg12[%dma_wait3A_449, %dma_wait3A_450] : memref<10240x32xf32, #tpu.memory_space<vmem_shared>> -> memref<10240x32xf32, #tpu.memory_space<vmem_shared>>
      tpu.wait_indirect_dma semaphore(%arg17 : memref<!tpu.dma_semaphore, #tpu.memory_space<semaphore_mem>>) src(%dma_wait3A_451 : memref<10240x32xf32, #tpu.memory_space<vmem_shared>>) dst(%arg11 : memref<128x32xf32, #tpu.memory_space<vmem>>)
      %dma_start3A_452 = arith.constant 1 : i32
      %dma_start3A_453 = arith.constant 0 : i32
      %dma_start3A_454 = tpu.memref_slice %arg9[%dma_start3A_452, %dma_start3A_453] : memref<8x128xi32, #tpu.memory_space<vmem>> -> memref<1x128xi32, #tpu.memory_space<vmem>>
      %dma_start3A_455 = tpu.memref_squeeze %dma_start3A_454 : memref<1x128xi32, #tpu.memory_space<vmem>> -> memref<128xi32, #tpu.memory_space<vmem>>
      %dma_start3A_456 = arith.constant 0 : i32
      %dma_start3A_457 = arith.constant 0 : i32
      %dma_start3A_458 = tpu.memref_slice %arg13[%dma_start3A_456, %dma_start3A_457] : memref<10240x32xf32, #tpu.memory_space<vmem_shared>> -> memref<10240x32xf32, #tpu.memory_space<vmem_shared>>
      tpu.enqueue_indirect_dma source(%arg11 : memref<128x32xf32, #tpu.memory_space<vmem>>) target(%dma_start3A_458 : memref<10240x32xf32, #tpu.memory_space<vmem_shared>>) offsets(%dma_start3A_455 : memref<128xi32, #tpu.memory_space<vmem>>) semaphore(%arg19 : memref<!tpu.dma_semaphore, #tpu.memory_space<semaphore_mem>>) {add = true}
      %dma_wait3A_459 = arith.constant 1 : i32
      %dma_wait3A_460 = arith.constant 0 : i32
      %dma_wait3A_461 = tpu.memref_slice %arg9[%dma_wait3A_459, %dma_wait3A_460] : memref<8x128xi32, #tpu.memory_space<vmem>> -> memref<1x128xi32, #tpu.memory_space<vmem>>
      %dma_wait3A_462 = tpu.memref_squeeze %dma_wait3A_461 : memref<1x128xi32, #tpu.memory_space<vmem>> -> memref<128xi32, #tpu.memory_space<vmem>>
      %dma_wait3A_463 = arith.constant 0 : i32
      %dma_wait3A_464 = arith.constant 0 : i32
      %dma_wait3A_465 = tpu.memref_slice %arg13[%dma_wait3A_463, %dma_wait3A_464] : memref<10240x32xf32, #tpu.memory_space<vmem_shared>> -> memref<10240x32xf32, #tpu.memory_space<vmem_shared>>
      tpu.wait_indirect_dma semaphore(%arg18 : memref<!tpu.dma_semaphore, #tpu.memory_space<semaphore_mem>>) src(%arg10 : memref<128x32xf32, #tpu.memory_space<vmem>>) dst(%dma_wait3A_465 : memref<10240x32xf32, #tpu.memory_space<vmem_shared>>)
      %dma_start3A_466 = arith.constant 2 : i32
      %dma_start3A_467 = arith.constant 0 : i32
      %dma_start3A_468 = tpu.memref_slice %arg7[%dma_start3A_466, %dma_start3A_467] : memref<8x128xi32, #tpu.memory_space<vmem>> -> memref<1x128xi32, #tpu.memory_space<vmem>>
      %dma_start3A_469 = tpu.memref_squeeze %dma_start3A_468 : memref<1x128xi32, #tpu.memory_space<vmem>> -> memref<128xi32, #tpu.memory_space<vmem>>
      %dma_start3A_470 = arith.constant 0 : i32
      %dma_start3A_471 = arith.constant 0 : i32
      %dma_start3A_472 = tpu.memref_slice %arg12[%dma_start3A_470, %dma_start3A_471] : memref<10240x32xf32, #tpu.memory_space<vmem_shared>> -> memref<10240x32xf32, #tpu.memory_space<vmem_shared>>
      tpu.enqueue_indirect_dma source(%dma_start3A_472 : memref<10240x32xf32, #tpu.memory_space<vmem_shared>>) target(%arg10 : memref<128x32xf32, #tpu.memory_space<vmem>>) offsets(%dma_start3A_469 : memref<128xi32, #tpu.memory_space<vmem>>) semaphore(%arg16 : memref<!tpu.dma_semaphore, #tpu.memory_space<semaphore_mem>>)
      %dma_wait3A_473 = arith.constant 2 : i32
      %dma_wait3A_474 = arith.constant 0 : i32
      %dma_wait3A_475 = tpu.memref_slice %arg7[%dma_wait3A_473, %dma_wait3A_474] : memref<8x128xi32, #tpu.memory_space<vmem>> -> memref<1x128xi32, #tpu.memory_space<vmem>>
      %dma_wait3A_476 = tpu.memref_squeeze %dma_wait3A_475 : memref<1x128xi32, #tpu.memory_space<vmem>> -> memref<128xi32, #tpu.memory_space<vmem>>
      %dma_wait3A_477 = arith.constant 0 : i32
      %dma_wait3A_478 = arith.constant 0 : i32
      %dma_wait3A_479 = tpu.memref_slice %arg12[%dma_wait3A_477, %dma_wait3A_478] : memref<10240x32xf32, #tpu.memory_space<vmem_shared>> -> memref<10240x32xf32, #tpu.memory_space<vmem_shared>>
      tpu.wait_indirect_dma semaphore(%arg16 : memref<!tpu.dma_semaphore, #tpu.memory_space<semaphore_mem>>) src(%dma_wait3A_479 : memref<10240x32xf32, #tpu.memory_space<vmem_shared>>) dst(%arg10 : memref<128x32xf32, #tpu.memory_space<vmem>>)
      %dma_start3A_480 = arith.constant 2 : i32
      %dma_start3A_481 = arith.constant 0 : i32
      %dma_start3A_482 = tpu.memref_slice %arg9[%dma_start3A_480, %dma_start3A_481] : memref<8x128xi32, #tpu.memory_space<vmem>> -> memref<1x128xi32, #tpu.memory_space<vmem>>
      %dma_start3A_483 = tpu.memref_squeeze %dma_start3A_482 : memref<1x128xi32, #tpu.memory_space<vmem>> -> memref<128xi32, #tpu.memory_space<vmem>>
      %dma_start3A_484 = arith.constant 0 : i32
      %dma_start3A_485 = arith.constant 0 : i32
      %dma_start3A_486 = tpu.memref_slice %arg13[%dma_start3A_484, %dma_start3A_485] : memref<10240x32xf32, #tpu.memory_space<vmem_shared>> -> memref<10240x32xf32, #tpu.memory_space<vmem_shared>>
      tpu.enqueue_indirect_dma source(%arg10 : memref<128x32xf32, #tpu.memory_space<vmem>>) target(%dma_start3A_486 : memref<10240x32xf32, #tpu.memory_space<vmem_shared>>) offsets(%dma_start3A_483 : memref<128xi32, #tpu.memory_space<vmem>>) semaphore(%arg18 : memref<!tpu.dma_semaphore, #tpu.memory_space<semaphore_mem>>) {add = true}
      %dma_wait3A_487 = arith.constant 2 : i32
      %dma_wait3A_488 = arith.constant 0 : i32
      %dma_wait3A_489 = tpu.memref_slice %arg9[%dma_wait3A_487, %dma_wait3A_488] : memref<8x128xi32, #tpu.memory_space<vmem>> -> memref<1x128xi32, #tpu.memory_space<vmem>>
      %dma_wait3A_490 = tpu.memref_squeeze %dma_wait3A_489 : memref<1x128xi32, #tpu.memory_space<vmem>> -> memref<128xi32, #tpu.memory_space<vmem>>
      %dma_wait3A_491 = arith.constant 0 : i32
      %dma_wait3A_492 = arith.constant 0 : i32
      %dma_wait3A_493 = tpu.memref_slice %arg13[%dma_wait3A_491, %dma_wait3A_492] : memref<10240x32xf32, #tpu.memory_space<vmem_shared>> -> memref<10240x32xf32, #tpu.memory_space<vmem_shared>>
      tpu.wait_indirect_dma semaphore(%arg19 : memref<!tpu.dma_semaphore, #tpu.memory_space<semaphore_mem>>) src(%arg11 : memref<128x32xf32, #tpu.memory_space<vmem>>) dst(%dma_wait3A_493 : memref<10240x32xf32, #tpu.memory_space<vmem_shared>>)
      %dma_start3A_494 = arith.constant 3 : i32
      %dma_start3A_495 = arith.constant 0 : i32
      %dma_start3A_496 = tpu.memref_slice %arg7[%dma_start3A_494, %dma_start3A_495] : memref<8x128xi32, #tpu.memory_space<vmem>> -> memref<1x128xi32, #tpu.memory_space<vmem>>
      %dma_start3A_497 = tpu.memref_squeeze %dma_start3A_496 : memref<1x128xi32, #tpu.memory_space<vmem>> -> memref<128xi32, #tpu.memory_space<vmem>>
      %dma_start3A_498 = arith.constant 0 : i32
      %dma_start3A_499 = arith.constant 0 : i32
      %dma_start3A_500 = tpu.memref_slice %arg12[%dma_start3A_498, %dma_start3A_499] : memref<10240x32xf32, #tpu.memory_space<vmem_shared>> -> memref<10240x32xf32, #tpu.memory_space<vmem_shared>>
      tpu.enqueue_indirect_dma source(%dma_start3A_500 : memref<10240x32xf32, #tpu.memory_space<vmem_shared>>) target(%arg11 : memref<128x32xf32, #tpu.memory_space<vmem>>) offsets(%dma_start3A_497 : memref<128xi32, #tpu.memory_space<vmem>>) semaphore(%arg17 : memref<!tpu.dma_semaphore, #tpu.memory_space<semaphore_mem>>)
      %dma_wait3A_501 = arith.constant 3 : i32
      %dma_wait3A_502 = arith.constant 0 : i32
      %dma_wait3A_503 = tpu.memref_slice %arg7[%dma_wait3A_501, %dma_wait3A_502] : memref<8x128xi32, #tpu.memory_space<vmem>> -> memref<1x128xi32, #tpu.memory_space<vmem>>
      %dma_wait3A_504 = tpu.memref_squeeze %dma_wait3A_503 : memref<1x128xi32, #tpu.memory_space<vmem>> -> memref<128xi32, #tpu.memory_space<vmem>>
      %dma_wait3A_505 = arith.constant 0 : i32
      %dma_wait3A_506 = arith.constant 0 : i32
      %dma_wait3A_507 = tpu.memref_slice %arg12[%dma_wait3A_505, %dma_wait3A_506] : memref<10240x32xf32, #tpu.memory_space<vmem_shared>> -> memref<10240x32xf32, #tpu.memory_space<vmem_shared>>
      tpu.wait_indirect_dma semaphore(%arg17 : memref<!tpu.dma_semaphore, #tpu.memory_space<semaphore_mem>>) src(%dma_wait3A_507 : memref<10240x32xf32, #tpu.memory_space<vmem_shared>>) dst(%arg11 : memref<128x32xf32, #tpu.memory_space<vmem>>)
      %dma_start3A_508 = arith.constant 3 : i32
      %dma_start3A_509 = arith.constant 0 : i32
      %dma_start3A_510 = tpu.memref_slice %arg9[%dma_start3A_508, %dma_start3A_509] : memref<8x128xi32, #tpu.memory_space<vmem>> -> memref<1x128xi32, #tpu.memory_space<vmem>>
      %dma_start3A_511 = tpu.memref_squeeze %dma_start3A_510 : memref<1x128xi32, #tpu.memory_space<vmem>> -> memref<128xi32, #tpu.memory_space<vmem>>
      %dma_start3A_512 = arith.constant 0 : i32
      %dma_start3A_513 = arith.constant 0 : i32
      %dma_start3A_514 = tpu.memref_slice %arg13[%dma_start3A_512, %dma_start3A_513] : memref<10240x32xf32, #tpu.memory_space<vmem_shared>> -> memref<10240x32xf32, #tpu.memory_space<vmem_shared>>
      tpu.enqueue_indirect_dma source(%arg11 : memref<128x32xf32, #tpu.memory_space<vmem>>) target(%dma_start3A_514 : memref<10240x32xf32, #tpu.memory_space<vmem_shared>>) offsets(%dma_start3A_511 : memref<128xi32, #tpu.memory_space<vmem>>) semaphore(%arg19 : memref<!tpu.dma_semaphore, #tpu.memory_space<semaphore_mem>>) {add = true}
      %dma_wait3A_515 = arith.constant 3 : i32
      %dma_wait3A_516 = arith.constant 0 : i32
      %dma_wait3A_517 = tpu.memref_slice %arg9[%dma_wait3A_515, %dma_wait3A_516] : memref<8x128xi32, #tpu.memory_space<vmem>> -> memref<1x128xi32, #tpu.memory_space<vmem>>
      %dma_wait3A_518 = tpu.memref_squeeze %dma_wait3A_517 : memref<1x128xi32, #tpu.memory_space<vmem>> -> memref<128xi32, #tpu.memory_space<vmem>>
      %dma_wait3A_519 = arith.constant 0 : i32
      %dma_wait3A_520 = arith.constant 0 : i32
      %dma_wait3A_521 = tpu.memref_slice %arg13[%dma_wait3A_519, %dma_wait3A_520] : memref<10240x32xf32, #tpu.memory_space<vmem_shared>> -> memref<10240x32xf32, #tpu.memory_space<vmem_shared>>
      tpu.wait_indirect_dma semaphore(%arg18 : memref<!tpu.dma_semaphore, #tpu.memory_space<semaphore_mem>>) src(%arg10 : memref<128x32xf32, #tpu.memory_space<vmem>>) dst(%dma_wait3A_521 : memref<10240x32xf32, #tpu.memory_space<vmem_shared>>)
      %dma_start3A_522 = arith.constant 4 : i32
      %dma_start3A_523 = arith.constant 0 : i32
      %dma_start3A_524 = tpu.memref_slice %arg7[%dma_start3A_522, %dma_start3A_523] : memref<8x128xi32, #tpu.memory_space<vmem>> -> memref<1x128xi32, #tpu.memory_space<vmem>>
      %dma_start3A_525 = tpu.memref_squeeze %dma_start3A_524 : memref<1x128xi32, #tpu.memory_space<vmem>> -> memref<128xi32, #tpu.memory_space<vmem>>
      %dma_start3A_526 = arith.constant 0 : i32
      %dma_start3A_527 = arith.constant 0 : i32
      %dma_start3A_528 = tpu.memref_slice %arg12[%dma_start3A_526, %dma_start3A_527] : memref<10240x32xf32, #tpu.memory_space<vmem_shared>> -> memref<10240x32xf32, #tpu.memory_space<vmem_shared>>
      tpu.enqueue_indirect_dma source(%dma_start3A_528 : memref<10240x32xf32, #tpu.memory_space<vmem_shared>>) target(%arg10 : memref<128x32xf32, #tpu.memory_space<vmem>>) offsets(%dma_start3A_525 : memref<128xi32, #tpu.memory_space<vmem>>) semaphore(%arg16 : memref<!tpu.dma_semaphore, #tpu.memory_space<semaphore_mem>>)
      %dma_wait3A_529 = arith.constant 4 : i32
      %dma_wait3A_530 = arith.constant 0 : i32
      %dma_wait3A_531 = tpu.memref_slice %arg7[%dma_wait3A_529, %dma_wait3A_530] : memref<8x128xi32, #tpu.memory_space<vmem>> -> memref<1x128xi32, #tpu.memory_space<vmem>>
      %dma_wait3A_532 = tpu.memref_squeeze %dma_wait3A_531 : memref<1x128xi32, #tpu.memory_space<vmem>> -> memref<128xi32, #tpu.memory_space<vmem>>
      %dma_wait3A_533 = arith.constant 0 : i32
      %dma_wait3A_534 = arith.constant 0 : i32
      %dma_wait3A_535 = tpu.memref_slice %arg12[%dma_wait3A_533, %dma_wait3A_534] : memref<10240x32xf32, #tpu.memory_space<vmem_shared>> -> memref<10240x32xf32, #tpu.memory_space<vmem_shared>>
      tpu.wait_indirect_dma semaphore(%arg16 : memref<!tpu.dma_semaphore, #tpu.memory_space<semaphore_mem>>) src(%dma_wait3A_535 : memref<10240x32xf32, #tpu.memory_space<vmem_shared>>) dst(%arg10 : memref<128x32xf32, #tpu.memory_space<vmem>>)
      %dma_start3A_536 = arith.constant 4 : i32
      %dma_start3A_537 = arith.constant 0 : i32
      %dma_start3A_538 = tpu.memref_slice %arg9[%dma_start3A_536, %dma_start3A_537] : memref<8x128xi32, #tpu.memory_space<vmem>> -> memref<1x128xi32, #tpu.memory_space<vmem>>
      %dma_start3A_539 = tpu.memref_squeeze %dma_start3A_538 : memref<1x128xi32, #tpu.memory_space<vmem>> -> memref<128xi32, #tpu.memory_space<vmem>>
      %dma_start3A_540 = arith.constant 0 : i32
      %dma_start3A_541 = arith.constant 0 : i32
      %dma_start3A_542 = tpu.memref_slice %arg13[%dma_start3A_540, %dma_start3A_541] : memref<10240x32xf32, #tpu.memory_space<vmem_shared>> -> memref<10240x32xf32, #tpu.memory_space<vmem_shared>>
      tpu.enqueue_indirect_dma source(%arg10 : memref<128x32xf32, #tpu.memory_space<vmem>>) target(%dma_start3A_542 : memref<10240x32xf32, #tpu.memory_space<vmem_shared>>) offsets(%dma_start3A_539 : memref<128xi32, #tpu.memory_space<vmem>>) semaphore(%arg18 : memref<!tpu.dma_semaphore, #tpu.memory_space<semaphore_mem>>) {add = true}
      %dma_wait3A_543 = arith.constant 4 : i32
      %dma_wait3A_544 = arith.constant 0 : i32
      %dma_wait3A_545 = tpu.memref_slice %arg9[%dma_wait3A_543, %dma_wait3A_544] : memref<8x128xi32, #tpu.memory_space<vmem>> -> memref<1x128xi32, #tpu.memory_space<vmem>>
      %dma_wait3A_546 = tpu.memref_squeeze %dma_wait3A_545 : memref<1x128xi32, #tpu.memory_space<vmem>> -> memref<128xi32, #tpu.memory_space<vmem>>
      %dma_wait3A_547 = arith.constant 0 : i32
      %dma_wait3A_548 = arith.constant 0 : i32
      %dma_wait3A_549 = tpu.memref_slice %arg13[%dma_wait3A_547, %dma_wait3A_548] : memref<10240x32xf32, #tpu.memory_space<vmem_shared>> -> memref<10240x32xf32, #tpu.memory_space<vmem_shared>>
      tpu.wait_indirect_dma semaphore(%arg19 : memref<!tpu.dma_semaphore, #tpu.memory_space<semaphore_mem>>) src(%arg11 : memref<128x32xf32, #tpu.memory_space<vmem>>) dst(%dma_wait3A_549 : memref<10240x32xf32, #tpu.memory_space<vmem_shared>>)
      %dma_start3A_550 = arith.constant 5 : i32
      %dma_start3A_551 = arith.constant 0 : i32
      %dma_start3A_552 = tpu.memref_slice %arg7[%dma_start3A_550, %dma_start3A_551] : memref<8x128xi32, #tpu.memory_space<vmem>> -> memref<1x128xi32, #tpu.memory_space<vmem>>
      %dma_start3A_553 = tpu.memref_squeeze %dma_start3A_552 : memref<1x128xi32, #tpu.memory_space<vmem>> -> memref<128xi32, #tpu.memory_space<vmem>>
      %dma_start3A_554 = arith.constant 0 : i32
      %dma_start3A_555 = arith.constant 0 : i32
      %dma_start3A_556 = tpu.memref_slice %arg12[%dma_start3A_554, %dma_start3A_555] : memref<10240x32xf32, #tpu.memory_space<vmem_shared>> -> memref<10240x32xf32, #tpu.memory_space<vmem_shared>>
      tpu.enqueue_indirect_dma source(%dma_start3A_556 : memref<10240x32xf32, #tpu.memory_space<vmem_shared>>) target(%arg11 : memref<128x32xf32, #tpu.memory_space<vmem>>) offsets(%dma_start3A_553 : memref<128xi32, #tpu.memory_space<vmem>>) semaphore(%arg17 : memref<!tpu.dma_semaphore, #tpu.memory_space<semaphore_mem>>)
      %dma_wait3A_557 = arith.constant 5 : i32
      %dma_wait3A_558 = arith.constant 0 : i32
      %dma_wait3A_559 = tpu.memref_slice %arg7[%dma_wait3A_557, %dma_wait3A_558] : memref<8x128xi32, #tpu.memory_space<vmem>> -> memref<1x128xi32, #tpu.memory_space<vmem>>
      %dma_wait3A_560 = tpu.memref_squeeze %dma_wait3A_559 : memref<1x128xi32, #tpu.memory_space<vmem>> -> memref<128xi32, #tpu.memory_space<vmem>>
      %dma_wait3A_561 = arith.constant 0 : i32
      %dma_wait3A_562 = arith.constant 0 : i32
      %dma_wait3A_563 = tpu.memref_slice %arg12[%dma_wait3A_561, %dma_wait3A_562] : memref<10240x32xf32, #tpu.memory_space<vmem_shared>> -> memref<10240x32xf32, #tpu.memory_space<vmem_shared>>
      tpu.wait_indirect_dma semaphore(%arg17 : memref<!tpu.dma_semaphore, #tpu.memory_space<semaphore_mem>>) src(%dma_wait3A_563 : memref<10240x32xf32, #tpu.memory_space<vmem_shared>>) dst(%arg11 : memref<128x32xf32, #tpu.memory_space<vmem>>)
      %dma_start3A_564 = arith.constant 5 : i32
      %dma_start3A_565 = arith.constant 0 : i32
      %dma_start3A_566 = tpu.memref_slice %arg9[%dma_start3A_564, %dma_start3A_565] : memref<8x128xi32, #tpu.memory_space<vmem>> -> memref<1x128xi32, #tpu.memory_space<vmem>>
      %dma_start3A_567 = tpu.memref_squeeze %dma_start3A_566 : memref<1x128xi32, #tpu.memory_space<vmem>> -> memref<128xi32, #tpu.memory_space<vmem>>
      %dma_start3A_568 = arith.constant 0 : i32
      %dma_start3A_569 = arith.constant 0 : i32
      %dma_start3A_570 = tpu.memref_slice %arg13[%dma_start3A_568, %dma_start3A_569] : memref<10240x32xf32, #tpu.memory_space<vmem_shared>> -> memref<10240x32xf32, #tpu.memory_space<vmem_shared>>
      tpu.enqueue_indirect_dma source(%arg11 : memref<128x32xf32, #tpu.memory_space<vmem>>) target(%dma_start3A_570 : memref<10240x32xf32, #tpu.memory_space<vmem_shared>>) offsets(%dma_start3A_567 : memref<128xi32, #tpu.memory_space<vmem>>) semaphore(%arg19 : memref<!tpu.dma_semaphore, #tpu.memory_space<semaphore_mem>>) {add = true}
      %dma_wait3A_571 = arith.constant 5 : i32
      %dma_wait3A_572 = arith.constant 0 : i32
      %dma_wait3A_573 = tpu.memref_slice %arg9[%dma_wait3A_571, %dma_wait3A_572] : memref<8x128xi32, #tpu.memory_space<vmem>> -> memref<1x128xi32, #tpu.memory_space<vmem>>
      %dma_wait3A_574 = tpu.memref_squeeze %dma_wait3A_573 : memref<1x128xi32, #tpu.memory_space<vmem>> -> memref<128xi32, #tpu.memory_space<vmem>>
      %dma_wait3A_575 = arith.constant 0 : i32
      %dma_wait3A_576 = arith.constant 0 : i32
      %dma_wait3A_577 = tpu.memref_slice %arg13[%dma_wait3A_575, %dma_wait3A_576] : memref<10240x32xf32, #tpu.memory_space<vmem_shared>> -> memref<10240x32xf32, #tpu.memory_space<vmem_shared>>
      tpu.wait_indirect_dma semaphore(%arg18 : memref<!tpu.dma_semaphore, #tpu.memory_space<semaphore_mem>>) src(%arg10 : memref<128x32xf32, #tpu.memory_space<vmem>>) dst(%dma_wait3A_577 : memref<10240x32xf32, #tpu.memory_space<vmem_shared>>)
      %dma_start3A_578 = arith.constant 6 : i32
      %dma_start3A_579 = arith.constant 0 : i32
      %dma_start3A_580 = tpu.memref_slice %arg7[%dma_start3A_578, %dma_start3A_579] : memref<8x128xi32, #tpu.memory_space<vmem>> -> memref<1x128xi32, #tpu.memory_space<vmem>>
      %dma_start3A_581 = tpu.memref_squeeze %dma_start3A_580 : memref<1x128xi32, #tpu.memory_space<vmem>> -> memref<128xi32, #tpu.memory_space<vmem>>
      %dma_start3A_582 = arith.constant 0 : i32
      %dma_start3A_583 = arith.constant 0 : i32
      %dma_start3A_584 = tpu.memref_slice %arg12[%dma_start3A_582, %dma_start3A_583] : memref<10240x32xf32, #tpu.memory_space<vmem_shared>> -> memref<10240x32xf32, #tpu.memory_space<vmem_shared>>
      tpu.enqueue_indirect_dma source(%dma_start3A_584 : memref<10240x32xf32, #tpu.memory_space<vmem_shared>>) target(%arg10 : memref<128x32xf32, #tpu.memory_space<vmem>>) offsets(%dma_start3A_581 : memref<128xi32, #tpu.memory_space<vmem>>) semaphore(%arg16 : memref<!tpu.dma_semaphore, #tpu.memory_space<semaphore_mem>>)
      %dma_wait3A_585 = arith.constant 6 : i32
      %dma_wait3A_586 = arith.constant 0 : i32
      %dma_wait3A_587 = tpu.memref_slice %arg7[%dma_wait3A_585, %dma_wait3A_586] : memref<8x128xi32, #tpu.memory_space<vmem>> -> memref<1x128xi32, #tpu.memory_space<vmem>>
      %dma_wait3A_588 = tpu.memref_squeeze %dma_wait3A_587 : memref<1x128xi32, #tpu.memory_space<vmem>> -> memref<128xi32, #tpu.memory_space<vmem>>
      %dma_wait3A_589 = arith.constant 0 : i32
      %dma_wait3A_590 = arith.constant 0 : i32
      %dma_wait3A_591 = tpu.memref_slice %arg12[%dma_wait3A_589, %dma_wait3A_590] : memref<10240x32xf32, #tpu.memory_space<vmem_shared>> -> memref<10240x32xf32, #tpu.memory_space<vmem_shared>>
      tpu.wait_indirect_dma semaphore(%arg16 : memref<!tpu.dma_semaphore, #tpu.memory_space<semaphore_mem>>) src(%dma_wait3A_591 : memref<10240x32xf32, #tpu.memory_space<vmem_shared>>) dst(%arg10 : memref<128x32xf32, #tpu.memory_space<vmem>>)
      %dma_start3A_592 = arith.constant 6 : i32
      %dma_start3A_593 = arith.constant 0 : i32
      %dma_start3A_594 = tpu.memref_slice %arg9[%dma_start3A_592, %dma_start3A_593] : memref<8x128xi32, #tpu.memory_space<vmem>> -> memref<1x128xi32, #tpu.memory_space<vmem>>
      %dma_start3A_595 = tpu.memref_squeeze %dma_start3A_594 : memref<1x128xi32, #tpu.memory_space<vmem>> -> memref<128xi32, #tpu.memory_space<vmem>>
      %dma_start3A_596 = arith.constant 0 : i32
      %dma_start3A_597 = arith.constant 0 : i32
      %dma_start3A_598 = tpu.memref_slice %arg13[%dma_start3A_596, %dma_start3A_597] : memref<10240x32xf32, #tpu.memory_space<vmem_shared>> -> memref<10240x32xf32, #tpu.memory_space<vmem_shared>>
      tpu.enqueue_indirect_dma source(%arg10 : memref<128x32xf32, #tpu.memory_space<vmem>>) target(%dma_start3A_598 : memref<10240x32xf32, #tpu.memory_space<vmem_shared>>) offsets(%dma_start3A_595 : memref<128xi32, #tpu.memory_space<vmem>>) semaphore(%arg18 : memref<!tpu.dma_semaphore, #tpu.memory_space<semaphore_mem>>) {add = true}
      %dma_wait3A_599 = arith.constant 6 : i32
      %dma_wait3A_600 = arith.constant 0 : i32
      %dma_wait3A_601 = tpu.memref_slice %arg9[%dma_wait3A_599, %dma_wait3A_600] : memref<8x128xi32, #tpu.memory_space<vmem>> -> memref<1x128xi32, #tpu.memory_space<vmem>>
      %dma_wait3A_602 = tpu.memref_squeeze %dma_wait3A_601 : memref<1x128xi32, #tpu.memory_space<vmem>> -> memref<128xi32, #tpu.memory_space<vmem>>
      %dma_wait3A_603 = arith.constant 0 : i32
      %dma_wait3A_604 = arith.constant 0 : i32
      %dma_wait3A_605 = tpu.memref_slice %arg13[%dma_wait3A_603, %dma_wait3A_604] : memref<10240x32xf32, #tpu.memory_space<vmem_shared>> -> memref<10240x32xf32, #tpu.memory_space<vmem_shared>>
      tpu.wait_indirect_dma semaphore(%arg19 : memref<!tpu.dma_semaphore, #tpu.memory_space<semaphore_mem>>) src(%arg11 : memref<128x32xf32, #tpu.memory_space<vmem>>) dst(%dma_wait3A_605 : memref<10240x32xf32, #tpu.memory_space<vmem_shared>>)
      %dma_start3A_606 = arith.constant 7 : i32
      %dma_start3A_607 = arith.constant 0 : i32
      %dma_start3A_608 = tpu.memref_slice %arg7[%dma_start3A_606, %dma_start3A_607] : memref<8x128xi32, #tpu.memory_space<vmem>> -> memref<1x128xi32, #tpu.memory_space<vmem>>
      %dma_start3A_609 = tpu.memref_squeeze %dma_start3A_608 : memref<1x128xi32, #tpu.memory_space<vmem>> -> memref<128xi32, #tpu.memory_space<vmem>>
      %dma_start3A_610 = arith.constant 0 : i32
      %dma_start3A_611 = arith.constant 0 : i32
      %dma_start3A_612 = tpu.memref_slice %arg12[%dma_start3A_610, %dma_start3A_611] : memref<10240x32xf32, #tpu.memory_space<vmem_shared>> -> memref<10240x32xf32, #tpu.memory_space<vmem_shared>>
      tpu.enqueue_indirect_dma source(%dma_start3A_612 : memref<10240x32xf32, #tpu.memory_space<vmem_shared>>) target(%arg11 : memref<128x32xf32, #tpu.memory_space<vmem>>) offsets(%dma_start3A_609 : memref<128xi32, #tpu.memory_space<vmem>>) semaphore(%arg17 : memref<!tpu.dma_semaphore, #tpu.memory_space<semaphore_mem>>)
      %add3A_613 = arith.constant 1 : i32
      %add3A_614 = arith.addi %add3A_372, %add3A_613 : i32
      %min3A_615 = arith.constant 9 : i32
      %min3A_616 = arith.minsi %add3A_614, %min3A_615 : i32
      %mul3A_617 = arith.constant 10 : i32
      %mul3A_618 = arith.muli %add3A, %mul3A_617 : i32
      %add3A_619 = arith.addi %mul3A_618, %min3A_616 : i32
      %mul3A_620 = arith.constant 8 : i32
      %mul3A_621 = arith.muli %add3A_619, %mul3A_620 : i32
      %multiple_of3A_622 = tpu.assume_multiple %mul3A_621, 8 : i32
      %dma_wait3A_623 = arith.constant 0 : i32
      %dma_wait3A_624 = arith.constant 0 : i32
      %dma_wait3A_625 = tpu.memref_slice %arg3[%scan3A_33, %dma_wait3A_623, %dma_wait3A_624] : memref<2x2560x128xi32, #tpu.memory_space<hbm>> -> memref<1x2560x128xi32, #tpu.memory_space<hbm>>
      %dma_wait3A_626 = tpu.memref_squeeze %dma_wait3A_625 : memref<1x2560x128xi32, #tpu.memory_space<hbm>> -> memref<2560x128xi32, #tpu.memory_space<hbm>>
      %dma_wait3A_627 = arith.constant 0 : i32
      %dma_wait3A_628 = tpu.memref_slice %dma_wait3A_626[%multiple_of3A_622, %dma_wait3A_627] : memref<2560x128xi32, #tpu.memory_space<hbm>> -> memref<8x128xi32, #tpu.memory_space<hbm>>
      %dma_wait3A_629 = arith.constant 0 : i32
      %dma_wait3A_630 = arith.constant 0 : i32
      %dma_wait3A_631 = tpu.memref_slice %arg3[%scan3A_33, %dma_wait3A_629, %dma_wait3A_630] : memref<2x2560x128xi32, #tpu.memory_space<hbm>> -> memref<1x2560x128xi32, #tpu.memory_space<hbm>>
      %dma_wait3A_632 = tpu.memref_squeeze %dma_wait3A_631 : memref<1x2560x128xi32, #tpu.memory_space<hbm>> -> memref<2560x128xi32, #tpu.memory_space<hbm>>
      %dma_wait3A_633 = arith.constant 0 : i32
      %dma_wait3A_634 = tpu.memref_slice %dma_wait3A_632[%multiple_of3A_622, %dma_wait3A_633] : memref<2560x128xi32, #tpu.memory_space<hbm>> -> memref<8x128xi32, #tpu.memory_space<hbm>>
      tpu.wait_dma2 semaphore(%arg14 : memref<!tpu.dma_semaphore, #tpu.memory_space<semaphore_mem>>) src(%dma_wait3A_634 : memref<8x128xi32, #tpu.memory_space<hbm>>) dst(%arg6 : memref<8x128xi32, #tpu.memory_space<vmem>>)
      %add3A_635 = arith.constant 1 : i32
      %add3A_636 = arith.addi %add3A_372, %add3A_635 : i32
      %min3A_637 = arith.constant 9 : i32
      %min3A_638 = arith.minsi %add3A_636, %min3A_637 : i32
      %mul3A_639 = arith.constant 10 : i32
      %mul3A_640 = arith.muli %add3A, %mul3A_639 : i32
      %add3A_641 = arith.addi %mul3A_640, %min3A_638 : i32
      %mul3A_642 = arith.constant 8 : i32
      %mul3A_643 = arith.muli %add3A_641, %mul3A_642 : i32
      %multiple_of3A_644 = tpu.assume_multiple %mul3A_643, 8 : i32
      %dma_wait3A_645 = arith.constant 0 : i32
      %dma_wait3A_646 = arith.constant 0 : i32
      %dma_wait3A_647 = tpu.memref_slice %arg3[%scan3A_34, %dma_wait3A_645, %dma_wait3A_646] : memref<2x2560x128xi32, #tpu.memory_space<hbm>> -> memref<1x2560x128xi32, #tpu.memory_space<hbm>>
      %dma_wait3A_648 = tpu.memref_squeeze %dma_wait3A_647 : memref<1x2560x128xi32, #tpu.memory_space<hbm>> -> memref<2560x128xi32, #tpu.memory_space<hbm>>
      %dma_wait3A_649 = arith.constant 0 : i32
      %dma_wait3A_650 = tpu.memref_slice %dma_wait3A_648[%multiple_of3A_644, %dma_wait3A_649] : memref<2560x128xi32, #tpu.memory_space<hbm>> -> memref<8x128xi32, #tpu.memory_space<hbm>>
      %dma_wait3A_651 = arith.constant 0 : i32
      %dma_wait3A_652 = arith.constant 0 : i32
      %dma_wait3A_653 = tpu.memref_slice %arg3[%scan3A_34, %dma_wait3A_651, %dma_wait3A_652] : memref<2x2560x128xi32, #tpu.memory_space<hbm>> -> memref<1x2560x128xi32, #tpu.memory_space<hbm>>
      %dma_wait3A_654 = tpu.memref_squeeze %dma_wait3A_653 : memref<1x2560x128xi32, #tpu.memory_space<hbm>> -> memref<2560x128xi32, #tpu.memory_space<hbm>>
      %dma_wait3A_655 = arith.constant 0 : i32
      %dma_wait3A_656 = tpu.memref_slice %dma_wait3A_654[%multiple_of3A_644, %dma_wait3A_655] : memref<2560x128xi32, #tpu.memory_space<hbm>> -> memref<8x128xi32, #tpu.memory_space<hbm>>
      tpu.wait_dma2 semaphore(%arg14 : memref<!tpu.dma_semaphore, #tpu.memory_space<semaphore_mem>>) src(%dma_wait3A_656 : memref<8x128xi32, #tpu.memory_space<hbm>>) dst(%arg8 : memref<8x128xi32, #tpu.memory_space<vmem>>)
      %dma_wait3A_657 = arith.constant 7 : i32
      %dma_wait3A_658 = arith.constant 0 : i32
      %dma_wait3A_659 = tpu.memref_slice %arg7[%dma_wait3A_657, %dma_wait3A_658] : memref<8x128xi32, #tpu.memory_space<vmem>> -> memref<1x128xi32, #tpu.memory_space<vmem>>
      %dma_wait3A_660 = tpu.memref_squeeze %dma_wait3A_659 : memref<1x128xi32, #tpu.memory_space<vmem>> -> memref<128xi32, #tpu.memory_space<vmem>>
      %dma_wait3A_661 = arith.constant 0 : i32
      %dma_wait3A_662 = arith.constant 0 : i32
      %dma_wait3A_663 = tpu.memref_slice %arg12[%dma_wait3A_661, %dma_wait3A_662] : memref<10240x32xf32, #tpu.memory_space<vmem_shared>> -> memref<10240x32xf32, #tpu.memory_space<vmem_shared>>
      tpu.wait_indirect_dma semaphore(%arg17 : memref<!tpu.dma_semaphore, #tpu.memory_space<semaphore_mem>>) src(%dma_wait3A_663 : memref<10240x32xf32, #tpu.memory_space<vmem_shared>>) dst(%arg11 : memref<128x32xf32, #tpu.memory_space<vmem>>)
      %dma_start3A_664 = arith.constant 7 : i32
      %dma_start3A_665 = arith.constant 0 : i32
      %dma_start3A_666 = tpu.memref_slice %arg9[%dma_start3A_664, %dma_start3A_665] : memref<8x128xi32, #tpu.memory_space<vmem>> -> memref<1x128xi32, #tpu.memory_space<vmem>>
      %dma_start3A_667 = tpu.memref_squeeze %dma_start3A_666 : memref<1x128xi32, #tpu.memory_space<vmem>> -> memref<128xi32, #tpu.memory_space<vmem>>
      %dma_start3A_668 = arith.constant 0 : i32
      %dma_start3A_669 = arith.constant 0 : i32
      %dma_start3A_670 = tpu.memref_slice %arg13[%dma_start3A_668, %dma_start3A_669] : memref<10240x32xf32, #tpu.memory_space<vmem_shared>> -> memref<10240x32xf32, #tpu.memory_space<vmem_shared>>
      tpu.enqueue_indirect_dma source(%arg11 : memref<128x32xf32, #tpu.memory_space<vmem>>) target(%dma_start3A_670 : memref<10240x32xf32, #tpu.memory_space<vmem_shared>>) offsets(%dma_start3A_667 : memref<128xi32, #tpu.memory_space<vmem>>) semaphore(%arg19 : memref<!tpu.dma_semaphore, #tpu.memory_space<semaphore_mem>>) {add = true}
      %dma_wait3A_671 = arith.constant 7 : i32
      %dma_wait3A_672 = arith.constant 0 : i32
      %dma_wait3A_673 = tpu.memref_slice %arg9[%dma_wait3A_671, %dma_wait3A_672] : memref<8x128xi32, #tpu.memory_space<vmem>> -> memref<1x128xi32, #tpu.memory_space<vmem>>
      %dma_wait3A_674 = tpu.memref_squeeze %dma_wait3A_673 : memref<1x128xi32, #tpu.memory_space<vmem>> -> memref<128xi32, #tpu.memory_space<vmem>>
      %dma_wait3A_675 = arith.constant 0 : i32
      %dma_wait3A_676 = arith.constant 0 : i32
      %dma_wait3A_677 = tpu.memref_slice %arg13[%dma_wait3A_675, %dma_wait3A_676] : memref<10240x32xf32, #tpu.memory_space<vmem_shared>> -> memref<10240x32xf32, #tpu.memory_space<vmem_shared>>
      tpu.wait_indirect_dma semaphore(%arg18 : memref<!tpu.dma_semaphore, #tpu.memory_space<semaphore_mem>>) src(%arg10 : memref<128x32xf32, #tpu.memory_space<vmem>>) dst(%dma_wait3A_677 : memref<10240x32xf32, #tpu.memory_space<vmem_shared>>)
      %dma_start3A_678 = arith.constant 0 : i32
      %dma_start3A_679 = arith.constant 0 : i32
      %dma_start3A_680 = tpu.memref_slice %arg6[%dma_start3A_678, %dma_start3A_679] : memref<8x128xi32, #tpu.memory_space<vmem>> -> memref<1x128xi32, #tpu.memory_space<vmem>>
      %dma_start3A_681 = tpu.memref_squeeze %dma_start3A_680 : memref<1x128xi32, #tpu.memory_space<vmem>> -> memref<128xi32, #tpu.memory_space<vmem>>
      %dma_start3A_682 = arith.constant 0 : i32
      %dma_start3A_683 = arith.constant 0 : i32
      %dma_start3A_684 = tpu.memref_slice %arg12[%dma_start3A_682, %dma_start3A_683] : memref<10240x32xf32, #tpu.memory_space<vmem_shared>> -> memref<10240x32xf32, #tpu.memory_space<vmem_shared>>
      tpu.enqueue_indirect_dma source(%dma_start3A_684 : memref<10240x32xf32, #tpu.memory_space<vmem_shared>>) target(%arg10 : memref<128x32xf32, #tpu.memory_space<vmem>>) offsets(%dma_start3A_681 : memref<128xi32, #tpu.memory_space<vmem>>) semaphore(%arg16 : memref<!tpu.dma_semaphore, #tpu.memory_space<semaphore_mem>>)
    }
    %scan3A_39 = arith.constant 5 : i32
    %dma_wait3A = arith.constant 0 : i32
    %dma_wait3A_40 = arith.constant 0 : i32
    %dma_wait3A_41 = tpu.memref_slice %arg6[%dma_wait3A, %dma_wait3A_40] : memref<8x128xi32, #tpu.memory_space<vmem>> -> memref<1x128xi32, #tpu.memory_space<vmem>>
    %dma_wait3A_42 = tpu.memref_squeeze %dma_wait3A_41 : memref<1x128xi32, #tpu.memory_space<vmem>> -> memref<128xi32, #tpu.memory_space<vmem>>
    %dma_wait3A_43 = arith.constant 0 : i32
    %dma_wait3A_44 = arith.constant 0 : i32
    %dma_wait3A_45 = tpu.memref_slice %arg12[%dma_wait3A_43, %dma_wait3A_44] : memref<10240x32xf32, #tpu.memory_space<vmem_shared>> -> memref<10240x32xf32, #tpu.memory_space<vmem_shared>>
    tpu.wait_indirect_dma semaphore(%arg16 : memref<!tpu.dma_semaphore, #tpu.memory_space<semaphore_mem>>) src(%dma_wait3A_45 : memref<10240x32xf32, #tpu.memory_space<vmem_shared>>) dst(%arg10 : memref<128x32xf32, #tpu.memory_space<vmem>>)
    %dma_wait3A_46 = arith.constant 7 : i32
    %dma_wait3A_47 = arith.constant 0 : i32
    %dma_wait3A_48 = tpu.memref_slice %arg9[%dma_wait3A_46, %dma_wait3A_47] : memref<8x128xi32, #tpu.memory_space<vmem>> -> memref<1x128xi32, #tpu.memory_space<vmem>>
    %dma_wait3A_49 = tpu.memref_squeeze %dma_wait3A_48 : memref<1x128xi32, #tpu.memory_space<vmem>> -> memref<128xi32, #tpu.memory_space<vmem>>
    %dma_wait3A_50 = arith.constant 0 : i32
    %dma_wait3A_51 = arith.constant 0 : i32
    %dma_wait3A_52 = tpu.memref_slice %arg13[%dma_wait3A_50, %dma_wait3A_51] : memref<10240x32xf32, #tpu.memory_space<vmem_shared>> -> memref<10240x32xf32, #tpu.memory_space<vmem_shared>>
    tpu.wait_indirect_dma semaphore(%arg19 : memref<!tpu.dma_semaphore, #tpu.memory_space<semaphore_mem>>) src(%arg11 : memref<128x32xf32, #tpu.memory_space<vmem>>) dst(%dma_wait3A_52 : memref<10240x32xf32, #tpu.memory_space<vmem_shared>>)
    %barrier3A_53 = arith.constant 0 : index
    tpu.barrier barrier_id(%barrier3A_53)
    "tpu.region"() ({
      %run_scoped3A_54 = tpu.sem_alloc : memref<!tpu.dma_semaphore, #tpu.memory_space<semaphore_mem>>
      %dma_start3A_55 = arith.constant 0 : i32
      %dma_start3A_56 = tpu.memref_slice %arg5[%arg0, %multiple_of3A, %dma_start3A_55] : memref<2x10240x32xf32, #tpu.memory_space<hbm>> -> memref<1x640x32xf32, #tpu.memory_space<hbm>>
      %dma_start3A_57 = tpu.memref_squeeze %dma_start3A_56 : memref<1x640x32xf32, #tpu.memory_space<hbm>> -> memref<640x32xf32, #tpu.memory_space<hbm>>
      %dma_start3A_58 = arith.constant 0 : i32
      %dma_start3A_59 = tpu.memref_slice %arg13[%multiple_of3A, %dma_start3A_58] : memref<10240x32xf32, #tpu.memory_space<vmem_shared>> -> memref<640x32xf32, #tpu.memory_space<vmem_shared>>
      tpu.enqueue_dma source(%dma_start3A_59 : memref<640x32xf32, #tpu.memory_space<vmem_shared>>) target(%dma_start3A_57 : memref<640x32xf32, #tpu.memory_space<hbm>>) target_semaphore(%run_scoped3A_54 : memref<!tpu.dma_semaphore, #tpu.memory_space<semaphore_mem>>)
      %dma_wait3A_60 = arith.constant 0 : i32
      %dma_wait3A_61 = tpu.memref_slice %arg5[%arg0, %multiple_of3A, %dma_wait3A_60] : memref<2x10240x32xf32, #tpu.memory_space<hbm>> -> memref<1x640x32xf32, #tpu.memory_space<hbm>>
      %dma_wait3A_62 = tpu.memref_squeeze %dma_wait3A_61 : memref<1x640x32xf32, #tpu.memory_space<hbm>> -> memref<640x32xf32, #tpu.memory_space<hbm>>
      %dma_wait3A_63 = arith.constant 0 : i32
      %dma_wait3A_64 = tpu.memref_slice %arg13[%multiple_of3A, %dma_wait3A_63] : memref<10240x32xf32, #tpu.memory_space<vmem_shared>> -> memref<640x32xf32, #tpu.memory_space<vmem_shared>>
      tpu.wait_dma2 semaphore(%run_scoped3A_54 : memref<!tpu.dma_semaphore, #tpu.memory_space<semaphore_mem>>) src(%dma_wait3A_64 : memref<640x32xf32, #tpu.memory_space<vmem_shared>>) dst(%dma_wait3A_62 : memref<640x32xf32, #tpu.memory_space<hbm>>)
      tpu.yield
    }) : () -> ()
    return
  }
}

#map = affine_map<(d0, d1) -> (0, 0, 0)>
#map1 = affine_map<(d0, d1) -> (0, 0)>
module attributes {stable_mosaic.version = 14 : i64} {
  func.func @_deg_body(%arg0: i32, %arg1: i32, %arg2: memref<2x2560x128xi32, #tpu.memory_space<hbm>>, %arg3: memref<128x16xf32, #tpu.memory_space<hbm>>, %arg4: memref<10240x16xf32, #tpu.memory_space<hbm>>, %arg5: memref<2x10240x16xf32, #tpu.memory_space<hbm>>, %arg6: memref<8x128xi32, #tpu.memory_space<vmem>>, %arg7: memref<8x128xi32, #tpu.memory_space<vmem>>, %arg8: memref<128x16xf32, #tpu.memory_space<vmem>>, %arg9: memref<10240x16xf32, #tpu.memory_space<vmem_shared>>, %arg10: memref<!tpu.dma_semaphore, #tpu.memory_space<semaphore_mem>>, %arg11: memref<!tpu.dma_semaphore, #tpu.memory_space<semaphore_mem>>, %arg12: memref<!tpu.dma_semaphore, #tpu.memory_space<semaphore_mem>>, %arg13: memref<!tpu.dma_semaphore, #tpu.memory_space<semaphore_mem>>) attributes {dimension_semantics = [#tpu.dimension_semantics<core_parallel>, #tpu.dimension_semantics<subcore_parallel>], iteration_bounds = array<i64: 2, 16>, scalar_prefetch = 0 : i64, scratch_operands = 8 : i64, tpu.core_type = #tpu.core_type<sc_vector_subcore>, window_params = [{transform_indices = #map}, {transform_indices = #map1}, {transform_indices = #map1}, {transform_indices = #map}]} {
    %mul3A = arith.constant 640 : i32
    %mul3A_0 = arith.muli %arg1, %mul3A : i32
    %multiple_of3A = tpu.assume_multiple %mul3A_0, 640 : i32
    "tpu.region"() ({
      %run_scoped3A = tpu.sem_alloc : memref<!tpu.dma_semaphore, #tpu.memory_space<semaphore_mem>>
      %dma_start3A_64 = arith.constant 0 : i32
      %dma_start3A_65 = tpu.memref_slice %arg9[%multiple_of3A, %dma_start3A_64] : memref<10240x16xf32, #tpu.memory_space<vmem_shared>> -> memref<640x16xf32, #tpu.memory_space<vmem_shared>>
      %dma_start3A_66 = arith.constant 0 : i32
      %dma_start3A_67 = tpu.memref_slice %arg4[%multiple_of3A, %dma_start3A_66] : memref<10240x16xf32, #tpu.memory_space<hbm>> -> memref<640x16xf32, #tpu.memory_space<hbm>>
      tpu.enqueue_dma source(%dma_start3A_67 : memref<640x16xf32, #tpu.memory_space<hbm>>) target(%dma_start3A_65 : memref<640x16xf32, #tpu.memory_space<vmem_shared>>) target_semaphore(%run_scoped3A : memref<!tpu.dma_semaphore, #tpu.memory_space<semaphore_mem>>)
      %dma_wait3A_68 = arith.constant 0 : i32
      %dma_wait3A_69 = tpu.memref_slice %arg9[%multiple_of3A, %dma_wait3A_68] : memref<10240x16xf32, #tpu.memory_space<vmem_shared>> -> memref<640x16xf32, #tpu.memory_space<vmem_shared>>
      %dma_wait3A_70 = arith.constant 0 : i32
      %dma_wait3A_71 = tpu.memref_slice %arg4[%multiple_of3A, %dma_wait3A_70] : memref<10240x16xf32, #tpu.memory_space<hbm>> -> memref<640x16xf32, #tpu.memory_space<hbm>>
      tpu.wait_dma2 semaphore(%run_scoped3A : memref<!tpu.dma_semaphore, #tpu.memory_space<semaphore_mem>>) src(%dma_wait3A_71 : memref<640x16xf32, #tpu.memory_space<hbm>>) dst(%dma_wait3A_69 : memref<640x16xf32, #tpu.memory_space<vmem_shared>>)
      tpu.yield
    }) : () -> ()
    "tpu.region"() ({
      %run_scoped3A = tpu.sem_alloc : memref<!tpu.dma_semaphore, #tpu.memory_space<semaphore_mem>>
      tpu.enqueue_dma source(%arg3 : memref<128x16xf32, #tpu.memory_space<hbm>>) target(%arg8 : memref<128x16xf32, #tpu.memory_space<vmem>>) target_semaphore(%run_scoped3A : memref<!tpu.dma_semaphore, #tpu.memory_space<semaphore_mem>>)
      tpu.wait_dma2 semaphore(%run_scoped3A : memref<!tpu.dma_semaphore, #tpu.memory_space<semaphore_mem>>) src(%arg3 : memref<128x16xf32, #tpu.memory_space<hbm>>) dst(%arg8 : memref<128x16xf32, #tpu.memory_space<vmem>>)
      tpu.yield
    }) : () -> ()
    %barrier3A = arith.constant 0 : index
    tpu.barrier barrier_id(%barrier3A)
    %mul3A_1 = arith.constant 16 : i32
    %mul3A_2 = arith.muli %arg0, %mul3A_1 : i32
    %add3A = arith.addi %mul3A_2, %arg1 : i32
    %min3A = arith.constant 0 : i32
    %min3A_3 = arith.constant 9 : i32
    %min3A_4 = arith.minsi %min3A, %min3A_3 : i32
    %mul3A_5 = arith.constant 10 : i32
    %mul3A_6 = arith.muli %add3A, %mul3A_5 : i32
    %add3A_7 = arith.addi %mul3A_6, %min3A_4 : i32
    %mul3A_8 = arith.constant 8 : i32
    %mul3A_9 = arith.muli %add3A_7, %mul3A_8 : i32
    %multiple_of3A_10 = tpu.assume_multiple %mul3A_9, 8 : i32
    %dma_start3A = arith.constant 1 : i32
    %dma_start3A_11 = arith.constant 0 : i32
    %dma_start3A_12 = arith.constant 0 : i32
    %dma_start3A_13 = tpu.memref_slice %arg2[%dma_start3A, %dma_start3A_11, %dma_start3A_12] : memref<2x2560x128xi32, #tpu.memory_space<hbm>> -> memref<1x2560x128xi32, #tpu.memory_space<hbm>>
    %dma_start3A_14 = tpu.memref_squeeze %dma_start3A_13 : memref<1x2560x128xi32, #tpu.memory_space<hbm>> -> memref<2560x128xi32, #tpu.memory_space<hbm>>
    %dma_start3A_15 = arith.constant 0 : i32
    %dma_start3A_16 = tpu.memref_slice %dma_start3A_14[%multiple_of3A_10, %dma_start3A_15] : memref<2560x128xi32, #tpu.memory_space<hbm>> -> memref<8x128xi32, #tpu.memory_space<hbm>>
    %dma_start3A_17 = arith.constant 0 : i32
    %dma_start3A_18 = arith.constant 0 : i32
    %dma_start3A_19 = tpu.memref_slice %arg2[%dma_start3A, %dma_start3A_17, %dma_start3A_18] : memref<2x2560x128xi32, #tpu.memory_space<hbm>> -> memref<1x2560x128xi32, #tpu.memory_space<hbm>>
    %dma_start3A_20 = tpu.memref_squeeze %dma_start3A_19 : memref<1x2560x128xi32, #tpu.memory_space<hbm>> -> memref<2560x128xi32, #tpu.memory_space<hbm>>
    %dma_start3A_21 = arith.constant 0 : i32
    %dma_start3A_22 = tpu.memref_slice %dma_start3A_20[%multiple_of3A_10, %dma_start3A_21] : memref<2560x128xi32, #tpu.memory_space<hbm>> -> memref<8x128xi32, #tpu.memory_space<hbm>>
    tpu.enqueue_dma source(%dma_start3A_22 : memref<8x128xi32, #tpu.memory_space<hbm>>) target(%arg6 : memref<8x128xi32, #tpu.memory_space<vmem>>) target_semaphore(%arg10 : memref<!tpu.dma_semaphore, #tpu.memory_space<semaphore_mem>>)
    %dma_start3A_23 = arith.constant 10000 : i32
    %dma_start3A_24 = arith.constant 0 : i32
    %dma_start3A_25 = tpu.memref_slice %arg9[%dma_start3A_23, %dma_start3A_24] : memref<10240x16xf32, #tpu.memory_space<vmem_shared>> -> memref<128x16xf32, #tpu.memory_space<vmem_shared>>
    %dma_start3A_26 = arith.constant 10000 : i32
    %dma_start3A_27 = arith.constant 0 : i32
    %dma_start3A_28 = tpu.memref_slice %arg9[%dma_start3A_26, %dma_start3A_27] : memref<10240x16xf32, #tpu.memory_space<vmem_shared>> -> memref<128x16xf32, #tpu.memory_space<vmem_shared>>
    tpu.enqueue_dma source(%arg8 : memref<128x16xf32, #tpu.memory_space<vmem>>) target(%dma_start3A_28 : memref<128x16xf32, #tpu.memory_space<vmem_shared>>) target_semaphore(%arg13 : memref<!tpu.dma_semaphore, #tpu.memory_space<semaphore_mem>>)
    %scan3A = arith.constant 0 : i32
    %scan3A_29 = arith.constant 1 : i32
    %scan3A_30 = arith.constant 0 : i32
    %scan3A_31 = arith.constant 5 : i32
    %scan3A_32 = arith.addi %scan3A_30, %scan3A_31 : i32
    %scan3A_33 = arith.constant 1 : i32
    scf.for %scan3A_64 = %scan3A_30 to %scan3A_32 step %scan3A_33  : i32 {
      %mul3A_65 = arith.constant 2 : i32
      %mul3A_66 = arith.muli %scan3A_64, %mul3A_65 : i32
      %min3A_67 = arith.constant 9 : i32
      %min3A_68 = arith.minsi %mul3A_66, %min3A_67 : i32
      %mul3A_69 = arith.constant 10 : i32
      %mul3A_70 = arith.muli %add3A, %mul3A_69 : i32
      %add3A_71 = arith.addi %mul3A_70, %min3A_68 : i32
      %mul3A_72 = arith.constant 8 : i32
      %mul3A_73 = arith.muli %add3A_71, %mul3A_72 : i32
      %multiple_of3A_74 = tpu.assume_multiple %mul3A_73, 8 : i32
      %dma_wait3A_75 = arith.constant 0 : i32
      %dma_wait3A_76 = arith.constant 0 : i32
      %dma_wait3A_77 = tpu.memref_slice %arg2[%scan3A_29, %dma_wait3A_75, %dma_wait3A_76] : memref<2x2560x128xi32, #tpu.memory_space<hbm>> -> memref<1x2560x128xi32, #tpu.memory_space<hbm>>
      %dma_wait3A_78 = tpu.memref_squeeze %dma_wait3A_77 : memref<1x2560x128xi32, #tpu.memory_space<hbm>> -> memref<2560x128xi32, #tpu.memory_space<hbm>>
      %dma_wait3A_79 = arith.constant 0 : i32
      %dma_wait3A_80 = tpu.memref_slice %dma_wait3A_78[%multiple_of3A_74, %dma_wait3A_79] : memref<2560x128xi32, #tpu.memory_space<hbm>> -> memref<8x128xi32, #tpu.memory_space<hbm>>
      %dma_wait3A_81 = arith.constant 0 : i32
      %dma_wait3A_82 = arith.constant 0 : i32
      %dma_wait3A_83 = tpu.memref_slice %arg2[%scan3A_29, %dma_wait3A_81, %dma_wait3A_82] : memref<2x2560x128xi32, #tpu.memory_space<hbm>> -> memref<1x2560x128xi32, #tpu.memory_space<hbm>>
      %dma_wait3A_84 = tpu.memref_squeeze %dma_wait3A_83 : memref<1x2560x128xi32, #tpu.memory_space<hbm>> -> memref<2560x128xi32, #tpu.memory_space<hbm>>
      %dma_wait3A_85 = arith.constant 0 : i32
      %dma_wait3A_86 = tpu.memref_slice %dma_wait3A_84[%multiple_of3A_74, %dma_wait3A_85] : memref<2560x128xi32, #tpu.memory_space<hbm>> -> memref<8x128xi32, #tpu.memory_space<hbm>>
      tpu.wait_dma2 semaphore(%arg10 : memref<!tpu.dma_semaphore, #tpu.memory_space<semaphore_mem>>) src(%dma_wait3A_86 : memref<8x128xi32, #tpu.memory_space<hbm>>) dst(%arg6 : memref<8x128xi32, #tpu.memory_space<vmem>>)
      %add3A_87 = arith.constant 1 : i32
      %add3A_88 = arith.addi %mul3A_66, %add3A_87 : i32
      %min3A_89 = arith.constant 9 : i32
      %min3A_90 = arith.minsi %add3A_88, %min3A_89 : i32
      %mul3A_91 = arith.constant 10 : i32
      %mul3A_92 = arith.muli %add3A, %mul3A_91 : i32
      %add3A_93 = arith.addi %mul3A_92, %min3A_90 : i32
      %mul3A_94 = arith.constant 8 : i32
      %mul3A_95 = arith.muli %add3A_93, %mul3A_94 : i32
      %multiple_of3A_96 = tpu.assume_multiple %mul3A_95, 8 : i32
      %dma_start3A_97 = arith.constant 0 : i32
      %dma_start3A_98 = arith.constant 0 : i32
      %dma_start3A_99 = tpu.memref_slice %arg2[%scan3A_29, %dma_start3A_97, %dma_start3A_98] : memref<2x2560x128xi32, #tpu.memory_space<hbm>> -> memref<1x2560x128xi32, #tpu.memory_space<hbm>>
      %dma_start3A_100 = tpu.memref_squeeze %dma_start3A_99 : memref<1x2560x128xi32, #tpu.memory_space<hbm>> -> memref<2560x128xi32, #tpu.memory_space<hbm>>
      %dma_start3A_101 = arith.constant 0 : i32
      %dma_start3A_102 = tpu.memref_slice %dma_start3A_100[%multiple_of3A_96, %dma_start3A_101] : memref<2560x128xi32, #tpu.memory_space<hbm>> -> memref<8x128xi32, #tpu.memory_space<hbm>>
      %dma_start3A_103 = arith.constant 0 : i32
      %dma_start3A_104 = arith.constant 0 : i32
      %dma_start3A_105 = tpu.memref_slice %arg2[%scan3A_29, %dma_start3A_103, %dma_start3A_104] : memref<2x2560x128xi32, #tpu.memory_space<hbm>> -> memref<1x2560x128xi32, #tpu.memory_space<hbm>>
      %dma_start3A_106 = tpu.memref_squeeze %dma_start3A_105 : memref<1x2560x128xi32, #tpu.memory_space<hbm>> -> memref<2560x128xi32, #tpu.memory_space<hbm>>
      %dma_start3A_107 = arith.constant 0 : i32
      %dma_start3A_108 = tpu.memref_slice %dma_start3A_106[%multiple_of3A_96, %dma_start3A_107] : memref<2560x128xi32, #tpu.memory_space<hbm>> -> memref<8x128xi32, #tpu.memory_space<hbm>>
      tpu.enqueue_dma source(%dma_start3A_108 : memref<8x128xi32, #tpu.memory_space<hbm>>) target(%arg7 : memref<8x128xi32, #tpu.memory_space<vmem>>) target_semaphore(%arg11 : memref<!tpu.dma_semaphore, #tpu.memory_space<semaphore_mem>>)
      %dma_start3A_109 = arith.constant 0 : i32
      %dma_start3A_110 = arith.constant 0 : i32
      %dma_start3A_111 = tpu.memref_slice %arg6[%dma_start3A_109, %dma_start3A_110] : memref<8x128xi32, #tpu.memory_space<vmem>> -> memref<1x128xi32, #tpu.memory_space<vmem>>
      %dma_start3A_112 = tpu.memref_squeeze %dma_start3A_111 : memref<1x128xi32, #tpu.memory_space<vmem>> -> memref<128xi32, #tpu.memory_space<vmem>>
      %dma_start3A_113 = arith.constant 0 : i32
      %dma_start3A_114 = arith.constant 0 : i32
      %dma_start3A_115 = tpu.memref_slice %arg9[%dma_start3A_113, %dma_start3A_114] : memref<10240x16xf32, #tpu.memory_space<vmem_shared>> -> memref<10240x16xf32, #tpu.memory_space<vmem_shared>>
      tpu.enqueue_indirect_dma source(%arg8 : memref<128x16xf32, #tpu.memory_space<vmem>>) target(%dma_start3A_115 : memref<10240x16xf32, #tpu.memory_space<vmem_shared>>) offsets(%dma_start3A_112 : memref<128xi32, #tpu.memory_space<vmem>>) semaphore(%arg12 : memref<!tpu.dma_semaphore, #tpu.memory_space<semaphore_mem>>) {add = true}
      %dma_wait3A_116 = arith.constant 0 : i32
      %dma_wait3A_117 = arith.constant 0 : i32
      %dma_wait3A_118 = tpu.memref_slice %arg6[%dma_wait3A_116, %dma_wait3A_117] : memref<8x128xi32, #tpu.memory_space<vmem>> -> memref<1x128xi32, #tpu.memory_space<vmem>>
      %dma_wait3A_119 = tpu.memref_squeeze %dma_wait3A_118 : memref<1x128xi32, #tpu.memory_space<vmem>> -> memref<128xi32, #tpu.memory_space<vmem>>
      %dma_wait3A_120 = arith.constant 0 : i32
      %dma_wait3A_121 = arith.constant 0 : i32
      %dma_wait3A_122 = tpu.memref_slice %arg9[%dma_wait3A_120, %dma_wait3A_121] : memref<10240x16xf32, #tpu.memory_space<vmem_shared>> -> memref<10240x16xf32, #tpu.memory_space<vmem_shared>>
      tpu.wait_indirect_dma semaphore(%arg13 : memref<!tpu.dma_semaphore, #tpu.memory_space<semaphore_mem>>) src(%arg8 : memref<128x16xf32, #tpu.memory_space<vmem>>) dst(%dma_wait3A_122 : memref<10240x16xf32, #tpu.memory_space<vmem_shared>>)
      %dma_start3A_123 = arith.constant 1 : i32
      %dma_start3A_124 = arith.constant 0 : i32
      %dma_start3A_125 = tpu.memref_slice %arg6[%dma_start3A_123, %dma_start3A_124] : memref<8x128xi32, #tpu.memory_space<vmem>> -> memref<1x128xi32, #tpu.memory_space<vmem>>
      %dma_start3A_126 = tpu.memref_squeeze %dma_start3A_125 : memref<1x128xi32, #tpu.memory_space<vmem>> -> memref<128xi32, #tpu.memory_space<vmem>>
      %dma_start3A_127 = arith.constant 0 : i32
      %dma_start3A_128 = arith.constant 0 : i32
      %dma_start3A_129 = tpu.memref_slice %arg9[%dma_start3A_127, %dma_start3A_128] : memref<10240x16xf32, #tpu.memory_space<vmem_shared>> -> memref<10240x16xf32, #tpu.memory_space<vmem_shared>>
      tpu.enqueue_indirect_dma source(%arg8 : memref<128x16xf32, #tpu.memory_space<vmem>>) target(%dma_start3A_129 : memref<10240x16xf32, #tpu.memory_space<vmem_shared>>) offsets(%dma_start3A_126 : memref<128xi32, #tpu.memory_space<vmem>>) semaphore(%arg13 : memref<!tpu.dma_semaphore, #tpu.memory_space<semaphore_mem>>) {add = true}
      %dma_wait3A_130 = arith.constant 1 : i32
      %dma_wait3A_131 = arith.constant 0 : i32
      %dma_wait3A_132 = tpu.memref_slice %arg6[%dma_wait3A_130, %dma_wait3A_131] : memref<8x128xi32, #tpu.memory_space<vmem>> -> memref<1x128xi32, #tpu.memory_space<vmem>>
      %dma_wait3A_133 = tpu.memref_squeeze %dma_wait3A_132 : memref<1x128xi32, #tpu.memory_space<vmem>> -> memref<128xi32, #tpu.memory_space<vmem>>
      %dma_wait3A_134 = arith.constant 0 : i32
      %dma_wait3A_135 = arith.constant 0 : i32
      %dma_wait3A_136 = tpu.memref_slice %arg9[%dma_wait3A_134, %dma_wait3A_135] : memref<10240x16xf32, #tpu.memory_space<vmem_shared>> -> memref<10240x16xf32, #tpu.memory_space<vmem_shared>>
      tpu.wait_indirect_dma semaphore(%arg12 : memref<!tpu.dma_semaphore, #tpu.memory_space<semaphore_mem>>) src(%arg8 : memref<128x16xf32, #tpu.memory_space<vmem>>) dst(%dma_wait3A_136 : memref<10240x16xf32, #tpu.memory_space<vmem_shared>>)
      %dma_start3A_137 = arith.constant 2 : i32
      %dma_start3A_138 = arith.constant 0 : i32
      %dma_start3A_139 = tpu.memref_slice %arg6[%dma_start3A_137, %dma_start3A_138] : memref<8x128xi32, #tpu.memory_space<vmem>> -> memref<1x128xi32, #tpu.memory_space<vmem>>
      %dma_start3A_140 = tpu.memref_squeeze %dma_start3A_139 : memref<1x128xi32, #tpu.memory_space<vmem>> -> memref<128xi32, #tpu.memory_space<vmem>>
      %dma_start3A_141 = arith.constant 0 : i32
      %dma_start3A_142 = arith.constant 0 : i32
      %dma_start3A_143 = tpu.memref_slice %arg9[%dma_start3A_141, %dma_start3A_142] : memref<10240x16xf32, #tpu.memory_space<vmem_shared>> -> memref<10240x16xf32, #tpu.memory_space<vmem_shared>>
      tpu.enqueue_indirect_dma source(%arg8 : memref<128x16xf32, #tpu.memory_space<vmem>>) target(%dma_start3A_143 : memref<10240x16xf32, #tpu.memory_space<vmem_shared>>) offsets(%dma_start3A_140 : memref<128xi32, #tpu.memory_space<vmem>>) semaphore(%arg12 : memref<!tpu.dma_semaphore, #tpu.memory_space<semaphore_mem>>) {add = true}
      %dma_wait3A_144 = arith.constant 2 : i32
      %dma_wait3A_145 = arith.constant 0 : i32
      %dma_wait3A_146 = tpu.memref_slice %arg6[%dma_wait3A_144, %dma_wait3A_145] : memref<8x128xi32, #tpu.memory_space<vmem>> -> memref<1x128xi32, #tpu.memory_space<vmem>>
      %dma_wait3A_147 = tpu.memref_squeeze %dma_wait3A_146 : memref<1x128xi32, #tpu.memory_space<vmem>> -> memref<128xi32, #tpu.memory_space<vmem>>
      %dma_wait3A_148 = arith.constant 0 : i32
      %dma_wait3A_149 = arith.constant 0 : i32
      %dma_wait3A_150 = tpu.memref_slice %arg9[%dma_wait3A_148, %dma_wait3A_149] : memref<10240x16xf32, #tpu.memory_space<vmem_shared>> -> memref<10240x16xf32, #tpu.memory_space<vmem_shared>>
      tpu.wait_indirect_dma semaphore(%arg13 : memref<!tpu.dma_semaphore, #tpu.memory_space<semaphore_mem>>) src(%arg8 : memref<128x16xf32, #tpu.memory_space<vmem>>) dst(%dma_wait3A_150 : memref<10240x16xf32, #tpu.memory_space<vmem_shared>>)
      %dma_start3A_151 = arith.constant 3 : i32
      %dma_start3A_152 = arith.constant 0 : i32
      %dma_start3A_153 = tpu.memref_slice %arg6[%dma_start3A_151, %dma_start3A_152] : memref<8x128xi32, #tpu.memory_space<vmem>> -> memref<1x128xi32, #tpu.memory_space<vmem>>
      %dma_start3A_154 = tpu.memref_squeeze %dma_start3A_153 : memref<1x128xi32, #tpu.memory_space<vmem>> -> memref<128xi32, #tpu.memory_space<vmem>>
      %dma_start3A_155 = arith.constant 0 : i32
      %dma_start3A_156 = arith.constant 0 : i32
      %dma_start3A_157 = tpu.memref_slice %arg9[%dma_start3A_155, %dma_start3A_156] : memref<10240x16xf32, #tpu.memory_space<vmem_shared>> -> memref<10240x16xf32, #tpu.memory_space<vmem_shared>>
      tpu.enqueue_indirect_dma source(%arg8 : memref<128x16xf32, #tpu.memory_space<vmem>>) target(%dma_start3A_157 : memref<10240x16xf32, #tpu.memory_space<vmem_shared>>) offsets(%dma_start3A_154 : memref<128xi32, #tpu.memory_space<vmem>>) semaphore(%arg13 : memref<!tpu.dma_semaphore, #tpu.memory_space<semaphore_mem>>) {add = true}
      %dma_wait3A_158 = arith.constant 3 : i32
      %dma_wait3A_159 = arith.constant 0 : i32
      %dma_wait3A_160 = tpu.memref_slice %arg6[%dma_wait3A_158, %dma_wait3A_159] : memref<8x128xi32, #tpu.memory_space<vmem>> -> memref<1x128xi32, #tpu.memory_space<vmem>>
      %dma_wait3A_161 = tpu.memref_squeeze %dma_wait3A_160 : memref<1x128xi32, #tpu.memory_space<vmem>> -> memref<128xi32, #tpu.memory_space<vmem>>
      %dma_wait3A_162 = arith.constant 0 : i32
      %dma_wait3A_163 = arith.constant 0 : i32
      %dma_wait3A_164 = tpu.memref_slice %arg9[%dma_wait3A_162, %dma_wait3A_163] : memref<10240x16xf32, #tpu.memory_space<vmem_shared>> -> memref<10240x16xf32, #tpu.memory_space<vmem_shared>>
      tpu.wait_indirect_dma semaphore(%arg12 : memref<!tpu.dma_semaphore, #tpu.memory_space<semaphore_mem>>) src(%arg8 : memref<128x16xf32, #tpu.memory_space<vmem>>) dst(%dma_wait3A_164 : memref<10240x16xf32, #tpu.memory_space<vmem_shared>>)
      %dma_start3A_165 = arith.constant 4 : i32
      %dma_start3A_166 = arith.constant 0 : i32
      %dma_start3A_167 = tpu.memref_slice %arg6[%dma_start3A_165, %dma_start3A_166] : memref<8x128xi32, #tpu.memory_space<vmem>> -> memref<1x128xi32, #tpu.memory_space<vmem>>
      %dma_start3A_168 = tpu.memref_squeeze %dma_start3A_167 : memref<1x128xi32, #tpu.memory_space<vmem>> -> memref<128xi32, #tpu.memory_space<vmem>>
      %dma_start3A_169 = arith.constant 0 : i32
      %dma_start3A_170 = arith.constant 0 : i32
      %dma_start3A_171 = tpu.memref_slice %arg9[%dma_start3A_169, %dma_start3A_170] : memref<10240x16xf32, #tpu.memory_space<vmem_shared>> -> memref<10240x16xf32, #tpu.memory_space<vmem_shared>>
      tpu.enqueue_indirect_dma source(%arg8 : memref<128x16xf32, #tpu.memory_space<vmem>>) target(%dma_start3A_171 : memref<10240x16xf32, #tpu.memory_space<vmem_shared>>) offsets(%dma_start3A_168 : memref<128xi32, #tpu.memory_space<vmem>>) semaphore(%arg12 : memref<!tpu.dma_semaphore, #tpu.memory_space<semaphore_mem>>) {add = true}
      %dma_wait3A_172 = arith.constant 4 : i32
      %dma_wait3A_173 = arith.constant 0 : i32
      %dma_wait3A_174 = tpu.memref_slice %arg6[%dma_wait3A_172, %dma_wait3A_173] : memref<8x128xi32, #tpu.memory_space<vmem>> -> memref<1x128xi32, #tpu.memory_space<vmem>>
      %dma_wait3A_175 = tpu.memref_squeeze %dma_wait3A_174 : memref<1x128xi32, #tpu.memory_space<vmem>> -> memref<128xi32, #tpu.memory_space<vmem>>
      %dma_wait3A_176 = arith.constant 0 : i32
      %dma_wait3A_177 = arith.constant 0 : i32
      %dma_wait3A_178 = tpu.memref_slice %arg9[%dma_wait3A_176, %dma_wait3A_177] : memref<10240x16xf32, #tpu.memory_space<vmem_shared>> -> memref<10240x16xf32, #tpu.memory_space<vmem_shared>>
      tpu.wait_indirect_dma semaphore(%arg13 : memref<!tpu.dma_semaphore, #tpu.memory_space<semaphore_mem>>) src(%arg8 : memref<128x16xf32, #tpu.memory_space<vmem>>) dst(%dma_wait3A_178 : memref<10240x16xf32, #tpu.memory_space<vmem_shared>>)
      %dma_start3A_179 = arith.constant 5 : i32
      %dma_start3A_180 = arith.constant 0 : i32
      %dma_start3A_181 = tpu.memref_slice %arg6[%dma_start3A_179, %dma_start3A_180] : memref<8x128xi32, #tpu.memory_space<vmem>> -> memref<1x128xi32, #tpu.memory_space<vmem>>
      %dma_start3A_182 = tpu.memref_squeeze %dma_start3A_181 : memref<1x128xi32, #tpu.memory_space<vmem>> -> memref<128xi32, #tpu.memory_space<vmem>>
      %dma_start3A_183 = arith.constant 0 : i32
      %dma_start3A_184 = arith.constant 0 : i32
      %dma_start3A_185 = tpu.memref_slice %arg9[%dma_start3A_183, %dma_start3A_184] : memref<10240x16xf32, #tpu.memory_space<vmem_shared>> -> memref<10240x16xf32, #tpu.memory_space<vmem_shared>>
      tpu.enqueue_indirect_dma source(%arg8 : memref<128x16xf32, #tpu.memory_space<vmem>>) target(%dma_start3A_185 : memref<10240x16xf32, #tpu.memory_space<vmem_shared>>) offsets(%dma_start3A_182 : memref<128xi32, #tpu.memory_space<vmem>>) semaphore(%arg13 : memref<!tpu.dma_semaphore, #tpu.memory_space<semaphore_mem>>) {add = true}
      %dma_wait3A_186 = arith.constant 5 : i32
      %dma_wait3A_187 = arith.constant 0 : i32
      %dma_wait3A_188 = tpu.memref_slice %arg6[%dma_wait3A_186, %dma_wait3A_187] : memref<8x128xi32, #tpu.memory_space<vmem>> -> memref<1x128xi32, #tpu.memory_space<vmem>>
      %dma_wait3A_189 = tpu.memref_squeeze %dma_wait3A_188 : memref<1x128xi32, #tpu.memory_space<vmem>> -> memref<128xi32, #tpu.memory_space<vmem>>
      %dma_wait3A_190 = arith.constant 0 : i32
      %dma_wait3A_191 = arith.constant 0 : i32
      %dma_wait3A_192 = tpu.memref_slice %arg9[%dma_wait3A_190, %dma_wait3A_191] : memref<10240x16xf32, #tpu.memory_space<vmem_shared>> -> memref<10240x16xf32, #tpu.memory_space<vmem_shared>>
      tpu.wait_indirect_dma semaphore(%arg12 : memref<!tpu.dma_semaphore, #tpu.memory_space<semaphore_mem>>) src(%arg8 : memref<128x16xf32, #tpu.memory_space<vmem>>) dst(%dma_wait3A_192 : memref<10240x16xf32, #tpu.memory_space<vmem_shared>>)
      %dma_start3A_193 = arith.constant 6 : i32
      %dma_start3A_194 = arith.constant 0 : i32
      %dma_start3A_195 = tpu.memref_slice %arg6[%dma_start3A_193, %dma_start3A_194] : memref<8x128xi32, #tpu.memory_space<vmem>> -> memref<1x128xi32, #tpu.memory_space<vmem>>
      %dma_start3A_196 = tpu.memref_squeeze %dma_start3A_195 : memref<1x128xi32, #tpu.memory_space<vmem>> -> memref<128xi32, #tpu.memory_space<vmem>>
      %dma_start3A_197 = arith.constant 0 : i32
      %dma_start3A_198 = arith.constant 0 : i32
      %dma_start3A_199 = tpu.memref_slice %arg9[%dma_start3A_197, %dma_start3A_198] : memref<10240x16xf32, #tpu.memory_space<vmem_shared>> -> memref<10240x16xf32, #tpu.memory_space<vmem_shared>>
      tpu.enqueue_indirect_dma source(%arg8 : memref<128x16xf32, #tpu.memory_space<vmem>>) target(%dma_start3A_199 : memref<10240x16xf32, #tpu.memory_space<vmem_shared>>) offsets(%dma_start3A_196 : memref<128xi32, #tpu.memory_space<vmem>>) semaphore(%arg12 : memref<!tpu.dma_semaphore, #tpu.memory_space<semaphore_mem>>) {add = true}
      %dma_wait3A_200 = arith.constant 6 : i32
      %dma_wait3A_201 = arith.constant 0 : i32
      %dma_wait3A_202 = tpu.memref_slice %arg6[%dma_wait3A_200, %dma_wait3A_201] : memref<8x128xi32, #tpu.memory_space<vmem>> -> memref<1x128xi32, #tpu.memory_space<vmem>>
      %dma_wait3A_203 = tpu.memref_squeeze %dma_wait3A_202 : memref<1x128xi32, #tpu.memory_space<vmem>> -> memref<128xi32, #tpu.memory_space<vmem>>
      %dma_wait3A_204 = arith.constant 0 : i32
      %dma_wait3A_205 = arith.constant 0 : i32
      %dma_wait3A_206 = tpu.memref_slice %arg9[%dma_wait3A_204, %dma_wait3A_205] : memref<10240x16xf32, #tpu.memory_space<vmem_shared>> -> memref<10240x16xf32, #tpu.memory_space<vmem_shared>>
      tpu.wait_indirect_dma semaphore(%arg13 : memref<!tpu.dma_semaphore, #tpu.memory_space<semaphore_mem>>) src(%arg8 : memref<128x16xf32, #tpu.memory_space<vmem>>) dst(%dma_wait3A_206 : memref<10240x16xf32, #tpu.memory_space<vmem_shared>>)
      %dma_start3A_207 = arith.constant 7 : i32
      %dma_start3A_208 = arith.constant 0 : i32
      %dma_start3A_209 = tpu.memref_slice %arg6[%dma_start3A_207, %dma_start3A_208] : memref<8x128xi32, #tpu.memory_space<vmem>> -> memref<1x128xi32, #tpu.memory_space<vmem>>
      %dma_start3A_210 = tpu.memref_squeeze %dma_start3A_209 : memref<1x128xi32, #tpu.memory_space<vmem>> -> memref<128xi32, #tpu.memory_space<vmem>>
      %dma_start3A_211 = arith.constant 0 : i32
      %dma_start3A_212 = arith.constant 0 : i32
      %dma_start3A_213 = tpu.memref_slice %arg9[%dma_start3A_211, %dma_start3A_212] : memref<10240x16xf32, #tpu.memory_space<vmem_shared>> -> memref<10240x16xf32, #tpu.memory_space<vmem_shared>>
      tpu.enqueue_indirect_dma source(%arg8 : memref<128x16xf32, #tpu.memory_space<vmem>>) target(%dma_start3A_213 : memref<10240x16xf32, #tpu.memory_space<vmem_shared>>) offsets(%dma_start3A_210 : memref<128xi32, #tpu.memory_space<vmem>>) semaphore(%arg13 : memref<!tpu.dma_semaphore, #tpu.memory_space<semaphore_mem>>) {add = true}
      %dma_wait3A_214 = arith.constant 7 : i32
      %dma_wait3A_215 = arith.constant 0 : i32
      %dma_wait3A_216 = tpu.memref_slice %arg6[%dma_wait3A_214, %dma_wait3A_215] : memref<8x128xi32, #tpu.memory_space<vmem>> -> memref<1x128xi32, #tpu.memory_space<vmem>>
      %dma_wait3A_217 = tpu.memref_squeeze %dma_wait3A_216 : memref<1x128xi32, #tpu.memory_space<vmem>> -> memref<128xi32, #tpu.memory_space<vmem>>
      %dma_wait3A_218 = arith.constant 0 : i32
      %dma_wait3A_219 = arith.constant 0 : i32
      %dma_wait3A_220 = tpu.memref_slice %arg9[%dma_wait3A_218, %dma_wait3A_219] : memref<10240x16xf32, #tpu.memory_space<vmem_shared>> -> memref<10240x16xf32, #tpu.memory_space<vmem_shared>>
      tpu.wait_indirect_dma semaphore(%arg12 : memref<!tpu.dma_semaphore, #tpu.memory_space<semaphore_mem>>) src(%arg8 : memref<128x16xf32, #tpu.memory_space<vmem>>) dst(%dma_wait3A_220 : memref<10240x16xf32, #tpu.memory_space<vmem_shared>>)
      %mul3A_221 = arith.constant 2 : i32
      %mul3A_222 = arith.muli %scan3A_64, %mul3A_221 : i32
      %add3A_223 = arith.constant 1 : i32
      %add3A_224 = arith.addi %mul3A_222, %add3A_223 : i32
      %min3A_225 = arith.constant 9 : i32
      %min3A_226 = arith.minsi %add3A_224, %min3A_225 : i32
      %mul3A_227 = arith.constant 10 : i32
      %mul3A_228 = arith.muli %add3A, %mul3A_227 : i32
      %add3A_229 = arith.addi %mul3A_228, %min3A_226 : i32
      %mul3A_230 = arith.constant 8 : i32
      %mul3A_231 = arith.muli %add3A_229, %mul3A_230 : i32
      %multiple_of3A_232 = tpu.assume_multiple %mul3A_231, 8 : i32
      %dma_wait3A_233 = arith.constant 0 : i32
      %dma_wait3A_234 = arith.constant 0 : i32
      %dma_wait3A_235 = tpu.memref_slice %arg2[%scan3A_29, %dma_wait3A_233, %dma_wait3A_234] : memref<2x2560x128xi32, #tpu.memory_space<hbm>> -> memref<1x2560x128xi32, #tpu.memory_space<hbm>>
      %dma_wait3A_236 = tpu.memref_squeeze %dma_wait3A_235 : memref<1x2560x128xi32, #tpu.memory_space<hbm>> -> memref<2560x128xi32, #tpu.memory_space<hbm>>
      %dma_wait3A_237 = arith.constant 0 : i32
      %dma_wait3A_238 = tpu.memref_slice %dma_wait3A_236[%multiple_of3A_232, %dma_wait3A_237] : memref<2560x128xi32, #tpu.memory_space<hbm>> -> memref<8x128xi32, #tpu.memory_space<hbm>>
      %dma_wait3A_239 = arith.constant 0 : i32
      %dma_wait3A_240 = arith.constant 0 : i32
      %dma_wait3A_241 = tpu.memref_slice %arg2[%scan3A_29, %dma_wait3A_239, %dma_wait3A_240] : memref<2x2560x128xi32, #tpu.memory_space<hbm>> -> memref<1x2560x128xi32, #tpu.memory_space<hbm>>
      %dma_wait3A_242 = tpu.memref_squeeze %dma_wait3A_241 : memref<1x2560x128xi32, #tpu.memory_space<hbm>> -> memref<2560x128xi32, #tpu.memory_space<hbm>>
      %dma_wait3A_243 = arith.constant 0 : i32
      %dma_wait3A_244 = tpu.memref_slice %dma_wait3A_242[%multiple_of3A_232, %dma_wait3A_243] : memref<2560x128xi32, #tpu.memory_space<hbm>> -> memref<8x128xi32, #tpu.memory_space<hbm>>
      tpu.wait_dma2 semaphore(%arg11 : memref<!tpu.dma_semaphore, #tpu.memory_space<semaphore_mem>>) src(%dma_wait3A_244 : memref<8x128xi32, #tpu.memory_space<hbm>>) dst(%arg7 : memref<8x128xi32, #tpu.memory_space<vmem>>)
      %add3A_245 = arith.constant 1 : i32
      %add3A_246 = arith.addi %add3A_224, %add3A_245 : i32
      %min3A_247 = arith.constant 9 : i32
      %min3A_248 = arith.minsi %add3A_246, %min3A_247 : i32
      %mul3A_249 = arith.constant 10 : i32
      %mul3A_250 = arith.muli %add3A, %mul3A_249 : i32
      %add3A_251 = arith.addi %mul3A_250, %min3A_248 : i32
      %mul3A_252 = arith.constant 8 : i32
      %mul3A_253 = arith.muli %add3A_251, %mul3A_252 : i32
      %multiple_of3A_254 = tpu.assume_multiple %mul3A_253, 8 : i32
      %dma_start3A_255 = arith.constant 0 : i32
      %dma_start3A_256 = arith.constant 0 : i32
      %dma_start3A_257 = tpu.memref_slice %arg2[%scan3A_29, %dma_start3A_255, %dma_start3A_256] : memref<2x2560x128xi32, #tpu.memory_space<hbm>> -> memref<1x2560x128xi32, #tpu.memory_space<hbm>>
      %dma_start3A_258 = tpu.memref_squeeze %dma_start3A_257 : memref<1x2560x128xi32, #tpu.memory_space<hbm>> -> memref<2560x128xi32, #tpu.memory_space<hbm>>
      %dma_start3A_259 = arith.constant 0 : i32
      %dma_start3A_260 = tpu.memref_slice %dma_start3A_258[%multiple_of3A_254, %dma_start3A_259] : memref<2560x128xi32, #tpu.memory_space<hbm>> -> memref<8x128xi32, #tpu.memory_space<hbm>>
      %dma_start3A_261 = arith.constant 0 : i32
      %dma_start3A_262 = arith.constant 0 : i32
      %dma_start3A_263 = tpu.memref_slice %arg2[%scan3A_29, %dma_start3A_261, %dma_start3A_262] : memref<2x2560x128xi32, #tpu.memory_space<hbm>> -> memref<1x2560x128xi32, #tpu.memory_space<hbm>>
      %dma_start3A_264 = tpu.memref_squeeze %dma_start3A_263 : memref<1x2560x128xi32, #tpu.memory_space<hbm>> -> memref<2560x128xi32, #tpu.memory_space<hbm>>
      %dma_start3A_265 = arith.constant 0 : i32
      %dma_start3A_266 = tpu.memref_slice %dma_start3A_264[%multiple_of3A_254, %dma_start3A_265] : memref<2560x128xi32, #tpu.memory_space<hbm>> -> memref<8x128xi32, #tpu.memory_space<hbm>>
      tpu.enqueue_dma source(%dma_start3A_266 : memref<8x128xi32, #tpu.memory_space<hbm>>) target(%arg6 : memref<8x128xi32, #tpu.memory_space<vmem>>) target_semaphore(%arg10 : memref<!tpu.dma_semaphore, #tpu.memory_space<semaphore_mem>>)
      %dma_start3A_267 = arith.constant 0 : i32
      %dma_start3A_268 = arith.constant 0 : i32
      %dma_start3A_269 = tpu.memref_slice %arg7[%dma_start3A_267, %dma_start3A_268] : memref<8x128xi32, #tpu.memory_space<vmem>> -> memref<1x128xi32, #tpu.memory_space<vmem>>
      %dma_start3A_270 = tpu.memref_squeeze %dma_start3A_269 : memref<1x128xi32, #tpu.memory_space<vmem>> -> memref<128xi32, #tpu.memory_space<vmem>>
      %dma_start3A_271 = arith.constant 0 : i32
      %dma_start3A_272 = arith.constant 0 : i32
      %dma_start3A_273 = tpu.memref_slice %arg9[%dma_start3A_271, %dma_start3A_272] : memref<10240x16xf32, #tpu.memory_space<vmem_shared>> -> memref<10240x16xf32, #tpu.memory_space<vmem_shared>>
      tpu.enqueue_indirect_dma source(%arg8 : memref<128x16xf32, #tpu.memory_space<vmem>>) target(%dma_start3A_273 : memref<10240x16xf32, #tpu.memory_space<vmem_shared>>) offsets(%dma_start3A_270 : memref<128xi32, #tpu.memory_space<vmem>>) semaphore(%arg12 : memref<!tpu.dma_semaphore, #tpu.memory_space<semaphore_mem>>) {add = true}
      %dma_wait3A_274 = arith.constant 0 : i32
      %dma_wait3A_275 = arith.constant 0 : i32
      %dma_wait3A_276 = tpu.memref_slice %arg7[%dma_wait3A_274, %dma_wait3A_275] : memref<8x128xi32, #tpu.memory_space<vmem>> -> memref<1x128xi32, #tpu.memory_space<vmem>>
      %dma_wait3A_277 = tpu.memref_squeeze %dma_wait3A_276 : memref<1x128xi32, #tpu.memory_space<vmem>> -> memref<128xi32, #tpu.memory_space<vmem>>
      %dma_wait3A_278 = arith.constant 0 : i32
      %dma_wait3A_279 = arith.constant 0 : i32
      %dma_wait3A_280 = tpu.memref_slice %arg9[%dma_wait3A_278, %dma_wait3A_279] : memref<10240x16xf32, #tpu.memory_space<vmem_shared>> -> memref<10240x16xf32, #tpu.memory_space<vmem_shared>>
      tpu.wait_indirect_dma semaphore(%arg13 : memref<!tpu.dma_semaphore, #tpu.memory_space<semaphore_mem>>) src(%arg8 : memref<128x16xf32, #tpu.memory_space<vmem>>) dst(%dma_wait3A_280 : memref<10240x16xf32, #tpu.memory_space<vmem_shared>>)
      %dma_start3A_281 = arith.constant 1 : i32
      %dma_start3A_282 = arith.constant 0 : i32
      %dma_start3A_283 = tpu.memref_slice %arg7[%dma_start3A_281, %dma_start3A_282] : memref<8x128xi32, #tpu.memory_space<vmem>> -> memref<1x128xi32, #tpu.memory_space<vmem>>
      %dma_start3A_284 = tpu.memref_squeeze %dma_start3A_283 : memref<1x128xi32, #tpu.memory_space<vmem>> -> memref<128xi32, #tpu.memory_space<vmem>>
      %dma_start3A_285 = arith.constant 0 : i32
      %dma_start3A_286 = arith.constant 0 : i32
      %dma_start3A_287 = tpu.memref_slice %arg9[%dma_start3A_285, %dma_start3A_286] : memref<10240x16xf32, #tpu.memory_space<vmem_shared>> -> memref<10240x16xf32, #tpu.memory_space<vmem_shared>>
      tpu.enqueue_indirect_dma source(%arg8 : memref<128x16xf32, #tpu.memory_space<vmem>>) target(%dma_start3A_287 : memref<10240x16xf32, #tpu.memory_space<vmem_shared>>) offsets(%dma_start3A_284 : memref<128xi32, #tpu.memory_space<vmem>>) semaphore(%arg13 : memref<!tpu.dma_semaphore, #tpu.memory_space<semaphore_mem>>) {add = true}
      %dma_wait3A_288 = arith.constant 1 : i32
      %dma_wait3A_289 = arith.constant 0 : i32
      %dma_wait3A_290 = tpu.memref_slice %arg7[%dma_wait3A_288, %dma_wait3A_289] : memref<8x128xi32, #tpu.memory_space<vmem>> -> memref<1x128xi32, #tpu.memory_space<vmem>>
      %dma_wait3A_291 = tpu.memref_squeeze %dma_wait3A_290 : memref<1x128xi32, #tpu.memory_space<vmem>> -> memref<128xi32, #tpu.memory_space<vmem>>
      %dma_wait3A_292 = arith.constant 0 : i32
      %dma_wait3A_293 = arith.constant 0 : i32
      %dma_wait3A_294 = tpu.memref_slice %arg9[%dma_wait3A_292, %dma_wait3A_293] : memref<10240x16xf32, #tpu.memory_space<vmem_shared>> -> memref<10240x16xf32, #tpu.memory_space<vmem_shared>>
      tpu.wait_indirect_dma semaphore(%arg12 : memref<!tpu.dma_semaphore, #tpu.memory_space<semaphore_mem>>) src(%arg8 : memref<128x16xf32, #tpu.memory_space<vmem>>) dst(%dma_wait3A_294 : memref<10240x16xf32, #tpu.memory_space<vmem_shared>>)
      %dma_start3A_295 = arith.constant 2 : i32
      %dma_start3A_296 = arith.constant 0 : i32
      %dma_start3A_297 = tpu.memref_slice %arg7[%dma_start3A_295, %dma_start3A_296] : memref<8x128xi32, #tpu.memory_space<vmem>> -> memref<1x128xi32, #tpu.memory_space<vmem>>
      %dma_start3A_298 = tpu.memref_squeeze %dma_start3A_297 : memref<1x128xi32, #tpu.memory_space<vmem>> -> memref<128xi32, #tpu.memory_space<vmem>>
      %dma_start3A_299 = arith.constant 0 : i32
      %dma_start3A_300 = arith.constant 0 : i32
      %dma_start3A_301 = tpu.memref_slice %arg9[%dma_start3A_299, %dma_start3A_300] : memref<10240x16xf32, #tpu.memory_space<vmem_shared>> -> memref<10240x16xf32, #tpu.memory_space<vmem_shared>>
      tpu.enqueue_indirect_dma source(%arg8 : memref<128x16xf32, #tpu.memory_space<vmem>>) target(%dma_start3A_301 : memref<10240x16xf32, #tpu.memory_space<vmem_shared>>) offsets(%dma_start3A_298 : memref<128xi32, #tpu.memory_space<vmem>>) semaphore(%arg12 : memref<!tpu.dma_semaphore, #tpu.memory_space<semaphore_mem>>) {add = true}
      %dma_wait3A_302 = arith.constant 2 : i32
      %dma_wait3A_303 = arith.constant 0 : i32
      %dma_wait3A_304 = tpu.memref_slice %arg7[%dma_wait3A_302, %dma_wait3A_303] : memref<8x128xi32, #tpu.memory_space<vmem>> -> memref<1x128xi32, #tpu.memory_space<vmem>>
      %dma_wait3A_305 = tpu.memref_squeeze %dma_wait3A_304 : memref<1x128xi32, #tpu.memory_space<vmem>> -> memref<128xi32, #tpu.memory_space<vmem>>
      %dma_wait3A_306 = arith.constant 0 : i32
      %dma_wait3A_307 = arith.constant 0 : i32
      %dma_wait3A_308 = tpu.memref_slice %arg9[%dma_wait3A_306, %dma_wait3A_307] : memref<10240x16xf32, #tpu.memory_space<vmem_shared>> -> memref<10240x16xf32, #tpu.memory_space<vmem_shared>>
      tpu.wait_indirect_dma semaphore(%arg13 : memref<!tpu.dma_semaphore, #tpu.memory_space<semaphore_mem>>) src(%arg8 : memref<128x16xf32, #tpu.memory_space<vmem>>) dst(%dma_wait3A_308 : memref<10240x16xf32, #tpu.memory_space<vmem_shared>>)
      %dma_start3A_309 = arith.constant 3 : i32
      %dma_start3A_310 = arith.constant 0 : i32
      %dma_start3A_311 = tpu.memref_slice %arg7[%dma_start3A_309, %dma_start3A_310] : memref<8x128xi32, #tpu.memory_space<vmem>> -> memref<1x128xi32, #tpu.memory_space<vmem>>
      %dma_start3A_312 = tpu.memref_squeeze %dma_start3A_311 : memref<1x128xi32, #tpu.memory_space<vmem>> -> memref<128xi32, #tpu.memory_space<vmem>>
      %dma_start3A_313 = arith.constant 0 : i32
      %dma_start3A_314 = arith.constant 0 : i32
      %dma_start3A_315 = tpu.memref_slice %arg9[%dma_start3A_313, %dma_start3A_314] : memref<10240x16xf32, #tpu.memory_space<vmem_shared>> -> memref<10240x16xf32, #tpu.memory_space<vmem_shared>>
      tpu.enqueue_indirect_dma source(%arg8 : memref<128x16xf32, #tpu.memory_space<vmem>>) target(%dma_start3A_315 : memref<10240x16xf32, #tpu.memory_space<vmem_shared>>) offsets(%dma_start3A_312 : memref<128xi32, #tpu.memory_space<vmem>>) semaphore(%arg13 : memref<!tpu.dma_semaphore, #tpu.memory_space<semaphore_mem>>) {add = true}
      %dma_wait3A_316 = arith.constant 3 : i32
      %dma_wait3A_317 = arith.constant 0 : i32
      %dma_wait3A_318 = tpu.memref_slice %arg7[%dma_wait3A_316, %dma_wait3A_317] : memref<8x128xi32, #tpu.memory_space<vmem>> -> memref<1x128xi32, #tpu.memory_space<vmem>>
      %dma_wait3A_319 = tpu.memref_squeeze %dma_wait3A_318 : memref<1x128xi32, #tpu.memory_space<vmem>> -> memref<128xi32, #tpu.memory_space<vmem>>
      %dma_wait3A_320 = arith.constant 0 : i32
      %dma_wait3A_321 = arith.constant 0 : i32
      %dma_wait3A_322 = tpu.memref_slice %arg9[%dma_wait3A_320, %dma_wait3A_321] : memref<10240x16xf32, #tpu.memory_space<vmem_shared>> -> memref<10240x16xf32, #tpu.memory_space<vmem_shared>>
      tpu.wait_indirect_dma semaphore(%arg12 : memref<!tpu.dma_semaphore, #tpu.memory_space<semaphore_mem>>) src(%arg8 : memref<128x16xf32, #tpu.memory_space<vmem>>) dst(%dma_wait3A_322 : memref<10240x16xf32, #tpu.memory_space<vmem_shared>>)
      %dma_start3A_323 = arith.constant 4 : i32
      %dma_start3A_324 = arith.constant 0 : i32
      %dma_start3A_325 = tpu.memref_slice %arg7[%dma_start3A_323, %dma_start3A_324] : memref<8x128xi32, #tpu.memory_space<vmem>> -> memref<1x128xi32, #tpu.memory_space<vmem>>
      %dma_start3A_326 = tpu.memref_squeeze %dma_start3A_325 : memref<1x128xi32, #tpu.memory_space<vmem>> -> memref<128xi32, #tpu.memory_space<vmem>>
      %dma_start3A_327 = arith.constant 0 : i32
      %dma_start3A_328 = arith.constant 0 : i32
      %dma_start3A_329 = tpu.memref_slice %arg9[%dma_start3A_327, %dma_start3A_328] : memref<10240x16xf32, #tpu.memory_space<vmem_shared>> -> memref<10240x16xf32, #tpu.memory_space<vmem_shared>>
      tpu.enqueue_indirect_dma source(%arg8 : memref<128x16xf32, #tpu.memory_space<vmem>>) target(%dma_start3A_329 : memref<10240x16xf32, #tpu.memory_space<vmem_shared>>) offsets(%dma_start3A_326 : memref<128xi32, #tpu.memory_space<vmem>>) semaphore(%arg12 : memref<!tpu.dma_semaphore, #tpu.memory_space<semaphore_mem>>) {add = true}
      %dma_wait3A_330 = arith.constant 4 : i32
      %dma_wait3A_331 = arith.constant 0 : i32
      %dma_wait3A_332 = tpu.memref_slice %arg7[%dma_wait3A_330, %dma_wait3A_331] : memref<8x128xi32, #tpu.memory_space<vmem>> -> memref<1x128xi32, #tpu.memory_space<vmem>>
      %dma_wait3A_333 = tpu.memref_squeeze %dma_wait3A_332 : memref<1x128xi32, #tpu.memory_space<vmem>> -> memref<128xi32, #tpu.memory_space<vmem>>
      %dma_wait3A_334 = arith.constant 0 : i32
      %dma_wait3A_335 = arith.constant 0 : i32
      %dma_wait3A_336 = tpu.memref_slice %arg9[%dma_wait3A_334, %dma_wait3A_335] : memref<10240x16xf32, #tpu.memory_space<vmem_shared>> -> memref<10240x16xf32, #tpu.memory_space<vmem_shared>>
      tpu.wait_indirect_dma semaphore(%arg13 : memref<!tpu.dma_semaphore, #tpu.memory_space<semaphore_mem>>) src(%arg8 : memref<128x16xf32, #tpu.memory_space<vmem>>) dst(%dma_wait3A_336 : memref<10240x16xf32, #tpu.memory_space<vmem_shared>>)
      %dma_start3A_337 = arith.constant 5 : i32
      %dma_start3A_338 = arith.constant 0 : i32
      %dma_start3A_339 = tpu.memref_slice %arg7[%dma_start3A_337, %dma_start3A_338] : memref<8x128xi32, #tpu.memory_space<vmem>> -> memref<1x128xi32, #tpu.memory_space<vmem>>
      %dma_start3A_340 = tpu.memref_squeeze %dma_start3A_339 : memref<1x128xi32, #tpu.memory_space<vmem>> -> memref<128xi32, #tpu.memory_space<vmem>>
      %dma_start3A_341 = arith.constant 0 : i32
      %dma_start3A_342 = arith.constant 0 : i32
      %dma_start3A_343 = tpu.memref_slice %arg9[%dma_start3A_341, %dma_start3A_342] : memref<10240x16xf32, #tpu.memory_space<vmem_shared>> -> memref<10240x16xf32, #tpu.memory_space<vmem_shared>>
      tpu.enqueue_indirect_dma source(%arg8 : memref<128x16xf32, #tpu.memory_space<vmem>>) target(%dma_start3A_343 : memref<10240x16xf32, #tpu.memory_space<vmem_shared>>) offsets(%dma_start3A_340 : memref<128xi32, #tpu.memory_space<vmem>>) semaphore(%arg13 : memref<!tpu.dma_semaphore, #tpu.memory_space<semaphore_mem>>) {add = true}
      %dma_wait3A_344 = arith.constant 5 : i32
      %dma_wait3A_345 = arith.constant 0 : i32
      %dma_wait3A_346 = tpu.memref_slice %arg7[%dma_wait3A_344, %dma_wait3A_345] : memref<8x128xi32, #tpu.memory_space<vmem>> -> memref<1x128xi32, #tpu.memory_space<vmem>>
      %dma_wait3A_347 = tpu.memref_squeeze %dma_wait3A_346 : memref<1x128xi32, #tpu.memory_space<vmem>> -> memref<128xi32, #tpu.memory_space<vmem>>
      %dma_wait3A_348 = arith.constant 0 : i32
      %dma_wait3A_349 = arith.constant 0 : i32
      %dma_wait3A_350 = tpu.memref_slice %arg9[%dma_wait3A_348, %dma_wait3A_349] : memref<10240x16xf32, #tpu.memory_space<vmem_shared>> -> memref<10240x16xf32, #tpu.memory_space<vmem_shared>>
      tpu.wait_indirect_dma semaphore(%arg12 : memref<!tpu.dma_semaphore, #tpu.memory_space<semaphore_mem>>) src(%arg8 : memref<128x16xf32, #tpu.memory_space<vmem>>) dst(%dma_wait3A_350 : memref<10240x16xf32, #tpu.memory_space<vmem_shared>>)
      %dma_start3A_351 = arith.constant 6 : i32
      %dma_start3A_352 = arith.constant 0 : i32
      %dma_start3A_353 = tpu.memref_slice %arg7[%dma_start3A_351, %dma_start3A_352] : memref<8x128xi32, #tpu.memory_space<vmem>> -> memref<1x128xi32, #tpu.memory_space<vmem>>
      %dma_start3A_354 = tpu.memref_squeeze %dma_start3A_353 : memref<1x128xi32, #tpu.memory_space<vmem>> -> memref<128xi32, #tpu.memory_space<vmem>>
      %dma_start3A_355 = arith.constant 0 : i32
      %dma_start3A_356 = arith.constant 0 : i32
      %dma_start3A_357 = tpu.memref_slice %arg9[%dma_start3A_355, %dma_start3A_356] : memref<10240x16xf32, #tpu.memory_space<vmem_shared>> -> memref<10240x16xf32, #tpu.memory_space<vmem_shared>>
      tpu.enqueue_indirect_dma source(%arg8 : memref<128x16xf32, #tpu.memory_space<vmem>>) target(%dma_start3A_357 : memref<10240x16xf32, #tpu.memory_space<vmem_shared>>) offsets(%dma_start3A_354 : memref<128xi32, #tpu.memory_space<vmem>>) semaphore(%arg12 : memref<!tpu.dma_semaphore, #tpu.memory_space<semaphore_mem>>) {add = true}
      %dma_wait3A_358 = arith.constant 6 : i32
      %dma_wait3A_359 = arith.constant 0 : i32
      %dma_wait3A_360 = tpu.memref_slice %arg7[%dma_wait3A_358, %dma_wait3A_359] : memref<8x128xi32, #tpu.memory_space<vmem>> -> memref<1x128xi32, #tpu.memory_space<vmem>>
      %dma_wait3A_361 = tpu.memref_squeeze %dma_wait3A_360 : memref<1x128xi32, #tpu.memory_space<vmem>> -> memref<128xi32, #tpu.memory_space<vmem>>
      %dma_wait3A_362 = arith.constant 0 : i32
      %dma_wait3A_363 = arith.constant 0 : i32
      %dma_wait3A_364 = tpu.memref_slice %arg9[%dma_wait3A_362, %dma_wait3A_363] : memref<10240x16xf32, #tpu.memory_space<vmem_shared>> -> memref<10240x16xf32, #tpu.memory_space<vmem_shared>>
      tpu.wait_indirect_dma semaphore(%arg13 : memref<!tpu.dma_semaphore, #tpu.memory_space<semaphore_mem>>) src(%arg8 : memref<128x16xf32, #tpu.memory_space<vmem>>) dst(%dma_wait3A_364 : memref<10240x16xf32, #tpu.memory_space<vmem_shared>>)
      %dma_start3A_365 = arith.constant 7 : i32
      %dma_start3A_366 = arith.constant 0 : i32
      %dma_start3A_367 = tpu.memref_slice %arg7[%dma_start3A_365, %dma_start3A_366] : memref<8x128xi32, #tpu.memory_space<vmem>> -> memref<1x128xi32, #tpu.memory_space<vmem>>
      %dma_start3A_368 = tpu.memref_squeeze %dma_start3A_367 : memref<1x128xi32, #tpu.memory_space<vmem>> -> memref<128xi32, #tpu.memory_space<vmem>>
      %dma_start3A_369 = arith.constant 0 : i32
      %dma_start3A_370 = arith.constant 0 : i32
      %dma_start3A_371 = tpu.memref_slice %arg9[%dma_start3A_369, %dma_start3A_370] : memref<10240x16xf32, #tpu.memory_space<vmem_shared>> -> memref<10240x16xf32, #tpu.memory_space<vmem_shared>>
      tpu.enqueue_indirect_dma source(%arg8 : memref<128x16xf32, #tpu.memory_space<vmem>>) target(%dma_start3A_371 : memref<10240x16xf32, #tpu.memory_space<vmem_shared>>) offsets(%dma_start3A_368 : memref<128xi32, #tpu.memory_space<vmem>>) semaphore(%arg13 : memref<!tpu.dma_semaphore, #tpu.memory_space<semaphore_mem>>) {add = true}
      %dma_wait3A_372 = arith.constant 7 : i32
      %dma_wait3A_373 = arith.constant 0 : i32
      %dma_wait3A_374 = tpu.memref_slice %arg7[%dma_wait3A_372, %dma_wait3A_373] : memref<8x128xi32, #tpu.memory_space<vmem>> -> memref<1x128xi32, #tpu.memory_space<vmem>>
      %dma_wait3A_375 = tpu.memref_squeeze %dma_wait3A_374 : memref<1x128xi32, #tpu.memory_space<vmem>> -> memref<128xi32, #tpu.memory_space<vmem>>
      %dma_wait3A_376 = arith.constant 0 : i32
      %dma_wait3A_377 = arith.constant 0 : i32
      %dma_wait3A_378 = tpu.memref_slice %arg9[%dma_wait3A_376, %dma_wait3A_377] : memref<10240x16xf32, #tpu.memory_space<vmem_shared>> -> memref<10240x16xf32, #tpu.memory_space<vmem_shared>>
      tpu.wait_indirect_dma semaphore(%arg12 : memref<!tpu.dma_semaphore, #tpu.memory_space<semaphore_mem>>) src(%arg8 : memref<128x16xf32, #tpu.memory_space<vmem>>) dst(%dma_wait3A_378 : memref<10240x16xf32, #tpu.memory_space<vmem_shared>>)
    }
    %scan3A_34 = arith.constant 5 : i32
    %dma_wait3A = arith.constant 7 : i32
    %dma_wait3A_35 = arith.constant 0 : i32
    %dma_wait3A_36 = tpu.memref_slice %arg7[%dma_wait3A, %dma_wait3A_35] : memref<8x128xi32, #tpu.memory_space<vmem>> -> memref<1x128xi32, #tpu.memory_space<vmem>>
    %dma_wait3A_37 = tpu.memref_squeeze %dma_wait3A_36 : memref<1x128xi32, #tpu.memory_space<vmem>> -> memref<128xi32, #tpu.memory_space<vmem>>
    %dma_wait3A_38 = arith.constant 0 : i32
    %dma_wait3A_39 = arith.constant 0 : i32
    %dma_wait3A_40 = tpu.memref_slice %arg9[%dma_wait3A_38, %dma_wait3A_39] : memref<10240x16xf32, #tpu.memory_space<vmem_shared>> -> memref<10240x16xf32, #tpu.memory_space<vmem_shared>>
    tpu.wait_indirect_dma semaphore(%arg13 : memref<!tpu.dma_semaphore, #tpu.memory_space<semaphore_mem>>) src(%arg8 : memref<128x16xf32, #tpu.memory_space<vmem>>) dst(%dma_wait3A_40 : memref<10240x16xf32, #tpu.memory_space<vmem_shared>>)
    %min3A_41 = arith.constant 9 : i32
    %min3A_42 = arith.constant 9 : i32
    %min3A_43 = arith.minsi %min3A_41, %min3A_42 : i32
    %mul3A_44 = arith.constant 10 : i32
    %mul3A_45 = arith.muli %add3A, %mul3A_44 : i32
    %add3A_46 = arith.addi %mul3A_45, %min3A_43 : i32
    %mul3A_47 = arith.constant 8 : i32
    %mul3A_48 = arith.muli %add3A_46, %mul3A_47 : i32
    %multiple_of3A_49 = tpu.assume_multiple %mul3A_48, 8 : i32
    %dma_wait3A_50 = arith.constant 1 : i32
    %dma_wait3A_51 = arith.constant 0 : i32
    %dma_wait3A_52 = arith.constant 0 : i32
    %dma_wait3A_53 = tpu.memref_slice %arg2[%dma_wait3A_50, %dma_wait3A_51, %dma_wait3A_52] : memref<2x2560x128xi32, #tpu.memory_space<hbm>> -> memref<1x2560x128xi32, #tpu.memory_space<hbm>>
    %dma_wait3A_54 = tpu.memref_squeeze %dma_wait3A_53 : memref<1x2560x128xi32, #tpu.memory_space<hbm>> -> memref<2560x128xi32, #tpu.memory_space<hbm>>
    %dma_wait3A_55 = arith.constant 0 : i32
    %dma_wait3A_56 = tpu.memref_slice %dma_wait3A_54[%multiple_of3A_49, %dma_wait3A_55] : memref<2560x128xi32, #tpu.memory_space<hbm>> -> memref<8x128xi32, #tpu.memory_space<hbm>>
    %dma_wait3A_57 = arith.constant 0 : i32
    %dma_wait3A_58 = arith.constant 0 : i32
    %dma_wait3A_59 = tpu.memref_slice %arg2[%dma_wait3A_50, %dma_wait3A_57, %dma_wait3A_58] : memref<2x2560x128xi32, #tpu.memory_space<hbm>> -> memref<1x2560x128xi32, #tpu.memory_space<hbm>>
    %dma_wait3A_60 = tpu.memref_squeeze %dma_wait3A_59 : memref<1x2560x128xi32, #tpu.memory_space<hbm>> -> memref<2560x128xi32, #tpu.memory_space<hbm>>
    %dma_wait3A_61 = arith.constant 0 : i32
    %dma_wait3A_62 = tpu.memref_slice %dma_wait3A_60[%multiple_of3A_49, %dma_wait3A_61] : memref<2560x128xi32, #tpu.memory_space<hbm>> -> memref<8x128xi32, #tpu.memory_space<hbm>>
    tpu.wait_dma2 semaphore(%arg10 : memref<!tpu.dma_semaphore, #tpu.memory_space<semaphore_mem>>) src(%dma_wait3A_62 : memref<8x128xi32, #tpu.memory_space<hbm>>) dst(%arg6 : memref<8x128xi32, #tpu.memory_space<vmem>>)
    %barrier3A_63 = arith.constant 0 : index
    tpu.barrier barrier_id(%barrier3A_63)
    "tpu.region"() ({
      %run_scoped3A = tpu.sem_alloc : memref<!tpu.dma_semaphore, #tpu.memory_space<semaphore_mem>>
      %dma_start3A_64 = arith.constant 0 : i32
      %dma_start3A_65 = tpu.memref_slice %arg5[%arg0, %multiple_of3A, %dma_start3A_64] : memref<2x10240x16xf32, #tpu.memory_space<hbm>> -> memref<1x640x16xf32, #tpu.memory_space<hbm>>
      %dma_start3A_66 = tpu.memref_squeeze %dma_start3A_65 : memref<1x640x16xf32, #tpu.memory_space<hbm>> -> memref<640x16xf32, #tpu.memory_space<hbm>>
      %dma_start3A_67 = arith.constant 0 : i32
      %dma_start3A_68 = tpu.memref_slice %arg9[%multiple_of3A, %dma_start3A_67] : memref<10240x16xf32, #tpu.memory_space<vmem_shared>> -> memref<640x16xf32, #tpu.memory_space<vmem_shared>>
      tpu.enqueue_dma source(%dma_start3A_68 : memref<640x16xf32, #tpu.memory_space<vmem_shared>>) target(%dma_start3A_66 : memref<640x16xf32, #tpu.memory_space<hbm>>) target_semaphore(%run_scoped3A : memref<!tpu.dma_semaphore, #tpu.memory_space<semaphore_mem>>)
      %dma_wait3A_69 = arith.constant 0 : i32
      %dma_wait3A_70 = tpu.memref_slice %arg5[%arg0, %multiple_of3A, %dma_wait3A_69] : memref<2x10240x16xf32, #tpu.memory_space<hbm>> -> memref<1x640x16xf32, #tpu.memory_space<hbm>>
      %dma_wait3A_71 = tpu.memref_squeeze %dma_wait3A_70 : memref<1x640x16xf32, #tpu.memory_space<hbm>> -> memref<640x16xf32, #tpu.memory_space<hbm>>
      %dma_wait3A_72 = arith.constant 0 : i32
      %dma_wait3A_73 = tpu.memref_slice %arg9[%multiple_of3A, %dma_wait3A_72] : memref<10240x16xf32, #tpu.memory_space<vmem_shared>> -> memref<640x16xf32, #tpu.memory_space<vmem_shared>>
      tpu.wait_dma2 semaphore(%run_scoped3A : memref<!tpu.dma_semaphore, #tpu.memory_space<semaphore_mem>>) src(%dma_wait3A_73 : memref<640x16xf32, #tpu.memory_space<vmem_shared>>) dst(%dma_wait3A_71 : memref<640x16xf32, #tpu.memory_space<hbm>>)
      tpu.yield
    }) : () -> ()
    return
  }
}

#map = affine_map<(d0, d1) -> (0, 0)>
#map1 = affine_map<(d0, d1) -> (0, 0, 0)>
module attributes {stable_mosaic.version = 14 : i64} {
  func.func @body_fn(%arg0: i32, %arg1: i32, %arg2: memref<10240x64xf32, #tpu.memory_space<hbm>>, %arg3: memref<2x2560x128xi32, #tpu.memory_space<hbm>>, %arg4: memref<10240x64xf32, #tpu.memory_space<hbm>>, %arg5: memref<2x10240x64xf32, #tpu.memory_space<hbm>>, %arg6: memref<8x128xi32, #tpu.memory_space<vmem>>, %arg7: memref<8x128xi32, #tpu.memory_space<vmem>>, %arg8: memref<8x128xi32, #tpu.memory_space<vmem>>, %arg9: memref<8x128xi32, #tpu.memory_space<vmem>>, %arg10: memref<128x64xf32, #tpu.memory_space<vmem>>, %arg11: memref<128x64xf32, #tpu.memory_space<vmem>>, %arg12: memref<10240x64xf32, #tpu.memory_space<vmem_shared>>, %arg13: memref<10240x64xf32, #tpu.memory_space<vmem_shared>>, %arg14: memref<!tpu.dma_semaphore, #tpu.memory_space<semaphore_mem>>, %arg15: memref<!tpu.dma_semaphore, #tpu.memory_space<semaphore_mem>>, %arg16: memref<!tpu.dma_semaphore, #tpu.memory_space<semaphore_mem>>, %arg17: memref<!tpu.dma_semaphore, #tpu.memory_space<semaphore_mem>>, %arg18: memref<!tpu.dma_semaphore, #tpu.memory_space<semaphore_mem>>, %arg19: memref<!tpu.dma_semaphore, #tpu.memory_space<semaphore_mem>>) attributes {dimension_semantics = [#tpu.dimension_semantics<core_parallel>, #tpu.dimension_semantics<subcore_parallel>], iteration_bounds = array<i64: 2, 16>, scalar_prefetch = 0 : i64, scratch_operands = 14 : i64, tpu.core_type = #tpu.core_type<sc_vector_subcore>, window_params = [{transform_indices = #map}, {transform_indices = #map1}, {transform_indices = #map}, {transform_indices = #map1}]} {
    %mul3A = arith.constant 640 : i32
    %mul3A_0 = arith.muli %arg1, %mul3A : i32
    %multiple_of3A = tpu.assume_multiple %mul3A_0, 640 : i32
    "tpu.region"() ({
      %run_scoped3A_54 = tpu.sem_alloc : memref<!tpu.dma_semaphore, #tpu.memory_space<semaphore_mem>>
      %dma_start3A_55 = arith.constant 0 : i32
      %dma_start3A_56 = tpu.memref_slice %arg12[%multiple_of3A, %dma_start3A_55] : memref<10240x64xf32, #tpu.memory_space<vmem_shared>> -> memref<640x64xf32, #tpu.memory_space<vmem_shared>>
      %dma_start3A_57 = arith.constant 0 : i32
      %dma_start3A_58 = tpu.memref_slice %arg2[%multiple_of3A, %dma_start3A_57] : memref<10240x64xf32, #tpu.memory_space<hbm>> -> memref<640x64xf32, #tpu.memory_space<hbm>>
      tpu.enqueue_dma source(%dma_start3A_58 : memref<640x64xf32, #tpu.memory_space<hbm>>) target(%dma_start3A_56 : memref<640x64xf32, #tpu.memory_space<vmem_shared>>) target_semaphore(%run_scoped3A_54 : memref<!tpu.dma_semaphore, #tpu.memory_space<semaphore_mem>>)
      %dma_wait3A_59 = arith.constant 0 : i32
      %dma_wait3A_60 = tpu.memref_slice %arg12[%multiple_of3A, %dma_wait3A_59] : memref<10240x64xf32, #tpu.memory_space<vmem_shared>> -> memref<640x64xf32, #tpu.memory_space<vmem_shared>>
      %dma_wait3A_61 = arith.constant 0 : i32
      %dma_wait3A_62 = tpu.memref_slice %arg2[%multiple_of3A, %dma_wait3A_61] : memref<10240x64xf32, #tpu.memory_space<hbm>> -> memref<640x64xf32, #tpu.memory_space<hbm>>
      tpu.wait_dma2 semaphore(%run_scoped3A_54 : memref<!tpu.dma_semaphore, #tpu.memory_space<semaphore_mem>>) src(%dma_wait3A_62 : memref<640x64xf32, #tpu.memory_space<hbm>>) dst(%dma_wait3A_60 : memref<640x64xf32, #tpu.memory_space<vmem_shared>>)
      tpu.yield
    }) : () -> ()
    "tpu.region"() ({
      %run_scoped3A_54 = tpu.sem_alloc : memref<!tpu.dma_semaphore, #tpu.memory_space<semaphore_mem>>
      %dma_start3A_55 = arith.constant 0 : i32
      %dma_start3A_56 = tpu.memref_slice %arg13[%multiple_of3A, %dma_start3A_55] : memref<10240x64xf32, #tpu.memory_space<vmem_shared>> -> memref<640x64xf32, #tpu.memory_space<vmem_shared>>
      %dma_start3A_57 = arith.constant 0 : i32
      %dma_start3A_58 = tpu.memref_slice %arg4[%multiple_of3A, %dma_start3A_57] : memref<10240x64xf32, #tpu.memory_space<hbm>> -> memref<640x64xf32, #tpu.memory_space<hbm>>
      tpu.enqueue_dma source(%dma_start3A_58 : memref<640x64xf32, #tpu.memory_space<hbm>>) target(%dma_start3A_56 : memref<640x64xf32, #tpu.memory_space<vmem_shared>>) target_semaphore(%run_scoped3A_54 : memref<!tpu.dma_semaphore, #tpu.memory_space<semaphore_mem>>)
      %dma_wait3A_59 = arith.constant 0 : i32
      %dma_wait3A_60 = tpu.memref_slice %arg13[%multiple_of3A, %dma_wait3A_59] : memref<10240x64xf32, #tpu.memory_space<vmem_shared>> -> memref<640x64xf32, #tpu.memory_space<vmem_shared>>
      %dma_wait3A_61 = arith.constant 0 : i32
      %dma_wait3A_62 = tpu.memref_slice %arg4[%multiple_of3A, %dma_wait3A_61] : memref<10240x64xf32, #tpu.memory_space<hbm>> -> memref<640x64xf32, #tpu.memory_space<hbm>>
      tpu.wait_dma2 semaphore(%run_scoped3A_54 : memref<!tpu.dma_semaphore, #tpu.memory_space<semaphore_mem>>) src(%dma_wait3A_62 : memref<640x64xf32, #tpu.memory_space<hbm>>) dst(%dma_wait3A_60 : memref<640x64xf32, #tpu.memory_space<vmem_shared>>)
      tpu.yield
    }) : () -> ()
    %barrier3A = arith.constant 0 : index
    tpu.barrier barrier_id(%barrier3A)
    %mul3A_1 = arith.constant 16 : i32
    %mul3A_2 = arith.muli %arg0, %mul3A_1 : i32
    %add3A = arith.addi %mul3A_2, %arg1 : i32
    %min3A = arith.constant 0 : i32
    %min3A_3 = arith.constant 9 : i32
    %min3A_4 = arith.minsi %min3A, %min3A_3 : i32
    %mul3A_5 = arith.constant 10 : i32
    %mul3A_6 = arith.muli %add3A, %mul3A_5 : i32
    %add3A_7 = arith.addi %mul3A_6, %min3A_4 : i32
    %mul3A_8 = arith.constant 8 : i32
    %mul3A_9 = arith.muli %add3A_7, %mul3A_8 : i32
    %multiple_of3A_10 = tpu.assume_multiple %mul3A_9, 8 : i32
    %run_scoped3A = arith.constant 0 : i32
    "tpu.region"() ({
      %run_scoped3A_54 = tpu.sem_alloc : memref<!tpu.dma_semaphore, #tpu.memory_space<semaphore_mem>>
      %dma_start3A_55 = arith.constant 0 : i32
      %dma_start3A_56 = arith.constant 0 : i32
      %dma_start3A_57 = tpu.memref_slice %arg3[%run_scoped3A, %dma_start3A_55, %dma_start3A_56] : memref<2x2560x128xi32, #tpu.memory_space<hbm>> -> memref<1x2560x128xi32, #tpu.memory_space<hbm>>
      %dma_start3A_58 = tpu.memref_squeeze %dma_start3A_57 : memref<1x2560x128xi32, #tpu.memory_space<hbm>> -> memref<2560x128xi32, #tpu.memory_space<hbm>>
      %dma_start3A_59 = arith.constant 0 : i32
      %dma_start3A_60 = tpu.memref_slice %dma_start3A_58[%multiple_of3A_10, %dma_start3A_59] : memref<2560x128xi32, #tpu.memory_space<hbm>> -> memref<8x128xi32, #tpu.memory_space<hbm>>
      %dma_start3A_61 = arith.constant 0 : i32
      %dma_start3A_62 = arith.constant 0 : i32
      %dma_start3A_63 = tpu.memref_slice %arg3[%run_scoped3A, %dma_start3A_61, %dma_start3A_62] : memref<2x2560x128xi32, #tpu.memory_space<hbm>> -> memref<1x2560x128xi32, #tpu.memory_space<hbm>>
      %dma_start3A_64 = tpu.memref_squeeze %dma_start3A_63 : memref<1x2560x128xi32, #tpu.memory_space<hbm>> -> memref<2560x128xi32, #tpu.memory_space<hbm>>
      %dma_start3A_65 = arith.constant 0 : i32
      %dma_start3A_66 = tpu.memref_slice %dma_start3A_64[%multiple_of3A_10, %dma_start3A_65] : memref<2560x128xi32, #tpu.memory_space<hbm>> -> memref<8x128xi32, #tpu.memory_space<hbm>>
      tpu.enqueue_dma source(%dma_start3A_66 : memref<8x128xi32, #tpu.memory_space<hbm>>) target(%arg6 : memref<8x128xi32, #tpu.memory_space<vmem>>) target_semaphore(%run_scoped3A_54 : memref<!tpu.dma_semaphore, #tpu.memory_space<semaphore_mem>>)
      %dma_wait3A_67 = arith.constant 0 : i32
      %dma_wait3A_68 = arith.constant 0 : i32
      %dma_wait3A_69 = tpu.memref_slice %arg3[%run_scoped3A, %dma_wait3A_67, %dma_wait3A_68] : memref<2x2560x128xi32, #tpu.memory_space<hbm>> -> memref<1x2560x128xi32, #tpu.memory_space<hbm>>
      %dma_wait3A_70 = tpu.memref_squeeze %dma_wait3A_69 : memref<1x2560x128xi32, #tpu.memory_space<hbm>> -> memref<2560x128xi32, #tpu.memory_space<hbm>>
      %dma_wait3A_71 = arith.constant 0 : i32
      %dma_wait3A_72 = tpu.memref_slice %dma_wait3A_70[%multiple_of3A_10, %dma_wait3A_71] : memref<2560x128xi32, #tpu.memory_space<hbm>> -> memref<8x128xi32, #tpu.memory_space<hbm>>
      %dma_wait3A_73 = arith.constant 0 : i32
      %dma_wait3A_74 = arith.constant 0 : i32
      %dma_wait3A_75 = tpu.memref_slice %arg3[%run_scoped3A, %dma_wait3A_73, %dma_wait3A_74] : memref<2x2560x128xi32, #tpu.memory_space<hbm>> -> memref<1x2560x128xi32, #tpu.memory_space<hbm>>
      %dma_wait3A_76 = tpu.memref_squeeze %dma_wait3A_75 : memref<1x2560x128xi32, #tpu.memory_space<hbm>> -> memref<2560x128xi32, #tpu.memory_space<hbm>>
      %dma_wait3A_77 = arith.constant 0 : i32
      %dma_wait3A_78 = tpu.memref_slice %dma_wait3A_76[%multiple_of3A_10, %dma_wait3A_77] : memref<2560x128xi32, #tpu.memory_space<hbm>> -> memref<8x128xi32, #tpu.memory_space<hbm>>
      tpu.wait_dma2 semaphore(%run_scoped3A_54 : memref<!tpu.dma_semaphore, #tpu.memory_space<semaphore_mem>>) src(%dma_wait3A_78 : memref<8x128xi32, #tpu.memory_space<hbm>>) dst(%arg6 : memref<8x128xi32, #tpu.memory_space<vmem>>)
      tpu.yield
    }) : () -> ()
    %min3A_11 = arith.constant 0 : i32
    %min3A_12 = arith.constant 9 : i32
    %min3A_13 = arith.minsi %min3A_11, %min3A_12 : i32
    %mul3A_14 = arith.constant 10 : i32
    %mul3A_15 = arith.muli %add3A, %mul3A_14 : i32
    %add3A_16 = arith.addi %mul3A_15, %min3A_13 : i32
    %mul3A_17 = arith.constant 8 : i32
    %mul3A_18 = arith.muli %add3A_16, %mul3A_17 : i32
    %multiple_of3A_19 = tpu.assume_multiple %mul3A_18, 8 : i32
    %run_scoped3A_20 = arith.constant 1 : i32
    "tpu.region"() ({
      %run_scoped3A_54 = tpu.sem_alloc : memref<!tpu.dma_semaphore, #tpu.memory_space<semaphore_mem>>
      %dma_start3A_55 = arith.constant 0 : i32
      %dma_start3A_56 = arith.constant 0 : i32
      %dma_start3A_57 = tpu.memref_slice %arg3[%run_scoped3A_20, %dma_start3A_55, %dma_start3A_56] : memref<2x2560x128xi32, #tpu.memory_space<hbm>> -> memref<1x2560x128xi32, #tpu.memory_space<hbm>>
      %dma_start3A_58 = tpu.memref_squeeze %dma_start3A_57 : memref<1x2560x128xi32, #tpu.memory_space<hbm>> -> memref<2560x128xi32, #tpu.memory_space<hbm>>
      %dma_start3A_59 = arith.constant 0 : i32
      %dma_start3A_60 = tpu.memref_slice %dma_start3A_58[%multiple_of3A_19, %dma_start3A_59] : memref<2560x128xi32, #tpu.memory_space<hbm>> -> memref<8x128xi32, #tpu.memory_space<hbm>>
      %dma_start3A_61 = arith.constant 0 : i32
      %dma_start3A_62 = arith.constant 0 : i32
      %dma_start3A_63 = tpu.memref_slice %arg3[%run_scoped3A_20, %dma_start3A_61, %dma_start3A_62] : memref<2x2560x128xi32, #tpu.memory_space<hbm>> -> memref<1x2560x128xi32, #tpu.memory_space<hbm>>
      %dma_start3A_64 = tpu.memref_squeeze %dma_start3A_63 : memref<1x2560x128xi32, #tpu.memory_space<hbm>> -> memref<2560x128xi32, #tpu.memory_space<hbm>>
      %dma_start3A_65 = arith.constant 0 : i32
      %dma_start3A_66 = tpu.memref_slice %dma_start3A_64[%multiple_of3A_19, %dma_start3A_65] : memref<2560x128xi32, #tpu.memory_space<hbm>> -> memref<8x128xi32, #tpu.memory_space<hbm>>
      tpu.enqueue_dma source(%dma_start3A_66 : memref<8x128xi32, #tpu.memory_space<hbm>>) target(%arg8 : memref<8x128xi32, #tpu.memory_space<vmem>>) target_semaphore(%run_scoped3A_54 : memref<!tpu.dma_semaphore, #tpu.memory_space<semaphore_mem>>)
      %dma_wait3A_67 = arith.constant 0 : i32
      %dma_wait3A_68 = arith.constant 0 : i32
      %dma_wait3A_69 = tpu.memref_slice %arg3[%run_scoped3A_20, %dma_wait3A_67, %dma_wait3A_68] : memref<2x2560x128xi32, #tpu.memory_space<hbm>> -> memref<1x2560x128xi32, #tpu.memory_space<hbm>>
      %dma_wait3A_70 = tpu.memref_squeeze %dma_wait3A_69 : memref<1x2560x128xi32, #tpu.memory_space<hbm>> -> memref<2560x128xi32, #tpu.memory_space<hbm>>
      %dma_wait3A_71 = arith.constant 0 : i32
      %dma_wait3A_72 = tpu.memref_slice %dma_wait3A_70[%multiple_of3A_19, %dma_wait3A_71] : memref<2560x128xi32, #tpu.memory_space<hbm>> -> memref<8x128xi32, #tpu.memory_space<hbm>>
      %dma_wait3A_73 = arith.constant 0 : i32
      %dma_wait3A_74 = arith.constant 0 : i32
      %dma_wait3A_75 = tpu.memref_slice %arg3[%run_scoped3A_20, %dma_wait3A_73, %dma_wait3A_74] : memref<2x2560x128xi32, #tpu.memory_space<hbm>> -> memref<1x2560x128xi32, #tpu.memory_space<hbm>>
      %dma_wait3A_76 = tpu.memref_squeeze %dma_wait3A_75 : memref<1x2560x128xi32, #tpu.memory_space<hbm>> -> memref<2560x128xi32, #tpu.memory_space<hbm>>
      %dma_wait3A_77 = arith.constant 0 : i32
      %dma_wait3A_78 = tpu.memref_slice %dma_wait3A_76[%multiple_of3A_19, %dma_wait3A_77] : memref<2560x128xi32, #tpu.memory_space<hbm>> -> memref<8x128xi32, #tpu.memory_space<hbm>>
      tpu.wait_dma2 semaphore(%run_scoped3A_54 : memref<!tpu.dma_semaphore, #tpu.memory_space<semaphore_mem>>) src(%dma_wait3A_78 : memref<8x128xi32, #tpu.memory_space<hbm>>) dst(%arg8 : memref<8x128xi32, #tpu.memory_space<vmem>>)
      tpu.yield
    }) : () -> ()
    %dma_start3A = arith.constant 0 : i32
    %dma_start3A_21 = arith.constant 0 : i32
    %dma_start3A_22 = tpu.memref_slice %arg6[%dma_start3A, %dma_start3A_21] : memref<8x128xi32, #tpu.memory_space<vmem>> -> memref<1x128xi32, #tpu.memory_space<vmem>>
    %dma_start3A_23 = tpu.memref_squeeze %dma_start3A_22 : memref<1x128xi32, #tpu.memory_space<vmem>> -> memref<128xi32, #tpu.memory_space<vmem>>
    %dma_start3A_24 = arith.constant 0 : i32
    %dma_start3A_25 = arith.constant 0 : i32
    %dma_start3A_26 = tpu.memref_slice %arg12[%dma_start3A_24, %dma_start3A_25] : memref<10240x64xf32, #tpu.memory_space<vmem_shared>> -> memref<10240x64xf32, #tpu.memory_space<vmem_shared>>
    tpu.enqueue_indirect_dma source(%dma_start3A_26 : memref<10240x64xf32, #tpu.memory_space<vmem_shared>>) target(%arg10 : memref<128x64xf32, #tpu.memory_space<vmem>>) offsets(%dma_start3A_23 : memref<128xi32, #tpu.memory_space<vmem>>) semaphore(%arg16 : memref<!tpu.dma_semaphore, #tpu.memory_space<semaphore_mem>>)
    %dma_start3A_27 = arith.constant 10000 : i32
    %dma_start3A_28 = arith.constant 0 : i32
    %dma_start3A_29 = tpu.memref_slice %arg13[%dma_start3A_27, %dma_start3A_28] : memref<10240x64xf32, #tpu.memory_space<vmem_shared>> -> memref<128x64xf32, #tpu.memory_space<vmem_shared>>
    %dma_start3A_30 = arith.constant 10000 : i32
    %dma_start3A_31 = arith.constant 0 : i32
    %dma_start3A_32 = tpu.memref_slice %arg13[%dma_start3A_30, %dma_start3A_31] : memref<10240x64xf32, #tpu.memory_space<vmem_shared>> -> memref<128x64xf32, #tpu.memory_space<vmem_shared>>
    tpu.enqueue_dma source(%arg11 : memref<128x64xf32, #tpu.memory_space<vmem>>) target(%dma_start3A_32 : memref<128x64xf32, #tpu.memory_space<vmem_shared>>) target_semaphore(%arg19 : memref<!tpu.dma_semaphore, #tpu.memory_space<semaphore_mem>>)
    %scan3A = arith.constant 0 : i32
    %scan3A_33 = arith.constant 0 : i32
    %scan3A_34 = arith.constant 1 : i32
    %scan3A_35 = arith.constant 0 : i32
    %scan3A_36 = arith.constant 5 : i32
    %scan3A_37 = arith.addi %scan3A_35, %scan3A_36 : i32
    %scan3A_38 = arith.constant 1 : i32
    scf.for %scan3A_54 = %scan3A_35 to %scan3A_37 step %scan3A_38  : i32 {
      %mul3A_55 = arith.constant 2 : i32
      %mul3A_56 = arith.muli %scan3A_54, %mul3A_55 : i32
      %add3A_57 = arith.constant 1 : i32
      %add3A_58 = arith.addi %mul3A_56, %add3A_57 : i32
      %min3A_59 = arith.constant 9 : i32
      %min3A_60 = arith.minsi %add3A_58, %min3A_59 : i32
      %mul3A_61 = arith.constant 10 : i32
      %mul3A_62 = arith.muli %add3A, %mul3A_61 : i32
      %add3A_63 = arith.addi %mul3A_62, %min3A_60 : i32
      %mul3A_64 = arith.constant 8 : i32
      %mul3A_65 = arith.muli %add3A_63, %mul3A_64 : i32
      %multiple_of3A_66 = tpu.assume_multiple %mul3A_65, 8 : i32
      %dma_start3A_67 = arith.constant 0 : i32
      %dma_start3A_68 = arith.constant 0 : i32
      %dma_start3A_69 = tpu.memref_slice %arg3[%scan3A_33, %dma_start3A_67, %dma_start3A_68] : memref<2x2560x128xi32, #tpu.memory_space<hbm>> -> memref<1x2560x128xi32, #tpu.memory_space<hbm>>
      %dma_start3A_70 = tpu.memref_squeeze %dma_start3A_69 : memref<1x2560x128xi32, #tpu.memory_space<hbm>> -> memref<2560x128xi32, #tpu.memory_space<hbm>>
      %dma_start3A_71 = arith.constant 0 : i32
      %dma_start3A_72 = tpu.memref_slice %dma_start3A_70[%multiple_of3A_66, %dma_start3A_71] : memref<2560x128xi32, #tpu.memory_space<hbm>> -> memref<8x128xi32, #tpu.memory_space<hbm>>
      %dma_start3A_73 = arith.constant 0 : i32
      %dma_start3A_74 = arith.constant 0 : i32
      %dma_start3A_75 = tpu.memref_slice %arg3[%scan3A_33, %dma_start3A_73, %dma_start3A_74] : memref<2x2560x128xi32, #tpu.memory_space<hbm>> -> memref<1x2560x128xi32, #tpu.memory_space<hbm>>
      %dma_start3A_76 = tpu.memref_squeeze %dma_start3A_75 : memref<1x2560x128xi32, #tpu.memory_space<hbm>> -> memref<2560x128xi32, #tpu.memory_space<hbm>>
      %dma_start3A_77 = arith.constant 0 : i32
      %dma_start3A_78 = tpu.memref_slice %dma_start3A_76[%multiple_of3A_66, %dma_start3A_77] : memref<2560x128xi32, #tpu.memory_space<hbm>> -> memref<8x128xi32, #tpu.memory_space<hbm>>
      tpu.enqueue_dma source(%dma_start3A_78 : memref<8x128xi32, #tpu.memory_space<hbm>>) target(%arg7 : memref<8x128xi32, #tpu.memory_space<vmem>>) target_semaphore(%arg15 : memref<!tpu.dma_semaphore, #tpu.memory_space<semaphore_mem>>)
      %add3A_79 = arith.constant 1 : i32
      %add3A_80 = arith.addi %mul3A_56, %add3A_79 : i32
      %min3A_81 = arith.constant 9 : i32
      %min3A_82 = arith.minsi %add3A_80, %min3A_81 : i32
      %mul3A_83 = arith.constant 10 : i32
      %mul3A_84 = arith.muli %add3A, %mul3A_83 : i32
      %add3A_85 = arith.addi %mul3A_84, %min3A_82 : i32
      %mul3A_86 = arith.constant 8 : i32
      %mul3A_87 = arith.muli %add3A_85, %mul3A_86 : i32
      %multiple_of3A_88 = tpu.assume_multiple %mul3A_87, 8 : i32
      %dma_start3A_89 = arith.constant 0 : i32
      %dma_start3A_90 = arith.constant 0 : i32
      %dma_start3A_91 = tpu.memref_slice %arg3[%scan3A_34, %dma_start3A_89, %dma_start3A_90] : memref<2x2560x128xi32, #tpu.memory_space<hbm>> -> memref<1x2560x128xi32, #tpu.memory_space<hbm>>
      %dma_start3A_92 = tpu.memref_squeeze %dma_start3A_91 : memref<1x2560x128xi32, #tpu.memory_space<hbm>> -> memref<2560x128xi32, #tpu.memory_space<hbm>>
      %dma_start3A_93 = arith.constant 0 : i32
      %dma_start3A_94 = tpu.memref_slice %dma_start3A_92[%multiple_of3A_88, %dma_start3A_93] : memref<2560x128xi32, #tpu.memory_space<hbm>> -> memref<8x128xi32, #tpu.memory_space<hbm>>
      %dma_start3A_95 = arith.constant 0 : i32
      %dma_start3A_96 = arith.constant 0 : i32
      %dma_start3A_97 = tpu.memref_slice %arg3[%scan3A_34, %dma_start3A_95, %dma_start3A_96] : memref<2x2560x128xi32, #tpu.memory_space<hbm>> -> memref<1x2560x128xi32, #tpu.memory_space<hbm>>
      %dma_start3A_98 = tpu.memref_squeeze %dma_start3A_97 : memref<1x2560x128xi32, #tpu.memory_space<hbm>> -> memref<2560x128xi32, #tpu.memory_space<hbm>>
      %dma_start3A_99 = arith.constant 0 : i32
      %dma_start3A_100 = tpu.memref_slice %dma_start3A_98[%multiple_of3A_88, %dma_start3A_99] : memref<2560x128xi32, #tpu.memory_space<hbm>> -> memref<8x128xi32, #tpu.memory_space<hbm>>
      tpu.enqueue_dma source(%dma_start3A_100 : memref<8x128xi32, #tpu.memory_space<hbm>>) target(%arg9 : memref<8x128xi32, #tpu.memory_space<vmem>>) target_semaphore(%arg15 : memref<!tpu.dma_semaphore, #tpu.memory_space<semaphore_mem>>)
      %dma_wait3A_101 = arith.constant 0 : i32
      %dma_wait3A_102 = arith.constant 0 : i32
      %dma_wait3A_103 = tpu.memref_slice %arg6[%dma_wait3A_101, %dma_wait3A_102] : memref<8x128xi32, #tpu.memory_space<vmem>> -> memref<1x128xi32, #tpu.memory_space<vmem>>
      %dma_wait3A_104 = tpu.memref_squeeze %dma_wait3A_103 : memref<1x128xi32, #tpu.memory_space<vmem>> -> memref<128xi32, #tpu.memory_space<vmem>>
      %dma_wait3A_105 = arith.constant 0 : i32
      %dma_wait3A_106 = arith.constant 0 : i32
      %dma_wait3A_107 = tpu.memref_slice %arg12[%dma_wait3A_105, %dma_wait3A_106] : memref<10240x64xf32, #tpu.memory_space<vmem_shared>> -> memref<10240x64xf32, #tpu.memory_space<vmem_shared>>
      tpu.wait_indirect_dma semaphore(%arg16 : memref<!tpu.dma_semaphore, #tpu.memory_space<semaphore_mem>>) src(%dma_wait3A_107 : memref<10240x64xf32, #tpu.memory_space<vmem_shared>>) dst(%arg10 : memref<128x64xf32, #tpu.memory_space<vmem>>)
      %dma_start3A_108 = arith.constant 0 : i32
      %dma_start3A_109 = arith.constant 0 : i32
      %dma_start3A_110 = tpu.memref_slice %arg8[%dma_start3A_108, %dma_start3A_109] : memref<8x128xi32, #tpu.memory_space<vmem>> -> memref<1x128xi32, #tpu.memory_space<vmem>>
      %dma_start3A_111 = tpu.memref_squeeze %dma_start3A_110 : memref<1x128xi32, #tpu.memory_space<vmem>> -> memref<128xi32, #tpu.memory_space<vmem>>
      %dma_start3A_112 = arith.constant 0 : i32
      %dma_start3A_113 = arith.constant 0 : i32
      %dma_start3A_114 = tpu.memref_slice %arg13[%dma_start3A_112, %dma_start3A_113] : memref<10240x64xf32, #tpu.memory_space<vmem_shared>> -> memref<10240x64xf32, #tpu.memory_space<vmem_shared>>
      tpu.enqueue_indirect_dma source(%arg10 : memref<128x64xf32, #tpu.memory_space<vmem>>) target(%dma_start3A_114 : memref<10240x64xf32, #tpu.memory_space<vmem_shared>>) offsets(%dma_start3A_111 : memref<128xi32, #tpu.memory_space<vmem>>) semaphore(%arg18 : memref<!tpu.dma_semaphore, #tpu.memory_space<semaphore_mem>>) {add = true}
      %dma_wait3A_115 = arith.constant 0 : i32
      %dma_wait3A_116 = arith.constant 0 : i32
      %dma_wait3A_117 = tpu.memref_slice %arg8[%dma_wait3A_115, %dma_wait3A_116] : memref<8x128xi32, #tpu.memory_space<vmem>> -> memref<1x128xi32, #tpu.memory_space<vmem>>
      %dma_wait3A_118 = tpu.memref_squeeze %dma_wait3A_117 : memref<1x128xi32, #tpu.memory_space<vmem>> -> memref<128xi32, #tpu.memory_space<vmem>>
      %dma_wait3A_119 = arith.constant 0 : i32
      %dma_wait3A_120 = arith.constant 0 : i32
      %dma_wait3A_121 = tpu.memref_slice %arg13[%dma_wait3A_119, %dma_wait3A_120] : memref<10240x64xf32, #tpu.memory_space<vmem_shared>> -> memref<10240x64xf32, #tpu.memory_space<vmem_shared>>
      tpu.wait_indirect_dma semaphore(%arg19 : memref<!tpu.dma_semaphore, #tpu.memory_space<semaphore_mem>>) src(%arg11 : memref<128x64xf32, #tpu.memory_space<vmem>>) dst(%dma_wait3A_121 : memref<10240x64xf32, #tpu.memory_space<vmem_shared>>)
      %dma_start3A_122 = arith.constant 1 : i32
      %dma_start3A_123 = arith.constant 0 : i32
      %dma_start3A_124 = tpu.memref_slice %arg6[%dma_start3A_122, %dma_start3A_123] : memref<8x128xi32, #tpu.memory_space<vmem>> -> memref<1x128xi32, #tpu.memory_space<vmem>>
      %dma_start3A_125 = tpu.memref_squeeze %dma_start3A_124 : memref<1x128xi32, #tpu.memory_space<vmem>> -> memref<128xi32, #tpu.memory_space<vmem>>
      %dma_start3A_126 = arith.constant 0 : i32
      %dma_start3A_127 = arith.constant 0 : i32
      %dma_start3A_128 = tpu.memref_slice %arg12[%dma_start3A_126, %dma_start3A_127] : memref<10240x64xf32, #tpu.memory_space<vmem_shared>> -> memref<10240x64xf32, #tpu.memory_space<vmem_shared>>
      tpu.enqueue_indirect_dma source(%dma_start3A_128 : memref<10240x64xf32, #tpu.memory_space<vmem_shared>>) target(%arg11 : memref<128x64xf32, #tpu.memory_space<vmem>>) offsets(%dma_start3A_125 : memref<128xi32, #tpu.memory_space<vmem>>) semaphore(%arg17 : memref<!tpu.dma_semaphore, #tpu.memory_space<semaphore_mem>>)
      %dma_wait3A_129 = arith.constant 1 : i32
      %dma_wait3A_130 = arith.constant 0 : i32
      %dma_wait3A_131 = tpu.memref_slice %arg6[%dma_wait3A_129, %dma_wait3A_130] : memref<8x128xi32, #tpu.memory_space<vmem>> -> memref<1x128xi32, #tpu.memory_space<vmem>>
      %dma_wait3A_132 = tpu.memref_squeeze %dma_wait3A_131 : memref<1x128xi32, #tpu.memory_space<vmem>> -> memref<128xi32, #tpu.memory_space<vmem>>
      %dma_wait3A_133 = arith.constant 0 : i32
      %dma_wait3A_134 = arith.constant 0 : i32
      %dma_wait3A_135 = tpu.memref_slice %arg12[%dma_wait3A_133, %dma_wait3A_134] : memref<10240x64xf32, #tpu.memory_space<vmem_shared>> -> memref<10240x64xf32, #tpu.memory_space<vmem_shared>>
      tpu.wait_indirect_dma semaphore(%arg17 : memref<!tpu.dma_semaphore, #tpu.memory_space<semaphore_mem>>) src(%dma_wait3A_135 : memref<10240x64xf32, #tpu.memory_space<vmem_shared>>) dst(%arg11 : memref<128x64xf32, #tpu.memory_space<vmem>>)
      %dma_start3A_136 = arith.constant 1 : i32
      %dma_start3A_137 = arith.constant 0 : i32
      %dma_start3A_138 = tpu.memref_slice %arg8[%dma_start3A_136, %dma_start3A_137] : memref<8x128xi32, #tpu.memory_space<vmem>> -> memref<1x128xi32, #tpu.memory_space<vmem>>
      %dma_start3A_139 = tpu.memref_squeeze %dma_start3A_138 : memref<1x128xi32, #tpu.memory_space<vmem>> -> memref<128xi32, #tpu.memory_space<vmem>>
      %dma_start3A_140 = arith.constant 0 : i32
      %dma_start3A_141 = arith.constant 0 : i32
      %dma_start3A_142 = tpu.memref_slice %arg13[%dma_start3A_140, %dma_start3A_141] : memref<10240x64xf32, #tpu.memory_space<vmem_shared>> -> memref<10240x64xf32, #tpu.memory_space<vmem_shared>>
      tpu.enqueue_indirect_dma source(%arg11 : memref<128x64xf32, #tpu.memory_space<vmem>>) target(%dma_start3A_142 : memref<10240x64xf32, #tpu.memory_space<vmem_shared>>) offsets(%dma_start3A_139 : memref<128xi32, #tpu.memory_space<vmem>>) semaphore(%arg19 : memref<!tpu.dma_semaphore, #tpu.memory_space<semaphore_mem>>) {add = true}
      %dma_wait3A_143 = arith.constant 1 : i32
      %dma_wait3A_144 = arith.constant 0 : i32
      %dma_wait3A_145 = tpu.memref_slice %arg8[%dma_wait3A_143, %dma_wait3A_144] : memref<8x128xi32, #tpu.memory_space<vmem>> -> memref<1x128xi32, #tpu.memory_space<vmem>>
      %dma_wait3A_146 = tpu.memref_squeeze %dma_wait3A_145 : memref<1x128xi32, #tpu.memory_space<vmem>> -> memref<128xi32, #tpu.memory_space<vmem>>
      %dma_wait3A_147 = arith.constant 0 : i32
      %dma_wait3A_148 = arith.constant 0 : i32
      %dma_wait3A_149 = tpu.memref_slice %arg13[%dma_wait3A_147, %dma_wait3A_148] : memref<10240x64xf32, #tpu.memory_space<vmem_shared>> -> memref<10240x64xf32, #tpu.memory_space<vmem_shared>>
      tpu.wait_indirect_dma semaphore(%arg18 : memref<!tpu.dma_semaphore, #tpu.memory_space<semaphore_mem>>) src(%arg10 : memref<128x64xf32, #tpu.memory_space<vmem>>) dst(%dma_wait3A_149 : memref<10240x64xf32, #tpu.memory_space<vmem_shared>>)
      %dma_start3A_150 = arith.constant 2 : i32
      %dma_start3A_151 = arith.constant 0 : i32
      %dma_start3A_152 = tpu.memref_slice %arg6[%dma_start3A_150, %dma_start3A_151] : memref<8x128xi32, #tpu.memory_space<vmem>> -> memref<1x128xi32, #tpu.memory_space<vmem>>
      %dma_start3A_153 = tpu.memref_squeeze %dma_start3A_152 : memref<1x128xi32, #tpu.memory_space<vmem>> -> memref<128xi32, #tpu.memory_space<vmem>>
      %dma_start3A_154 = arith.constant 0 : i32
      %dma_start3A_155 = arith.constant 0 : i32
      %dma_start3A_156 = tpu.memref_slice %arg12[%dma_start3A_154, %dma_start3A_155] : memref<10240x64xf32, #tpu.memory_space<vmem_shared>> -> memref<10240x64xf32, #tpu.memory_space<vmem_shared>>
      tpu.enqueue_indirect_dma source(%dma_start3A_156 : memref<10240x64xf32, #tpu.memory_space<vmem_shared>>) target(%arg10 : memref<128x64xf32, #tpu.memory_space<vmem>>) offsets(%dma_start3A_153 : memref<128xi32, #tpu.memory_space<vmem>>) semaphore(%arg16 : memref<!tpu.dma_semaphore, #tpu.memory_space<semaphore_mem>>)
      %dma_wait3A_157 = arith.constant 2 : i32
      %dma_wait3A_158 = arith.constant 0 : i32
      %dma_wait3A_159 = tpu.memref_slice %arg6[%dma_wait3A_157, %dma_wait3A_158] : memref<8x128xi32, #tpu.memory_space<vmem>> -> memref<1x128xi32, #tpu.memory_space<vmem>>
      %dma_wait3A_160 = tpu.memref_squeeze %dma_wait3A_159 : memref<1x128xi32, #tpu.memory_space<vmem>> -> memref<128xi32, #tpu.memory_space<vmem>>
      %dma_wait3A_161 = arith.constant 0 : i32
      %dma_wait3A_162 = arith.constant 0 : i32
      %dma_wait3A_163 = tpu.memref_slice %arg12[%dma_wait3A_161, %dma_wait3A_162] : memref<10240x64xf32, #tpu.memory_space<vmem_shared>> -> memref<10240x64xf32, #tpu.memory_space<vmem_shared>>
      tpu.wait_indirect_dma semaphore(%arg16 : memref<!tpu.dma_semaphore, #tpu.memory_space<semaphore_mem>>) src(%dma_wait3A_163 : memref<10240x64xf32, #tpu.memory_space<vmem_shared>>) dst(%arg10 : memref<128x64xf32, #tpu.memory_space<vmem>>)
      %dma_start3A_164 = arith.constant 2 : i32
      %dma_start3A_165 = arith.constant 0 : i32
      %dma_start3A_166 = tpu.memref_slice %arg8[%dma_start3A_164, %dma_start3A_165] : memref<8x128xi32, #tpu.memory_space<vmem>> -> memref<1x128xi32, #tpu.memory_space<vmem>>
      %dma_start3A_167 = tpu.memref_squeeze %dma_start3A_166 : memref<1x128xi32, #tpu.memory_space<vmem>> -> memref<128xi32, #tpu.memory_space<vmem>>
      %dma_start3A_168 = arith.constant 0 : i32
      %dma_start3A_169 = arith.constant 0 : i32
      %dma_start3A_170 = tpu.memref_slice %arg13[%dma_start3A_168, %dma_start3A_169] : memref<10240x64xf32, #tpu.memory_space<vmem_shared>> -> memref<10240x64xf32, #tpu.memory_space<vmem_shared>>
      tpu.enqueue_indirect_dma source(%arg10 : memref<128x64xf32, #tpu.memory_space<vmem>>) target(%dma_start3A_170 : memref<10240x64xf32, #tpu.memory_space<vmem_shared>>) offsets(%dma_start3A_167 : memref<128xi32, #tpu.memory_space<vmem>>) semaphore(%arg18 : memref<!tpu.dma_semaphore, #tpu.memory_space<semaphore_mem>>) {add = true}
      %dma_wait3A_171 = arith.constant 2 : i32
      %dma_wait3A_172 = arith.constant 0 : i32
      %dma_wait3A_173 = tpu.memref_slice %arg8[%dma_wait3A_171, %dma_wait3A_172] : memref<8x128xi32, #tpu.memory_space<vmem>> -> memref<1x128xi32, #tpu.memory_space<vmem>>
      %dma_wait3A_174 = tpu.memref_squeeze %dma_wait3A_173 : memref<1x128xi32, #tpu.memory_space<vmem>> -> memref<128xi32, #tpu.memory_space<vmem>>
      %dma_wait3A_175 = arith.constant 0 : i32
      %dma_wait3A_176 = arith.constant 0 : i32
      %dma_wait3A_177 = tpu.memref_slice %arg13[%dma_wait3A_175, %dma_wait3A_176] : memref<10240x64xf32, #tpu.memory_space<vmem_shared>> -> memref<10240x64xf32, #tpu.memory_space<vmem_shared>>
      tpu.wait_indirect_dma semaphore(%arg19 : memref<!tpu.dma_semaphore, #tpu.memory_space<semaphore_mem>>) src(%arg11 : memref<128x64xf32, #tpu.memory_space<vmem>>) dst(%dma_wait3A_177 : memref<10240x64xf32, #tpu.memory_space<vmem_shared>>)
      %dma_start3A_178 = arith.constant 3 : i32
      %dma_start3A_179 = arith.constant 0 : i32
      %dma_start3A_180 = tpu.memref_slice %arg6[%dma_start3A_178, %dma_start3A_179] : memref<8x128xi32, #tpu.memory_space<vmem>> -> memref<1x128xi32, #tpu.memory_space<vmem>>
      %dma_start3A_181 = tpu.memref_squeeze %dma_start3A_180 : memref<1x128xi32, #tpu.memory_space<vmem>> -> memref<128xi32, #tpu.memory_space<vmem>>
      %dma_start3A_182 = arith.constant 0 : i32
      %dma_start3A_183 = arith.constant 0 : i32
      %dma_start3A_184 = tpu.memref_slice %arg12[%dma_start3A_182, %dma_start3A_183] : memref<10240x64xf32, #tpu.memory_space<vmem_shared>> -> memref<10240x64xf32, #tpu.memory_space<vmem_shared>>
      tpu.enqueue_indirect_dma source(%dma_start3A_184 : memref<10240x64xf32, #tpu.memory_space<vmem_shared>>) target(%arg11 : memref<128x64xf32, #tpu.memory_space<vmem>>) offsets(%dma_start3A_181 : memref<128xi32, #tpu.memory_space<vmem>>) semaphore(%arg17 : memref<!tpu.dma_semaphore, #tpu.memory_space<semaphore_mem>>)
      %dma_wait3A_185 = arith.constant 3 : i32
      %dma_wait3A_186 = arith.constant 0 : i32
      %dma_wait3A_187 = tpu.memref_slice %arg6[%dma_wait3A_185, %dma_wait3A_186] : memref<8x128xi32, #tpu.memory_space<vmem>> -> memref<1x128xi32, #tpu.memory_space<vmem>>
      %dma_wait3A_188 = tpu.memref_squeeze %dma_wait3A_187 : memref<1x128xi32, #tpu.memory_space<vmem>> -> memref<128xi32, #tpu.memory_space<vmem>>
      %dma_wait3A_189 = arith.constant 0 : i32
      %dma_wait3A_190 = arith.constant 0 : i32
      %dma_wait3A_191 = tpu.memref_slice %arg12[%dma_wait3A_189, %dma_wait3A_190] : memref<10240x64xf32, #tpu.memory_space<vmem_shared>> -> memref<10240x64xf32, #tpu.memory_space<vmem_shared>>
      tpu.wait_indirect_dma semaphore(%arg17 : memref<!tpu.dma_semaphore, #tpu.memory_space<semaphore_mem>>) src(%dma_wait3A_191 : memref<10240x64xf32, #tpu.memory_space<vmem_shared>>) dst(%arg11 : memref<128x64xf32, #tpu.memory_space<vmem>>)
      %dma_start3A_192 = arith.constant 3 : i32
      %dma_start3A_193 = arith.constant 0 : i32
      %dma_start3A_194 = tpu.memref_slice %arg8[%dma_start3A_192, %dma_start3A_193] : memref<8x128xi32, #tpu.memory_space<vmem>> -> memref<1x128xi32, #tpu.memory_space<vmem>>
      %dma_start3A_195 = tpu.memref_squeeze %dma_start3A_194 : memref<1x128xi32, #tpu.memory_space<vmem>> -> memref<128xi32, #tpu.memory_space<vmem>>
      %dma_start3A_196 = arith.constant 0 : i32
      %dma_start3A_197 = arith.constant 0 : i32
      %dma_start3A_198 = tpu.memref_slice %arg13[%dma_start3A_196, %dma_start3A_197] : memref<10240x64xf32, #tpu.memory_space<vmem_shared>> -> memref<10240x64xf32, #tpu.memory_space<vmem_shared>>
      tpu.enqueue_indirect_dma source(%arg11 : memref<128x64xf32, #tpu.memory_space<vmem>>) target(%dma_start3A_198 : memref<10240x64xf32, #tpu.memory_space<vmem_shared>>) offsets(%dma_start3A_195 : memref<128xi32, #tpu.memory_space<vmem>>) semaphore(%arg19 : memref<!tpu.dma_semaphore, #tpu.memory_space<semaphore_mem>>) {add = true}
      %dma_wait3A_199 = arith.constant 3 : i32
      %dma_wait3A_200 = arith.constant 0 : i32
      %dma_wait3A_201 = tpu.memref_slice %arg8[%dma_wait3A_199, %dma_wait3A_200] : memref<8x128xi32, #tpu.memory_space<vmem>> -> memref<1x128xi32, #tpu.memory_space<vmem>>
      %dma_wait3A_202 = tpu.memref_squeeze %dma_wait3A_201 : memref<1x128xi32, #tpu.memory_space<vmem>> -> memref<128xi32, #tpu.memory_space<vmem>>
      %dma_wait3A_203 = arith.constant 0 : i32
      %dma_wait3A_204 = arith.constant 0 : i32
      %dma_wait3A_205 = tpu.memref_slice %arg13[%dma_wait3A_203, %dma_wait3A_204] : memref<10240x64xf32, #tpu.memory_space<vmem_shared>> -> memref<10240x64xf32, #tpu.memory_space<vmem_shared>>
      tpu.wait_indirect_dma semaphore(%arg18 : memref<!tpu.dma_semaphore, #tpu.memory_space<semaphore_mem>>) src(%arg10 : memref<128x64xf32, #tpu.memory_space<vmem>>) dst(%dma_wait3A_205 : memref<10240x64xf32, #tpu.memory_space<vmem_shared>>)
      %dma_start3A_206 = arith.constant 4 : i32
      %dma_start3A_207 = arith.constant 0 : i32
      %dma_start3A_208 = tpu.memref_slice %arg6[%dma_start3A_206, %dma_start3A_207] : memref<8x128xi32, #tpu.memory_space<vmem>> -> memref<1x128xi32, #tpu.memory_space<vmem>>
      %dma_start3A_209 = tpu.memref_squeeze %dma_start3A_208 : memref<1x128xi32, #tpu.memory_space<vmem>> -> memref<128xi32, #tpu.memory_space<vmem>>
      %dma_start3A_210 = arith.constant 0 : i32
      %dma_start3A_211 = arith.constant 0 : i32
      %dma_start3A_212 = tpu.memref_slice %arg12[%dma_start3A_210, %dma_start3A_211] : memref<10240x64xf32, #tpu.memory_space<vmem_shared>> -> memref<10240x64xf32, #tpu.memory_space<vmem_shared>>
      tpu.enqueue_indirect_dma source(%dma_start3A_212 : memref<10240x64xf32, #tpu.memory_space<vmem_shared>>) target(%arg10 : memref<128x64xf32, #tpu.memory_space<vmem>>) offsets(%dma_start3A_209 : memref<128xi32, #tpu.memory_space<vmem>>) semaphore(%arg16 : memref<!tpu.dma_semaphore, #tpu.memory_space<semaphore_mem>>)
      %dma_wait3A_213 = arith.constant 4 : i32
      %dma_wait3A_214 = arith.constant 0 : i32
      %dma_wait3A_215 = tpu.memref_slice %arg6[%dma_wait3A_213, %dma_wait3A_214] : memref<8x128xi32, #tpu.memory_space<vmem>> -> memref<1x128xi32, #tpu.memory_space<vmem>>
      %dma_wait3A_216 = tpu.memref_squeeze %dma_wait3A_215 : memref<1x128xi32, #tpu.memory_space<vmem>> -> memref<128xi32, #tpu.memory_space<vmem>>
      %dma_wait3A_217 = arith.constant 0 : i32
      %dma_wait3A_218 = arith.constant 0 : i32
      %dma_wait3A_219 = tpu.memref_slice %arg12[%dma_wait3A_217, %dma_wait3A_218] : memref<10240x64xf32, #tpu.memory_space<vmem_shared>> -> memref<10240x64xf32, #tpu.memory_space<vmem_shared>>
      tpu.wait_indirect_dma semaphore(%arg16 : memref<!tpu.dma_semaphore, #tpu.memory_space<semaphore_mem>>) src(%dma_wait3A_219 : memref<10240x64xf32, #tpu.memory_space<vmem_shared>>) dst(%arg10 : memref<128x64xf32, #tpu.memory_space<vmem>>)
      %dma_start3A_220 = arith.constant 4 : i32
      %dma_start3A_221 = arith.constant 0 : i32
      %dma_start3A_222 = tpu.memref_slice %arg8[%dma_start3A_220, %dma_start3A_221] : memref<8x128xi32, #tpu.memory_space<vmem>> -> memref<1x128xi32, #tpu.memory_space<vmem>>
      %dma_start3A_223 = tpu.memref_squeeze %dma_start3A_222 : memref<1x128xi32, #tpu.memory_space<vmem>> -> memref<128xi32, #tpu.memory_space<vmem>>
      %dma_start3A_224 = arith.constant 0 : i32
      %dma_start3A_225 = arith.constant 0 : i32
      %dma_start3A_226 = tpu.memref_slice %arg13[%dma_start3A_224, %dma_start3A_225] : memref<10240x64xf32, #tpu.memory_space<vmem_shared>> -> memref<10240x64xf32, #tpu.memory_space<vmem_shared>>
      tpu.enqueue_indirect_dma source(%arg10 : memref<128x64xf32, #tpu.memory_space<vmem>>) target(%dma_start3A_226 : memref<10240x64xf32, #tpu.memory_space<vmem_shared>>) offsets(%dma_start3A_223 : memref<128xi32, #tpu.memory_space<vmem>>) semaphore(%arg18 : memref<!tpu.dma_semaphore, #tpu.memory_space<semaphore_mem>>) {add = true}
      %dma_wait3A_227 = arith.constant 4 : i32
      %dma_wait3A_228 = arith.constant 0 : i32
      %dma_wait3A_229 = tpu.memref_slice %arg8[%dma_wait3A_227, %dma_wait3A_228] : memref<8x128xi32, #tpu.memory_space<vmem>> -> memref<1x128xi32, #tpu.memory_space<vmem>>
      %dma_wait3A_230 = tpu.memref_squeeze %dma_wait3A_229 : memref<1x128xi32, #tpu.memory_space<vmem>> -> memref<128xi32, #tpu.memory_space<vmem>>
      %dma_wait3A_231 = arith.constant 0 : i32
      %dma_wait3A_232 = arith.constant 0 : i32
      %dma_wait3A_233 = tpu.memref_slice %arg13[%dma_wait3A_231, %dma_wait3A_232] : memref<10240x64xf32, #tpu.memory_space<vmem_shared>> -> memref<10240x64xf32, #tpu.memory_space<vmem_shared>>
      tpu.wait_indirect_dma semaphore(%arg19 : memref<!tpu.dma_semaphore, #tpu.memory_space<semaphore_mem>>) src(%arg11 : memref<128x64xf32, #tpu.memory_space<vmem>>) dst(%dma_wait3A_233 : memref<10240x64xf32, #tpu.memory_space<vmem_shared>>)
      %dma_start3A_234 = arith.constant 5 : i32
      %dma_start3A_235 = arith.constant 0 : i32
      %dma_start3A_236 = tpu.memref_slice %arg6[%dma_start3A_234, %dma_start3A_235] : memref<8x128xi32, #tpu.memory_space<vmem>> -> memref<1x128xi32, #tpu.memory_space<vmem>>
      %dma_start3A_237 = tpu.memref_squeeze %dma_start3A_236 : memref<1x128xi32, #tpu.memory_space<vmem>> -> memref<128xi32, #tpu.memory_space<vmem>>
      %dma_start3A_238 = arith.constant 0 : i32
      %dma_start3A_239 = arith.constant 0 : i32
      %dma_start3A_240 = tpu.memref_slice %arg12[%dma_start3A_238, %dma_start3A_239] : memref<10240x64xf32, #tpu.memory_space<vmem_shared>> -> memref<10240x64xf32, #tpu.memory_space<vmem_shared>>
      tpu.enqueue_indirect_dma source(%dma_start3A_240 : memref<10240x64xf32, #tpu.memory_space<vmem_shared>>) target(%arg11 : memref<128x64xf32, #tpu.memory_space<vmem>>) offsets(%dma_start3A_237 : memref<128xi32, #tpu.memory_space<vmem>>) semaphore(%arg17 : memref<!tpu.dma_semaphore, #tpu.memory_space<semaphore_mem>>)
      %dma_wait3A_241 = arith.constant 5 : i32
      %dma_wait3A_242 = arith.constant 0 : i32
      %dma_wait3A_243 = tpu.memref_slice %arg6[%dma_wait3A_241, %dma_wait3A_242] : memref<8x128xi32, #tpu.memory_space<vmem>> -> memref<1x128xi32, #tpu.memory_space<vmem>>
      %dma_wait3A_244 = tpu.memref_squeeze %dma_wait3A_243 : memref<1x128xi32, #tpu.memory_space<vmem>> -> memref<128xi32, #tpu.memory_space<vmem>>
      %dma_wait3A_245 = arith.constant 0 : i32
      %dma_wait3A_246 = arith.constant 0 : i32
      %dma_wait3A_247 = tpu.memref_slice %arg12[%dma_wait3A_245, %dma_wait3A_246] : memref<10240x64xf32, #tpu.memory_space<vmem_shared>> -> memref<10240x64xf32, #tpu.memory_space<vmem_shared>>
      tpu.wait_indirect_dma semaphore(%arg17 : memref<!tpu.dma_semaphore, #tpu.memory_space<semaphore_mem>>) src(%dma_wait3A_247 : memref<10240x64xf32, #tpu.memory_space<vmem_shared>>) dst(%arg11 : memref<128x64xf32, #tpu.memory_space<vmem>>)
      %dma_start3A_248 = arith.constant 5 : i32
      %dma_start3A_249 = arith.constant 0 : i32
      %dma_start3A_250 = tpu.memref_slice %arg8[%dma_start3A_248, %dma_start3A_249] : memref<8x128xi32, #tpu.memory_space<vmem>> -> memref<1x128xi32, #tpu.memory_space<vmem>>
      %dma_start3A_251 = tpu.memref_squeeze %dma_start3A_250 : memref<1x128xi32, #tpu.memory_space<vmem>> -> memref<128xi32, #tpu.memory_space<vmem>>
      %dma_start3A_252 = arith.constant 0 : i32
      %dma_start3A_253 = arith.constant 0 : i32
      %dma_start3A_254 = tpu.memref_slice %arg13[%dma_start3A_252, %dma_start3A_253] : memref<10240x64xf32, #tpu.memory_space<vmem_shared>> -> memref<10240x64xf32, #tpu.memory_space<vmem_shared>>
      tpu.enqueue_indirect_dma source(%arg11 : memref<128x64xf32, #tpu.memory_space<vmem>>) target(%dma_start3A_254 : memref<10240x64xf32, #tpu.memory_space<vmem_shared>>) offsets(%dma_start3A_251 : memref<128xi32, #tpu.memory_space<vmem>>) semaphore(%arg19 : memref<!tpu.dma_semaphore, #tpu.memory_space<semaphore_mem>>) {add = true}
      %dma_wait3A_255 = arith.constant 5 : i32
      %dma_wait3A_256 = arith.constant 0 : i32
      %dma_wait3A_257 = tpu.memref_slice %arg8[%dma_wait3A_255, %dma_wait3A_256] : memref<8x128xi32, #tpu.memory_space<vmem>> -> memref<1x128xi32, #tpu.memory_space<vmem>>
      %dma_wait3A_258 = tpu.memref_squeeze %dma_wait3A_257 : memref<1x128xi32, #tpu.memory_space<vmem>> -> memref<128xi32, #tpu.memory_space<vmem>>
      %dma_wait3A_259 = arith.constant 0 : i32
      %dma_wait3A_260 = arith.constant 0 : i32
      %dma_wait3A_261 = tpu.memref_slice %arg13[%dma_wait3A_259, %dma_wait3A_260] : memref<10240x64xf32, #tpu.memory_space<vmem_shared>> -> memref<10240x64xf32, #tpu.memory_space<vmem_shared>>
      tpu.wait_indirect_dma semaphore(%arg18 : memref<!tpu.dma_semaphore, #tpu.memory_space<semaphore_mem>>) src(%arg10 : memref<128x64xf32, #tpu.memory_space<vmem>>) dst(%dma_wait3A_261 : memref<10240x64xf32, #tpu.memory_space<vmem_shared>>)
      %dma_start3A_262 = arith.constant 6 : i32
      %dma_start3A_263 = arith.constant 0 : i32
      %dma_start3A_264 = tpu.memref_slice %arg6[%dma_start3A_262, %dma_start3A_263] : memref<8x128xi32, #tpu.memory_space<vmem>> -> memref<1x128xi32, #tpu.memory_space<vmem>>
      %dma_start3A_265 = tpu.memref_squeeze %dma_start3A_264 : memref<1x128xi32, #tpu.memory_space<vmem>> -> memref<128xi32, #tpu.memory_space<vmem>>
      %dma_start3A_266 = arith.constant 0 : i32
      %dma_start3A_267 = arith.constant 0 : i32
      %dma_start3A_268 = tpu.memref_slice %arg12[%dma_start3A_266, %dma_start3A_267] : memref<10240x64xf32, #tpu.memory_space<vmem_shared>> -> memref<10240x64xf32, #tpu.memory_space<vmem_shared>>
      tpu.enqueue_indirect_dma source(%dma_start3A_268 : memref<10240x64xf32, #tpu.memory_space<vmem_shared>>) target(%arg10 : memref<128x64xf32, #tpu.memory_space<vmem>>) offsets(%dma_start3A_265 : memref<128xi32, #tpu.memory_space<vmem>>) semaphore(%arg16 : memref<!tpu.dma_semaphore, #tpu.memory_space<semaphore_mem>>)
      %dma_wait3A_269 = arith.constant 6 : i32
      %dma_wait3A_270 = arith.constant 0 : i32
      %dma_wait3A_271 = tpu.memref_slice %arg6[%dma_wait3A_269, %dma_wait3A_270] : memref<8x128xi32, #tpu.memory_space<vmem>> -> memref<1x128xi32, #tpu.memory_space<vmem>>
      %dma_wait3A_272 = tpu.memref_squeeze %dma_wait3A_271 : memref<1x128xi32, #tpu.memory_space<vmem>> -> memref<128xi32, #tpu.memory_space<vmem>>
      %dma_wait3A_273 = arith.constant 0 : i32
      %dma_wait3A_274 = arith.constant 0 : i32
      %dma_wait3A_275 = tpu.memref_slice %arg12[%dma_wait3A_273, %dma_wait3A_274] : memref<10240x64xf32, #tpu.memory_space<vmem_shared>> -> memref<10240x64xf32, #tpu.memory_space<vmem_shared>>
      tpu.wait_indirect_dma semaphore(%arg16 : memref<!tpu.dma_semaphore, #tpu.memory_space<semaphore_mem>>) src(%dma_wait3A_275 : memref<10240x64xf32, #tpu.memory_space<vmem_shared>>) dst(%arg10 : memref<128x64xf32, #tpu.memory_space<vmem>>)
      %dma_start3A_276 = arith.constant 6 : i32
      %dma_start3A_277 = arith.constant 0 : i32
      %dma_start3A_278 = tpu.memref_slice %arg8[%dma_start3A_276, %dma_start3A_277] : memref<8x128xi32, #tpu.memory_space<vmem>> -> memref<1x128xi32, #tpu.memory_space<vmem>>
      %dma_start3A_279 = tpu.memref_squeeze %dma_start3A_278 : memref<1x128xi32, #tpu.memory_space<vmem>> -> memref<128xi32, #tpu.memory_space<vmem>>
      %dma_start3A_280 = arith.constant 0 : i32
      %dma_start3A_281 = arith.constant 0 : i32
      %dma_start3A_282 = tpu.memref_slice %arg13[%dma_start3A_280, %dma_start3A_281] : memref<10240x64xf32, #tpu.memory_space<vmem_shared>> -> memref<10240x64xf32, #tpu.memory_space<vmem_shared>>
      tpu.enqueue_indirect_dma source(%arg10 : memref<128x64xf32, #tpu.memory_space<vmem>>) target(%dma_start3A_282 : memref<10240x64xf32, #tpu.memory_space<vmem_shared>>) offsets(%dma_start3A_279 : memref<128xi32, #tpu.memory_space<vmem>>) semaphore(%arg18 : memref<!tpu.dma_semaphore, #tpu.memory_space<semaphore_mem>>) {add = true}
      %dma_wait3A_283 = arith.constant 6 : i32
      %dma_wait3A_284 = arith.constant 0 : i32
      %dma_wait3A_285 = tpu.memref_slice %arg8[%dma_wait3A_283, %dma_wait3A_284] : memref<8x128xi32, #tpu.memory_space<vmem>> -> memref<1x128xi32, #tpu.memory_space<vmem>>
      %dma_wait3A_286 = tpu.memref_squeeze %dma_wait3A_285 : memref<1x128xi32, #tpu.memory_space<vmem>> -> memref<128xi32, #tpu.memory_space<vmem>>
      %dma_wait3A_287 = arith.constant 0 : i32
      %dma_wait3A_288 = arith.constant 0 : i32
      %dma_wait3A_289 = tpu.memref_slice %arg13[%dma_wait3A_287, %dma_wait3A_288] : memref<10240x64xf32, #tpu.memory_space<vmem_shared>> -> memref<10240x64xf32, #tpu.memory_space<vmem_shared>>
      tpu.wait_indirect_dma semaphore(%arg19 : memref<!tpu.dma_semaphore, #tpu.memory_space<semaphore_mem>>) src(%arg11 : memref<128x64xf32, #tpu.memory_space<vmem>>) dst(%dma_wait3A_289 : memref<10240x64xf32, #tpu.memory_space<vmem_shared>>)
      %dma_start3A_290 = arith.constant 7 : i32
      %dma_start3A_291 = arith.constant 0 : i32
      %dma_start3A_292 = tpu.memref_slice %arg6[%dma_start3A_290, %dma_start3A_291] : memref<8x128xi32, #tpu.memory_space<vmem>> -> memref<1x128xi32, #tpu.memory_space<vmem>>
      %dma_start3A_293 = tpu.memref_squeeze %dma_start3A_292 : memref<1x128xi32, #tpu.memory_space<vmem>> -> memref<128xi32, #tpu.memory_space<vmem>>
      %dma_start3A_294 = arith.constant 0 : i32
      %dma_start3A_295 = arith.constant 0 : i32
      %dma_start3A_296 = tpu.memref_slice %arg12[%dma_start3A_294, %dma_start3A_295] : memref<10240x64xf32, #tpu.memory_space<vmem_shared>> -> memref<10240x64xf32, #tpu.memory_space<vmem_shared>>
      tpu.enqueue_indirect_dma source(%dma_start3A_296 : memref<10240x64xf32, #tpu.memory_space<vmem_shared>>) target(%arg11 : memref<128x64xf32, #tpu.memory_space<vmem>>) offsets(%dma_start3A_293 : memref<128xi32, #tpu.memory_space<vmem>>) semaphore(%arg17 : memref<!tpu.dma_semaphore, #tpu.memory_space<semaphore_mem>>)
      %add3A_297 = arith.constant 1 : i32
      %add3A_298 = arith.addi %mul3A_56, %add3A_297 : i32
      %min3A_299 = arith.constant 9 : i32
      %min3A_300 = arith.minsi %add3A_298, %min3A_299 : i32
      %mul3A_301 = arith.constant 10 : i32
      %mul3A_302 = arith.muli %add3A, %mul3A_301 : i32
      %add3A_303 = arith.addi %mul3A_302, %min3A_300 : i32
      %mul3A_304 = arith.constant 8 : i32
      %mul3A_305 = arith.muli %add3A_303, %mul3A_304 : i32
      %multiple_of3A_306 = tpu.assume_multiple %mul3A_305, 8 : i32
      %dma_wait3A_307 = arith.constant 0 : i32
      %dma_wait3A_308 = arith.constant 0 : i32
      %dma_wait3A_309 = tpu.memref_slice %arg3[%scan3A_33, %dma_wait3A_307, %dma_wait3A_308] : memref<2x2560x128xi32, #tpu.memory_space<hbm>> -> memref<1x2560x128xi32, #tpu.memory_space<hbm>>
      %dma_wait3A_310 = tpu.memref_squeeze %dma_wait3A_309 : memref<1x2560x128xi32, #tpu.memory_space<hbm>> -> memref<2560x128xi32, #tpu.memory_space<hbm>>
      %dma_wait3A_311 = arith.constant 0 : i32
      %dma_wait3A_312 = tpu.memref_slice %dma_wait3A_310[%multiple_of3A_306, %dma_wait3A_311] : memref<2560x128xi32, #tpu.memory_space<hbm>> -> memref<8x128xi32, #tpu.memory_space<hbm>>
      %dma_wait3A_313 = arith.constant 0 : i32
      %dma_wait3A_314 = arith.constant 0 : i32
      %dma_wait3A_315 = tpu.memref_slice %arg3[%scan3A_33, %dma_wait3A_313, %dma_wait3A_314] : memref<2x2560x128xi32, #tpu.memory_space<hbm>> -> memref<1x2560x128xi32, #tpu.memory_space<hbm>>
      %dma_wait3A_316 = tpu.memref_squeeze %dma_wait3A_315 : memref<1x2560x128xi32, #tpu.memory_space<hbm>> -> memref<2560x128xi32, #tpu.memory_space<hbm>>
      %dma_wait3A_317 = arith.constant 0 : i32
      %dma_wait3A_318 = tpu.memref_slice %dma_wait3A_316[%multiple_of3A_306, %dma_wait3A_317] : memref<2560x128xi32, #tpu.memory_space<hbm>> -> memref<8x128xi32, #tpu.memory_space<hbm>>
      tpu.wait_dma2 semaphore(%arg15 : memref<!tpu.dma_semaphore, #tpu.memory_space<semaphore_mem>>) src(%dma_wait3A_318 : memref<8x128xi32, #tpu.memory_space<hbm>>) dst(%arg7 : memref<8x128xi32, #tpu.memory_space<vmem>>)
      %add3A_319 = arith.constant 1 : i32
      %add3A_320 = arith.addi %mul3A_56, %add3A_319 : i32
      %min3A_321 = arith.constant 9 : i32
      %min3A_322 = arith.minsi %add3A_320, %min3A_321 : i32
      %mul3A_323 = arith.constant 10 : i32
      %mul3A_324 = arith.muli %add3A, %mul3A_323 : i32
      %add3A_325 = arith.addi %mul3A_324, %min3A_322 : i32
      %mul3A_326 = arith.constant 8 : i32
      %mul3A_327 = arith.muli %add3A_325, %mul3A_326 : i32
      %multiple_of3A_328 = tpu.assume_multiple %mul3A_327, 8 : i32
      %dma_wait3A_329 = arith.constant 0 : i32
      %dma_wait3A_330 = arith.constant 0 : i32
      %dma_wait3A_331 = tpu.memref_slice %arg3[%scan3A_34, %dma_wait3A_329, %dma_wait3A_330] : memref<2x2560x128xi32, #tpu.memory_space<hbm>> -> memref<1x2560x128xi32, #tpu.memory_space<hbm>>
      %dma_wait3A_332 = tpu.memref_squeeze %dma_wait3A_331 : memref<1x2560x128xi32, #tpu.memory_space<hbm>> -> memref<2560x128xi32, #tpu.memory_space<hbm>>
      %dma_wait3A_333 = arith.constant 0 : i32
      %dma_wait3A_334 = tpu.memref_slice %dma_wait3A_332[%multiple_of3A_328, %dma_wait3A_333] : memref<2560x128xi32, #tpu.memory_space<hbm>> -> memref<8x128xi32, #tpu.memory_space<hbm>>
      %dma_wait3A_335 = arith.constant 0 : i32
      %dma_wait3A_336 = arith.constant 0 : i32
      %dma_wait3A_337 = tpu.memref_slice %arg3[%scan3A_34, %dma_wait3A_335, %dma_wait3A_336] : memref<2x2560x128xi32, #tpu.memory_space<hbm>> -> memref<1x2560x128xi32, #tpu.memory_space<hbm>>
      %dma_wait3A_338 = tpu.memref_squeeze %dma_wait3A_337 : memref<1x2560x128xi32, #tpu.memory_space<hbm>> -> memref<2560x128xi32, #tpu.memory_space<hbm>>
      %dma_wait3A_339 = arith.constant 0 : i32
      %dma_wait3A_340 = tpu.memref_slice %dma_wait3A_338[%multiple_of3A_328, %dma_wait3A_339] : memref<2560x128xi32, #tpu.memory_space<hbm>> -> memref<8x128xi32, #tpu.memory_space<hbm>>
      tpu.wait_dma2 semaphore(%arg15 : memref<!tpu.dma_semaphore, #tpu.memory_space<semaphore_mem>>) src(%dma_wait3A_340 : memref<8x128xi32, #tpu.memory_space<hbm>>) dst(%arg9 : memref<8x128xi32, #tpu.memory_space<vmem>>)
      %dma_wait3A_341 = arith.constant 7 : i32
      %dma_wait3A_342 = arith.constant 0 : i32
      %dma_wait3A_343 = tpu.memref_slice %arg6[%dma_wait3A_341, %dma_wait3A_342] : memref<8x128xi32, #tpu.memory_space<vmem>> -> memref<1x128xi32, #tpu.memory_space<vmem>>
      %dma_wait3A_344 = tpu.memref_squeeze %dma_wait3A_343 : memref<1x128xi32, #tpu.memory_space<vmem>> -> memref<128xi32, #tpu.memory_space<vmem>>
      %dma_wait3A_345 = arith.constant 0 : i32
      %dma_wait3A_346 = arith.constant 0 : i32
      %dma_wait3A_347 = tpu.memref_slice %arg12[%dma_wait3A_345, %dma_wait3A_346] : memref<10240x64xf32, #tpu.memory_space<vmem_shared>> -> memref<10240x64xf32, #tpu.memory_space<vmem_shared>>
      tpu.wait_indirect_dma semaphore(%arg17 : memref<!tpu.dma_semaphore, #tpu.memory_space<semaphore_mem>>) src(%dma_wait3A_347 : memref<10240x64xf32, #tpu.memory_space<vmem_shared>>) dst(%arg11 : memref<128x64xf32, #tpu.memory_space<vmem>>)
      %dma_start3A_348 = arith.constant 7 : i32
      %dma_start3A_349 = arith.constant 0 : i32
      %dma_start3A_350 = tpu.memref_slice %arg8[%dma_start3A_348, %dma_start3A_349] : memref<8x128xi32, #tpu.memory_space<vmem>> -> memref<1x128xi32, #tpu.memory_space<vmem>>
      %dma_start3A_351 = tpu.memref_squeeze %dma_start3A_350 : memref<1x128xi32, #tpu.memory_space<vmem>> -> memref<128xi32, #tpu.memory_space<vmem>>
      %dma_start3A_352 = arith.constant 0 : i32
      %dma_start3A_353 = arith.constant 0 : i32
      %dma_start3A_354 = tpu.memref_slice %arg13[%dma_start3A_352, %dma_start3A_353] : memref<10240x64xf32, #tpu.memory_space<vmem_shared>> -> memref<10240x64xf32, #tpu.memory_space<vmem_shared>>
      tpu.enqueue_indirect_dma source(%arg11 : memref<128x64xf32, #tpu.memory_space<vmem>>) target(%dma_start3A_354 : memref<10240x64xf32, #tpu.memory_space<vmem_shared>>) offsets(%dma_start3A_351 : memref<128xi32, #tpu.memory_space<vmem>>) semaphore(%arg19 : memref<!tpu.dma_semaphore, #tpu.memory_space<semaphore_mem>>) {add = true}
      %dma_wait3A_355 = arith.constant 7 : i32
      %dma_wait3A_356 = arith.constant 0 : i32
      %dma_wait3A_357 = tpu.memref_slice %arg8[%dma_wait3A_355, %dma_wait3A_356] : memref<8x128xi32, #tpu.memory_space<vmem>> -> memref<1x128xi32, #tpu.memory_space<vmem>>
      %dma_wait3A_358 = tpu.memref_squeeze %dma_wait3A_357 : memref<1x128xi32, #tpu.memory_space<vmem>> -> memref<128xi32, #tpu.memory_space<vmem>>
      %dma_wait3A_359 = arith.constant 0 : i32
      %dma_wait3A_360 = arith.constant 0 : i32
      %dma_wait3A_361 = tpu.memref_slice %arg13[%dma_wait3A_359, %dma_wait3A_360] : memref<10240x64xf32, #tpu.memory_space<vmem_shared>> -> memref<10240x64xf32, #tpu.memory_space<vmem_shared>>
      tpu.wait_indirect_dma semaphore(%arg18 : memref<!tpu.dma_semaphore, #tpu.memory_space<semaphore_mem>>) src(%arg10 : memref<128x64xf32, #tpu.memory_space<vmem>>) dst(%dma_wait3A_361 : memref<10240x64xf32, #tpu.memory_space<vmem_shared>>)
      %dma_start3A_362 = arith.constant 0 : i32
      %dma_start3A_363 = arith.constant 0 : i32
      %dma_start3A_364 = tpu.memref_slice %arg7[%dma_start3A_362, %dma_start3A_363] : memref<8x128xi32, #tpu.memory_space<vmem>> -> memref<1x128xi32, #tpu.memory_space<vmem>>
      %dma_start3A_365 = tpu.memref_squeeze %dma_start3A_364 : memref<1x128xi32, #tpu.memory_space<vmem>> -> memref<128xi32, #tpu.memory_space<vmem>>
      %dma_start3A_366 = arith.constant 0 : i32
      %dma_start3A_367 = arith.constant 0 : i32
      %dma_start3A_368 = tpu.memref_slice %arg12[%dma_start3A_366, %dma_start3A_367] : memref<10240x64xf32, #tpu.memory_space<vmem_shared>> -> memref<10240x64xf32, #tpu.memory_space<vmem_shared>>
      tpu.enqueue_indirect_dma source(%dma_start3A_368 : memref<10240x64xf32, #tpu.memory_space<vmem_shared>>) target(%arg10 : memref<128x64xf32, #tpu.memory_space<vmem>>) offsets(%dma_start3A_365 : memref<128xi32, #tpu.memory_space<vmem>>) semaphore(%arg16 : memref<!tpu.dma_semaphore, #tpu.memory_space<semaphore_mem>>)
      %mul3A_369 = arith.constant 2 : i32
      %mul3A_370 = arith.muli %scan3A_54, %mul3A_369 : i32
      %add3A_371 = arith.constant 1 : i32
      %add3A_372 = arith.addi %mul3A_370, %add3A_371 : i32
      %add3A_373 = arith.constant 1 : i32
      %add3A_374 = arith.addi %add3A_372, %add3A_373 : i32
      %min3A_375 = arith.constant 9 : i32
      %min3A_376 = arith.minsi %add3A_374, %min3A_375 : i32
      %mul3A_377 = arith.constant 10 : i32
      %mul3A_378 = arith.muli %add3A, %mul3A_377 : i32
      %add3A_379 = arith.addi %mul3A_378, %min3A_376 : i32
      %mul3A_380 = arith.constant 8 : i32
      %mul3A_381 = arith.muli %add3A_379, %mul3A_380 : i32
      %multiple_of3A_382 = tpu.assume_multiple %mul3A_381, 8 : i32
      %dma_start3A_383 = arith.constant 0 : i32
      %dma_start3A_384 = arith.constant 0 : i32
      %dma_start3A_385 = tpu.memref_slice %arg3[%scan3A_33, %dma_start3A_383, %dma_start3A_384] : memref<2x2560x128xi32, #tpu.memory_space<hbm>> -> memref<1x2560x128xi32, #tpu.memory_space<hbm>>
      %dma_start3A_386 = tpu.memref_squeeze %dma_start3A_385 : memref<1x2560x128xi32, #tpu.memory_space<hbm>> -> memref<2560x128xi32, #tpu.memory_space<hbm>>
      %dma_start3A_387 = arith.constant 0 : i32
      %dma_start3A_388 = tpu.memref_slice %dma_start3A_386[%multiple_of3A_382, %dma_start3A_387] : memref<2560x128xi32, #tpu.memory_space<hbm>> -> memref<8x128xi32, #tpu.memory_space<hbm>>
      %dma_start3A_389 = arith.constant 0 : i32
      %dma_start3A_390 = arith.constant 0 : i32
      %dma_start3A_391 = tpu.memref_slice %arg3[%scan3A_33, %dma_start3A_389, %dma_start3A_390] : memref<2x2560x128xi32, #tpu.memory_space<hbm>> -> memref<1x2560x128xi32, #tpu.memory_space<hbm>>
      %dma_start3A_392 = tpu.memref_squeeze %dma_start3A_391 : memref<1x2560x128xi32, #tpu.memory_space<hbm>> -> memref<2560x128xi32, #tpu.memory_space<hbm>>
      %dma_start3A_393 = arith.constant 0 : i32
      %dma_start3A_394 = tpu.memref_slice %dma_start3A_392[%multiple_of3A_382, %dma_start3A_393] : memref<2560x128xi32, #tpu.memory_space<hbm>> -> memref<8x128xi32, #tpu.memory_space<hbm>>
      tpu.enqueue_dma source(%dma_start3A_394 : memref<8x128xi32, #tpu.memory_space<hbm>>) target(%arg6 : memref<8x128xi32, #tpu.memory_space<vmem>>) target_semaphore(%arg14 : memref<!tpu.dma_semaphore, #tpu.memory_space<semaphore_mem>>)
      %add3A_395 = arith.constant 1 : i32
      %add3A_396 = arith.addi %add3A_372, %add3A_395 : i32
      %min3A_397 = arith.constant 9 : i32
      %min3A_398 = arith.minsi %add3A_396, %min3A_397 : i32
      %mul3A_399 = arith.constant 10 : i32
      %mul3A_400 = arith.muli %add3A, %mul3A_399 : i32
      %add3A_401 = arith.addi %mul3A_400, %min3A_398 : i32
      %mul3A_402 = arith.constant 8 : i32
      %mul3A_403 = arith.muli %add3A_401, %mul3A_402 : i32
      %multiple_of3A_404 = tpu.assume_multiple %mul3A_403, 8 : i32
      %dma_start3A_405 = arith.constant 0 : i32
      %dma_start3A_406 = arith.constant 0 : i32
      %dma_start3A_407 = tpu.memref_slice %arg3[%scan3A_34, %dma_start3A_405, %dma_start3A_406] : memref<2x2560x128xi32, #tpu.memory_space<hbm>> -> memref<1x2560x128xi32, #tpu.memory_space<hbm>>
      %dma_start3A_408 = tpu.memref_squeeze %dma_start3A_407 : memref<1x2560x128xi32, #tpu.memory_space<hbm>> -> memref<2560x128xi32, #tpu.memory_space<hbm>>
      %dma_start3A_409 = arith.constant 0 : i32
      %dma_start3A_410 = tpu.memref_slice %dma_start3A_408[%multiple_of3A_404, %dma_start3A_409] : memref<2560x128xi32, #tpu.memory_space<hbm>> -> memref<8x128xi32, #tpu.memory_space<hbm>>
      %dma_start3A_411 = arith.constant 0 : i32
      %dma_start3A_412 = arith.constant 0 : i32
      %dma_start3A_413 = tpu.memref_slice %arg3[%scan3A_34, %dma_start3A_411, %dma_start3A_412] : memref<2x2560x128xi32, #tpu.memory_space<hbm>> -> memref<1x2560x128xi32, #tpu.memory_space<hbm>>
      %dma_start3A_414 = tpu.memref_squeeze %dma_start3A_413 : memref<1x2560x128xi32, #tpu.memory_space<hbm>> -> memref<2560x128xi32, #tpu.memory_space<hbm>>
      %dma_start3A_415 = arith.constant 0 : i32
      %dma_start3A_416 = tpu.memref_slice %dma_start3A_414[%multiple_of3A_404, %dma_start3A_415] : memref<2560x128xi32, #tpu.memory_space<hbm>> -> memref<8x128xi32, #tpu.memory_space<hbm>>
      tpu.enqueue_dma source(%dma_start3A_416 : memref<8x128xi32, #tpu.memory_space<hbm>>) target(%arg8 : memref<8x128xi32, #tpu.memory_space<vmem>>) target_semaphore(%arg14 : memref<!tpu.dma_semaphore, #tpu.memory_space<semaphore_mem>>)
      %dma_wait3A_417 = arith.constant 0 : i32
      %dma_wait3A_418 = arith.constant 0 : i32
      %dma_wait3A_419 = tpu.memref_slice %arg7[%dma_wait3A_417, %dma_wait3A_418] : memref<8x128xi32, #tpu.memory_space<vmem>> -> memref<1x128xi32, #tpu.memory_space<vmem>>
      %dma_wait3A_420 = tpu.memref_squeeze %dma_wait3A_419 : memref<1x128xi32, #tpu.memory_space<vmem>> -> memref<128xi32, #tpu.memory_space<vmem>>
      %dma_wait3A_421 = arith.constant 0 : i32
      %dma_wait3A_422 = arith.constant 0 : i32
      %dma_wait3A_423 = tpu.memref_slice %arg12[%dma_wait3A_421, %dma_wait3A_422] : memref<10240x64xf32, #tpu.memory_space<vmem_shared>> -> memref<10240x64xf32, #tpu.memory_space<vmem_shared>>
      tpu.wait_indirect_dma semaphore(%arg16 : memref<!tpu.dma_semaphore, #tpu.memory_space<semaphore_mem>>) src(%dma_wait3A_423 : memref<10240x64xf32, #tpu.memory_space<vmem_shared>>) dst(%arg10 : memref<128x64xf32, #tpu.memory_space<vmem>>)
      %dma_start3A_424 = arith.constant 0 : i32
      %dma_start3A_425 = arith.constant 0 : i32
      %dma_start3A_426 = tpu.memref_slice %arg9[%dma_start3A_424, %dma_start3A_425] : memref<8x128xi32, #tpu.memory_space<vmem>> -> memref<1x128xi32, #tpu.memory_space<vmem>>
      %dma_start3A_427 = tpu.memref_squeeze %dma_start3A_426 : memref<1x128xi32, #tpu.memory_space<vmem>> -> memref<128xi32, #tpu.memory_space<vmem>>
      %dma_start3A_428 = arith.constant 0 : i32
      %dma_start3A_429 = arith.constant 0 : i32
      %dma_start3A_430 = tpu.memref_slice %arg13[%dma_start3A_428, %dma_start3A_429] : memref<10240x64xf32, #tpu.memory_space<vmem_shared>> -> memref<10240x64xf32, #tpu.memory_space<vmem_shared>>
      tpu.enqueue_indirect_dma source(%arg10 : memref<128x64xf32, #tpu.memory_space<vmem>>) target(%dma_start3A_430 : memref<10240x64xf32, #tpu.memory_space<vmem_shared>>) offsets(%dma_start3A_427 : memref<128xi32, #tpu.memory_space<vmem>>) semaphore(%arg18 : memref<!tpu.dma_semaphore, #tpu.memory_space<semaphore_mem>>) {add = true}
      %dma_wait3A_431 = arith.constant 0 : i32
      %dma_wait3A_432 = arith.constant 0 : i32
      %dma_wait3A_433 = tpu.memref_slice %arg9[%dma_wait3A_431, %dma_wait3A_432] : memref<8x128xi32, #tpu.memory_space<vmem>> -> memref<1x128xi32, #tpu.memory_space<vmem>>
      %dma_wait3A_434 = tpu.memref_squeeze %dma_wait3A_433 : memref<1x128xi32, #tpu.memory_space<vmem>> -> memref<128xi32, #tpu.memory_space<vmem>>
      %dma_wait3A_435 = arith.constant 0 : i32
      %dma_wait3A_436 = arith.constant 0 : i32
      %dma_wait3A_437 = tpu.memref_slice %arg13[%dma_wait3A_435, %dma_wait3A_436] : memref<10240x64xf32, #tpu.memory_space<vmem_shared>> -> memref<10240x64xf32, #tpu.memory_space<vmem_shared>>
      tpu.wait_indirect_dma semaphore(%arg19 : memref<!tpu.dma_semaphore, #tpu.memory_space<semaphore_mem>>) src(%arg11 : memref<128x64xf32, #tpu.memory_space<vmem>>) dst(%dma_wait3A_437 : memref<10240x64xf32, #tpu.memory_space<vmem_shared>>)
      %dma_start3A_438 = arith.constant 1 : i32
      %dma_start3A_439 = arith.constant 0 : i32
      %dma_start3A_440 = tpu.memref_slice %arg7[%dma_start3A_438, %dma_start3A_439] : memref<8x128xi32, #tpu.memory_space<vmem>> -> memref<1x128xi32, #tpu.memory_space<vmem>>
      %dma_start3A_441 = tpu.memref_squeeze %dma_start3A_440 : memref<1x128xi32, #tpu.memory_space<vmem>> -> memref<128xi32, #tpu.memory_space<vmem>>
      %dma_start3A_442 = arith.constant 0 : i32
      %dma_start3A_443 = arith.constant 0 : i32
      %dma_start3A_444 = tpu.memref_slice %arg12[%dma_start3A_442, %dma_start3A_443] : memref<10240x64xf32, #tpu.memory_space<vmem_shared>> -> memref<10240x64xf32, #tpu.memory_space<vmem_shared>>
      tpu.enqueue_indirect_dma source(%dma_start3A_444 : memref<10240x64xf32, #tpu.memory_space<vmem_shared>>) target(%arg11 : memref<128x64xf32, #tpu.memory_space<vmem>>) offsets(%dma_start3A_441 : memref<128xi32, #tpu.memory_space<vmem>>) semaphore(%arg17 : memref<!tpu.dma_semaphore, #tpu.memory_space<semaphore_mem>>)
      %dma_wait3A_445 = arith.constant 1 : i32
      %dma_wait3A_446 = arith.constant 0 : i32
      %dma_wait3A_447 = tpu.memref_slice %arg7[%dma_wait3A_445, %dma_wait3A_446] : memref<8x128xi32, #tpu.memory_space<vmem>> -> memref<1x128xi32, #tpu.memory_space<vmem>>
      %dma_wait3A_448 = tpu.memref_squeeze %dma_wait3A_447 : memref<1x128xi32, #tpu.memory_space<vmem>> -> memref<128xi32, #tpu.memory_space<vmem>>
      %dma_wait3A_449 = arith.constant 0 : i32
      %dma_wait3A_450 = arith.constant 0 : i32
      %dma_wait3A_451 = tpu.memref_slice %arg12[%dma_wait3A_449, %dma_wait3A_450] : memref<10240x64xf32, #tpu.memory_space<vmem_shared>> -> memref<10240x64xf32, #tpu.memory_space<vmem_shared>>
      tpu.wait_indirect_dma semaphore(%arg17 : memref<!tpu.dma_semaphore, #tpu.memory_space<semaphore_mem>>) src(%dma_wait3A_451 : memref<10240x64xf32, #tpu.memory_space<vmem_shared>>) dst(%arg11 : memref<128x64xf32, #tpu.memory_space<vmem>>)
      %dma_start3A_452 = arith.constant 1 : i32
      %dma_start3A_453 = arith.constant 0 : i32
      %dma_start3A_454 = tpu.memref_slice %arg9[%dma_start3A_452, %dma_start3A_453] : memref<8x128xi32, #tpu.memory_space<vmem>> -> memref<1x128xi32, #tpu.memory_space<vmem>>
      %dma_start3A_455 = tpu.memref_squeeze %dma_start3A_454 : memref<1x128xi32, #tpu.memory_space<vmem>> -> memref<128xi32, #tpu.memory_space<vmem>>
      %dma_start3A_456 = arith.constant 0 : i32
      %dma_start3A_457 = arith.constant 0 : i32
      %dma_start3A_458 = tpu.memref_slice %arg13[%dma_start3A_456, %dma_start3A_457] : memref<10240x64xf32, #tpu.memory_space<vmem_shared>> -> memref<10240x64xf32, #tpu.memory_space<vmem_shared>>
      tpu.enqueue_indirect_dma source(%arg11 : memref<128x64xf32, #tpu.memory_space<vmem>>) target(%dma_start3A_458 : memref<10240x64xf32, #tpu.memory_space<vmem_shared>>) offsets(%dma_start3A_455 : memref<128xi32, #tpu.memory_space<vmem>>) semaphore(%arg19 : memref<!tpu.dma_semaphore, #tpu.memory_space<semaphore_mem>>) {add = true}
      %dma_wait3A_459 = arith.constant 1 : i32
      %dma_wait3A_460 = arith.constant 0 : i32
      %dma_wait3A_461 = tpu.memref_slice %arg9[%dma_wait3A_459, %dma_wait3A_460] : memref<8x128xi32, #tpu.memory_space<vmem>> -> memref<1x128xi32, #tpu.memory_space<vmem>>
      %dma_wait3A_462 = tpu.memref_squeeze %dma_wait3A_461 : memref<1x128xi32, #tpu.memory_space<vmem>> -> memref<128xi32, #tpu.memory_space<vmem>>
      %dma_wait3A_463 = arith.constant 0 : i32
      %dma_wait3A_464 = arith.constant 0 : i32
      %dma_wait3A_465 = tpu.memref_slice %arg13[%dma_wait3A_463, %dma_wait3A_464] : memref<10240x64xf32, #tpu.memory_space<vmem_shared>> -> memref<10240x64xf32, #tpu.memory_space<vmem_shared>>
      tpu.wait_indirect_dma semaphore(%arg18 : memref<!tpu.dma_semaphore, #tpu.memory_space<semaphore_mem>>) src(%arg10 : memref<128x64xf32, #tpu.memory_space<vmem>>) dst(%dma_wait3A_465 : memref<10240x64xf32, #tpu.memory_space<vmem_shared>>)
      %dma_start3A_466 = arith.constant 2 : i32
      %dma_start3A_467 = arith.constant 0 : i32
      %dma_start3A_468 = tpu.memref_slice %arg7[%dma_start3A_466, %dma_start3A_467] : memref<8x128xi32, #tpu.memory_space<vmem>> -> memref<1x128xi32, #tpu.memory_space<vmem>>
      %dma_start3A_469 = tpu.memref_squeeze %dma_start3A_468 : memref<1x128xi32, #tpu.memory_space<vmem>> -> memref<128xi32, #tpu.memory_space<vmem>>
      %dma_start3A_470 = arith.constant 0 : i32
      %dma_start3A_471 = arith.constant 0 : i32
      %dma_start3A_472 = tpu.memref_slice %arg12[%dma_start3A_470, %dma_start3A_471] : memref<10240x64xf32, #tpu.memory_space<vmem_shared>> -> memref<10240x64xf32, #tpu.memory_space<vmem_shared>>
      tpu.enqueue_indirect_dma source(%dma_start3A_472 : memref<10240x64xf32, #tpu.memory_space<vmem_shared>>) target(%arg10 : memref<128x64xf32, #tpu.memory_space<vmem>>) offsets(%dma_start3A_469 : memref<128xi32, #tpu.memory_space<vmem>>) semaphore(%arg16 : memref<!tpu.dma_semaphore, #tpu.memory_space<semaphore_mem>>)
      %dma_wait3A_473 = arith.constant 2 : i32
      %dma_wait3A_474 = arith.constant 0 : i32
      %dma_wait3A_475 = tpu.memref_slice %arg7[%dma_wait3A_473, %dma_wait3A_474] : memref<8x128xi32, #tpu.memory_space<vmem>> -> memref<1x128xi32, #tpu.memory_space<vmem>>
      %dma_wait3A_476 = tpu.memref_squeeze %dma_wait3A_475 : memref<1x128xi32, #tpu.memory_space<vmem>> -> memref<128xi32, #tpu.memory_space<vmem>>
      %dma_wait3A_477 = arith.constant 0 : i32
      %dma_wait3A_478 = arith.constant 0 : i32
      %dma_wait3A_479 = tpu.memref_slice %arg12[%dma_wait3A_477, %dma_wait3A_478] : memref<10240x64xf32, #tpu.memory_space<vmem_shared>> -> memref<10240x64xf32, #tpu.memory_space<vmem_shared>>
      tpu.wait_indirect_dma semaphore(%arg16 : memref<!tpu.dma_semaphore, #tpu.memory_space<semaphore_mem>>) src(%dma_wait3A_479 : memref<10240x64xf32, #tpu.memory_space<vmem_shared>>) dst(%arg10 : memref<128x64xf32, #tpu.memory_space<vmem>>)
      %dma_start3A_480 = arith.constant 2 : i32
      %dma_start3A_481 = arith.constant 0 : i32
      %dma_start3A_482 = tpu.memref_slice %arg9[%dma_start3A_480, %dma_start3A_481] : memref<8x128xi32, #tpu.memory_space<vmem>> -> memref<1x128xi32, #tpu.memory_space<vmem>>
      %dma_start3A_483 = tpu.memref_squeeze %dma_start3A_482 : memref<1x128xi32, #tpu.memory_space<vmem>> -> memref<128xi32, #tpu.memory_space<vmem>>
      %dma_start3A_484 = arith.constant 0 : i32
      %dma_start3A_485 = arith.constant 0 : i32
      %dma_start3A_486 = tpu.memref_slice %arg13[%dma_start3A_484, %dma_start3A_485] : memref<10240x64xf32, #tpu.memory_space<vmem_shared>> -> memref<10240x64xf32, #tpu.memory_space<vmem_shared>>
      tpu.enqueue_indirect_dma source(%arg10 : memref<128x64xf32, #tpu.memory_space<vmem>>) target(%dma_start3A_486 : memref<10240x64xf32, #tpu.memory_space<vmem_shared>>) offsets(%dma_start3A_483 : memref<128xi32, #tpu.memory_space<vmem>>) semaphore(%arg18 : memref<!tpu.dma_semaphore, #tpu.memory_space<semaphore_mem>>) {add = true}
      %dma_wait3A_487 = arith.constant 2 : i32
      %dma_wait3A_488 = arith.constant 0 : i32
      %dma_wait3A_489 = tpu.memref_slice %arg9[%dma_wait3A_487, %dma_wait3A_488] : memref<8x128xi32, #tpu.memory_space<vmem>> -> memref<1x128xi32, #tpu.memory_space<vmem>>
      %dma_wait3A_490 = tpu.memref_squeeze %dma_wait3A_489 : memref<1x128xi32, #tpu.memory_space<vmem>> -> memref<128xi32, #tpu.memory_space<vmem>>
      %dma_wait3A_491 = arith.constant 0 : i32
      %dma_wait3A_492 = arith.constant 0 : i32
      %dma_wait3A_493 = tpu.memref_slice %arg13[%dma_wait3A_491, %dma_wait3A_492] : memref<10240x64xf32, #tpu.memory_space<vmem_shared>> -> memref<10240x64xf32, #tpu.memory_space<vmem_shared>>
      tpu.wait_indirect_dma semaphore(%arg19 : memref<!tpu.dma_semaphore, #tpu.memory_space<semaphore_mem>>) src(%arg11 : memref<128x64xf32, #tpu.memory_space<vmem>>) dst(%dma_wait3A_493 : memref<10240x64xf32, #tpu.memory_space<vmem_shared>>)
      %dma_start3A_494 = arith.constant 3 : i32
      %dma_start3A_495 = arith.constant 0 : i32
      %dma_start3A_496 = tpu.memref_slice %arg7[%dma_start3A_494, %dma_start3A_495] : memref<8x128xi32, #tpu.memory_space<vmem>> -> memref<1x128xi32, #tpu.memory_space<vmem>>
      %dma_start3A_497 = tpu.memref_squeeze %dma_start3A_496 : memref<1x128xi32, #tpu.memory_space<vmem>> -> memref<128xi32, #tpu.memory_space<vmem>>
      %dma_start3A_498 = arith.constant 0 : i32
      %dma_start3A_499 = arith.constant 0 : i32
      %dma_start3A_500 = tpu.memref_slice %arg12[%dma_start3A_498, %dma_start3A_499] : memref<10240x64xf32, #tpu.memory_space<vmem_shared>> -> memref<10240x64xf32, #tpu.memory_space<vmem_shared>>
      tpu.enqueue_indirect_dma source(%dma_start3A_500 : memref<10240x64xf32, #tpu.memory_space<vmem_shared>>) target(%arg11 : memref<128x64xf32, #tpu.memory_space<vmem>>) offsets(%dma_start3A_497 : memref<128xi32, #tpu.memory_space<vmem>>) semaphore(%arg17 : memref<!tpu.dma_semaphore, #tpu.memory_space<semaphore_mem>>)
      %dma_wait3A_501 = arith.constant 3 : i32
      %dma_wait3A_502 = arith.constant 0 : i32
      %dma_wait3A_503 = tpu.memref_slice %arg7[%dma_wait3A_501, %dma_wait3A_502] : memref<8x128xi32, #tpu.memory_space<vmem>> -> memref<1x128xi32, #tpu.memory_space<vmem>>
      %dma_wait3A_504 = tpu.memref_squeeze %dma_wait3A_503 : memref<1x128xi32, #tpu.memory_space<vmem>> -> memref<128xi32, #tpu.memory_space<vmem>>
      %dma_wait3A_505 = arith.constant 0 : i32
      %dma_wait3A_506 = arith.constant 0 : i32
      %dma_wait3A_507 = tpu.memref_slice %arg12[%dma_wait3A_505, %dma_wait3A_506] : memref<10240x64xf32, #tpu.memory_space<vmem_shared>> -> memref<10240x64xf32, #tpu.memory_space<vmem_shared>>
      tpu.wait_indirect_dma semaphore(%arg17 : memref<!tpu.dma_semaphore, #tpu.memory_space<semaphore_mem>>) src(%dma_wait3A_507 : memref<10240x64xf32, #tpu.memory_space<vmem_shared>>) dst(%arg11 : memref<128x64xf32, #tpu.memory_space<vmem>>)
      %dma_start3A_508 = arith.constant 3 : i32
      %dma_start3A_509 = arith.constant 0 : i32
      %dma_start3A_510 = tpu.memref_slice %arg9[%dma_start3A_508, %dma_start3A_509] : memref<8x128xi32, #tpu.memory_space<vmem>> -> memref<1x128xi32, #tpu.memory_space<vmem>>
      %dma_start3A_511 = tpu.memref_squeeze %dma_start3A_510 : memref<1x128xi32, #tpu.memory_space<vmem>> -> memref<128xi32, #tpu.memory_space<vmem>>
      %dma_start3A_512 = arith.constant 0 : i32
      %dma_start3A_513 = arith.constant 0 : i32
      %dma_start3A_514 = tpu.memref_slice %arg13[%dma_start3A_512, %dma_start3A_513] : memref<10240x64xf32, #tpu.memory_space<vmem_shared>> -> memref<10240x64xf32, #tpu.memory_space<vmem_shared>>
      tpu.enqueue_indirect_dma source(%arg11 : memref<128x64xf32, #tpu.memory_space<vmem>>) target(%dma_start3A_514 : memref<10240x64xf32, #tpu.memory_space<vmem_shared>>) offsets(%dma_start3A_511 : memref<128xi32, #tpu.memory_space<vmem>>) semaphore(%arg19 : memref<!tpu.dma_semaphore, #tpu.memory_space<semaphore_mem>>) {add = true}
      %dma_wait3A_515 = arith.constant 3 : i32
      %dma_wait3A_516 = arith.constant 0 : i32
      %dma_wait3A_517 = tpu.memref_slice %arg9[%dma_wait3A_515, %dma_wait3A_516] : memref<8x128xi32, #tpu.memory_space<vmem>> -> memref<1x128xi32, #tpu.memory_space<vmem>>
      %dma_wait3A_518 = tpu.memref_squeeze %dma_wait3A_517 : memref<1x128xi32, #tpu.memory_space<vmem>> -> memref<128xi32, #tpu.memory_space<vmem>>
      %dma_wait3A_519 = arith.constant 0 : i32
      %dma_wait3A_520 = arith.constant 0 : i32
      %dma_wait3A_521 = tpu.memref_slice %arg13[%dma_wait3A_519, %dma_wait3A_520] : memref<10240x64xf32, #tpu.memory_space<vmem_shared>> -> memref<10240x64xf32, #tpu.memory_space<vmem_shared>>
      tpu.wait_indirect_dma semaphore(%arg18 : memref<!tpu.dma_semaphore, #tpu.memory_space<semaphore_mem>>) src(%arg10 : memref<128x64xf32, #tpu.memory_space<vmem>>) dst(%dma_wait3A_521 : memref<10240x64xf32, #tpu.memory_space<vmem_shared>>)
      %dma_start3A_522 = arith.constant 4 : i32
      %dma_start3A_523 = arith.constant 0 : i32
      %dma_start3A_524 = tpu.memref_slice %arg7[%dma_start3A_522, %dma_start3A_523] : memref<8x128xi32, #tpu.memory_space<vmem>> -> memref<1x128xi32, #tpu.memory_space<vmem>>
      %dma_start3A_525 = tpu.memref_squeeze %dma_start3A_524 : memref<1x128xi32, #tpu.memory_space<vmem>> -> memref<128xi32, #tpu.memory_space<vmem>>
      %dma_start3A_526 = arith.constant 0 : i32
      %dma_start3A_527 = arith.constant 0 : i32
      %dma_start3A_528 = tpu.memref_slice %arg12[%dma_start3A_526, %dma_start3A_527] : memref<10240x64xf32, #tpu.memory_space<vmem_shared>> -> memref<10240x64xf32, #tpu.memory_space<vmem_shared>>
      tpu.enqueue_indirect_dma source(%dma_start3A_528 : memref<10240x64xf32, #tpu.memory_space<vmem_shared>>) target(%arg10 : memref<128x64xf32, #tpu.memory_space<vmem>>) offsets(%dma_start3A_525 : memref<128xi32, #tpu.memory_space<vmem>>) semaphore(%arg16 : memref<!tpu.dma_semaphore, #tpu.memory_space<semaphore_mem>>)
      %dma_wait3A_529 = arith.constant 4 : i32
      %dma_wait3A_530 = arith.constant 0 : i32
      %dma_wait3A_531 = tpu.memref_slice %arg7[%dma_wait3A_529, %dma_wait3A_530] : memref<8x128xi32, #tpu.memory_space<vmem>> -> memref<1x128xi32, #tpu.memory_space<vmem>>
      %dma_wait3A_532 = tpu.memref_squeeze %dma_wait3A_531 : memref<1x128xi32, #tpu.memory_space<vmem>> -> memref<128xi32, #tpu.memory_space<vmem>>
      %dma_wait3A_533 = arith.constant 0 : i32
      %dma_wait3A_534 = arith.constant 0 : i32
      %dma_wait3A_535 = tpu.memref_slice %arg12[%dma_wait3A_533, %dma_wait3A_534] : memref<10240x64xf32, #tpu.memory_space<vmem_shared>> -> memref<10240x64xf32, #tpu.memory_space<vmem_shared>>
      tpu.wait_indirect_dma semaphore(%arg16 : memref<!tpu.dma_semaphore, #tpu.memory_space<semaphore_mem>>) src(%dma_wait3A_535 : memref<10240x64xf32, #tpu.memory_space<vmem_shared>>) dst(%arg10 : memref<128x64xf32, #tpu.memory_space<vmem>>)
      %dma_start3A_536 = arith.constant 4 : i32
      %dma_start3A_537 = arith.constant 0 : i32
      %dma_start3A_538 = tpu.memref_slice %arg9[%dma_start3A_536, %dma_start3A_537] : memref<8x128xi32, #tpu.memory_space<vmem>> -> memref<1x128xi32, #tpu.memory_space<vmem>>
      %dma_start3A_539 = tpu.memref_squeeze %dma_start3A_538 : memref<1x128xi32, #tpu.memory_space<vmem>> -> memref<128xi32, #tpu.memory_space<vmem>>
      %dma_start3A_540 = arith.constant 0 : i32
      %dma_start3A_541 = arith.constant 0 : i32
      %dma_start3A_542 = tpu.memref_slice %arg13[%dma_start3A_540, %dma_start3A_541] : memref<10240x64xf32, #tpu.memory_space<vmem_shared>> -> memref<10240x64xf32, #tpu.memory_space<vmem_shared>>
      tpu.enqueue_indirect_dma source(%arg10 : memref<128x64xf32, #tpu.memory_space<vmem>>) target(%dma_start3A_542 : memref<10240x64xf32, #tpu.memory_space<vmem_shared>>) offsets(%dma_start3A_539 : memref<128xi32, #tpu.memory_space<vmem>>) semaphore(%arg18 : memref<!tpu.dma_semaphore, #tpu.memory_space<semaphore_mem>>) {add = true}
      %dma_wait3A_543 = arith.constant 4 : i32
      %dma_wait3A_544 = arith.constant 0 : i32
      %dma_wait3A_545 = tpu.memref_slice %arg9[%dma_wait3A_543, %dma_wait3A_544] : memref<8x128xi32, #tpu.memory_space<vmem>> -> memref<1x128xi32, #tpu.memory_space<vmem>>
      %dma_wait3A_546 = tpu.memref_squeeze %dma_wait3A_545 : memref<1x128xi32, #tpu.memory_space<vmem>> -> memref<128xi32, #tpu.memory_space<vmem>>
      %dma_wait3A_547 = arith.constant 0 : i32
      %dma_wait3A_548 = arith.constant 0 : i32
      %dma_wait3A_549 = tpu.memref_slice %arg13[%dma_wait3A_547, %dma_wait3A_548] : memref<10240x64xf32, #tpu.memory_space<vmem_shared>> -> memref<10240x64xf32, #tpu.memory_space<vmem_shared>>
      tpu.wait_indirect_dma semaphore(%arg19 : memref<!tpu.dma_semaphore, #tpu.memory_space<semaphore_mem>>) src(%arg11 : memref<128x64xf32, #tpu.memory_space<vmem>>) dst(%dma_wait3A_549 : memref<10240x64xf32, #tpu.memory_space<vmem_shared>>)
      %dma_start3A_550 = arith.constant 5 : i32
      %dma_start3A_551 = arith.constant 0 : i32
      %dma_start3A_552 = tpu.memref_slice %arg7[%dma_start3A_550, %dma_start3A_551] : memref<8x128xi32, #tpu.memory_space<vmem>> -> memref<1x128xi32, #tpu.memory_space<vmem>>
      %dma_start3A_553 = tpu.memref_squeeze %dma_start3A_552 : memref<1x128xi32, #tpu.memory_space<vmem>> -> memref<128xi32, #tpu.memory_space<vmem>>
      %dma_start3A_554 = arith.constant 0 : i32
      %dma_start3A_555 = arith.constant 0 : i32
      %dma_start3A_556 = tpu.memref_slice %arg12[%dma_start3A_554, %dma_start3A_555] : memref<10240x64xf32, #tpu.memory_space<vmem_shared>> -> memref<10240x64xf32, #tpu.memory_space<vmem_shared>>
      tpu.enqueue_indirect_dma source(%dma_start3A_556 : memref<10240x64xf32, #tpu.memory_space<vmem_shared>>) target(%arg11 : memref<128x64xf32, #tpu.memory_space<vmem>>) offsets(%dma_start3A_553 : memref<128xi32, #tpu.memory_space<vmem>>) semaphore(%arg17 : memref<!tpu.dma_semaphore, #tpu.memory_space<semaphore_mem>>)
      %dma_wait3A_557 = arith.constant 5 : i32
      %dma_wait3A_558 = arith.constant 0 : i32
      %dma_wait3A_559 = tpu.memref_slice %arg7[%dma_wait3A_557, %dma_wait3A_558] : memref<8x128xi32, #tpu.memory_space<vmem>> -> memref<1x128xi32, #tpu.memory_space<vmem>>
      %dma_wait3A_560 = tpu.memref_squeeze %dma_wait3A_559 : memref<1x128xi32, #tpu.memory_space<vmem>> -> memref<128xi32, #tpu.memory_space<vmem>>
      %dma_wait3A_561 = arith.constant 0 : i32
      %dma_wait3A_562 = arith.constant 0 : i32
      %dma_wait3A_563 = tpu.memref_slice %arg12[%dma_wait3A_561, %dma_wait3A_562] : memref<10240x64xf32, #tpu.memory_space<vmem_shared>> -> memref<10240x64xf32, #tpu.memory_space<vmem_shared>>
      tpu.wait_indirect_dma semaphore(%arg17 : memref<!tpu.dma_semaphore, #tpu.memory_space<semaphore_mem>>) src(%dma_wait3A_563 : memref<10240x64xf32, #tpu.memory_space<vmem_shared>>) dst(%arg11 : memref<128x64xf32, #tpu.memory_space<vmem>>)
      %dma_start3A_564 = arith.constant 5 : i32
      %dma_start3A_565 = arith.constant 0 : i32
      %dma_start3A_566 = tpu.memref_slice %arg9[%dma_start3A_564, %dma_start3A_565] : memref<8x128xi32, #tpu.memory_space<vmem>> -> memref<1x128xi32, #tpu.memory_space<vmem>>
      %dma_start3A_567 = tpu.memref_squeeze %dma_start3A_566 : memref<1x128xi32, #tpu.memory_space<vmem>> -> memref<128xi32, #tpu.memory_space<vmem>>
      %dma_start3A_568 = arith.constant 0 : i32
      %dma_start3A_569 = arith.constant 0 : i32
      %dma_start3A_570 = tpu.memref_slice %arg13[%dma_start3A_568, %dma_start3A_569] : memref<10240x64xf32, #tpu.memory_space<vmem_shared>> -> memref<10240x64xf32, #tpu.memory_space<vmem_shared>>
      tpu.enqueue_indirect_dma source(%arg11 : memref<128x64xf32, #tpu.memory_space<vmem>>) target(%dma_start3A_570 : memref<10240x64xf32, #tpu.memory_space<vmem_shared>>) offsets(%dma_start3A_567 : memref<128xi32, #tpu.memory_space<vmem>>) semaphore(%arg19 : memref<!tpu.dma_semaphore, #tpu.memory_space<semaphore_mem>>) {add = true}
      %dma_wait3A_571 = arith.constant 5 : i32
      %dma_wait3A_572 = arith.constant 0 : i32
      %dma_wait3A_573 = tpu.memref_slice %arg9[%dma_wait3A_571, %dma_wait3A_572] : memref<8x128xi32, #tpu.memory_space<vmem>> -> memref<1x128xi32, #tpu.memory_space<vmem>>
      %dma_wait3A_574 = tpu.memref_squeeze %dma_wait3A_573 : memref<1x128xi32, #tpu.memory_space<vmem>> -> memref<128xi32, #tpu.memory_space<vmem>>
      %dma_wait3A_575 = arith.constant 0 : i32
      %dma_wait3A_576 = arith.constant 0 : i32
      %dma_wait3A_577 = tpu.memref_slice %arg13[%dma_wait3A_575, %dma_wait3A_576] : memref<10240x64xf32, #tpu.memory_space<vmem_shared>> -> memref<10240x64xf32, #tpu.memory_space<vmem_shared>>
      tpu.wait_indirect_dma semaphore(%arg18 : memref<!tpu.dma_semaphore, #tpu.memory_space<semaphore_mem>>) src(%arg10 : memref<128x64xf32, #tpu.memory_space<vmem>>) dst(%dma_wait3A_577 : memref<10240x64xf32, #tpu.memory_space<vmem_shared>>)
      %dma_start3A_578 = arith.constant 6 : i32
      %dma_start3A_579 = arith.constant 0 : i32
      %dma_start3A_580 = tpu.memref_slice %arg7[%dma_start3A_578, %dma_start3A_579] : memref<8x128xi32, #tpu.memory_space<vmem>> -> memref<1x128xi32, #tpu.memory_space<vmem>>
      %dma_start3A_581 = tpu.memref_squeeze %dma_start3A_580 : memref<1x128xi32, #tpu.memory_space<vmem>> -> memref<128xi32, #tpu.memory_space<vmem>>
      %dma_start3A_582 = arith.constant 0 : i32
      %dma_start3A_583 = arith.constant 0 : i32
      %dma_start3A_584 = tpu.memref_slice %arg12[%dma_start3A_582, %dma_start3A_583] : memref<10240x64xf32, #tpu.memory_space<vmem_shared>> -> memref<10240x64xf32, #tpu.memory_space<vmem_shared>>
      tpu.enqueue_indirect_dma source(%dma_start3A_584 : memref<10240x64xf32, #tpu.memory_space<vmem_shared>>) target(%arg10 : memref<128x64xf32, #tpu.memory_space<vmem>>) offsets(%dma_start3A_581 : memref<128xi32, #tpu.memory_space<vmem>>) semaphore(%arg16 : memref<!tpu.dma_semaphore, #tpu.memory_space<semaphore_mem>>)
      %dma_wait3A_585 = arith.constant 6 : i32
      %dma_wait3A_586 = arith.constant 0 : i32
      %dma_wait3A_587 = tpu.memref_slice %arg7[%dma_wait3A_585, %dma_wait3A_586] : memref<8x128xi32, #tpu.memory_space<vmem>> -> memref<1x128xi32, #tpu.memory_space<vmem>>
      %dma_wait3A_588 = tpu.memref_squeeze %dma_wait3A_587 : memref<1x128xi32, #tpu.memory_space<vmem>> -> memref<128xi32, #tpu.memory_space<vmem>>
      %dma_wait3A_589 = arith.constant 0 : i32
      %dma_wait3A_590 = arith.constant 0 : i32
      %dma_wait3A_591 = tpu.memref_slice %arg12[%dma_wait3A_589, %dma_wait3A_590] : memref<10240x64xf32, #tpu.memory_space<vmem_shared>> -> memref<10240x64xf32, #tpu.memory_space<vmem_shared>>
      tpu.wait_indirect_dma semaphore(%arg16 : memref<!tpu.dma_semaphore, #tpu.memory_space<semaphore_mem>>) src(%dma_wait3A_591 : memref<10240x64xf32, #tpu.memory_space<vmem_shared>>) dst(%arg10 : memref<128x64xf32, #tpu.memory_space<vmem>>)
      %dma_start3A_592 = arith.constant 6 : i32
      %dma_start3A_593 = arith.constant 0 : i32
      %dma_start3A_594 = tpu.memref_slice %arg9[%dma_start3A_592, %dma_start3A_593] : memref<8x128xi32, #tpu.memory_space<vmem>> -> memref<1x128xi32, #tpu.memory_space<vmem>>
      %dma_start3A_595 = tpu.memref_squeeze %dma_start3A_594 : memref<1x128xi32, #tpu.memory_space<vmem>> -> memref<128xi32, #tpu.memory_space<vmem>>
      %dma_start3A_596 = arith.constant 0 : i32
      %dma_start3A_597 = arith.constant 0 : i32
      %dma_start3A_598 = tpu.memref_slice %arg13[%dma_start3A_596, %dma_start3A_597] : memref<10240x64xf32, #tpu.memory_space<vmem_shared>> -> memref<10240x64xf32, #tpu.memory_space<vmem_shared>>
      tpu.enqueue_indirect_dma source(%arg10 : memref<128x64xf32, #tpu.memory_space<vmem>>) target(%dma_start3A_598 : memref<10240x64xf32, #tpu.memory_space<vmem_shared>>) offsets(%dma_start3A_595 : memref<128xi32, #tpu.memory_space<vmem>>) semaphore(%arg18 : memref<!tpu.dma_semaphore, #tpu.memory_space<semaphore_mem>>) {add = true}
      %dma_wait3A_599 = arith.constant 6 : i32
      %dma_wait3A_600 = arith.constant 0 : i32
      %dma_wait3A_601 = tpu.memref_slice %arg9[%dma_wait3A_599, %dma_wait3A_600] : memref<8x128xi32, #tpu.memory_space<vmem>> -> memref<1x128xi32, #tpu.memory_space<vmem>>
      %dma_wait3A_602 = tpu.memref_squeeze %dma_wait3A_601 : memref<1x128xi32, #tpu.memory_space<vmem>> -> memref<128xi32, #tpu.memory_space<vmem>>
      %dma_wait3A_603 = arith.constant 0 : i32
      %dma_wait3A_604 = arith.constant 0 : i32
      %dma_wait3A_605 = tpu.memref_slice %arg13[%dma_wait3A_603, %dma_wait3A_604] : memref<10240x64xf32, #tpu.memory_space<vmem_shared>> -> memref<10240x64xf32, #tpu.memory_space<vmem_shared>>
      tpu.wait_indirect_dma semaphore(%arg19 : memref<!tpu.dma_semaphore, #tpu.memory_space<semaphore_mem>>) src(%arg11 : memref<128x64xf32, #tpu.memory_space<vmem>>) dst(%dma_wait3A_605 : memref<10240x64xf32, #tpu.memory_space<vmem_shared>>)
      %dma_start3A_606 = arith.constant 7 : i32
      %dma_start3A_607 = arith.constant 0 : i32
      %dma_start3A_608 = tpu.memref_slice %arg7[%dma_start3A_606, %dma_start3A_607] : memref<8x128xi32, #tpu.memory_space<vmem>> -> memref<1x128xi32, #tpu.memory_space<vmem>>
      %dma_start3A_609 = tpu.memref_squeeze %dma_start3A_608 : memref<1x128xi32, #tpu.memory_space<vmem>> -> memref<128xi32, #tpu.memory_space<vmem>>
      %dma_start3A_610 = arith.constant 0 : i32
      %dma_start3A_611 = arith.constant 0 : i32
      %dma_start3A_612 = tpu.memref_slice %arg12[%dma_start3A_610, %dma_start3A_611] : memref<10240x64xf32, #tpu.memory_space<vmem_shared>> -> memref<10240x64xf32, #tpu.memory_space<vmem_shared>>
      tpu.enqueue_indirect_dma source(%dma_start3A_612 : memref<10240x64xf32, #tpu.memory_space<vmem_shared>>) target(%arg11 : memref<128x64xf32, #tpu.memory_space<vmem>>) offsets(%dma_start3A_609 : memref<128xi32, #tpu.memory_space<vmem>>) semaphore(%arg17 : memref<!tpu.dma_semaphore, #tpu.memory_space<semaphore_mem>>)
      %add3A_613 = arith.constant 1 : i32
      %add3A_614 = arith.addi %add3A_372, %add3A_613 : i32
      %min3A_615 = arith.constant 9 : i32
      %min3A_616 = arith.minsi %add3A_614, %min3A_615 : i32
      %mul3A_617 = arith.constant 10 : i32
      %mul3A_618 = arith.muli %add3A, %mul3A_617 : i32
      %add3A_619 = arith.addi %mul3A_618, %min3A_616 : i32
      %mul3A_620 = arith.constant 8 : i32
      %mul3A_621 = arith.muli %add3A_619, %mul3A_620 : i32
      %multiple_of3A_622 = tpu.assume_multiple %mul3A_621, 8 : i32
      %dma_wait3A_623 = arith.constant 0 : i32
      %dma_wait3A_624 = arith.constant 0 : i32
      %dma_wait3A_625 = tpu.memref_slice %arg3[%scan3A_33, %dma_wait3A_623, %dma_wait3A_624] : memref<2x2560x128xi32, #tpu.memory_space<hbm>> -> memref<1x2560x128xi32, #tpu.memory_space<hbm>>
      %dma_wait3A_626 = tpu.memref_squeeze %dma_wait3A_625 : memref<1x2560x128xi32, #tpu.memory_space<hbm>> -> memref<2560x128xi32, #tpu.memory_space<hbm>>
      %dma_wait3A_627 = arith.constant 0 : i32
      %dma_wait3A_628 = tpu.memref_slice %dma_wait3A_626[%multiple_of3A_622, %dma_wait3A_627] : memref<2560x128xi32, #tpu.memory_space<hbm>> -> memref<8x128xi32, #tpu.memory_space<hbm>>
      %dma_wait3A_629 = arith.constant 0 : i32
      %dma_wait3A_630 = arith.constant 0 : i32
      %dma_wait3A_631 = tpu.memref_slice %arg3[%scan3A_33, %dma_wait3A_629, %dma_wait3A_630] : memref<2x2560x128xi32, #tpu.memory_space<hbm>> -> memref<1x2560x128xi32, #tpu.memory_space<hbm>>
      %dma_wait3A_632 = tpu.memref_squeeze %dma_wait3A_631 : memref<1x2560x128xi32, #tpu.memory_space<hbm>> -> memref<2560x128xi32, #tpu.memory_space<hbm>>
      %dma_wait3A_633 = arith.constant 0 : i32
      %dma_wait3A_634 = tpu.memref_slice %dma_wait3A_632[%multiple_of3A_622, %dma_wait3A_633] : memref<2560x128xi32, #tpu.memory_space<hbm>> -> memref<8x128xi32, #tpu.memory_space<hbm>>
      tpu.wait_dma2 semaphore(%arg14 : memref<!tpu.dma_semaphore, #tpu.memory_space<semaphore_mem>>) src(%dma_wait3A_634 : memref<8x128xi32, #tpu.memory_space<hbm>>) dst(%arg6 : memref<8x128xi32, #tpu.memory_space<vmem>>)
      %add3A_635 = arith.constant 1 : i32
      %add3A_636 = arith.addi %add3A_372, %add3A_635 : i32
      %min3A_637 = arith.constant 9 : i32
      %min3A_638 = arith.minsi %add3A_636, %min3A_637 : i32
      %mul3A_639 = arith.constant 10 : i32
      %mul3A_640 = arith.muli %add3A, %mul3A_639 : i32
      %add3A_641 = arith.addi %mul3A_640, %min3A_638 : i32
      %mul3A_642 = arith.constant 8 : i32
      %mul3A_643 = arith.muli %add3A_641, %mul3A_642 : i32
      %multiple_of3A_644 = tpu.assume_multiple %mul3A_643, 8 : i32
      %dma_wait3A_645 = arith.constant 0 : i32
      %dma_wait3A_646 = arith.constant 0 : i32
      %dma_wait3A_647 = tpu.memref_slice %arg3[%scan3A_34, %dma_wait3A_645, %dma_wait3A_646] : memref<2x2560x128xi32, #tpu.memory_space<hbm>> -> memref<1x2560x128xi32, #tpu.memory_space<hbm>>
      %dma_wait3A_648 = tpu.memref_squeeze %dma_wait3A_647 : memref<1x2560x128xi32, #tpu.memory_space<hbm>> -> memref<2560x128xi32, #tpu.memory_space<hbm>>
      %dma_wait3A_649 = arith.constant 0 : i32
      %dma_wait3A_650 = tpu.memref_slice %dma_wait3A_648[%multiple_of3A_644, %dma_wait3A_649] : memref<2560x128xi32, #tpu.memory_space<hbm>> -> memref<8x128xi32, #tpu.memory_space<hbm>>
      %dma_wait3A_651 = arith.constant 0 : i32
      %dma_wait3A_652 = arith.constant 0 : i32
      %dma_wait3A_653 = tpu.memref_slice %arg3[%scan3A_34, %dma_wait3A_651, %dma_wait3A_652] : memref<2x2560x128xi32, #tpu.memory_space<hbm>> -> memref<1x2560x128xi32, #tpu.memory_space<hbm>>
      %dma_wait3A_654 = tpu.memref_squeeze %dma_wait3A_653 : memref<1x2560x128xi32, #tpu.memory_space<hbm>> -> memref<2560x128xi32, #tpu.memory_space<hbm>>
      %dma_wait3A_655 = arith.constant 0 : i32
      %dma_wait3A_656 = tpu.memref_slice %dma_wait3A_654[%multiple_of3A_644, %dma_wait3A_655] : memref<2560x128xi32, #tpu.memory_space<hbm>> -> memref<8x128xi32, #tpu.memory_space<hbm>>
      tpu.wait_dma2 semaphore(%arg14 : memref<!tpu.dma_semaphore, #tpu.memory_space<semaphore_mem>>) src(%dma_wait3A_656 : memref<8x128xi32, #tpu.memory_space<hbm>>) dst(%arg8 : memref<8x128xi32, #tpu.memory_space<vmem>>)
      %dma_wait3A_657 = arith.constant 7 : i32
      %dma_wait3A_658 = arith.constant 0 : i32
      %dma_wait3A_659 = tpu.memref_slice %arg7[%dma_wait3A_657, %dma_wait3A_658] : memref<8x128xi32, #tpu.memory_space<vmem>> -> memref<1x128xi32, #tpu.memory_space<vmem>>
      %dma_wait3A_660 = tpu.memref_squeeze %dma_wait3A_659 : memref<1x128xi32, #tpu.memory_space<vmem>> -> memref<128xi32, #tpu.memory_space<vmem>>
      %dma_wait3A_661 = arith.constant 0 : i32
      %dma_wait3A_662 = arith.constant 0 : i32
      %dma_wait3A_663 = tpu.memref_slice %arg12[%dma_wait3A_661, %dma_wait3A_662] : memref<10240x64xf32, #tpu.memory_space<vmem_shared>> -> memref<10240x64xf32, #tpu.memory_space<vmem_shared>>
      tpu.wait_indirect_dma semaphore(%arg17 : memref<!tpu.dma_semaphore, #tpu.memory_space<semaphore_mem>>) src(%dma_wait3A_663 : memref<10240x64xf32, #tpu.memory_space<vmem_shared>>) dst(%arg11 : memref<128x64xf32, #tpu.memory_space<vmem>>)
      %dma_start3A_664 = arith.constant 7 : i32
      %dma_start3A_665 = arith.constant 0 : i32
      %dma_start3A_666 = tpu.memref_slice %arg9[%dma_start3A_664, %dma_start3A_665] : memref<8x128xi32, #tpu.memory_space<vmem>> -> memref<1x128xi32, #tpu.memory_space<vmem>>
      %dma_start3A_667 = tpu.memref_squeeze %dma_start3A_666 : memref<1x128xi32, #tpu.memory_space<vmem>> -> memref<128xi32, #tpu.memory_space<vmem>>
      %dma_start3A_668 = arith.constant 0 : i32
      %dma_start3A_669 = arith.constant 0 : i32
      %dma_start3A_670 = tpu.memref_slice %arg13[%dma_start3A_668, %dma_start3A_669] : memref<10240x64xf32, #tpu.memory_space<vmem_shared>> -> memref<10240x64xf32, #tpu.memory_space<vmem_shared>>
      tpu.enqueue_indirect_dma source(%arg11 : memref<128x64xf32, #tpu.memory_space<vmem>>) target(%dma_start3A_670 : memref<10240x64xf32, #tpu.memory_space<vmem_shared>>) offsets(%dma_start3A_667 : memref<128xi32, #tpu.memory_space<vmem>>) semaphore(%arg19 : memref<!tpu.dma_semaphore, #tpu.memory_space<semaphore_mem>>) {add = true}
      %dma_wait3A_671 = arith.constant 7 : i32
      %dma_wait3A_672 = arith.constant 0 : i32
      %dma_wait3A_673 = tpu.memref_slice %arg9[%dma_wait3A_671, %dma_wait3A_672] : memref<8x128xi32, #tpu.memory_space<vmem>> -> memref<1x128xi32, #tpu.memory_space<vmem>>
      %dma_wait3A_674 = tpu.memref_squeeze %dma_wait3A_673 : memref<1x128xi32, #tpu.memory_space<vmem>> -> memref<128xi32, #tpu.memory_space<vmem>>
      %dma_wait3A_675 = arith.constant 0 : i32
      %dma_wait3A_676 = arith.constant 0 : i32
      %dma_wait3A_677 = tpu.memref_slice %arg13[%dma_wait3A_675, %dma_wait3A_676] : memref<10240x64xf32, #tpu.memory_space<vmem_shared>> -> memref<10240x64xf32, #tpu.memory_space<vmem_shared>>
      tpu.wait_indirect_dma semaphore(%arg18 : memref<!tpu.dma_semaphore, #tpu.memory_space<semaphore_mem>>) src(%arg10 : memref<128x64xf32, #tpu.memory_space<vmem>>) dst(%dma_wait3A_677 : memref<10240x64xf32, #tpu.memory_space<vmem_shared>>)
      %dma_start3A_678 = arith.constant 0 : i32
      %dma_start3A_679 = arith.constant 0 : i32
      %dma_start3A_680 = tpu.memref_slice %arg6[%dma_start3A_678, %dma_start3A_679] : memref<8x128xi32, #tpu.memory_space<vmem>> -> memref<1x128xi32, #tpu.memory_space<vmem>>
      %dma_start3A_681 = tpu.memref_squeeze %dma_start3A_680 : memref<1x128xi32, #tpu.memory_space<vmem>> -> memref<128xi32, #tpu.memory_space<vmem>>
      %dma_start3A_682 = arith.constant 0 : i32
      %dma_start3A_683 = arith.constant 0 : i32
      %dma_start3A_684 = tpu.memref_slice %arg12[%dma_start3A_682, %dma_start3A_683] : memref<10240x64xf32, #tpu.memory_space<vmem_shared>> -> memref<10240x64xf32, #tpu.memory_space<vmem_shared>>
      tpu.enqueue_indirect_dma source(%dma_start3A_684 : memref<10240x64xf32, #tpu.memory_space<vmem_shared>>) target(%arg10 : memref<128x64xf32, #tpu.memory_space<vmem>>) offsets(%dma_start3A_681 : memref<128xi32, #tpu.memory_space<vmem>>) semaphore(%arg16 : memref<!tpu.dma_semaphore, #tpu.memory_space<semaphore_mem>>)
    }
    %scan3A_39 = arith.constant 5 : i32
    %dma_wait3A = arith.constant 0 : i32
    %dma_wait3A_40 = arith.constant 0 : i32
    %dma_wait3A_41 = tpu.memref_slice %arg6[%dma_wait3A, %dma_wait3A_40] : memref<8x128xi32, #tpu.memory_space<vmem>> -> memref<1x128xi32, #tpu.memory_space<vmem>>
    %dma_wait3A_42 = tpu.memref_squeeze %dma_wait3A_41 : memref<1x128xi32, #tpu.memory_space<vmem>> -> memref<128xi32, #tpu.memory_space<vmem>>
    %dma_wait3A_43 = arith.constant 0 : i32
    %dma_wait3A_44 = arith.constant 0 : i32
    %dma_wait3A_45 = tpu.memref_slice %arg12[%dma_wait3A_43, %dma_wait3A_44] : memref<10240x64xf32, #tpu.memory_space<vmem_shared>> -> memref<10240x64xf32, #tpu.memory_space<vmem_shared>>
    tpu.wait_indirect_dma semaphore(%arg16 : memref<!tpu.dma_semaphore, #tpu.memory_space<semaphore_mem>>) src(%dma_wait3A_45 : memref<10240x64xf32, #tpu.memory_space<vmem_shared>>) dst(%arg10 : memref<128x64xf32, #tpu.memory_space<vmem>>)
    %dma_wait3A_46 = arith.constant 7 : i32
    %dma_wait3A_47 = arith.constant 0 : i32
    %dma_wait3A_48 = tpu.memref_slice %arg9[%dma_wait3A_46, %dma_wait3A_47] : memref<8x128xi32, #tpu.memory_space<vmem>> -> memref<1x128xi32, #tpu.memory_space<vmem>>
    %dma_wait3A_49 = tpu.memref_squeeze %dma_wait3A_48 : memref<1x128xi32, #tpu.memory_space<vmem>> -> memref<128xi32, #tpu.memory_space<vmem>>
    %dma_wait3A_50 = arith.constant 0 : i32
    %dma_wait3A_51 = arith.constant 0 : i32
    %dma_wait3A_52 = tpu.memref_slice %arg13[%dma_wait3A_50, %dma_wait3A_51] : memref<10240x64xf32, #tpu.memory_space<vmem_shared>> -> memref<10240x64xf32, #tpu.memory_space<vmem_shared>>
    tpu.wait_indirect_dma semaphore(%arg19 : memref<!tpu.dma_semaphore, #tpu.memory_space<semaphore_mem>>) src(%arg11 : memref<128x64xf32, #tpu.memory_space<vmem>>) dst(%dma_wait3A_52 : memref<10240x64xf32, #tpu.memory_space<vmem_shared>>)
    %barrier3A_53 = arith.constant 0 : index
    tpu.barrier barrier_id(%barrier3A_53)
    "tpu.region"() ({
      %run_scoped3A_54 = tpu.sem_alloc : memref<!tpu.dma_semaphore, #tpu.memory_space<semaphore_mem>>
      %dma_start3A_55 = arith.constant 0 : i32
      %dma_start3A_56 = tpu.memref_slice %arg5[%arg0, %multiple_of3A, %dma_start3A_55] : memref<2x10240x64xf32, #tpu.memory_space<hbm>> -> memref<1x640x64xf32, #tpu.memory_space<hbm>>
      %dma_start3A_57 = tpu.memref_squeeze %dma_start3A_56 : memref<1x640x64xf32, #tpu.memory_space<hbm>> -> memref<640x64xf32, #tpu.memory_space<hbm>>
      %dma_start3A_58 = arith.constant 0 : i32
      %dma_start3A_59 = tpu.memref_slice %arg13[%multiple_of3A, %dma_start3A_58] : memref<10240x64xf32, #tpu.memory_space<vmem_shared>> -> memref<640x64xf32, #tpu.memory_space<vmem_shared>>
      tpu.enqueue_dma source(%dma_start3A_59 : memref<640x64xf32, #tpu.memory_space<vmem_shared>>) target(%dma_start3A_57 : memref<640x64xf32, #tpu.memory_space<hbm>>) target_semaphore(%run_scoped3A_54 : memref<!tpu.dma_semaphore, #tpu.memory_space<semaphore_mem>>)
      %dma_wait3A_60 = arith.constant 0 : i32
      %dma_wait3A_61 = tpu.memref_slice %arg5[%arg0, %multiple_of3A, %dma_wait3A_60] : memref<2x10240x64xf32, #tpu.memory_space<hbm>> -> memref<1x640x64xf32, #tpu.memory_space<hbm>>
      %dma_wait3A_62 = tpu.memref_squeeze %dma_wait3A_61 : memref<1x640x64xf32, #tpu.memory_space<hbm>> -> memref<640x64xf32, #tpu.memory_space<hbm>>
      %dma_wait3A_63 = arith.constant 0 : i32
      %dma_wait3A_64 = tpu.memref_slice %arg13[%multiple_of3A, %dma_wait3A_63] : memref<10240x64xf32, #tpu.memory_space<vmem_shared>> -> memref<640x64xf32, #tpu.memory_space<vmem_shared>>
      tpu.wait_dma2 semaphore(%run_scoped3A_54 : memref<!tpu.dma_semaphore, #tpu.memory_space<semaphore_mem>>) src(%dma_wait3A_64 : memref<640x64xf32, #tpu.memory_space<vmem_shared>>) dst(%dma_wait3A_62 : memref<640x64xf32, #tpu.memory_space<hbm>>)
      tpu.yield
    }) : () -> ()
    return
  }
}

module attributes {stable_mosaic.version = 14 : i64} {
  func.func @_l1_body(%arg0: i32, %arg1: memref<2048x128xf32, #tpu.memory_space<vmem>>, %arg2: memref<128x64xf32, #tpu.memory_space<vmem>>, %arg3: memref<2x2048x16xf32, #tpu.memory_space<vmem>>, %arg4: memref<2048x64xf32, #tpu.memory_space<vmem>>) attributes {dimension_semantics = [#tpu.dimension_semantics<arbitrary>], iteration_bounds = array<i64: 5>, scalar_prefetch = 0 : i64, scratch_operands = 0 : i64, tpu.core_type = #tpu.core_type<tc>, window_params = [{transform_indices = @transform_0, window_bounds = array<i64: 2048, 128>}, {pipeline_mode = #tpu.pipeline_mode<synchronous>, transform_indices = @transform_1, window_bounds = array<i64: 128, 64>}, {transform_indices = @transform_2, window_bounds = array<i64: 2, 2048, 16>}, {transform_indices = @transform_3, window_bounds = array<i64: 2048, 64>}]} {
    %get3A = arith.constant 0 : index
    %get3A_0 = arith.constant 0 : index
    %get3A_1 = vector.load %arg1[%get3A, %get3A_0] : memref<2048x128xf32, #tpu.memory_space<vmem>>, vector<2048x128xf32>
    %get3A_2 = arith.constant 0 : index
    %get3A_3 = arith.constant 0 : index
    %get3A_4 = vector.load %arg2[%get3A_2, %get3A_3] : memref<128x64xf32, #tpu.memory_space<vmem>>, vector<128x64xf32>
    %dot_general3A = arith.constant dense<0.000000e+00> : vector<2048x64xf32>
    %dot_general3A_5 = tpu.matmul %get3A_1, %get3A_4, %dot_general3A {dimension_numbers = #tpu.dot_dimension_numbers<[1], [0], [0], [1], [0, 0, 1, 1], [], []>, transpose_lhs_hint = false} : vector<2048x128xf32>, vector<128x64xf32>, vector<2048x64xf32> -> vector<2048x64xf32>
    %get3A_6 = arith.constant 0 : index
    %get3A_7 = arith.constant 0 : index
    %get3A_8 = arith.constant 0 : index
    %get3A_9 = vector.load %arg3[%get3A_6, %get3A_7, %get3A_8] : memref<2x2048x16xf32, #tpu.memory_space<vmem>>, vector<1x2048x1xf32>
    %get3A_10 = vector.shape_cast %get3A_9 : vector<1x2048x1xf32> to vector<2048x1xf32>
    %get3A_11 = arith.constant 1 : index
    %get3A_12 = arith.constant 0 : index
    %get3A_13 = arith.constant 0 : index
    %get3A_14 = vector.load %arg3[%get3A_11, %get3A_12, %get3A_13] : memref<2x2048x16xf32, #tpu.memory_space<vmem>>, vector<1x2048x1xf32>
    %get3A_15 = vector.shape_cast %get3A_14 : vector<1x2048x1xf32> to vector<2048x1xf32>
    %add3A = arith.addf %get3A_10, %get3A_15 : vector<2048x1xf32>
    %add3A_16 = arith.constant 1.000000e+00 : f32
    %add3A_17 = vector.broadcast %add3A_16 : f32 to vector<2048x1xf32>
    %add3A_18 = arith.addf %add3A, %add3A_17 : vector<2048x1xf32>
    %rsqrt3A = math.rsqrt %add3A_18 : vector<2048x1xf32>
    %mul3A = vector.broadcast %rsqrt3A : vector<2048x1xf32> to vector<2048x64xf32>
    %mul3A_19 = arith.mulf %dot_general3A_5, %mul3A : vector<2048x64xf32>
    %swap3A = arith.constant 0 : index
    %swap3A_20 = arith.constant 0 : index
    %swap3A_21 = vector.load %arg4[%swap3A, %swap3A_20] : memref<2048x64xf32, #tpu.memory_space<vmem>>, vector<2048x64xf32>
    tpu.vector_store %arg4[%swap3A, %swap3A_20], %mul3A_19 {strides = array<i32>} : memref<2048x64xf32, #tpu.memory_space<vmem>>, vector<2048x64xf32>,
    return
  }
  func.func @transform_0(%arg0: i32) -> (i32, i32) {
    %c0_i32 = arith.constant 0 : i32
    %c0_i32_0 = arith.constant 0 : i32
    return %arg0, %c0_i32 : i32, i32
  }
  func.func @transform_1(%arg0: i32) -> (i32, i32) {
    %c0_i32 = arith.constant 0 : i32
    %c0_i32_0 = arith.constant 0 : i32
    %c0_i32_1 = arith.constant 0 : i32
    return %c0_i32, %c0_i32_0 : i32, i32
  }
  func.func @transform_2(%arg0: i32) -> (i32, i32, i32) {
    %c0_i32 = arith.constant 0 : i32
    %c0_i32_0 = arith.constant 0 : i32
    %c0_i32_1 = arith.constant 0 : i32
    return %c0_i32, %arg0, %c0_i32_0 : i32, i32, i32
  }
  func.func @transform_3(%arg0: i32) -> (i32, i32) {
    %c0_i32 = arith.constant 0 : i32
    %c0_i32_0 = arith.constant 0 : i32
    return %arg0, %c0_i32 : i32, i32
  }
}

module attributes {stable_mosaic.version = 14 : i64} {
  func.func @_l2_body(%arg0: i32, %arg1: memref<2x2048x64xf32, #tpu.memory_space<vmem>>, %arg2: memref<2048x64xf32, #tpu.memory_space<vmem>>, %arg3: memref<2x2048x16xf32, #tpu.memory_space<vmem>>, %arg4: memref<1x64xf32, #tpu.memory_space<vmem>>, %arg5: memref<64x32xf32, #tpu.memory_space<vmem>>, %arg6: memref<2048x32xf32, #tpu.memory_space<vmem>>) attributes {dimension_semantics = [#tpu.dimension_semantics<arbitrary>], iteration_bounds = array<i64: 5>, scalar_prefetch = 0 : i64, scratch_operands = 0 : i64, tpu.core_type = #tpu.core_type<tc>, window_params = [{transform_indices = @transform_0, window_bounds = array<i64: 2, 2048, 64>}, {transform_indices = @transform_1, window_bounds = array<i64: 2048, 64>}, {transform_indices = @transform_2, window_bounds = array<i64: 2, 2048, 16>}, {pipeline_mode = #tpu.pipeline_mode<synchronous>, transform_indices = @transform_3, window_bounds = array<i64: 1, 64>}, {pipeline_mode = #tpu.pipeline_mode<synchronous>, transform_indices = @transform_4, window_bounds = array<i64: 64, 32>}, {transform_indices = @transform_5, window_bounds = array<i64: 2048, 32>}]} {
    %get3A = arith.constant 0 : index
    %get3A_0 = arith.constant 0 : index
    %get3A_1 = arith.constant 0 : index
    %get3A_2 = vector.load %arg3[%get3A, %get3A_0, %get3A_1] : memref<2x2048x16xf32, #tpu.memory_space<vmem>>, vector<1x2048x1xf32>
    %get3A_3 = vector.shape_cast %get3A_2 : vector<1x2048x1xf32> to vector<2048x1xf32>
    %get3A_4 = arith.constant 1 : index
    %get3A_5 = arith.constant 0 : index
    %get3A_6 = arith.constant 0 : index
    %get3A_7 = vector.load %arg3[%get3A_4, %get3A_5, %get3A_6] : memref<2x2048x16xf32, #tpu.memory_space<vmem>>, vector<1x2048x1xf32>
    %get3A_8 = vector.shape_cast %get3A_7 : vector<1x2048x1xf32> to vector<2048x1xf32>
    %add3A = arith.addf %get3A_3, %get3A_8 : vector<2048x1xf32>
    %add3A_9 = arith.constant 1.000000e+00 : f32
    %add3A_10 = vector.broadcast %add3A_9 : f32 to vector<2048x1xf32>
    %add3A_11 = arith.addf %add3A, %add3A_10 : vector<2048x1xf32>
    %rsqrt3A = math.rsqrt %add3A_11 : vector<2048x1xf32>
    %get3A_12 = arith.constant 0 : index
    %get3A_13 = arith.constant 0 : index
    %get3A_14 = arith.constant 0 : index
    %get3A_15 = vector.load %arg1[%get3A_12, %get3A_13, %get3A_14] : memref<2x2048x64xf32, #tpu.memory_space<vmem>>, vector<1x2048x64xf32>
    %get3A_16 = vector.shape_cast %get3A_15 : vector<1x2048x64xf32> to vector<2048x64xf32>
    %get3A_17 = arith.constant 1 : index
    %get3A_18 = arith.constant 0 : index
    %get3A_19 = arith.constant 0 : index
    %get3A_20 = vector.load %arg1[%get3A_17, %get3A_18, %get3A_19] : memref<2x2048x64xf32, #tpu.memory_space<vmem>>, vector<1x2048x64xf32>
    %get3A_21 = vector.shape_cast %get3A_20 : vector<1x2048x64xf32> to vector<2048x64xf32>
    %add3A_22 = arith.addf %get3A_16, %get3A_21 : vector<2048x64xf32>
    %get3A_23 = arith.constant 0 : index
    %get3A_24 = arith.constant 0 : index
    %get3A_25 = vector.load %arg2[%get3A_23, %get3A_24] : memref<2048x64xf32, #tpu.memory_space<vmem>>, vector<2048x64xf32>
    %add3A_26 = arith.addf %add3A_22, %get3A_25 : vector<2048x64xf32>
    %mul3A = vector.broadcast %rsqrt3A : vector<2048x1xf32> to vector<2048x64xf32>
    %mul3A_27 = arith.mulf %add3A_26, %mul3A : vector<2048x64xf32>
    %get3A_28 = arith.constant 0 : index
    %get3A_29 = arith.constant 0 : index
    %get3A_30 = vector.load %arg4[%get3A_28, %get3A_29] : memref<1x64xf32, #tpu.memory_space<vmem>>, vector<1x64xf32>
    %add3A_31 = vector.broadcast %get3A_30 : vector<1x64xf32> to vector<2048x64xf32>
    %add3A_32 = arith.addf %mul3A_27, %add3A_31 : vector<2048x64xf32>
    %max3A = arith.constant 0.000000e+00 : f32
    %max3A_33 = vector.broadcast %max3A : f32 to vector<2048x64xf32>
    %max3A_34 = arith.maximumf %add3A_32, %max3A_33 : vector<2048x64xf32>
    %get3A_35 = arith.constant 0 : index
    %get3A_36 = arith.constant 0 : index
    %get3A_37 = vector.load %arg5[%get3A_35, %get3A_36] : memref<64x32xf32, #tpu.memory_space<vmem>>, vector<64x32xf32>
    %dot_general3A = arith.constant dense<0.000000e+00> : vector<2048x32xf32>
    %dot_general3A_38 = tpu.matmul %max3A_34, %get3A_37, %dot_general3A {dimension_numbers = #tpu.dot_dimension_numbers<[1], [0], [0], [1], [0, 0, 1, 1], [], []>, transpose_lhs_hint = false} : vector<2048x64xf32>, vector<64x32xf32>, vector<2048x32xf32> -> vector<2048x32xf32>
    %mul3A_39 = vector.broadcast %rsqrt3A : vector<2048x1xf32> to vector<2048x32xf32>
    %mul3A_40 = arith.mulf %dot_general3A_38, %mul3A_39 : vector<2048x32xf32>
    %swap3A = arith.constant 0 : index
    %swap3A_41 = arith.constant 0 : index
    %swap3A_42 = vector.load %arg6[%swap3A, %swap3A_41] : memref<2048x32xf32, #tpu.memory_space<vmem>>, vector<2048x32xf32>
    tpu.vector_store %arg6[%swap3A, %swap3A_41], %mul3A_40 {strides = array<i32>} : memref<2048x32xf32, #tpu.memory_space<vmem>>, vector<2048x32xf32>,
    return
  }
  func.func @transform_0(%arg0: i32) -> (i32, i32, i32) {
    %c0_i32 = arith.constant 0 : i32
    %c0_i32_0 = arith.constant 0 : i32
    %c0_i32_1 = arith.constant 0 : i32
    return %c0_i32, %arg0, %c0_i32_0 : i32, i32, i32
  }
  func.func @transform_1(%arg0: i32) -> (i32, i32) {
    %c0_i32 = arith.constant 0 : i32
    %c0_i32_0 = arith.constant 0 : i32
    return %arg0, %c0_i32 : i32, i32
  }
  func.func @transform_2(%arg0: i32) -> (i32, i32, i32) {
    %c0_i32 = arith.constant 0 : i32
    %c0_i32_0 = arith.constant 0 : i32
    %c0_i32_1 = arith.constant 0 : i32
    return %c0_i32, %arg0, %c0_i32_0 : i32, i32, i32
  }
  func.func @transform_3(%arg0: i32) -> (i32, i32) {
    %c0_i32 = arith.constant 0 : i32
    %c0_i32_0 = arith.constant 0 : i32
    %c0_i32_1 = arith.constant 0 : i32
    return %c0_i32, %c0_i32_0 : i32, i32
  }
  func.func @transform_4(%arg0: i32) -> (i32, i32) {
    %c0_i32 = arith.constant 0 : i32
    %c0_i32_0 = arith.constant 0 : i32
    %c0_i32_1 = arith.constant 0 : i32
    return %c0_i32, %c0_i32_0 : i32, i32
  }
  func.func @transform_5(%arg0: i32) -> (i32, i32) {
    %c0_i32 = arith.constant 0 : i32
    %c0_i32_0 = arith.constant 0 : i32
    return %arg0, %c0_i32 : i32, i32
  }
}

module attributes {stable_mosaic.version = 14 : i64} {
  func.func @_l3_body(%arg0: i32, %arg1: memref<2x2000x32xf32, #tpu.memory_space<vmem>>, %arg2: memref<2000x32xf32, #tpu.memory_space<vmem>>, %arg3: memref<2x2000x16xf32, #tpu.memory_space<vmem>>, %arg4: memref<1x32xf32, #tpu.memory_space<vmem>>, %arg5: memref<2000x32xf32, #tpu.memory_space<vmem>>) attributes {dimension_semantics = [#tpu.dimension_semantics<arbitrary>], iteration_bounds = array<i64: 5>, scalar_prefetch = 0 : i64, scratch_operands = 0 : i64, tpu.core_type = #tpu.core_type<tc>, window_params = [{transform_indices = @transform_0, window_bounds = array<i64: 2, 2000, 32>}, {transform_indices = @transform_1, window_bounds = array<i64: 2000, 32>}, {transform_indices = @transform_2, window_bounds = array<i64: 2, 2000, 16>}, {pipeline_mode = #tpu.pipeline_mode<synchronous>, transform_indices = @transform_3, window_bounds = array<i64: 1, 32>}, {transform_indices = @transform_4, window_bounds = array<i64: 2000, 32>}]} {
    %get3A = arith.constant 0 : index
    %get3A_0 = arith.constant 0 : index
    %get3A_1 = arith.constant 0 : index
    %get3A_2 = vector.load %arg3[%get3A, %get3A_0, %get3A_1] : memref<2x2000x16xf32, #tpu.memory_space<vmem>>, vector<1x2000x1xf32>
    %get3A_3 = vector.shape_cast %get3A_2 : vector<1x2000x1xf32> to vector<2000x1xf32>
    %get3A_4 = arith.constant 1 : index
    %get3A_5 = arith.constant 0 : index
    %get3A_6 = arith.constant 0 : index
    %get3A_7 = vector.load %arg3[%get3A_4, %get3A_5, %get3A_6] : memref<2x2000x16xf32, #tpu.memory_space<vmem>>, vector<1x2000x1xf32>
    %get3A_8 = vector.shape_cast %get3A_7 : vector<1x2000x1xf32> to vector<2000x1xf32>
    %add3A = arith.addf %get3A_3, %get3A_8 : vector<2000x1xf32>
    %add3A_9 = arith.constant 1.000000e+00 : f32
    %add3A_10 = vector.broadcast %add3A_9 : f32 to vector<2000x1xf32>
    %add3A_11 = arith.addf %add3A, %add3A_10 : vector<2000x1xf32>
    %rsqrt3A = math.rsqrt %add3A_11 : vector<2000x1xf32>
    %get3A_12 = arith.constant 0 : index
    %get3A_13 = arith.constant 0 : index
    %get3A_14 = arith.constant 0 : index
    %get3A_15 = vector.load %arg1[%get3A_12, %get3A_13, %get3A_14] : memref<2x2000x32xf32, #tpu.memory_space<vmem>>, vector<1x2000x32xf32>
    %get3A_16 = vector.shape_cast %get3A_15 : vector<1x2000x32xf32> to vector<2000x32xf32>
    %get3A_17 = arith.constant 1 : index
    %get3A_18 = arith.constant 0 : index
    %get3A_19 = arith.constant 0 : index
    %get3A_20 = vector.load %arg1[%get3A_17, %get3A_18, %get3A_19] : memref<2x2000x32xf32, #tpu.memory_space<vmem>>, vector<1x2000x32xf32>
    %get3A_21 = vector.shape_cast %get3A_20 : vector<1x2000x32xf32> to vector<2000x32xf32>
    %add3A_22 = arith.addf %get3A_16, %get3A_21 : vector<2000x32xf32>
    %get3A_23 = arith.constant 0 : index
    %get3A_24 = arith.constant 0 : index
    %get3A_25 = vector.load %arg2[%get3A_23, %get3A_24] : memref<2000x32xf32, #tpu.memory_space<vmem>>, vector<2000x32xf32>
    %add3A_26 = arith.addf %add3A_22, %get3A_25 : vector<2000x32xf32>
    %mul3A = vector.broadcast %rsqrt3A : vector<2000x1xf32> to vector<2000x32xf32>
    %mul3A_27 = arith.mulf %add3A_26, %mul3A : vector<2000x32xf32>
    %get3A_28 = arith.constant 0 : index
    %get3A_29 = arith.constant 0 : index
    %get3A_30 = vector.load %arg4[%get3A_28, %get3A_29] : memref<1x32xf32, #tpu.memory_space<vmem>>, vector<1x32xf32>
    %add3A_31 = vector.broadcast %get3A_30 : vector<1x32xf32> to vector<2000x32xf32>
    %add3A_32 = arith.addf %mul3A_27, %add3A_31 : vector<2000x32xf32>
    %max3A = arith.constant 0.000000e+00 : f32
    %max3A_33 = vector.broadcast %max3A : f32 to vector<2000x32xf32>
    %max3A_34 = arith.maximumf %add3A_32, %max3A_33 : vector<2000x32xf32>
    %swap3A = arith.constant 0 : index
    %swap3A_35 = arith.constant 0 : index
    %swap3A_36 = vector.load %arg5[%swap3A, %swap3A_35] : memref<2000x32xf32, #tpu.memory_space<vmem>>, vector<2000x32xf32>
    tpu.vector_store %arg5[%swap3A, %swap3A_35], %max3A_34 {strides = array<i32>} : memref<2000x32xf32, #tpu.memory_space<vmem>>, vector<2000x32xf32>,
    return
  }
  func.func @transform_0(%arg0: i32) -> (i32, i32, i32) {
    %c0_i32 = arith.constant 0 : i32
    %c0_i32_0 = arith.constant 0 : i32
    %c0_i32_1 = arith.constant 0 : i32
    return %c0_i32, %arg0, %c0_i32_0 : i32, i32, i32
  }
  func.func @transform_1(%arg0: i32) -> (i32, i32) {
    %c0_i32 = arith.constant 0 : i32
    %c0_i32_0 = arith.constant 0 : i32
    return %arg0, %c0_i32 : i32, i32
  }
  func.func @transform_2(%arg0: i32) -> (i32, i32, i32) {
    %c0_i32 = arith.constant 0 : i32
    %c0_i32_0 = arith.constant 0 : i32
    %c0_i32_1 = arith.constant 0 : i32
    return %c0_i32, %arg0, %c0_i32_0 : i32, i32, i32
  }
  func.func @transform_3(%arg0: i32) -> (i32, i32) {
    %c0_i32 = arith.constant 0 : i32
    %c0_i32_0 = arith.constant 0 : i32
    %c0_i32_1 = arith.constant 0 : i32
    return %c0_i32, %c0_i32_0 : i32, i32
  }
  func.func @transform_4(%arg0: i32) -> (i32, i32) {
    %c0_i32 = arith.constant 0 : i32
    %c0_i32_0 = arith.constant 0 : i32
    return %arg0, %c0_i32 : i32, i32
  }
}

</mosaic_0001>

<sc_bundles>
// kernel: kernel.11.cloned.1.call-start
scs
__scs_entry_jumppad:
0x0: {  	(pc) =	sbr.rel $0x88, $3  }
0x1: {  	(tag) =	ssettag $0x0;
	lr =	simm.s32 $0x1  }
0x2: {  	[smem:$0x3F9B] =	sst lr;
	_ =	strace $0xD0000000  }
0x3: {  	_ = 	snop  }
0x4: {  	_ = 	snop  }
0x5: {  	_ = 	snop  }
0x6: {  	_ = 	snop  }
0x7: {  	_ = 	snop  }
__scs_overlays_trampoline_lowered:
0x8: {  	[smem:$0x3FAA] =	sst s0  }
0x9: {  	[smem:$0x3FAB] =	sst s1  }
0xa: {  	[smem:$0x3FAC] =	sst s2  }
0xb: {  	[smem:$0x3FAD] =	sst s3  }
0xc: {  	[smem:$0x3FAE] =	sst s4  }
0xd: {  	[smem:$0x3FAF] =	sst s5  }
0xe: {  	[smem:$0x3FB0] =	sst s6  }
0xf: {  	[smem:$0x3FB1] =	sst s7  }
0x10: {  	[smem:$0x3FB2] =	sst s8  }
0x11: {  	[smem:$0x3FB3] =	sst s9;
	s0 =	simm.s32 @!p0 $0x0  }
0x12: {  	s1 =	sld [smem:$0x3F99];
	s0 =	simm.s32 @p0 $0x1  }
0x13: {  	[smem:$0x3FB4] =	sst s0;
	s0 =	simm.s32 @!p1 $0x0  }
0x14: {  	s2 =	sld [smem:$0x3F98];
	s0 =	simm.s32 @p1 $0x1  }
0x15: {  	[smem:$0x3FB5] =	sst s0;
	s0 =	simm.s32 @!p2 $0x0  }
0x16: {  	s3 =	sld [smem:$0x3FDB];
	s0 =	simm.s32 @p2 $0x1  }
0x17: {  	s4 =	simm.s32 $0x1BF5;
	[smem:$0x3FB7] =	sst s0  }
0x18: {  	s0 =	sld [smem:$0x3F9A];
	_ =	swait.ge [sflag:s4], $0x0  }
0x19: {  	s7 =	sld [smem:$0x3F9B]  }
0x1a: {  	s8 =	sadd.s32 $0xFFFFE003, lr  }
0x1b: {  	s9 =	sadd.s32 $0xFFFFFEF7, lr;
	s5 =	simm.s32 $0xFFFFFFFF;
	p2 =	slt.u32 s8, $0xFFFFF086  }
0x1c: {  	p1 =	slt.u32 s9, $0xF7A;
	s5 =	simm.s32 @!p2 $0x0  }
0x1d: {  	s5 =	simm.s32 @p1 $0x1;
	p0 =	seq.s32 s7, s2  }
0x1e: {  	s7 =	smul.u32 @!p0 $0xF7A, s2;
	p2 =	seq.s32 @!p0 s5, $0x0  }
0x1f: {  	s9 =	smul.u32 $0xF7A, s1;
	s8 =	simm.s32 @!p0 $0x1BF5;
	p2 =	por !p2, p0  }
0x20: {  	[sflag:s8] =	ssyncset.s32 @!p0 $0xFFFFF086;
	s6 =	sadd.s32 @!p0 s3, s7;
	s7 =	simm.s32 @!p0 $0x108  }
0x21: {  	s3 =	sadd.s32 s3, s9;
	s6 =	sadd.s32 @!p0 $0x88, s6;
	s7 =	simm.s32 @p2 $0x1082  }
0x22: {  	[simem:s7], [sflag:s8] =	dma.local @!p0 [hbm:s6], $0xF7A  }
0x23: {  	s9 =	sor.u32 $0xD0000000, s2;
	s6 =	simm.s32 $0x108;
	_ =	swait.ge @!p0 [sflag:s8], $0x0  }
0x24: {  	s3 =	sadd.s32 $0x88, s3;
	s6 =	simm.s32 @!p1 $0x1082;
	[sflag:s4] =	ssyncset.s32 $0xFFFFF086  }
0x25: {  	[simem:s6], [sflag:s4] =	dma.local [hbm:s3], $0xF7A  }
0x26: {  	[smem:$0x3F9B] =	sst s1;
	(tag) =	ssettag s2;
	_ =	strace s9  }
0x27: {  	s1 =	sld [smem:$0x3FAB]  }
0x28: {  	s2 =	sld [smem:$0x3FAC]  }
0x29: {  	s4 =	sld [smem:$0x3FAE]  }
0x2a: {  	p0 =	seq.s32 s5, $0x0;
	s5 =	sld [smem:$0x3FAF]  }
0x2b: {  	s6 =	sld [smem:$0x3FB0]  }
0x2c: {  	s7 =	sld [smem:$0x3FB1]  }
0x2d: {  	s3 =	simm.s32 $0x108;
	s8 =	sld [smem:$0x3FB2]  }
0x2e: {  	s3 =	simm.s32 @!p0 $0x1082;
	s9 =	sld [smem:$0x3FB3]  }
0x2f: {  	lr =	sadd.s32 s0, s3;
	s0 =	sld [smem:$0x3FAA]  }
0x30: {  	s3 =	sld [smem:$0x3FAD]  }
0x31: {  	[smem:$0x3FB6] =	sst s10  }
0x32: {  	s10 =	sld [smem:$0x3FB4];
	_ =	sdelay $0x3  }
0x33: {  	p0 =	seq.s32 s10, $0x1;
	s10 =	sld [smem:$0x3FB6];
	_ =	sdelay $0x3  }
0x34: {  	[smem:$0x3FB6] =	sst s10  }
0x35: {  	s10 =	sld [smem:$0x3FB5];
	_ =	sdelay $0x3  }
0x36: {  	p1 =	seq.s32 s10, $0x1;
	s10 =	sld [smem:$0x3FB6];
	_ =	sdelay $0x3  }
0x37: {  	[smem:$0x3FB6] =	sst s10  }
0x38: {  	s10 =	sld [smem:$0x3FB7]  }
0x39: {  	_ = 	snop;
	(pc) =	sbr.ind lr, $3  }
0x3a: {  	_ = 	snop  }
0x3b: {  	_ = 	snop  }
0x3c: {  	p2 =	seq.s32 s10, $0x1;
	s10 =	sld [smem:$0x3FB6]  }
0x3d: {  	_ =	shalt  }
0x3e: {  	_ =	shalt  }
0x3f: {  	_ =	shalt  }
0x40: {  	_ =	shalt  }
0x41: {  	_ =	shalt  }
0x42: {  	_ =	shalt  }
0x43: {  	_ =	shalt  }
0x44: {  	_ =	shalt  }
0x45: {  	_ =	shalt  }
0x46: {  	_ =	shalt  }
0x47: {  	_ =	shalt  }
0x48: {  	_ =	shalt  }
0x49: {  	_ =	shalt  }
0x4a: {  	_ =	shalt  }
0x4b: {  	_ =	shalt  }
0x4c: {  	_ =	shalt  }
0x4d: {  	_ =	shalt  }
0x4e: {  	_ =	shalt  }
0x4f: {  	_ =	shalt  }
0x50: {  	_ =	shalt  }
0x51: {  	_ =	shalt  }
0x52: {  	_ =	shalt  }
0x53: {  	_ =	shalt  }
0x54: {  	_ =	shalt  }
0x55: {  	_ =	shalt  }
0x56: {  	_ =	shalt  }
0x57: {  	_ =	shalt  }
0x58: {  	_ =	shalt  }
0x59: {  	_ =	shalt  }
0x5a: {  	_ =	shalt  }
0x5b: {  	_ =	shalt  }
0x5c: {  	_ =	shalt  }
0x5d: {  	_ =	shalt  }
0x5e: {  	_ =	shalt  }
0x5f: {  	_ =	shalt  }
0x60: {  	_ =	shalt  }
0x61: {  	_ =	shalt  }
0x62: {  	_ =	shalt  }
0x63: {  	_ =	shalt  }
0x64: {  	_ =	shalt  }
0x65: {  	_ =	shalt  }
0x66: {  	_ =	shalt  }
0x67: {  	_ =	shalt  }
0x68: {  	_ =	shalt  }
0x69: {  	_ =	shalt  }
0x6a: {  	_ =	shalt  }
0x6b: {  	_ =	shalt  }
0x6c: {  	_ =	shalt  }
0x6d: {  	_ =	shalt  }
0x6e: {  	_ =	shalt  }
0x6f: {  	_ =	shalt  }
0x70: {  	_ =	shalt  }
0x71: {  	_ =	shalt  }
0x72: {  	_ =	shalt  }
0x73: {  	_ =	shalt  }
0x74: {  	_ =	shalt  }
0x75: {  	_ =	shalt  }
0x76: {  	_ =	shalt  }
0x77: {  	_ =	shalt  }
0x78: {  	_ =	shalt  }
0x79: {  	_ =	shalt  }
0x7a: {  	_ =	shalt  }
0x7b: {  	_ =	shalt  }
0x7c: {  	_ =	shalt  }
0x7d: {  	_ =	shalt  }
0x7e: {  	_ =	shalt  }
0x7f: {  	_ =	shalt  }
0x80: {  	_ =	shalt  }
0x81: {  	_ =	shalt  }
0x82: {  	_ =	shalt  }
0x83: {  	_ =	shalt  }
0x84: {  	_ =	shalt  }
0x85: {  	_ =	shalt  }
0x86: {  	_ =	shalt  }
0x87: {  	_ =	shalt  }
.Lfunc_end0:
.L_simem_size_0:
called_computation.1_lowered:
.L_overlay_start_0:
0x88: {  	s2 =	sld [smem:$0x3FD9]  }
0x89: {  	s3 =	sld [smem:$0x3FFE];
	_ =	sdelay $0x1  }
0x8a: {  	s1 =	srdreg.scid  }
0x8b: {  	s0 =	sand.u32 $0x1, s1  }
0x8c: {  	s16 =	sshll.u32 s0, $0xA;
	s2 =	sadd.s32 s3, s2  }
0x8d: {  	s2 =	sadd.s32 s2, s16  }
0x8e: {  	[smem:$0x3FC2] =	sst s2  }
0x8f: {  	_ = 	snop  }
0x90: {  	(tm) =	ssettm $0x1  }
0x91: {  	s17 =	sld [smem:$0x3FFB];
	_ =	sdelay $0x3  }
0x92: {  	_ =	strace s17  }
0x93: {  	s2 =	sld [smem:$0x3FFC];
	_ =	sdelay $0x3  }
0x94: {  	_ =	strace s2  }
0x95: {  	s2 =	sld [smem:$0x3FFD];
	_ =	sdelay $0x3  }
0x96: {  	_ =	strace s2  }
0x97: {  	_ =	strace $0x8FFFFFFF  }
0x98: {  	s18 =	sld [smem:$0x3FDB];
	_ =	sdelay $0x1  }
0x99: {  	s19 =	simm.s32 $_scs_section_size  }
0x9a: {  	s4 =	simm.s32 $_size__tile_overlayer_lowered;
	s5 =	simm.s32 $_tile_overlayer_lowered  }
0x9b: {  	s22 =	simm.s32 $0x1BFF;
	s21 =	sshll.u32 s5, $0x1;
	s2 =	sadd.s32 s19, s18  }
0x9c: {  	s6 =	simm.s32 $0x0;
	s20 =	sshll.u32 s4, $0x1;
	s4 =	sadd.s32 s21, s2  }
0x9d: {  	[timem:s6], [sflag:s22] =	dma.local [hbm:s4], s20  }
0x9e: {  	_ =	swait.ge [sflag:s22], s20  }
0x9f: {  	s3 =	ssub.s32 $0x0, s20;
	[sflag:s22] =	ssyncset.done $0x0  }
0xa0: {  	[sflag:s22] =	ssyncadd.s32 s3;
	_ =	sdelay $0x1  }
0xa1: {  	s23 =	simm.s32 $0x1B8B  }
0xa2: {  	_ =	swait.ge [sflag:s23], $0x1  }
0xa3: {  	[sflag:s23] =	ssyncset.done $0x0  }
0xa4: {  	s25 =	simm.s32 $0x1B8E;
	s24 =	sld [smem:$0x3FFE];
	[sflag:s23] =	ssyncadd.s32 $0xFFFFFFFF  }
0xa5: {  	s26 =	simm.s32 $execute0_lowered;
	[smem:$0x3FD2] =	sst s25  }
0xa6: {  	s4 =	sshll.u32 s26, $0x1;
	_ =	strace $0x80000049;
	[dreg:$0x1] =	wrdreg $0xFFFFFFFF  }
0xa7: {  	s28 =	simm.s32 $_size_execute0_lowered;
	s2 =	sadd.s32 s2, s4;
	[dreg:$0x0] =	wrdreg $0x0  }
0xa8: {  	s4 =	sshll.u32 s28, $0x1;
	[dreg:$0x2] =	wrdreg s2  }
0xa9: {  	[dreg:$0x3] =	wrdreg s4  }
0xaa: {  	[dreg:$0x4] =	wrdreg $0xC0  }
0xab: {  	_ =	task [dreg:s6], $0x5FFFF  }
0xac: {  	[dreg:$0x1] =	wrdreg $0xFFFFFFFF  }
0xad: {  	[dreg:$0x0] =	wrdreg $0x60  }
0xae: {  	[dreg:$0x2] =	wrdreg s24  }
0xaf: {  	[dreg:$0x3] =	wrdreg $0x50000  }
0xb0: {  	[dreg:$0x4] =	wrdreg $0xF0000  }
0xb1: {  	[dreg:$0x5] =	wrdreg $0x9  }
0xb2: {  	_ =	task.clear_ibuf [dreg:s6], $0x6FFFF;
	_ =	strace $0x90000049  }
0xb3: {  	s29 =	simm.s32 $0x9;
	_ =	strace $0x8000004B  }
0xb4: {  	_ =	swait.ge [sflag:s29], $0x1  }
0xb5: {  	[sflag:s29] =	ssyncadd.s32 $0xFFFFFFFF  }
0xb6: {  	_ =	strace $0x9000004B  }
0xb7: {  	_ =	sfence  }
0xb8: {  	s30 =	sld [smem:$0x0];
	_ =	sdelay $0x2  }
0xb9: {  	s31 =	sshll.u32 s1, $0xD;
	s1 =	sshrl.u32 s1, $0x2  }
0xba: {  	s3 =	sand.u32 $0x4000, s31;
	s1 =	sadd.s32 s1, s30  }
0xbb: {  	s0 =	sor.u32 s3, s0;
	s1 =	sshll.u32 s1, $0x11  }
0xbc: {  	s0 =	sor.u32 s1, s0  }
0xbd: {  	s0 =	sadd.s32 $0x8F2B, s0  }
0xbe: {  	[sflag:s0] =	ssyncadd.remote.s32 $0x1  }
0xbf: {  	_ =	sfence.sel $0xFFFF  }
0xc0: {  	[dreg:$0x0] =	wrdreg $0xFFFFFFFF;
	(pc) =	sbr.abs _section_cstart, $3  }
0xc1: {  	[dreg:$0x1] =	wrdreg $0xFFFFFFFF  }
0xc2: {  	_ =	task.clear_ibuf [dreg:s6], $0x2FFFF;
	_ =	strace $0x9FFFFFFF  }
0xc3: {  	(tm) =	ssettm $0x7FFFFFFF  }
tec
execute0_lowered:
.L_overlay_start_1:
0x0: {  	(tag) =	ssettag $0x1  }
0x1: {  	s0 =	rddreg [dreg:$0x0]  }
0x2: {  	s2 =	rddreg [dreg:$0x1]  }
0x3: {  	s3 =	rddreg [dreg:$0x2];
	s15 =	stileid.u32  }
0x4: {  	s1 =	srdreg.scid;
	s4 =	simm.s32 $0x0;
	s24 =	simm.s32 $0x880  }
0x5: {  	s25 =	simm.s32 $0x100;
	s26 =	simm.s32 $0x900;
	s16 =	simm.s32 $0x180  }
0x6: {  	s17 =	simm.s32 $0x980;
	s19 =	simm.s32 $0x200;
	[smem:$0x7FF] =	sst s4  }
0x7: {  	s28 =	simm.s32 $0x6;
	_ =	strace $0x8000004A;
	[dreg:$0x5] =	wrdreg s24  }
0x8: {  	s29 =	simm.s32 $0x4;
	s30 =	simm.s32 $0x5;
	[dreg:$0x6] =	wrdreg s25  }
0x9: {  	s31 =	simm.s32 $0x2;
	s6 =	smul.u32 $0xA000, s15;
	[dreg:$0x7] =	wrdreg s26  }
0xa: {  	s1 =	sand.u32 $0x1, s1;
	s18 =	sadd.s32 $0x9C400, s3;
	[dreg:$0x8] =	wrdreg s16  }
0xb: {  	s5 =	sadd.s32 $0x2800, s0;
	s21 =	sshll.u32 s15, $0x6;
	[dreg:$0x1f] =	wrdreg s18  }
0xc: {  	s7 =	smul.u32 $0xA0000, s1;
	s9 =	sshll.u32 s1, $0x4;
	[dreg:$0x9] =	wrdreg s17  }
0xd: {  	s10 =	ssub.s32 $0x2, s1;
	[dreg:$0xa] =	wrdreg s19;
	s24 =	simm.s32 $0xA80  }
0xe: {  	s1 =	smul.u32 $0xA0, s1;
	s26 =	simm.s32 $0x300;
	[dreg:$0xd] =	wrdreg s24  }
0xf: {  	s16 =	simm.s32 $0xC80;
	s18 =	simm.s32 $0x500;
	[dreg:$0xe] =	wrdreg s26  }
0x10: {  	s19 =	simm.s32 $0xD00;
	s8 =	sshrl.u32 s6, $0x3;
	[dreg:$0x13] =	wrdreg s16  }
0x11: {  	s9 =	sor.u32 s15, s9;
	s20 =	sshrl.u32 s10, $0x1;
	[dreg:$0x14] =	wrdreg s18  }
0x12: {  	s14 =	sadd.s32 s6, s2;
	s16 =	simm.s32 $0x7;
	[dreg:$0x15] =	wrdreg s19  }
0x13: {  	s19 =	simm.s32 $0x800;
	s24 =	simm.s32 $0xE00;
	s26 =	simm.s32 $0xE80  }
0x14: {  	s8 =	sadd.s32 s8, s0;
	s7 =	sadd.s32 s6, s7;
	[dreg:$0x19] =	wrdreg s24  }
0x15: {  	s12 =	smul.u32 $0xA, s9;
	s17 =	sshrl.u32 s14, $0x3;
	[dreg:$0x1b] =	wrdreg s26  }
0x16: {  	s13 =	ssub.s32 s10, s20;
	s22 =	sadd.s32 $0x8E800, s8;
	[smem:$0x7FC] =	sst s17  }
0x17: {  	s6 =	sadd.s32 s6, s3;
	s8 =	sadd.s32 $0xA2800, s8;
	[dreg:$0x1c] =	wrdreg s22  }
0x18: {  	s9 =	smul.u32 $0x500, s9;
	s25 =	smax.u32 s13, $0x1;
	[dreg:$0x1d] =	wrdreg s8  }
0x19: {  	s10 =	sadd.s32 $0xC800, s0;
	s13 =	simm.s32 $0xB80;
	[smem:$0x7FA] =	sst s25  }
0x1a: {  	s7 =	sshrl.u32 s7, $0x3;
	s23 =	sadd.s32 $0x2, s12;
	[dreg:$0x11] =	wrdreg s13  }
0x1b: {  	s11 =	sadd.s32 s7, s0;
	s12 =	sadd.s32 s5, s9;
	[dreg:$0x4] =	wrdreg s23  }
0x1c: {  	s7 =	sor.u32 $0x1C07, s21;
	s21 =	simm.s32 $0xA00;
	[dreg:$0x1e] =	wrdreg s12  }
0x1d: {  	s24 =	simm.s32 $0x400;
	s22 =	simm.s32 $0x280;
	[dreg:$0xb] =	wrdreg s21  }
0x1e: {  	s26 =	simm.s32 $0x3;
	s8 =	simm.s32 $0xB00;
	[dreg:$0xc] =	wrdreg s22  }
0x1f: {  	s17 =	sshrl.u32 s6, $0x3;
	s25 =	simm.s32 $0x680;
	[dreg:$0xf] =	wrdreg s8  }
0x20: {  	s6 =	simm.s32 $0x780;
	s20 =	sadd.s32 $0xB6800, s11;
	[dreg:$0x1a] =	wrdreg s25  }
0x21: {  	s0 =	simm.s32 $0x700;
	s11 =	simm.s32 $0x380;
	[smem:$0x7F9] =	sst s20  }
0x22: {  	s23 =	smul.u32 $0xA, s15;
	s15 =	simm.s32 $0x480;
	[dreg:$0x10] =	wrdreg s11  }
0x23: {  	s21 =	sadd.s32 s9, s10;
	s22 =	simm.s32 $0xD80;
	[dreg:$0x12] =	wrdreg s15  }
0x24: {  	s25 =	simm.s32 $0xC00;
	s9 =	simm.s32 $0xF80;
	[smem:$0x7FD] =	sst s21  }
0x25: {  	s20 =	simm.s32 $0x580;
	[dreg:$0x17] =	wrdreg s22;
	s21 =	simm.s32 $0x1000  }
0x26: {  	s22 =	simm.s32 $0x3000;
	s11 =	simm.s32 $0x0;
	s1 =	sadd.s32 s23, s1  }
0x27: {  	[dreg:$0x16] =	wrdreg s20;
	s23 =	simm.s32 $0x600;
	s1 =	sshll.u32 s1, $0x7  }
0x28: {  	s20 =	simm.s32 $0x80;
	s12 =	sadd.s32 s1, s5;
	s1 =	sor.u32 $0x80, s1  }
0x29: {  	[dreg:$0x18] =	wrdreg s23;
	s8 =	sadd.s32 $0x80, s12;
	s15 =	sadd.s32 s10, s1  }
0x2a: {  	s1 =	simm.s32 $0xF00;
	[smem:$0x7FB] =	sst s8;
	s8 =	simm.s32 $0x1  }
.LBB2_1:
0x2b: {  	s13 =	sld [smem:$0x7FC];
	_ =	sdelay $0x1  }
0x2c: {  	s12 =	rddreg [dreg:$0x1c]  }
0x2d: {  	[spmem:s13], [sflag:s7] =	dma.local [hbm:s12], $0x1400  }
0x2e: {  	_ =	swait.ge [sflag:s16], $0x1400  }
0x2f: {  	[sflag:s16] =	ssyncset.done $0x0  }
0x30: {  	s18 =	rddreg [dreg:$0x1d];
	[sflag:s16] =	ssyncadd.s32 $0xFFFFEC00  }
0x31: {  	[spmem:s17], [sflag:s7] =	dma.local [hbm:s18], $0x1400  }
0x32: {  	_ =	swait.ge [sflag:s16], $0x1400  }
0x33: {  	[sflag:s16] =	ssyncset.done $0x0  }
0x34: {  	[sflag:s16] =	ssyncadd.s32 $0xFFFFEC00  }
0x35: {  	[bflag:$0x0] =	sbarrier.arrive $0xFFFF  }
0x36: {  	s23 =	rddreg [dreg:$0x1e]  }
0x37: {  	[tilespmem:s4], [sflag:$0x7] =	stream.linear.gather [hbm4b:s23+s4], $0x400, $0x38;
	[tilespmem:$0x19000] =	vst v63  }
0x38: {  	_ =	swait.ge [sflag:s16], $0x400  }
0x39: {  	s13 =	sld [smem:$0x7FD]  }
0x3a: {  	[sflag:s16] =	ssyncset.done $0x0  }
0x3b: {  	[sflag:s16] =	ssyncadd.s32 $0xFFFFFC00  }
0x3c: {  	[tilespmem:s19], [sflag:$0x7] =	stream.linear.gather [hbm4b:s13+s4], $0x400, $0x38;
	[tilespmem:$0x19000] =	vst v63  }
0x3d: {  	_ =	swait.ge [sflag:s16], $0x400  }
0x3e: {  	[sflag:s16] =	ssyncset.done $0x0  }
0x3f: {  	s14 =	rddreg [dreg:$0x1f];
	[sflag:s16] =	ssyncadd.s32 $0xFFFFFC00  }
0x40: {  	[tilespmem:s21], [sflag:$0x3] =	stream.indirect.gather [spmem:s2], $0x40, s4, s20, $0xb8;
	[tilespmem:$0x19000] =	vst v63  }
0x41: {  	s13 =	sld [smem:$0x7FB]  }
0x42: {  	[spmem:s14] =	stream.linear.scatter [tilespmem:s22], [sflag:$0x6], $0x2000, $0x38;
	[tilespmem:$0x19000] =	vst v63  }
0x43: {  	_ = 	snop  }
0x44: {  	[tilespmem:s24], [sflag:$0x2] =	stream.linear.gather [hbm4b:s13+s4], $0x400, $0x38;
	[tilespmem:$0x19000] =	vst v63  }
0x45: {  	_ = 	snop  }
0x46: {  	[tilespmem:s25], [sflag:$0x2] =	stream.linear.gather [hbm4b:s15+s4], $0x400, $0x38;
	[tilespmem:$0x19000] =	vst v63  }
0x47: {  	_ =	swait.ge [sflag:s26], $0x2000  }
0x48: {  	[sflag:s26] =	ssyncset.done $0x0  }
0x49: {  	[sflag:s26] =	ssyncadd.s32 $0xFFFFE000  }
0x4a: {  	[spmem:s3] =	stream.indirect.scatter.add.f32 [tilespmem:s21], [sflag:$0x5], $0x40, s19, s20, $0xb8;
	[tilespmem:$0x19000] =	vst v63  }
0x4b: {  	_ =	swait.ge [sflag:s28], $0x2000  }
0x4c: {  	[sflag:s28] =	ssyncset.done $0x0  }
0x4d: {  	[sflag:s28] =	ssyncadd.s32 $0xFFFFE000  }
0x4e: {  	[tilespmem:s22], [sflag:$0x4] =	stream.indirect.gather [spmem:s2], $0x40, s20, s20, $0xb8;
	[tilespmem:$0x19000] =	vst v63  }
0x4f: {  	_ =	swait.ge [sflag:s29], $0x2000  }
0x50: {  	[sflag:s29] =	ssyncset.done $0x0  }
0x51: {  	s18 =	rddreg [dreg:$0x5];
	[sflag:s29] =	ssyncadd.s32 $0xFFFFE000  }
0x52: {  	[spmem:s3] =	stream.indirect.scatter.add.f32 [tilespmem:s22], [sflag:$0x6], $0x40, s18, s20, $0xb8;
	[tilespmem:$0x19000] =	vst v63  }
0x53: {  	_ =	swait.ge [sflag:s30], $0x2000  }
0x54: {  	[sflag:s30] =	ssyncset.done $0x0  }
0x55: {  	s23 =	rddreg [dreg:$0x6];
	[sflag:s30] =	ssyncadd.s32 $0xFFFFE000  }
0x56: {  	[tilespmem:s21], [sflag:$0x3] =	stream.indirect.gather [spmem:s2], $0x40, s23, s20, $0xb8;
	[tilespmem:$0x19000] =	vst v63  }
0x57: {  	_ =	swait.ge [sflag:s26], $0x2000  }
0x58: {  	[sflag:s26] =	ssyncset.done $0x0  }
0x59: {  	s14 =	rddreg [dreg:$0x7];
	[sflag:s26] =	ssyncadd.s32 $0xFFFFE000  }
0x5a: {  	[spmem:s3] =	stream.indirect.scatter.add.f32 [tilespmem:s21], [sflag:$0x5], $0x40, s14, s20, $0xb8;
	[tilespmem:$0x19000] =	vst v63  }
0x5b: {  	_ =	swait.ge [sflag:s28], $0x2000  }
0x5c: {  	[sflag:s28] =	ssyncset.done $0x0  }
0x5d: {  	s18 =	rddreg [dreg:$0x8];
	[sflag:s28] =	ssyncadd.s32 $0xFFFFE000  }
0x5e: {  	[tilespmem:s22], [sflag:$0x4] =	stream.indirect.gather [spmem:s2], $0x40, s18, s20, $0xb8;
	[tilespmem:$0x19000] =	vst v63  }
0x5f: {  	_ =	swait.ge [sflag:s29], $0x2000  }
0x60: {  	[sflag:s29] =	ssyncset.done $0x0  }
0x61: {  	s23 =	rddreg [dreg:$0x9];
	[sflag:s29] =	ssyncadd.s32 $0xFFFFE000  }
0x62: {  	[spmem:s3] =	stream.indirect.scatter.add.f32 [tilespmem:s22], [sflag:$0x6], $0x40, s23, s20, $0xb8;
	[tilespmem:$0x19000] =	vst v63  }
0x63: {  	_ =	swait.ge [sflag:s30], $0x2000  }
0x64: {  	[sflag:s30] =	ssyncset.done $0x0  }
0x65: {  	s14 =	rddreg [dreg:$0xa];
	[sflag:s30] =	ssyncadd.s32 $0xFFFFE000  }
0x66: {  	[tilespmem:s21], [sflag:$0x3] =	stream.indirect.gather [spmem:s2], $0x40, s14, s20, $0xb8;
	[tilespmem:$0x19000] =	vst v63  }
0x67: {  	_ =	swait.ge [sflag:s26], $0x2000  }
0x68: {  	[sflag:s26] =	ssyncset.done $0x0  }
0x69: {  	s18 =	rddreg [dreg:$0xb];
	[sflag:s26] =	ssyncadd.s32 $0xFFFFE000  }
0x6a: {  	[spmem:s3] =	stream.indirect.scatter.add.f32 [tilespmem:s21], [sflag:$0x5], $0x40, s18, s20, $0xb8;
	[tilespmem:$0x19000] =	vst v63  }
0x6b: {  	_ =	swait.ge [sflag:s28], $0x2000  }
0x6c: {  	[sflag:s28] =	ssyncset.done $0x0  }
0x6d: {  	s23 =	rddreg [dreg:$0xc];
	[sflag:s28] =	ssyncadd.s32 $0xFFFFE000  }
0x6e: {  	[tilespmem:s22], [sflag:$0x4] =	stream.indirect.gather [spmem:s2], $0x40, s23, s20, $0xb8;
	[tilespmem:$0x19000] =	vst v63  }
0x6f: {  	_ =	swait.ge [sflag:s29], $0x2000  }
0x70: {  	[sflag:s29] =	ssyncset.done $0x0  }
0x71: {  	s14 =	rddreg [dreg:$0xd];
	[sflag:s29] =	ssyncadd.s32 $0xFFFFE000  }
0x72: {  	[spmem:s3] =	stream.indirect.scatter.add.f32 [tilespmem:s22], [sflag:$0x6], $0x40, s14, s20, $0xb8;
	[tilespmem:$0x19000] =	vst v63  }
0x73: {  	_ =	swait.ge [sflag:s30], $0x2000  }
0x74: {  	[sflag:s30] =	ssyncset.done $0x0  }
0x75: {  	s18 =	rddreg [dreg:$0xe];
	[sflag:s30] =	ssyncadd.s32 $0xFFFFE000  }
0x76: {  	[tilespmem:s21], [sflag:$0x3] =	stream.indirect.gather [spmem:s2], $0x40, s18, s20, $0xb8;
	[tilespmem:$0x19000] =	vst v63  }
0x77: {  	_ =	swait.ge [sflag:s26], $0x2000  }
0x78: {  	[sflag:s26] =	ssyncset.done $0x0  }
0x79: {  	s23 =	rddreg [dreg:$0xf];
	[sflag:s26] =	ssyncadd.s32 $0xFFFFE000  }
0x7a: {  	[spmem:s3] =	stream.indirect.scatter.add.f32 [tilespmem:s21], [sflag:$0x5], $0x40, s23, s20, $0xb8;
	[tilespmem:$0x19000] =	vst v63  }
0x7b: {  	_ =	swait.ge [sflag:s28], $0x2000  }
0x7c: {  	[sflag:s28] =	ssyncset.done $0x0  }
0x7d: {  	s14 =	rddreg [dreg:$0x10];
	[sflag:s28] =	ssyncadd.s32 $0xFFFFE000  }
0x7e: {  	[tilespmem:s22], [sflag:$0x4] =	stream.indirect.gather [spmem:s2], $0x40, s14, s20, $0xb8;
	[tilespmem:$0x19000] =	vst v63  }
0x7f: {  	_ =	swait.ge [sflag:s31], $0x400  }
0x80: {  	[sflag:s31] =	ssyncset.done $0x0  }
0x81: {  	[sflag:s31] =	ssyncadd.s32 $0xFFFFFC00  }
0x82: {  	_ =	swait.ge [sflag:s31], $0x400  }
0x83: {  	[sflag:s31] =	ssyncset.done $0x0  }
0x84: {  	[sflag:s31] =	ssyncadd.s32 $0xFFFFFC00  }
0x85: {  	_ =	swait.ge [sflag:s29], $0x2000  }
0x86: {  	[sflag:s29] =	ssyncset.done $0x0  }
0x87: {  	s18 =	rddreg [dreg:$0x11];
	[sflag:s29] =	ssyncadd.s32 $0xFFFFE000  }
0x88: {  	[spmem:s3] =	stream.indirect.scatter.add.f32 [tilespmem:s22], [sflag:$0x6], $0x40, s18, s20, $0xb8;
	[tilespmem:$0x19000] =	vst v63  }
0x89: {  	_ =	swait.ge [sflag:s30], $0x2000  }
0x8a: {  	s14 =	smin.u32 s4, $0x7;
	[sflag:s30] =	ssyncset.done $0x0;
	s23 =	rddreg [dreg:$0x4]  }
0x8b: {  	[sflag:s30] =	ssyncadd.s32 $0xFFFFE000;
	s12 =	sadd.s32 s14, s23  }
0x8c: {  	[tilespmem:s21], [sflag:$0x3] =	stream.indirect.gather [spmem:s2], $0x40, s24, s20, $0xb8;
	[tilespmem:$0x19000] =	vst v63  }
0x8d: {  	s12 =	sshll.u32 s12, $0x7  }
0x8e: {  	s18 =	sadd.s32 s5, s12  }
0x8f: {  	[tilespmem:s4], [sflag:$0x1] =	stream.linear.gather [hbm4b:s18+s4], $0x400, $0x38;
	[tilespmem:$0x19000] =	vst v63  }
0x90: {  	s12 =	sadd.s32 s10, s12  }
0x91: {  	[tilespmem:s19], [sflag:$0x1] =	stream.linear.gather [hbm4b:s12+s4], $0x400, $0x38;
	[tilespmem:$0x19000] =	vst v63  }
0x92: {  	_ =	swait.ge [sflag:s26], $0x2000  }
0x93: {  	[sflag:s26] =	ssyncset.done $0x0  }
0x94: {  	[sflag:s26] =	ssyncadd.s32 $0xFFFFE000  }
0x95: {  	[spmem:s3] =	stream.indirect.scatter.add.f32 [tilespmem:s21], [sflag:$0x5], $0x40, s25, s20, $0xb8;
	[tilespmem:$0x19000] =	vst v63  }
0x96: {  	_ =	swait.ge [sflag:s28], $0x2000  }
0x97: {  	[sflag:s28] =	ssyncset.done $0x0  }
0x98: {  	s23 =	rddreg [dreg:$0x12];
	[sflag:s28] =	ssyncadd.s32 $0xFFFFE000  }
0x99: {  	[tilespmem:s22], [sflag:$0x4] =	stream.indirect.gather [spmem:s2], $0x40, s23, s20, $0xb8;
	[tilespmem:$0x19000] =	vst v63  }
0x9a: {  	_ =	swait.ge [sflag:s29], $0x2000  }
0x9b: {  	[sflag:s29] =	ssyncset.done $0x0  }
0x9c: {  	s14 =	rddreg [dreg:$0x13];
	[sflag:s29] =	ssyncadd.s32 $0xFFFFE000  }
0x9d: {  	[spmem:s3] =	stream.indirect.scatter.add.f32 [tilespmem:s22], [sflag:$0x6], $0x40, s14, s20, $0xb8;
	[tilespmem:$0x19000] =	vst v63  }
0x9e: {  	_ =	swait.ge [sflag:s30], $0x2000  }
0x9f: {  	[sflag:s30] =	ssyncset.done $0x0  }
0xa0: {  	s18 =	rddreg [dreg:$0x14];
	[sflag:s30] =	ssyncadd.s32 $0xFFFFE000  }
0xa1: {  	[tilespmem:s21], [sflag:$0x3] =	stream.indirect.gather [spmem:s2], $0x40, s18, s20, $0xb8;
	[tilespmem:$0x19000] =	vst v63  }
0xa2: {  	_ =	swait.ge [sflag:s26], $0x2000  }
0xa3: {  	[sflag:s26] =	ssyncset.done $0x0  }
0xa4: {  	s23 =	rddreg [dreg:$0x15];
	[sflag:s26] =	ssyncadd.s32 $0xFFFFE000  }
0xa5: {  	[spmem:s3] =	stream.indirect.scatter.add.f32 [tilespmem:s21], [sflag:$0x5], $0x40, s23, s20, $0xb8;
	[tilespmem:$0x19000] =	vst v63  }
0xa6: {  	_ =	swait.ge [sflag:s28], $0x2000  }
0xa7: {  	[sflag:s28] =	ssyncset.done $0x0  }
0xa8: {  	s14 =	rddreg [dreg:$0x16];
	[sflag:s28] =	ssyncadd.s32 $0xFFFFE000  }
0xa9: {  	[tilespmem:s22], [sflag:$0x4] =	stream.indirect.gather [spmem:s2], $0x40, s14, s20, $0xb8;
	[tilespmem:$0x19000] =	vst v63  }
0xaa: {  	_ =	swait.ge [sflag:s29], $0x2000  }
0xab: {  	[sflag:s29] =	ssyncset.done $0x0  }
0xac: {  	s18 =	rddreg [dreg:$0x17];
	[sflag:s29] =	ssyncadd.s32 $0xFFFFE000  }
0xad: {  	[spmem:s3] =	stream.indirect.scatter.add.f32 [tilespmem:s22], [sflag:$0x6], $0x40, s18, s20, $0xb8;
	[tilespmem:$0x19000] =	vst v63  }
0xae: {  	_ =	swait.ge [sflag:s30], $0x2000  }
0xaf: {  	[sflag:s30] =	ssyncset.done $0x0  }
0xb0: {  	s23 =	rddreg [dreg:$0x18];
	[sflag:s30] =	ssyncadd.s32 $0xFFFFE000  }
0xb1: {  	[tilespmem:s21], [sflag:$0x3] =	stream.indirect.gather [spmem:s2], $0x40, s23, s20, $0xb8;
	[tilespmem:$0x19000] =	vst v63  }
0xb2: {  	_ =	swait.ge [sflag:s26], $0x2000  }
0xb3: {  	[sflag:s26] =	ssyncset.done $0x0  }
0xb4: {  	s14 =	rddreg [dreg:$0x19];
	[sflag:s26] =	ssyncadd.s32 $0xFFFFE000  }
0xb5: {  	[spmem:s3] =	stream.indirect.scatter.add.f32 [tilespmem:s21], [sflag:$0x5], $0x40, s14, s20, $0xb8;
	[tilespmem:$0x19000] =	vst v63  }
0xb6: {  	_ =	swait.ge [sflag:s28], $0x2000  }
0xb7: {  	[sflag:s28] =	ssyncset.done $0x0  }
0xb8: {  	s18 =	rddreg [dreg:$0x1a];
	[sflag:s28] =	ssyncadd.s32 $0xFFFFE000  }
0xb9: {  	[tilespmem:s22], [sflag:$0x4] =	stream.indirect.gather [spmem:s2], $0x40, s18, s20, $0xb8;
	[tilespmem:$0x19000] =	vst v63  }
0xba: {  	_ =	swait.ge [sflag:s29], $0x2000  }
0xbb: {  	[sflag:s29] =	ssyncset.done $0x0  }
0xbc: {  	s23 =	rddreg [dreg:$0x1b];
	[sflag:s29] =	ssyncadd.s32 $0xFFFFE000  }
0xbd: {  	[spmem:s3] =	stream.indirect.scatter.add.f32 [tilespmem:s22], [sflag:$0x6], $0x40, s23, s20, $0xb8;
	[tilespmem:$0x19000] =	vst v63  }
0xbe: {  	_ =	swait.ge [sflag:s30], $0x2000  }
0xbf: {  	[sflag:s30] =	ssyncset.done $0x0  }
0xc0: {  	[sflag:s30] =	ssyncadd.s32 $0xFFFFE000  }
0xc1: {  	[tilespmem:s21], [sflag:$0x3] =	stream.indirect.gather [spmem:s2], $0x40, s0, s20, $0xb8;
	[tilespmem:$0x19000] =	vst v63  }
0xc2: {  	_ =	swait.ge [sflag:s26], $0x2000  }
0xc3: {  	[sflag:s26] =	ssyncset.done $0x0  }
0xc4: {  	[sflag:s26] =	ssyncadd.s32 $0xFFFFE000  }
0xc5: {  	[spmem:s3] =	stream.indirect.scatter.add.f32 [tilespmem:s21], [sflag:$0x5], $0x40, s1, s20, $0xb8;
	[tilespmem:$0x19000] =	vst v63  }
0xc6: {  	_ =	swait.ge [sflag:s28], $0x2000  }
0xc7: {  	[sflag:s28] =	ssyncset.done $0x0  }
0xc8: {  	[sflag:s28] =	ssyncadd.s32 $0xFFFFE000  }
0xc9: {  	[tilespmem:s22], [sflag:$0x4] =	stream.indirect.gather [spmem:s2], $0x40, s6, s20, $0xb8;
	[tilespmem:$0x19000] =	vst v63  }
0xca: {  	_ =	swait.ge [sflag:s8], $0x400  }
0xcb: {  	[sflag:s8] =	ssyncset.done $0x0  }
0xcc: {  	[sflag:s8] =	ssyncadd.s32 $0xFFFFFC00  }
0xcd: {  	_ =	swait.ge [sflag:s8], $0x400  }
0xce: {  	[sflag:s8] =	ssyncset.done $0x0  }
0xcf: {  	[sflag:s8] =	ssyncadd.s32 $0xFFFFFC00  }
0xd0: {  	_ =	swait.ge [sflag:s29], $0x2000  }
0xd1: {  	[sflag:s29] =	ssyncset.done $0x0  }
0xd2: {  	s12 =	simm.s32 $0x2;
	[sflag:s29] =	ssyncadd.s32 $0xFFFFE000  }
0xd3: {  	[spmem:s3] =	stream.indirect.scatter.add.f32 [tilespmem:s22], [sflag:$0x6], $0x40, s9, s20, $0xb8;
	[tilespmem:$0x19000] =	vst v63  }
0xd4: {  	s14 =	smov.u32 s13;
	s23 =	smov.u32 s15;
	_ =	swait.ge [sflag:s30], $0x2000  }
.LBB2_2:
0xd5: {  	[sflag:s30] =	ssyncset.done $0x0  }
0xd6: {  	[sflag:s30] =	ssyncadd.s32 $0xFFFFE000  }
0xd7: {  	[tilespmem:s21], [sflag:$0x3] =	stream.indirect.gather [spmem:s2], $0x40, s4, s20, $0xb8;
	[tilespmem:$0x19000] =	vst v63  }
0xd8: {  	s14 =	sadd.s32 $0x100, s14  }
0xd9: {  	[tilespmem:s24], [sflag:$0x2] =	stream.linear.gather [hbm4b:s14+s4], $0x400, $0x38;
	[tilespmem:$0x19000] =	vst v63  }
0xda: {  	s23 =	sadd.s32 $0x100, s23  }
0xdb: {  	[tilespmem:s25], [sflag:$0x2] =	stream.linear.gather [hbm4b:s23+s4], $0x400, $0x38;
	[tilespmem:$0x19000] =	vst v63  }
0xdc: {  	_ =	swait.ge [sflag:s26], $0x2000  }
0xdd: {  	[sflag:s26] =	ssyncset.done $0x0  }
0xde: {  	[sflag:s26] =	ssyncadd.s32 $0xFFFFE000  }
0xdf: {  	[spmem:s3] =	stream.indirect.scatter.add.f32 [tilespmem:s21], [sflag:$0x5], $0x40, s19, s20, $0xb8;
	[tilespmem:$0x19000] =	vst v63  }
0xe0: {  	_ =	swait.ge [sflag:s28], $0x2000  }
0xe1: {  	[sflag:s28] =	ssyncset.done $0x0  }
0xe2: {  	[sflag:s28] =	ssyncadd.s32 $0xFFFFE000  }
0xe3: {  	[tilespmem:s22], [sflag:$0x4] =	stream.indirect.gather [spmem:s2], $0x40, s20, s20, $0xb8;
	[tilespmem:$0x19000] =	vst v63  }
0xe4: {  	_ =	swait.ge [sflag:s29], $0x2000  }
0xe5: {  	[sflag:s29] =	ssyncset.done $0x0  }
0xe6: {  	s13 =	rddreg [dreg:$0x5];
	[sflag:s29] =	ssyncadd.s32 $0xFFFFE000  }
0xe7: {  	[spmem:s3] =	stream.indirect.scatter.add.f32 [tilespmem:s22], [sflag:$0x6], $0x40, s13, s20, $0xb8;
	[tilespmem:$0x19000] =	vst v63  }
0xe8: {  	_ =	swait.ge [sflag:s30], $0x2000  }
0xe9: {  	[sflag:s30] =	ssyncset.done $0x0  }
0xea: {  	s13 =	rddreg [dreg:$0x6];
	[sflag:s30] =	ssyncadd.s32 $0xFFFFE000  }
0xeb: {  	[tilespmem:s21], [sflag:$0x3] =	stream.indirect.gather [spmem:s2], $0x40, s13, s20, $0xb8;
	[tilespmem:$0x19000] =	vst v63  }
0xec: {  	_ =	swait.ge [sflag:s26], $0x2000  }
0xed: {  	[sflag:s26] =	ssyncset.done $0x0  }
0xee: {  	s13 =	rddreg [dreg:$0x7];
	[sflag:s26] =	ssyncadd.s32 $0xFFFFE000  }
0xef: {  	[spmem:s3] =	stream.indirect.scatter.add.f32 [tilespmem:s21], [sflag:$0x5], $0x40, s13, s20, $0xb8;
	[tilespmem:$0x19000] =	vst v63  }
0xf0: {  	_ =	swait.ge [sflag:s28], $0x2000  }
0xf1: {  	[sflag:s28] =	ssyncset.done $0x0  }
0xf2: {  	s13 =	rddreg [dreg:$0x8];
	[sflag:s28] =	ssyncadd.s32 $0xFFFFE000  }
0xf3: {  	[tilespmem:s22], [sflag:$0x4] =	stream.indirect.gather [spmem:s2], $0x40, s13, s20, $0xb8;
	[tilespmem:$0x19000] =	vst v63  }
0xf4: {  	_ =	swait.ge [sflag:s29], $0x2000  }
0xf5: {  	[sflag:s29] =	ssyncset.done $0x0  }
0xf6: {  	s13 =	rddreg [dreg:$0x9];
	[sflag:s29] =	ssyncadd.s32 $0xFFFFE000  }
0xf7: {  	[spmem:s3] =	stream.indirect.scatter.add.f32 [tilespmem:s22], [sflag:$0x6], $0x40, s13, s20, $0xb8;
	[tilespmem:$0x19000] =	vst v63  }
0xf8: {  	_ =	swait.ge [sflag:s30], $0x2000  }
0xf9: {  	[sflag:s30] =	ssyncset.done $0x0  }
0xfa: {  	s13 =	rddreg [dreg:$0xa];
	[sflag:s30] =	ssyncadd.s32 $0xFFFFE000  }
0xfb: {  	[tilespmem:s21], [sflag:$0x3] =	stream.indirect.gather [spmem:s2], $0x40, s13, s20, $0xb8;
	[tilespmem:$0x19000] =	vst v63  }
0xfc: {  	_ =	swait.ge [sflag:s26], $0x2000  }
0xfd: {  	[sflag:s26] =	ssyncset.done $0x0  }
0xfe: {  	s13 =	rddreg [dreg:$0xb];
	[sflag:s26] =	ssyncadd.s32 $0xFFFFE000  }
0xff: {  	[spmem:s3] =	stream.indirect.scatter.add.f32 [tilespmem:s21], [sflag:$0x5], $0x40, s13, s20, $0xb8;
	[tilespmem:$0x19000] =	vst v63  }
0x100: {  	_ =	swait.ge [sflag:s28], $0x2000  }
0x101: {  	[sflag:s28] =	ssyncset.done $0x0  }
0x102: {  	s13 =	rddreg [dreg:$0xc];
	[sflag:s28] =	ssyncadd.s32 $0xFFFFE000  }
0x103: {  	[tilespmem:s22], [sflag:$0x4] =	stream.indirect.gather [spmem:s2], $0x40, s13, s20, $0xb8;
	[tilespmem:$0x19000] =	vst v63  }
0x104: {  	_ =	swait.ge [sflag:s29], $0x2000  }
0x105: {  	[sflag:s29] =	ssyncset.done $0x0  }
0x106: {  	s13 =	rddreg [dreg:$0xd];
	[sflag:s29] =	ssyncadd.s32 $0xFFFFE000  }
0x107: {  	[spmem:s3] =	stream.indirect.scatter.add.f32 [tilespmem:s22], [sflag:$0x6], $0x40, s13, s20, $0xb8;
	[tilespmem:$0x19000] =	vst v63  }
0x108: {  	_ =	swait.ge [sflag:s30], $0x2000  }
0x109: {  	[sflag:s30] =	ssyncset.done $0x0  }
0x10a: {  	s13 =	rddreg [dreg:$0xe];
	[sflag:s30] =	ssyncadd.s32 $0xFFFFE000  }
0x10b: {  	[tilespmem:s21], [sflag:$0x3] =	stream.indirect.gather [spmem:s2], $0x40, s13, s20, $0xb8;
	[tilespmem:$0x19000] =	vst v63  }
0x10c: {  	_ =	swait.ge [sflag:s26], $0x2000  }
0x10d: {  	[sflag:s26] =	ssyncset.done $0x0  }
0x10e: {  	s13 =	rddreg [dreg:$0xf];
	[sflag:s26] =	ssyncadd.s32 $0xFFFFE000  }
0x10f: {  	[spmem:s3] =	stream.indirect.scatter.add.f32 [tilespmem:s21], [sflag:$0x5], $0x40, s13, s20, $0xb8;
	[tilespmem:$0x19000] =	vst v63  }
0x110: {  	_ =	swait.ge [sflag:s28], $0x2000  }
0x111: {  	[sflag:s28] =	ssyncset.done $0x0  }
0x112: {  	s13 =	rddreg [dreg:$0x10];
	[sflag:s28] =	ssyncadd.s32 $0xFFFFE000  }
0x113: {  	[tilespmem:s22], [sflag:$0x4] =	stream.indirect.gather [spmem:s2], $0x40, s13, s20, $0xb8;
	[tilespmem:$0x19000] =	vst v63  }
0x114: {  	_ =	swait.ge [sflag:s31], $0x400  }
0x115: {  	[sflag:s31] =	ssyncset.done $0x0  }
0x116: {  	[sflag:s31] =	ssyncadd.s32 $0xFFFFFC00  }
0x117: {  	_ =	swait.ge [sflag:s31], $0x400  }
0x118: {  	[sflag:s31] =	ssyncset.done $0x0  }
0x119: {  	[sflag:s31] =	ssyncadd.s32 $0xFFFFFC00  }
0x11a: {  	_ =	swait.ge [sflag:s29], $0x2000  }
0x11b: {  	[sflag:s29] =	ssyncset.done $0x0  }
0x11c: {  	s13 =	rddreg [dreg:$0x11];
	[sflag:s29] =	ssyncadd.s32 $0xFFFFE000  }
0x11d: {  	[spmem:s3] =	stream.indirect.scatter.add.f32 [tilespmem:s22], [sflag:$0x6], $0x40, s13, s20, $0xb8;
	[tilespmem:$0x19000] =	vst v63  }
0x11e: {  	s18 =	smov.u32 s12;
	_ =	swait.ge [sflag:s30], $0x2000  }
0x11f: {  	s18 =	smin.u32 s18, $0x7;
	[sflag:s30] =	ssyncset.done $0x0;
	s13 =	rddreg [dreg:$0x4]  }
0x120: {  	[sflag:s30] =	ssyncadd.s32 $0xFFFFE000;
	s13 =	sadd.s32 s18, s13  }
0x121: {  	[tilespmem:s21], [sflag:$0x3] =	stream.indirect.gather [spmem:s2], $0x40, s24, s20, $0xb8;
	[tilespmem:$0x19000] =	vst v63  }
0x122: {  	s13 =	sshll.u32 s13, $0x7  }
0x123: {  	s18 =	sadd.s32 s5, s13  }
0x124: {  	[tilespmem:s4], [sflag:$0x1] =	stream.linear.gather [hbm4b:s18+s4], $0x400, $0x38;
	[tilespmem:$0x19000] =	vst v63  }
0x125: {  	s13 =	sadd.s32 s10, s13  }
0x126: {  	[tilespmem:s19], [sflag:$0x1] =	stream.linear.gather [hbm4b:s13+s4], $0x400, $0x38;
	[tilespmem:$0x19000] =	vst v63  }
0x127: {  	_ =	swait.ge [sflag:s26], $0x2000  }
0x128: {  	[sflag:s26] =	ssyncset.done $0x0  }
0x129: {  	[sflag:s26] =	ssyncadd.s32 $0xFFFFE000  }
0x12a: {  	[spmem:s3] =	stream.indirect.scatter.add.f32 [tilespmem:s21], [sflag:$0x5], $0x40, s25, s20, $0xb8;
	[tilespmem:$0x19000] =	vst v63  }
0x12b: {  	_ =	swait.ge [sflag:s28], $0x2000  }
0x12c: {  	[sflag:s28] =	ssyncset.done $0x0  }
0x12d: {  	s18 =	rddreg [dreg:$0x12];
	[sflag:s28] =	ssyncadd.s32 $0xFFFFE000  }
0x12e: {  	[tilespmem:s22], [sflag:$0x4] =	stream.indirect.gather [spmem:s2], $0x40, s18, s20, $0xb8;
	[tilespmem:$0x19000] =	vst v63  }
0x12f: {  	_ =	swait.ge [sflag:s29], $0x2000  }
0x130: {  	[sflag:s29] =	ssyncset.done $0x0  }
0x131: {  	s18 =	rddreg [dreg:$0x13];
	[sflag:s29] =	ssyncadd.s32 $0xFFFFE000  }
0x132: {  	[spmem:s3] =	stream.indirect.scatter.add.f32 [tilespmem:s22], [sflag:$0x6], $0x40, s18, s20, $0xb8;
	[tilespmem:$0x19000] =	vst v63  }
0x133: {  	_ =	swait.ge [sflag:s30], $0x2000  }
0x134: {  	[sflag:s30] =	ssyncset.done $0x0  }
0x135: {  	s18 =	rddreg [dreg:$0x14];
	[sflag:s30] =	ssyncadd.s32 $0xFFFFE000  }
0x136: {  	[tilespmem:s21], [sflag:$0x3] =	stream.indirect.gather [spmem:s2], $0x40, s18, s20, $0xb8;
	[tilespmem:$0x19000] =	vst v63  }
0x137: {  	_ =	swait.ge [sflag:s26], $0x2000  }
0x138: {  	[sflag:s26] =	ssyncset.done $0x0  }
0x139: {  	s18 =	rddreg [dreg:$0x15];
	[sflag:s26] =	ssyncadd.s32 $0xFFFFE000  }
0x13a: {  	[spmem:s3] =	stream.indirect.scatter.add.f32 [tilespmem:s21], [sflag:$0x5], $0x40, s18, s20, $0xb8;
	[tilespmem:$0x19000] =	vst v63  }
0x13b: {  	_ =	swait.ge [sflag:s28], $0x2000  }
0x13c: {  	[sflag:s28] =	ssyncset.done $0x0  }
0x13d: {  	s18 =	rddreg [dreg:$0x16];
	[sflag:s28] =	ssyncadd.s32 $0xFFFFE000  }
0x13e: {  	[tilespmem:s22], [sflag:$0x4] =	stream.indirect.gather [spmem:s2], $0x40, s18, s20, $0xb8;
	[tilespmem:$0x19000] =	vst v63  }
0x13f: {  	_ =	swait.ge [sflag:s29], $0x2000  }
0x140: {  	[sflag:s29] =	ssyncset.done $0x0  }
0x141: {  	s18 =	rddreg [dreg:$0x17];
	[sflag:s29] =	ssyncadd.s32 $0xFFFFE000  }
0x142: {  	[spmem:s3] =	stream.indirect.scatter.add.f32 [tilespmem:s22], [sflag:$0x6], $0x40, s18, s20, $0xb8;
	[tilespmem:$0x19000] =	vst v63  }
0x143: {  	_ =	swait.ge [sflag:s30], $0x2000  }
0x144: {  	[sflag:s30] =	ssyncset.done $0x0  }
0x145: {  	s18 =	rddreg [dreg:$0x18];
	[sflag:s30] =	ssyncadd.s32 $0xFFFFE000  }
0x146: {  	[tilespmem:s21], [sflag:$0x3] =	stream.indirect.gather [spmem:s2], $0x40, s18, s20, $0xb8;
	[tilespmem:$0x19000] =	vst v63  }
0x147: {  	_ =	swait.ge [sflag:s26], $0x2000  }
0x148: {  	[sflag:s26] =	ssyncset.done $0x0  }
0x149: {  	s18 =	rddreg [dreg:$0x19];
	[sflag:s26] =	ssyncadd.s32 $0xFFFFE000  }
0x14a: {  	[spmem:s3] =	stream.indirect.scatter.add.f32 [tilespmem:s21], [sflag:$0x5], $0x40, s18, s20, $0xb8;
	[tilespmem:$0x19000] =	vst v63  }
0x14b: {  	_ =	swait.ge [sflag:s28], $0x2000  }
0x14c: {  	[sflag:s28] =	ssyncset.done $0x0  }
0x14d: {  	s18 =	rddreg [dreg:$0x1a];
	[sflag:s28] =	ssyncadd.s32 $0xFFFFE000  }
0x14e: {  	[tilespmem:s22], [sflag:$0x4] =	stream.indirect.gather [spmem:s2], $0x40, s18, s20, $0xb8;
	[tilespmem:$0x19000] =	vst v63  }
0x14f: {  	_ =	swait.ge [sflag:s29], $0x2000  }
0x150: {  	[sflag:s29] =	ssyncset.done $0x0  }
0x151: {  	s18 =	rddreg [dreg:$0x1b];
	[sflag:s29] =	ssyncadd.s32 $0xFFFFE000  }
0x152: {  	[spmem:s3] =	stream.indirect.scatter.add.f32 [tilespmem:s22], [sflag:$0x6], $0x40, s18, s20, $0xb8;
	[tilespmem:$0x19000] =	vst v63  }
0x153: {  	_ =	swait.ge [sflag:s30], $0x2000  }
0x154: {  	[sflag:s30] =	ssyncset.done $0x0  }
0x155: {  	[sflag:s30] =	ssyncadd.s32 $0xFFFFE000  }
0x156: {  	[tilespmem:s21], [sflag:$0x3] =	stream.indirect.gather [spmem:s2], $0x40, s0, s20, $0xb8;
	[tilespmem:$0x19000] =	vst v63  }
0x157: {  	_ =	swait.ge [sflag:s26], $0x2000  }
0x158: {  	[sflag:s26] =	ssyncset.done $0x0  }
0x159: {  	[sflag:s26] =	ssyncadd.s32 $0xFFFFE000  }
0x15a: {  	[spmem:s3] =	stream.indirect.scatter.add.f32 [tilespmem:s21], [sflag:$0x5], $0x40, s1, s20, $0xb8;
	[tilespmem:$0x19000] =	vst v63  }
0x15b: {  	_ =	swait.ge [sflag:s28], $0x2000  }
0x15c: {  	[sflag:s28] =	ssyncset.done $0x0  }
0x15d: {  	[sflag:s28] =	ssyncadd.s32 $0xFFFFE000  }
0x15e: {  	[tilespmem:s22], [sflag:$0x4] =	stream.indirect.gather [spmem:s2], $0x40, s6, s20, $0xb8;
	[tilespmem:$0x19000] =	vst v63  }
0x15f: {  	_ =	swait.ge [sflag:s8], $0x400  }
0x160: {  	[sflag:s8] =	ssyncset.done $0x0  }
0x161: {  	[sflag:s8] =	ssyncadd.s32 $0xFFFFFC00  }
0x162: {  	_ =	swait.ge [sflag:s8], $0x400  }
0x163: {  	[sflag:s8] =	ssyncset.done $0x0  }
0x164: {  	p0 =	sne.s32 s12, $0x8;
	[sflag:s8] =	ssyncadd.s32 $0xFFFFFC00  }
.Ltmp0:
0x165: {  	_ =	swait.ge [sflag:s29], $0x2000;
	(pc) =	sbr.rel @p0 .LBB2_2-.Ltmp0, $4  }
0x166: {  	[sflag:s29] =	ssyncset.done $0x0  }
0x167: {  	[sflag:s29] =	ssyncadd.s32 $0xFFFFE000  }
0x168: {  	[spmem:s3] =	stream.indirect.scatter.add.f32 [tilespmem:s22], [sflag:$0x6], $0x40, s9, s20, $0xb8;
	[tilespmem:$0x19000] =	vst v63  }
0x169: {  	s12 =	sadd.s32 $0x2, s12;
	_ =	swait.ge [sflag:s30], $0x2000  }
0x16a: {  	[sflag:s30] =	ssyncset.done $0x0  }
0x16b: {  	[sflag:s30] =	ssyncadd.s32 $0xFFFFE000  }
0x16c: {  	[tilespmem:s21], [sflag:$0x3] =	stream.indirect.gather [spmem:s2], $0x40, s4, s20, $0xb8;
	[tilespmem:$0x19000] =	vst v63  }
0x16d: {  	_ =	swait.ge [sflag:s26], $0x2000  }
0x16e: {  	[sflag:s26] =	ssyncset.done $0x0  }
0x16f: {  	[sflag:s26] =	ssyncadd.s32 $0xFFFFE000  }
0x170: {  	_ =	swait.ge [sflag:s28], $0x2000  }
0x171: {  	[sflag:s28] =	ssyncset.done $0x0  }
0x172: {  	[sflag:s28] =	ssyncadd.s32 $0xFFFFE000  }
0x173: {  	[bflag:$0x0] =	sbarrier.arrive $0xFFFF  }
0x174: {  	s12 =	sld [smem:$0x7F9];
	_ =	sdelay $0x2  }
0x175: {  	[hbm:s12], [sflag:s7] =	dma.local [spmem:s17], $0x1400  }
0x176: {  	_ =	swait.ge [sflag:s16], $0x1400  }
0x177: {  	s23 =	sld [smem:$0x7FA];
	_ =	sdelay $0x1  }
0x178: {  	s11 =	sadd.s32 $0x1, s11  }
0x179: {  	p0 =	sne.s32 s11, s23  }
.Ltmp1:
0x17a: {  	_ = 	snop;
	(pc) =	sbr.rel @p0 .LBB2_1-.Ltmp1, $3  }
0x17b: {  	_ =	sdelay $0x1  }
0x17c: {  	[sflag:s16] =	ssyncset.done $0x0  }
0x17d: {  	[sflag:s16] =	ssyncadd.s32 $0xFFFFEC00  }
0x17e: {  	_ =	sfence.sel $0x180000  }
0x17f: {  	[bflag:$0x0] =	sbarrier.arrive $0xFFFF  }
0x180: {  	_ =	strace $0x9000004A  }
0x181: {  	s0 =	stileid.u32;
	[bflag:$0x2] =	sbarrier.arrive $0xFFFF  }
0x182: {  	p0 =	sne.s32 s0, $0x0;
	s0 =	rddreg [dreg:$0x3]  }
0x183: {  	s0 =	sadd.s32 @!p0 $0x100000, s0  }
0x184: {  	[sflag:s0] =	ssyncadd.tile.s32 @!p0 $0x1;
	_ =	shalt  }
.Lfunc_end2:
_tile_overlayer_lowered:
.L_overlay_start_2:
0x185: {  	(tag) =	ssettag $0x2  }
0x186: {  	s0 =	rddreg [dreg:$0x0];
	s2 =	stileid.u32  }
0x187: {  	s1 =	rddreg [dreg:$0x1];
	p0 =	sne.s32 s2, $0x0  }
0x188: {  	s3 =	rddreg [dreg:$0x2];
	[bflag:$0x3] =	sbarrier.arrive $0xFFFF;
	s2 =	simm.s32 @!p0 $0x1C07  }
0x189: {  	[timem:s3], [sflag:s2] =	dma.local @!p0 [hbm:s0], s1  }
0x18a: {  	s0 =	simm.s32 @!p0 $0x7  }
0x18b: {  	_ =	swait.ge @!p0 [sflag:s0], s1  }
0x18c: {  	s1 =	ssub.s32 @!p0 $0x0, s1;
	[sflag:s0] =	ssyncset.done @!p0 $0x0  }
0x18d: {  	[sflag:s0] =	ssyncadd.s32 @!p0 s1  }
0x18e: {  	[bflag:$0x3] =	sbarrier.arrive $0xFFFF  }
0x18f: {  	_ =	shalt  }

// kernel: kernel.14.cloned.1.call-start
scs
__scs_entry_jumppad:
0x0: {  	(pc) =	sbr.rel $0x88, $3  }
0x1: {  	(tag) =	ssettag $0x0;
	lr =	simm.s32 $0x1  }
0x2: {  	[smem:$0x3F9B] =	sst lr;
	_ =	strace $0xD0000000  }
0x3: {  	_ = 	snop  }
0x4: {  	_ = 	snop  }
0x5: {  	_ = 	snop  }
0x6: {  	_ = 	snop  }
0x7: {  	_ = 	snop  }
__scs_overlays_trampoline_lowered:
0x8: {  	[smem:$0x3FAA] =	sst s0  }
0x9: {  	[smem:$0x3FAB] =	sst s1  }
0xa: {  	[smem:$0x3FAC] =	sst s2  }
0xb: {  	[smem:$0x3FAD] =	sst s3  }
0xc: {  	[smem:$0x3FAE] =	sst s4  }
0xd: {  	[smem:$0x3FAF] =	sst s5  }
0xe: {  	[smem:$0x3FB0] =	sst s6  }
0xf: {  	[smem:$0x3FB1] =	sst s7  }
0x10: {  	[smem:$0x3FB2] =	sst s8  }
0x11: {  	[smem:$0x3FB3] =	sst s9;
	s0 =	simm.s32 @!p0 $0x0  }
0x12: {  	s1 =	sld [smem:$0x3F99];
	s0 =	simm.s32 @p0 $0x1  }
0x13: {  	[smem:$0x3FB4] =	sst s0;
	s0 =	simm.s32 @!p1 $0x0  }
0x14: {  	s2 =	sld [smem:$0x3F98];
	s0 =	simm.s32 @p1 $0x1  }
0x15: {  	[smem:$0x3FB5] =	sst s0;
	s0 =	simm.s32 @!p2 $0x0  }
0x16: {  	s3 =	sld [smem:$0x3FDB];
	s0 =	simm.s32 @p2 $0x1  }
0x17: {  	s4 =	simm.s32 $0x1BF5;
	[smem:$0x3FB7] =	sst s0  }
0x18: {  	s0 =	sld [smem:$0x3F9A];
	_ =	swait.ge [sflag:s4], $0x0  }
0x19: {  	s7 =	sld [smem:$0x3F9B]  }
0x1a: {  	s8 =	sadd.s32 $0xFFFFE003, lr  }
0x1b: {  	s9 =	sadd.s32 $0xFFFFFEF7, lr;
	s5 =	simm.s32 $0xFFFFFFFF;
	p2 =	slt.u32 s8, $0xFFFFF086  }
0x1c: {  	p1 =	slt.u32 s9, $0xF7A;
	s5 =	simm.s32 @!p2 $0x0  }
0x1d: {  	s5 =	simm.s32 @p1 $0x1;
	p0 =	seq.s32 s7, s2  }
0x1e: {  	s7 =	smul.u32 @!p0 $0xF7A, s2;
	p2 =	seq.s32 @!p0 s5, $0x0  }
0x1f: {  	s9 =	smul.u32 $0xF7A, s1;
	s8 =	simm.s32 @!p0 $0x1BF5;
	p2 =	por !p2, p0  }
0x20: {  	[sflag:s8] =	ssyncset.s32 @!p0 $0xFFFFF086;
	s6 =	sadd.s32 @!p0 s3, s7;
	s7 =	simm.s32 @!p0 $0x108  }
0x21: {  	s3 =	sadd.s32 s3, s9;
	s6 =	sadd.s32 @!p0 $0x88, s6;
	s7 =	simm.s32 @p2 $0x1082  }
0x22: {  	[simem:s7], [sflag:s8] =	dma.local @!p0 [hbm:s6], $0xF7A  }
0x23: {  	s9 =	sor.u32 $0xD0000000, s2;
	s6 =	simm.s32 $0x108;
	_ =	swait.ge @!p0 [sflag:s8], $0x0  }
0x24: {  	s3 =	sadd.s32 $0x88, s3;
	s6 =	simm.s32 @!p1 $0x1082;
	[sflag:s4] =	ssyncset.s32 $0xFFFFF086  }
0x25: {  	[simem:s6], [sflag:s4] =	dma.local [hbm:s3], $0xF7A  }
0x26: {  	[smem:$0x3F9B] =	sst s1;
	(tag) =	ssettag s2;
	_ =	strace s9  }
0x27: {  	s1 =	sld [smem:$0x3FAB]  }
0x28: {  	s2 =	sld [smem:$0x3FAC]  }
0x29: {  	s4 =	sld [smem:$0x3FAE]  }
0x2a: {  	p0 =	seq.s32 s5, $0x0;
	s5 =	sld [smem:$0x3FAF]  }
0x2b: {  	s6 =	sld [smem:$0x3FB0]  }
0x2c: {  	s7 =	sld [smem:$0x3FB1]  }
0x2d: {  	s3 =	simm.s32 $0x108;
	s8 =	sld [smem:$0x3FB2]  }
0x2e: {  	s3 =	simm.s32 @!p0 $0x1082;
	s9 =	sld [smem:$0x3FB3]  }
0x2f: {  	lr =	sadd.s32 s0, s3;
	s0 =	sld [smem:$0x3FAA]  }
0x30: {  	s3 =	sld [smem:$0x3FAD]  }
0x31: {  	[smem:$0x3FB6] =	sst s10  }
0x32: {  	s10 =	sld [smem:$0x3FB4];
	_ =	sdelay $0x3  }
0x33: {  	p0 =	seq.s32 s10, $0x1;
	s10 =	sld [smem:$0x3FB6];
	_ =	sdelay $0x3  }
0x34: {  	[smem:$0x3FB6] =	sst s10  }
0x35: {  	s10 =	sld [smem:$0x3FB5];
	_ =	sdelay $0x3  }
0x36: {  	p1 =	seq.s32 s10, $0x1;
	s10 =	sld [smem:$0x3FB6];
	_ =	sdelay $0x3  }
0x37: {  	[smem:$0x3FB6] =	sst s10  }
0x38: {  	s10 =	sld [smem:$0x3FB7]  }
0x39: {  	_ = 	snop;
	(pc) =	sbr.ind lr, $3  }
0x3a: {  	_ = 	snop  }
0x3b: {  	_ = 	snop  }
0x3c: {  	p2 =	seq.s32 s10, $0x1;
	s10 =	sld [smem:$0x3FB6]  }
0x3d: {  	_ =	shalt  }
0x3e: {  	_ =	shalt  }
0x3f: {  	_ =	shalt  }
0x40: {  	_ =	shalt  }
0x41: {  	_ =	shalt  }
0x42: {  	_ =	shalt  }
0x43: {  	_ =	shalt  }
0x44: {  	_ =	shalt  }
0x45: {  	_ =	shalt  }
0x46: {  	_ =	shalt  }
0x47: {  	_ =	shalt  }
0x48: {  	_ =	shalt  }
0x49: {  	_ =	shalt  }
0x4a: {  	_ =	shalt  }
0x4b: {  	_ =	shalt  }
0x4c: {  	_ =	shalt  }
0x4d: {  	_ =	shalt  }
0x4e: {  	_ =	shalt  }
0x4f: {  	_ =	shalt  }
0x50: {  	_ =	shalt  }
0x51: {  	_ =	shalt  }
0x52: {  	_ =	shalt  }
0x53: {  	_ =	shalt  }
0x54: {  	_ =	shalt  }
0x55: {  	_ =	shalt  }
0x56: {  	_ =	shalt  }
0x57: {  	_ =	shalt  }
0x58: {  	_ =	shalt  }
0x59: {  	_ =	shalt  }
0x5a: {  	_ =	shalt  }
0x5b: {  	_ =	shalt  }
0x5c: {  	_ =	shalt  }
0x5d: {  	_ =	shalt  }
0x5e: {  	_ =	shalt  }
0x5f: {  	_ =	shalt  }
0x60: {  	_ =	shalt  }
0x61: {  	_ =	shalt  }
0x62: {  	_ =	shalt  }
0x63: {  	_ =	shalt  }
0x64: {  	_ =	shalt  }
0x65: {  	_ =	shalt  }
0x66: {  	_ =	shalt  }
0x67: {  	_ =	shalt  }
0x68: {  	_ =	shalt  }
0x69: {  	_ =	shalt  }
0x6a: {  	_ =	shalt  }
0x6b: {  	_ =	shalt  }
0x6c: {  	_ =	shalt  }
0x6d: {  	_ =	shalt  }
0x6e: {  	_ =	shalt  }
0x6f: {  	_ =	shalt  }
0x70: {  	_ =	shalt  }
0x71: {  	_ =	shalt  }
0x72: {  	_ =	shalt  }
0x73: {  	_ =	shalt  }
0x74: {  	_ =	shalt  }
0x75: {  	_ =	shalt  }
0x76: {  	_ =	shalt  }
0x77: {  	_ =	shalt  }
0x78: {  	_ =	shalt  }
0x79: {  	_ =	shalt  }
0x7a: {  	_ =	shalt  }
0x7b: {  	_ =	shalt  }
0x7c: {  	_ =	shalt  }
0x7d: {  	_ =	shalt  }
0x7e: {  	_ =	shalt  }
0x7f: {  	_ =	shalt  }
0x80: {  	_ =	shalt  }
0x81: {  	_ =	shalt  }
0x82: {  	_ =	shalt  }
0x83: {  	_ =	shalt  }
0x84: {  	_ =	shalt  }
0x85: {  	_ =	shalt  }
0x86: {  	_ =	shalt  }
0x87: {  	_ =	shalt  }
.Lfunc_end0:
.L_simem_size_0:
called_computation.2_lowered:
.L_overlay_start_0:
0x88: {  	s2 =	sld [smem:$0x3FD9]  }
0x89: {  	s3 =	sld [smem:$0x3FFE];
	_ =	sdelay $0x1  }
0x8a: {  	s1 =	srdreg.scid  }
0x8b: {  	s0 =	sand.u32 $0x1, s1  }
0x8c: {  	s16 =	sshll.u32 s0, $0xA;
	s2 =	sadd.s32 s3, s2  }
0x8d: {  	s2 =	sadd.s32 s2, s16  }
0x8e: {  	[smem:$0x3FC2] =	sst s2  }
0x8f: {  	_ = 	snop  }
0x90: {  	(tm) =	ssettm $0x1  }
0x91: {  	s17 =	sld [smem:$0x3FFB];
	_ =	sdelay $0x3  }
0x92: {  	_ =	strace s17  }
0x93: {  	s2 =	sld [smem:$0x3FFC];
	_ =	sdelay $0x3  }
0x94: {  	_ =	strace s2  }
0x95: {  	s2 =	sld [smem:$0x3FFD];
	_ =	sdelay $0x3  }
0x96: {  	_ =	strace s2  }
0x97: {  	_ =	strace $0x8FFFFFFF  }
0x98: {  	s18 =	sld [smem:$0x3FDB];
	_ =	sdelay $0x1  }
0x99: {  	s19 =	simm.s32 $_scs_section_size  }
0x9a: {  	s4 =	simm.s32 $_size__tile_overlayer_lowered;
	s5 =	simm.s32 $_tile_overlayer_lowered  }
0x9b: {  	s22 =	simm.s32 $0x1BFF;
	s21 =	sshll.u32 s5, $0x1;
	s2 =	sadd.s32 s19, s18  }
0x9c: {  	s6 =	simm.s32 $0x0;
	s20 =	sshll.u32 s4, $0x1;
	s4 =	sadd.s32 s21, s2  }
0x9d: {  	[timem:s6], [sflag:s22] =	dma.local [hbm:s4], s20  }
0x9e: {  	_ =	swait.ge [sflag:s22], s20  }
0x9f: {  	s3 =	ssub.s32 $0x0, s20;
	[sflag:s22] =	ssyncset.done $0x0  }
0xa0: {  	[sflag:s22] =	ssyncadd.s32 s3;
	_ =	sdelay $0x1  }
0xa1: {  	s23 =	simm.s32 $0x1B8B  }
0xa2: {  	_ =	swait.ge [sflag:s23], $0x1  }
0xa3: {  	[sflag:s23] =	ssyncset.done $0x0  }
0xa4: {  	s25 =	simm.s32 $0x1B8E;
	s24 =	sld [smem:$0x3FFE];
	[sflag:s23] =	ssyncadd.s32 $0xFFFFFFFF  }
0xa5: {  	s26 =	simm.s32 $execute0_lowered;
	[smem:$0x3FD2] =	sst s25  }
0xa6: {  	s4 =	sshll.u32 s26, $0x1;
	_ =	strace $0x8000004C;
	[dreg:$0x1] =	wrdreg $0xFFFFFFFF  }
0xa7: {  	s28 =	simm.s32 $_size_execute0_lowered;
	s2 =	sadd.s32 s2, s4;
	[dreg:$0x0] =	wrdreg $0x0  }
0xa8: {  	s4 =	sshll.u32 s28, $0x1;
	[dreg:$0x2] =	wrdreg s2  }
0xa9: {  	[dreg:$0x3] =	wrdreg s4  }
0xaa: {  	[dreg:$0x4] =	wrdreg $0xC0  }
0xab: {  	_ =	task [dreg:s6], $0x5FFFF  }
0xac: {  	[dreg:$0x1] =	wrdreg $0xFFFFFFFF  }
0xad: {  	[dreg:$0x0] =	wrdreg $0x60  }
0xae: {  	[dreg:$0x2] =	wrdreg s24  }
0xaf: {  	[dreg:$0x3] =	wrdreg $0x30000  }
0xb0: {  	[dreg:$0x4] =	wrdreg $0x80000  }
0xb1: {  	[dreg:$0x5] =	wrdreg $0x9  }
0xb2: {  	_ =	task.clear_ibuf [dreg:s6], $0x6FFFF;
	_ =	strace $0x9000004C  }
0xb3: {  	s29 =	simm.s32 $0x9;
	_ =	strace $0x8000004E  }
0xb4: {  	_ =	swait.ge [sflag:s29], $0x1  }
0xb5: {  	[sflag:s29] =	ssyncadd.s32 $0xFFFFFFFF  }
0xb6: {  	_ =	strace $0x9000004E  }
0xb7: {  	_ =	sfence  }
0xb8: {  	s30 =	sld [smem:$0x0];
	_ =	sdelay $0x2  }
0xb9: {  	s31 =	sshll.u32 s1, $0xD;
	s1 =	sshrl.u32 s1, $0x2  }
0xba: {  	s3 =	sand.u32 $0x4000, s31;
	s1 =	sadd.s32 s1, s30  }
0xbb: {  	s0 =	sor.u32 s3, s0;
	s1 =	sshll.u32 s1, $0x11  }
0xbc: {  	s0 =	sor.u32 s1, s0  }
0xbd: {  	s0 =	sadd.s32 $0x8F2B, s0  }
0xbe: {  	[sflag:s0] =	ssyncadd.remote.s32 $0x1  }
0xbf: {  	_ =	sfence.sel $0xFFFF  }
0xc0: {  	[dreg:$0x0] =	wrdreg $0xFFFFFFFF;
	(pc) =	sbr.abs _section_cstart, $3  }
0xc1: {  	[dreg:$0x1] =	wrdreg $0xFFFFFFFF  }
0xc2: {  	_ =	task.clear_ibuf [dreg:s6], $0x2FFFF;
	_ =	strace $0x9FFFFFFF  }
0xc3: {  	(tm) =	ssettm $0x7FFFFFFF  }
tec
execute0_lowered:
.L_overlay_start_1:
0x0: {  	(tag) =	ssettag $0x1  }
0x1: {  	s0 =	rddreg [dreg:$0x0]  }
0x2: {  	s2 =	rddreg [dreg:$0x1]  }
0x3: {  	s3 =	rddreg [dreg:$0x2];
	s15 =	stileid.u32  }
0x4: {  	s1 =	srdreg.scid;
	s4 =	simm.s32 $0x0;
	s24 =	simm.s32 $0x880  }
0x5: {  	s25 =	simm.s32 $0x100;
	s26 =	simm.s32 $0x900;
	s16 =	simm.s32 $0x180  }
0x6: {  	s17 =	simm.s32 $0x980;
	s19 =	simm.s32 $0x200;
	[smem:$0x7FF] =	sst s4  }
0x7: {  	s28 =	simm.s32 $0x6;
	_ =	strace $0x8000004D;
	[dreg:$0x5] =	wrdreg s24  }
0x8: {  	s29 =	simm.s32 $0x4;
	s30 =	simm.s32 $0x5;
	[dreg:$0x6] =	wrdreg s25  }
0x9: {  	s31 =	simm.s32 $0x2;
	s6 =	smul.u32 $0x5000, s15;
	[dreg:$0x7] =	wrdreg s26  }
0xa: {  	s1 =	sand.u32 $0x1, s1;
	s18 =	sadd.s32 $0x4E200, s3;
	[dreg:$0x8] =	wrdreg s16  }
0xb: {  	s5 =	sadd.s32 $0x2800, s0;
	s21 =	sshll.u32 s15, $0x6;
	[dreg:$0x1f] =	wrdreg s18  }
0xc: {  	s7 =	smul.u32 $0x50000, s1;
	s9 =	sshll.u32 s1, $0x4;
	[dreg:$0x9] =	wrdreg s17  }
0xd: {  	s10 =	ssub.s32 $0x2, s1;
	[dreg:$0xa] =	wrdreg s19;
	s24 =	simm.s32 $0xA80  }
0xe: {  	s1 =	smul.u32 $0xA0, s1;
	s26 =	simm.s32 $0x300;
	[dreg:$0xd] =	wrdreg s24  }
0xf: {  	s16 =	simm.s32 $0xC80;
	s18 =	simm.s32 $0x500;
	[dreg:$0xe] =	wrdreg s26  }
0x10: {  	s19 =	simm.s32 $0xD00;
	s8 =	sshrl.u32 s6, $0x3;
	[dreg:$0x13] =	wrdreg s16  }
0x11: {  	s9 =	sor.u32 s15, s9;
	s20 =	sshrl.u32 s10, $0x1;
	[dreg:$0x14] =	wrdreg s18  }
0x12: {  	s14 =	sadd.s32 s6, s2;
	s16 =	simm.s32 $0x7;
	[dreg:$0x15] =	wrdreg s19  }
0x13: {  	s19 =	simm.s32 $0x800;
	s24 =	simm.s32 $0xE00;
	s26 =	simm.s32 $0xE80  }
0x14: {  	s8 =	sadd.s32 s8, s0;
	s7 =	sadd.s32 s6, s7;
	[dreg:$0x19] =	wrdreg s24  }
0x15: {  	s12 =	smul.u32 $0xA, s9;
	s17 =	sshrl.u32 s14, $0x3;
	[dreg:$0x1b] =	wrdreg s26  }
0x16: {  	s13 =	ssub.s32 s10, s20;
	s22 =	sadd.s32 $0x66800, s8;
	[smem:$0x7FC] =	sst s17  }
0x17: {  	s6 =	sadd.s32 s6, s3;
	s8 =	sadd.s32 $0x70800, s8;
	[dreg:$0x1c] =	wrdreg s22  }
0x18: {  	s9 =	smul.u32 $0x500, s9;
	s25 =	smax.u32 s13, $0x1;
	[dreg:$0x1d] =	wrdreg s8  }
0x19: {  	s10 =	sadd.s32 $0xC800, s0;
	s13 =	simm.s32 $0xB80;
	[smem:$0x7FA] =	sst s25  }
0x1a: {  	s7 =	sshrl.u32 s7, $0x3;
	s23 =	sadd.s32 $0x2, s12;
	[dreg:$0x11] =	wrdreg s13  }
0x1b: {  	s11 =	sadd.s32 s7, s0;
	s12 =	sadd.s32 s5, s9;
	[dreg:$0x4] =	wrdreg s23  }
0x1c: {  	s7 =	sor.u32 $0x1C07, s21;
	s21 =	simm.s32 $0xA00;
	[dreg:$0x1e] =	wrdreg s12  }
0x1d: {  	s24 =	simm.s32 $0x400;
	s22 =	simm.s32 $0x280;
	[dreg:$0xb] =	wrdreg s21  }
0x1e: {  	s26 =	simm.s32 $0x3;
	s8 =	simm.s32 $0xB00;
	[dreg:$0xc] =	wrdreg s22  }
0x1f: {  	s17 =	sshrl.u32 s6, $0x3;
	s25 =	simm.s32 $0x680;
	[dreg:$0xf] =	wrdreg s8  }
0x20: {  	s6 =	simm.s32 $0x780;
	s20 =	sadd.s32 $0x7A800, s11;
	[dreg:$0x1a] =	wrdreg s25  }
0x21: {  	s0 =	simm.s32 $0x700;
	s11 =	simm.s32 $0x380;
	[smem:$0x7F9] =	sst s20  }
0x22: {  	s23 =	smul.u32 $0xA, s15;
	s15 =	simm.s32 $0x480;
	[dreg:$0x10] =	wrdreg s11  }
0x23: {  	s21 =	sadd.s32 s9, s10;
	s22 =	simm.s32 $0xD80;
	[dreg:$0x12] =	wrdreg s15  }
0x24: {  	s25 =	simm.s32 $0xC00;
	s9 =	simm.s32 $0xF80;
	[smem:$0x7FD] =	sst s21  }
0x25: {  	s20 =	simm.s32 $0x580;
	[dreg:$0x17] =	wrdreg s22;
	s21 =	simm.s32 $0x1000  }
0x26: {  	s22 =	simm.s32 $0x2000;
	s11 =	simm.s32 $0x0;
	s1 =	sadd.s32 s23, s1  }
0x27: {  	[dreg:$0x16] =	wrdreg s20;
	s23 =	simm.s32 $0x600;
	s1 =	sshll.u32 s1, $0x7  }
0x28: {  	s20 =	simm.s32 $0x80;
	s12 =	sadd.s32 s1, s5;
	s1 =	sor.u32 $0x80, s1  }
0x29: {  	[dreg:$0x18] =	wrdreg s23;
	s8 =	sadd.s32 $0x80, s12;
	s15 =	sadd.s32 s10, s1  }
0x2a: {  	s1 =	simm.s32 $0xF00;
	[smem:$0x7FB] =	sst s8;
	s8 =	simm.s32 $0x1  }
.LBB2_1:
0x2b: {  	s13 =	sld [smem:$0x7FC];
	_ =	sdelay $0x1  }
0x2c: {  	s12 =	rddreg [dreg:$0x1c]  }
0x2d: {  	[spmem:s13], [sflag:s7] =	dma.local [hbm:s12], $0xA00  }
0x2e: {  	_ =	swait.ge [sflag:s16], $0xA00  }
0x2f: {  	[sflag:s16] =	ssyncset.done $0x0  }
0x30: {  	s18 =	rddreg [dreg:$0x1d];
	[sflag:s16] =	ssyncadd.s32 $0xFFFFF600  }
0x31: {  	[spmem:s17], [sflag:s7] =	dma.local [hbm:s18], $0xA00  }
0x32: {  	_ =	swait.ge [sflag:s16], $0xA00  }
0x33: {  	[sflag:s16] =	ssyncset.done $0x0  }
0x34: {  	[sflag:s16] =	ssyncadd.s32 $0xFFFFF600  }
0x35: {  	[bflag:$0x0] =	sbarrier.arrive $0xFFFF  }
0x36: {  	s23 =	rddreg [dreg:$0x1e]  }
0x37: {  	[tilespmem:s4], [sflag:$0x7] =	stream.linear.gather [hbm4b:s23+s4], $0x400, $0x38;
	[tilespmem:$0xD000] =	vst v63  }
0x38: {  	_ =	swait.ge [sflag:s16], $0x400  }
0x39: {  	s13 =	sld [smem:$0x7FD]  }
0x3a: {  	[sflag:s16] =	ssyncset.done $0x0  }
0x3b: {  	[sflag:s16] =	ssyncadd.s32 $0xFFFFFC00  }
0x3c: {  	[tilespmem:s19], [sflag:$0x7] =	stream.linear.gather [hbm4b:s13+s4], $0x400, $0x38;
	[tilespmem:$0xD000] =	vst v63  }
0x3d: {  	_ =	swait.ge [sflag:s16], $0x400  }
0x3e: {  	[sflag:s16] =	ssyncset.done $0x0  }
0x3f: {  	s14 =	rddreg [dreg:$0x1f];
	[sflag:s16] =	ssyncadd.s32 $0xFFFFFC00  }
0x40: {  	[tilespmem:s21], [sflag:$0x3] =	stream.indirect.gather [spmem:s2], $0x20, s4, s20, $0xb8;
	[tilespmem:$0xD000] =	vst v63  }
0x41: {  	s13 =	sld [smem:$0x7FB]  }
0x42: {  	[spmem:s14] =	stream.linear.scatter [tilespmem:s22], [sflag:$0x6], $0x1000, $0x38;
	[tilespmem:$0xD000] =	vst v63  }
0x43: {  	_ = 	snop  }
0x44: {  	[tilespmem:s24], [sflag:$0x2] =	stream.linear.gather [hbm4b:s13+s4], $0x400, $0x38;
	[tilespmem:$0xD000] =	vst v63  }
0x45: {  	_ = 	snop  }
0x46: {  	[tilespmem:s25], [sflag:$0x2] =	stream.linear.gather [hbm4b:s15+s4], $0x400, $0x38;
	[tilespmem:$0xD000] =	vst v63  }
0x47: {  	_ =	swait.ge [sflag:s26], $0x1000  }
0x48: {  	[sflag:s26] =	ssyncset.done $0x0  }
0x49: {  	[sflag:s26] =	ssyncadd.s32 $0xFFFFF000  }
0x4a: {  	[spmem:s3] =	stream.indirect.scatter.add.f32 [tilespmem:s21], [sflag:$0x5], $0x20, s19, s20, $0xb8;
	[tilespmem:$0xD000] =	vst v63  }
0x4b: {  	_ =	swait.ge [sflag:s28], $0x1000  }
0x4c: {  	[sflag:s28] =	ssyncset.done $0x0  }
0x4d: {  	[sflag:s28] =	ssyncadd.s32 $0xFFFFF000  }
0x4e: {  	[tilespmem:s22], [sflag:$0x4] =	stream.indirect.gather [spmem:s2], $0x20, s20, s20, $0xb8;
	[tilespmem:$0xD000] =	vst v63  }
0x4f: {  	_ =	swait.ge [sflag:s29], $0x1000  }
0x50: {  	[sflag:s29] =	ssyncset.done $0x0  }
0x51: {  	s18 =	rddreg [dreg:$0x5];
	[sflag:s29] =	ssyncadd.s32 $0xFFFFF000  }
0x52: {  	[spmem:s3] =	stream.indirect.scatter.add.f32 [tilespmem:s22], [sflag:$0x6], $0x20, s18, s20, $0xb8;
	[tilespmem:$0xD000] =	vst v63  }
0x53: {  	_ =	swait.ge [sflag:s30], $0x1000  }
0x54: {  	[sflag:s30] =	ssyncset.done $0x0  }
0x55: {  	s23 =	rddreg [dreg:$0x6];
	[sflag:s30] =	ssyncadd.s32 $0xFFFFF000  }
0x56: {  	[tilespmem:s21], [sflag:$0x3] =	stream.indirect.gather [spmem:s2], $0x20, s23, s20, $0xb8;
	[tilespmem:$0xD000] =	vst v63  }
0x57: {  	_ =	swait.ge [sflag:s26], $0x1000  }
0x58: {  	[sflag:s26] =	ssyncset.done $0x0  }
0x59: {  	s14 =	rddreg [dreg:$0x7];
	[sflag:s26] =	ssyncadd.s32 $0xFFFFF000  }
0x5a: {  	[spmem:s3] =	stream.indirect.scatter.add.f32 [tilespmem:s21], [sflag:$0x5], $0x20, s14, s20, $0xb8;
	[tilespmem:$0xD000] =	vst v63  }
0x5b: {  	_ =	swait.ge [sflag:s28], $0x1000  }
0x5c: {  	[sflag:s28] =	ssyncset.done $0x0  }
0x5d: {  	s18 =	rddreg [dreg:$0x8];
	[sflag:s28] =	ssyncadd.s32 $0xFFFFF000  }
0x5e: {  	[tilespmem:s22], [sflag:$0x4] =	stream.indirect.gather [spmem:s2], $0x20, s18, s20, $0xb8;
	[tilespmem:$0xD000] =	vst v63  }
0x5f: {  	_ =	swait.ge [sflag:s29], $0x1000  }
0x60: {  	[sflag:s29] =	ssyncset.done $0x0  }
0x61: {  	s23 =	rddreg [dreg:$0x9];
	[sflag:s29] =	ssyncadd.s32 $0xFFFFF000  }
0x62: {  	[spmem:s3] =	stream.indirect.scatter.add.f32 [tilespmem:s22], [sflag:$0x6], $0x20, s23, s20, $0xb8;
	[tilespmem:$0xD000] =	vst v63  }
0x63: {  	_ =	swait.ge [sflag:s30], $0x1000  }
0x64: {  	[sflag:s30] =	ssyncset.done $0x0  }
0x65: {  	s14 =	rddreg [dreg:$0xa];
	[sflag:s30] =	ssyncadd.s32 $0xFFFFF000  }
0x66: {  	[tilespmem:s21], [sflag:$0x3] =	stream.indirect.gather [spmem:s2], $0x20, s14, s20, $0xb8;
	[tilespmem:$0xD000] =	vst v63  }
0x67: {  	_ =	swait.ge [sflag:s26], $0x1000  }
0x68: {  	[sflag:s26] =	ssyncset.done $0x0  }
0x69: {  	s18 =	rddreg [dreg:$0xb];
	[sflag:s26] =	ssyncadd.s32 $0xFFFFF000  }
0x6a: {  	[spmem:s3] =	stream.indirect.scatter.add.f32 [tilespmem:s21], [sflag:$0x5], $0x20, s18, s20, $0xb8;
	[tilespmem:$0xD000] =	vst v63  }
0x6b: {  	_ =	swait.ge [sflag:s28], $0x1000  }
0x6c: {  	[sflag:s28] =	ssyncset.done $0x0  }
0x6d: {  	s23 =	rddreg [dreg:$0xc];
	[sflag:s28] =	ssyncadd.s32 $0xFFFFF000  }
0x6e: {  	[tilespmem:s22], [sflag:$0x4] =	stream.indirect.gather [spmem:s2], $0x20, s23, s20, $0xb8;
	[tilespmem:$0xD000] =	vst v63  }
0x6f: {  	_ =	swait.ge [sflag:s29], $0x1000  }
0x70: {  	[sflag:s29] =	ssyncset.done $0x0  }
0x71: {  	s14 =	rddreg [dreg:$0xd];
	[sflag:s29] =	ssyncadd.s32 $0xFFFFF000  }
0x72: {  	[spmem:s3] =	stream.indirect.scatter.add.f32 [tilespmem:s22], [sflag:$0x6], $0x20, s14, s20, $0xb8;
	[tilespmem:$0xD000] =	vst v63  }
0x73: {  	_ =	swait.ge [sflag:s30], $0x1000  }
0x74: {  	[sflag:s30] =	ssyncset.done $0x0  }
0x75: {  	s18 =	rddreg [dreg:$0xe];
	[sflag:s30] =	ssyncadd.s32 $0xFFFFF000  }
0x76: {  	[tilespmem:s21], [sflag:$0x3] =	stream.indirect.gather [spmem:s2], $0x20, s18, s20, $0xb8;
	[tilespmem:$0xD000] =	vst v63  }
0x77: {  	_ =	swait.ge [sflag:s26], $0x1000  }
0x78: {  	[sflag:s26] =	ssyncset.done $0x0  }
0x79: {  	s23 =	rddreg [dreg:$0xf];
	[sflag:s26] =	ssyncadd.s32 $0xFFFFF000  }
0x7a: {  	[spmem:s3] =	stream.indirect.scatter.add.f32 [tilespmem:s21], [sflag:$0x5], $0x20, s23, s20, $0xb8;
	[tilespmem:$0xD000] =	vst v63  }
0x7b: {  	_ =	swait.ge [sflag:s28], $0x1000  }
0x7c: {  	[sflag:s28] =	ssyncset.done $0x0  }
0x7d: {  	s14 =	rddreg [dreg:$0x10];
	[sflag:s28] =	ssyncadd.s32 $0xFFFFF000  }
0x7e: {  	[tilespmem:s22], [sflag:$0x4] =	stream.indirect.gather [spmem:s2], $0x20, s14, s20, $0xb8;
	[tilespmem:$0xD000] =	vst v63  }
0x7f: {  	_ =	swait.ge [sflag:s31], $0x400  }
0x80: {  	[sflag:s31] =	ssyncset.done $0x0  }
0x81: {  	[sflag:s31] =	ssyncadd.s32 $0xFFFFFC00  }
0x82: {  	_ =	swait.ge [sflag:s31], $0x400  }
0x83: {  	[sflag:s31] =	ssyncset.done $0x0  }
0x84: {  	[sflag:s31] =	ssyncadd.s32 $0xFFFFFC00  }
0x85: {  	_ =	swait.ge [sflag:s29], $0x1000  }
0x86: {  	[sflag:s29] =	ssyncset.done $0x0  }
0x87: {  	s18 =	rddreg [dreg:$0x11];
	[sflag:s29] =	ssyncadd.s32 $0xFFFFF000  }
0x88: {  	[spmem:s3] =	stream.indirect.scatter.add.f32 [tilespmem:s22], [sflag:$0x6], $0x20, s18, s20, $0xb8;
	[tilespmem:$0xD000] =	vst v63  }
0x89: {  	_ =	swait.ge [sflag:s30], $0x1000  }
0x8a: {  	s14 =	smin.u32 s4, $0x7;
	[sflag:s30] =	ssyncset.done $0x0;
	s23 =	rddreg [dreg:$0x4]  }
0x8b: {  	[sflag:s30] =	ssyncadd.s32 $0xFFFFF000;
	s12 =	sadd.s32 s14, s23  }
0x8c: {  	[tilespmem:s21], [sflag:$0x3] =	stream.indirect.gather [spmem:s2], $0x20, s24, s20, $0xb8;
	[tilespmem:$0xD000] =	vst v63  }
0x8d: {  	s12 =	sshll.u32 s12, $0x7  }
0x8e: {  	s18 =	sadd.s32 s5, s12  }
0x8f: {  	[tilespmem:s4], [sflag:$0x1] =	stream.linear.gather [hbm4b:s18+s4], $0x400, $0x38;
	[tilespmem:$0xD000] =	vst v63  }
0x90: {  	s12 =	sadd.s32 s10, s12  }
0x91: {  	[tilespmem:s19], [sflag:$0x1] =	stream.linear.gather [hbm4b:s12+s4], $0x400, $0x38;
	[tilespmem:$0xD000] =	vst v63  }
0x92: {  	_ =	swait.ge [sflag:s26], $0x1000  }
0x93: {  	[sflag:s26] =	ssyncset.done $0x0  }
0x94: {  	[sflag:s26] =	ssyncadd.s32 $0xFFFFF000  }
0x95: {  	[spmem:s3] =	stream.indirect.scatter.add.f32 [tilespmem:s21], [sflag:$0x5], $0x20, s25, s20, $0xb8;
	[tilespmem:$0xD000] =	vst v63  }
0x96: {  	_ =	swait.ge [sflag:s28], $0x1000  }
0x97: {  	[sflag:s28] =	ssyncset.done $0x0  }
0x98: {  	s23 =	rddreg [dreg:$0x12];
	[sflag:s28] =	ssyncadd.s32 $0xFFFFF000  }
0x99: {  	[tilespmem:s22], [sflag:$0x4] =	stream.indirect.gather [spmem:s2], $0x20, s23, s20, $0xb8;
	[tilespmem:$0xD000] =	vst v63  }
0x9a: {  	_ =	swait.ge [sflag:s29], $0x1000  }
0x9b: {  	[sflag:s29] =	ssyncset.done $0x0  }
0x9c: {  	s14 =	rddreg [dreg:$0x13];
	[sflag:s29] =	ssyncadd.s32 $0xFFFFF000  }
0x9d: {  	[spmem:s3] =	stream.indirect.scatter.add.f32 [tilespmem:s22], [sflag:$0x6], $0x20, s14, s20, $0xb8;
	[tilespmem:$0xD000] =	vst v63  }
0x9e: {  	_ =	swait.ge [sflag:s30], $0x1000  }
0x9f: {  	[sflag:s30] =	ssyncset.done $0x0  }
0xa0: {  	s18 =	rddreg [dreg:$0x14];
	[sflag:s30] =	ssyncadd.s32 $0xFFFFF000  }
0xa1: {  	[tilespmem:s21], [sflag:$0x3] =	stream.indirect.gather [spmem:s2], $0x20, s18, s20, $0xb8;
	[tilespmem:$0xD000] =	vst v63  }
0xa2: {  	_ =	swait.ge [sflag:s26], $0x1000  }
0xa3: {  	[sflag:s26] =	ssyncset.done $0x0  }
0xa4: {  	s23 =	rddreg [dreg:$0x15];
	[sflag:s26] =	ssyncadd.s32 $0xFFFFF000  }
0xa5: {  	[spmem:s3] =	stream.indirect.scatter.add.f32 [tilespmem:s21], [sflag:$0x5], $0x20, s23, s20, $0xb8;
	[tilespmem:$0xD000] =	vst v63  }
0xa6: {  	_ =	swait.ge [sflag:s28], $0x1000  }
0xa7: {  	[sflag:s28] =	ssyncset.done $0x0  }
0xa8: {  	s14 =	rddreg [dreg:$0x16];
	[sflag:s28] =	ssyncadd.s32 $0xFFFFF000  }
0xa9: {  	[tilespmem:s22], [sflag:$0x4] =	stream.indirect.gather [spmem:s2], $0x20, s14, s20, $0xb8;
	[tilespmem:$0xD000] =	vst v63  }
0xaa: {  	_ =	swait.ge [sflag:s29], $0x1000  }
0xab: {  	[sflag:s29] =	ssyncset.done $0x0  }
0xac: {  	s18 =	rddreg [dreg:$0x17];
	[sflag:s29] =	ssyncadd.s32 $0xFFFFF000  }
0xad: {  	[spmem:s3] =	stream.indirect.scatter.add.f32 [tilespmem:s22], [sflag:$0x6], $0x20, s18, s20, $0xb8;
	[tilespmem:$0xD000] =	vst v63  }
0xae: {  	_ =	swait.ge [sflag:s30], $0x1000  }
0xaf: {  	[sflag:s30] =	ssyncset.done $0x0  }
0xb0: {  	s23 =	rddreg [dreg:$0x18];
	[sflag:s30] =	ssyncadd.s32 $0xFFFFF000  }
0xb1: {  	[tilespmem:s21], [sflag:$0x3] =	stream.indirect.gather [spmem:s2], $0x20, s23, s20, $0xb8;
	[tilespmem:$0xD000] =	vst v63  }
0xb2: {  	_ =	swait.ge [sflag:s26], $0x1000  }
0xb3: {  	[sflag:s26] =	ssyncset.done $0x0  }
0xb4: {  	s14 =	rddreg [dreg:$0x19];
	[sflag:s26] =	ssyncadd.s32 $0xFFFFF000  }
0xb5: {  	[spmem:s3] =	stream.indirect.scatter.add.f32 [tilespmem:s21], [sflag:$0x5], $0x20, s14, s20, $0xb8;
	[tilespmem:$0xD000] =	vst v63  }
0xb6: {  	_ =	swait.ge [sflag:s28], $0x1000  }
0xb7: {  	[sflag:s28] =	ssyncset.done $0x0  }
0xb8: {  	s18 =	rddreg [dreg:$0x1a];
	[sflag:s28] =	ssyncadd.s32 $0xFFFFF000  }
0xb9: {  	[tilespmem:s22], [sflag:$0x4] =	stream.indirect.gather [spmem:s2], $0x20, s18, s20, $0xb8;
	[tilespmem:$0xD000] =	vst v63  }
0xba: {  	_ =	swait.ge [sflag:s29], $0x1000  }
0xbb: {  	[sflag:s29] =	ssyncset.done $0x0  }
0xbc: {  	s23 =	rddreg [dreg:$0x1b];
	[sflag:s29] =	ssyncadd.s32 $0xFFFFF000  }
0xbd: {  	[spmem:s3] =	stream.indirect.scatter.add.f32 [tilespmem:s22], [sflag:$0x6], $0x20, s23, s20, $0xb8;
	[tilespmem:$0xD000] =	vst v63  }
0xbe: {  	_ =	swait.ge [sflag:s30], $0x1000  }
0xbf: {  	[sflag:s30] =	ssyncset.done $0x0  }
0xc0: {  	[sflag:s30] =	ssyncadd.s32 $0xFFFFF000  }
0xc1: {  	[tilespmem:s21], [sflag:$0x3] =	stream.indirect.gather [spmem:s2], $0x20, s0, s20, $0xb8;
	[tilespmem:$0xD000] =	vst v63  }
0xc2: {  	_ =	swait.ge [sflag:s26], $0x1000  }
0xc3: {  	[sflag:s26] =	ssyncset.done $0x0  }
0xc4: {  	[sflag:s26] =	ssyncadd.s32 $0xFFFFF000  }
0xc5: {  	[spmem:s3] =	stream.indirect.scatter.add.f32 [tilespmem:s21], [sflag:$0x5], $0x20, s1, s20, $0xb8;
	[tilespmem:$0xD000] =	vst v63  }
0xc6: {  	_ =	swait.ge [sflag:s28], $0x1000  }
0xc7: {  	[sflag:s28] =	ssyncset.done $0x0  }
0xc8: {  	[sflag:s28] =	ssyncadd.s32 $0xFFFFF000  }
0xc9: {  	[tilespmem:s22], [sflag:$0x4] =	stream.indirect.gather [spmem:s2], $0x20, s6, s20, $0xb8;
	[tilespmem:$0xD000] =	vst v63  }
0xca: {  	_ =	swait.ge [sflag:s8], $0x400  }
0xcb: {  	[sflag:s8] =	ssyncset.done $0x0  }
0xcc: {  	[sflag:s8] =	ssyncadd.s32 $0xFFFFFC00  }
0xcd: {  	_ =	swait.ge [sflag:s8], $0x400  }
0xce: {  	[sflag:s8] =	ssyncset.done $0x0  }
0xcf: {  	[sflag:s8] =	ssyncadd.s32 $0xFFFFFC00  }
0xd0: {  	_ =	swait.ge [sflag:s29], $0x1000  }
0xd1: {  	[sflag:s29] =	ssyncset.done $0x0  }
0xd2: {  	s12 =	simm.s32 $0x2;
	[sflag:s29] =	ssyncadd.s32 $0xFFFFF000  }
0xd3: {  	[spmem:s3] =	stream.indirect.scatter.add.f32 [tilespmem:s22], [sflag:$0x6], $0x20, s9, s20, $0xb8;
	[tilespmem:$0xD000] =	vst v63  }
0xd4: {  	s14 =	smov.u32 s13;
	s23 =	smov.u32 s15;
	_ =	swait.ge [sflag:s30], $0x1000  }
.LBB2_2:
0xd5: {  	[sflag:s30] =	ssyncset.done $0x0  }
0xd6: {  	[sflag:s30] =	ssyncadd.s32 $0xFFFFF000  }
0xd7: {  	[tilespmem:s21], [sflag:$0x3] =	stream.indirect.gather [spmem:s2], $0x20, s4, s20, $0xb8;
	[tilespmem:$0xD000] =	vst v63  }
0xd8: {  	s14 =	sadd.s32 $0x100, s14  }
0xd9: {  	[tilespmem:s24], [sflag:$0x2] =	stream.linear.gather [hbm4b:s14+s4], $0x400, $0x38;
	[tilespmem:$0xD000] =	vst v63  }
0xda: {  	s23 =	sadd.s32 $0x100, s23  }
0xdb: {  	[tilespmem:s25], [sflag:$0x2] =	stream.linear.gather [hbm4b:s23+s4], $0x400, $0x38;
	[tilespmem:$0xD000] =	vst v63  }
0xdc: {  	_ =	swait.ge [sflag:s26], $0x1000  }
0xdd: {  	[sflag:s26] =	ssyncset.done $0x0  }
0xde: {  	[sflag:s26] =	ssyncadd.s32 $0xFFFFF000  }
0xdf: {  	[spmem:s3] =	stream.indirect.scatter.add.f32 [tilespmem:s21], [sflag:$0x5], $0x20, s19, s20, $0xb8;
	[tilespmem:$0xD000] =	vst v63  }
0xe0: {  	_ =	swait.ge [sflag:s28], $0x1000  }
0xe1: {  	[sflag:s28] =	ssyncset.done $0x0  }
0xe2: {  	[sflag:s28] =	ssyncadd.s32 $0xFFFFF000  }
0xe3: {  	[tilespmem:s22], [sflag:$0x4] =	stream.indirect.gather [spmem:s2], $0x20, s20, s20, $0xb8;
	[tilespmem:$0xD000] =	vst v63  }
0xe4: {  	_ =	swait.ge [sflag:s29], $0x1000  }
0xe5: {  	[sflag:s29] =	ssyncset.done $0x0  }
0xe6: {  	s13 =	rddreg [dreg:$0x5];
	[sflag:s29] =	ssyncadd.s32 $0xFFFFF000  }
0xe7: {  	[spmem:s3] =	stream.indirect.scatter.add.f32 [tilespmem:s22], [sflag:$0x6], $0x20, s13, s20, $0xb8;
	[tilespmem:$0xD000] =	vst v63  }
0xe8: {  	_ =	swait.ge [sflag:s30], $0x1000  }
0xe9: {  	[sflag:s30] =	ssyncset.done $0x0  }
0xea: {  	s13 =	rddreg [dreg:$0x6];
	[sflag:s30] =	ssyncadd.s32 $0xFFFFF000  }
0xeb: {  	[tilespmem:s21], [sflag:$0x3] =	stream.indirect.gather [spmem:s2], $0x20, s13, s20, $0xb8;
	[tilespmem:$0xD000] =	vst v63  }
0xec: {  	_ =	swait.ge [sflag:s26], $0x1000  }
0xed: {  	[sflag:s26] =	ssyncset.done $0x0  }
0xee: {  	s13 =	rddreg [dreg:$0x7];
	[sflag:s26] =	ssyncadd.s32 $0xFFFFF000  }
0xef: {  	[spmem:s3] =	stream.indirect.scatter.add.f32 [tilespmem:s21], [sflag:$0x5], $0x20, s13, s20, $0xb8;
	[tilespmem:$0xD000] =	vst v63  }
0xf0: {  	_ =	swait.ge [sflag:s28], $0x1000  }
0xf1: {  	[sflag:s28] =	ssyncset.done $0x0  }
0xf2: {  	s13 =	rddreg [dreg:$0x8];
	[sflag:s28] =	ssyncadd.s32 $0xFFFFF000  }
0xf3: {  	[tilespmem:s22], [sflag:$0x4] =	stream.indirect.gather [spmem:s2], $0x20, s13, s20, $0xb8;
	[tilespmem:$0xD000] =	vst v63  }
0xf4: {  	_ =	swait.ge [sflag:s29], $0x1000  }
0xf5: {  	[sflag:s29] =	ssyncset.done $0x0  }
0xf6: {  	s13 =	rddreg [dreg:$0x9];
	[sflag:s29] =	ssyncadd.s32 $0xFFFFF000  }
0xf7: {  	[spmem:s3] =	stream.indirect.scatter.add.f32 [tilespmem:s22], [sflag:$0x6], $0x20, s13, s20, $0xb8;
	[tilespmem:$0xD000] =	vst v63  }
0xf8: {  	_ =	swait.ge [sflag:s30], $0x1000  }
0xf9: {  	[sflag:s30] =	ssyncset.done $0x0  }
0xfa: {  	s13 =	rddreg [dreg:$0xa];
	[sflag:s30] =	ssyncadd.s32 $0xFFFFF000  }
0xfb: {  	[tilespmem:s21], [sflag:$0x3] =	stream.indirect.gather [spmem:s2], $0x20, s13, s20, $0xb8;
	[tilespmem:$0xD000] =	vst v63  }
0xfc: {  	_ =	swait.ge [sflag:s26], $0x1000  }
0xfd: {  	[sflag:s26] =	ssyncset.done $0x0  }
0xfe: {  	s13 =	rddreg [dreg:$0xb];
	[sflag:s26] =	ssyncadd.s32 $0xFFFFF000  }
0xff: {  	[spmem:s3] =	stream.indirect.scatter.add.f32 [tilespmem:s21], [sflag:$0x5], $0x20, s13, s20, $0xb8;
	[tilespmem:$0xD000] =	vst v63  }
0x100: {  	_ =	swait.ge [sflag:s28], $0x1000  }
0x101: {  	[sflag:s28] =	ssyncset.done $0x0  }
0x102: {  	s13 =	rddreg [dreg:$0xc];
	[sflag:s28] =	ssyncadd.s32 $0xFFFFF000  }
0x103: {  	[tilespmem:s22], [sflag:$0x4] =	stream.indirect.gather [spmem:s2], $0x20, s13, s20, $0xb8;
	[tilespmem:$0xD000] =	vst v63  }
0x104: {  	_ =	swait.ge [sflag:s29], $0x1000  }
0x105: {  	[sflag:s29] =	ssyncset.done $0x0  }
0x106: {  	s13 =	rddreg [dreg:$0xd];
	[sflag:s29] =	ssyncadd.s32 $0xFFFFF000  }
0x107: {  	[spmem:s3] =	stream.indirect.scatter.add.f32 [tilespmem:s22], [sflag:$0x6], $0x20, s13, s20, $0xb8;
	[tilespmem:$0xD000] =	vst v63  }
0x108: {  	_ =	swait.ge [sflag:s30], $0x1000  }
0x109: {  	[sflag:s30] =	ssyncset.done $0x0  }
0x10a: {  	s13 =	rddreg [dreg:$0xe];
	[sflag:s30] =	ssyncadd.s32 $0xFFFFF000  }
0x10b: {  	[tilespmem:s21], [sflag:$0x3] =	stream.indirect.gather [spmem:s2], $0x20, s13, s20, $0xb8;
	[tilespmem:$0xD000] =	vst v63  }
0x10c: {  	_ =	swait.ge [sflag:s26], $0x1000  }
0x10d: {  	[sflag:s26] =	ssyncset.done $0x0  }
0x10e: {  	s13 =	rddreg [dreg:$0xf];
	[sflag:s26] =	ssyncadd.s32 $0xFFFFF000  }
0x10f: {  	[spmem:s3] =	stream.indirect.scatter.add.f32 [tilespmem:s21], [sflag:$0x5], $0x20, s13, s20, $0xb8;
	[tilespmem:$0xD000] =	vst v63  }
0x110: {  	_ =	swait.ge [sflag:s28], $0x1000  }
0x111: {  	[sflag:s28] =	ssyncset.done $0x0  }
0x112: {  	s13 =	rddreg [dreg:$0x10];
	[sflag:s28] =	ssyncadd.s32 $0xFFFFF000  }
0x113: {  	[tilespmem:s22], [sflag:$0x4] =	stream.indirect.gather [spmem:s2], $0x20, s13, s20, $0xb8;
	[tilespmem:$0xD000] =	vst v63  }
0x114: {  	_ =	swait.ge [sflag:s31], $0x400  }
0x115: {  	[sflag:s31] =	ssyncset.done $0x0  }
0x116: {  	[sflag:s31] =	ssyncadd.s32 $0xFFFFFC00  }
0x117: {  	_ =	swait.ge [sflag:s31], $0x400  }
0x118: {  	[sflag:s31] =	ssyncset.done $0x0  }
0x119: {  	[sflag:s31] =	ssyncadd.s32 $0xFFFFFC00  }
0x11a: {  	_ =	swait.ge [sflag:s29], $0x1000  }
0x11b: {  	[sflag:s29] =	ssyncset.done $0x0  }
0x11c: {  	s13 =	rddreg [dreg:$0x11];
	[sflag:s29] =	ssyncadd.s32 $0xFFFFF000  }
0x11d: {  	[spmem:s3] =	stream.indirect.scatter.add.f32 [tilespmem:s22], [sflag:$0x6], $0x20, s13, s20, $0xb8;
	[tilespmem:$0xD000] =	vst v63  }
0x11e: {  	s18 =	smov.u32 s12;
	_ =	swait.ge [sflag:s30], $0x1000  }
0x11f: {  	s18 =	smin.u32 s18, $0x7;
	[sflag:s30] =	ssyncset.done $0x0;
	s13 =	rddreg [dreg:$0x4]  }
0x120: {  	[sflag:s30] =	ssyncadd.s32 $0xFFFFF000;
	s13 =	sadd.s32 s18, s13  }
0x121: {  	[tilespmem:s21], [sflag:$0x3] =	stream.indirect.gather [spmem:s2], $0x20, s24, s20, $0xb8;
	[tilespmem:$0xD000] =	vst v63  }
0x122: {  	s13 =	sshll.u32 s13, $0x7  }
0x123: {  	s18 =	sadd.s32 s5, s13  }
0x124: {  	[tilespmem:s4], [sflag:$0x1] =	stream.linear.gather [hbm4b:s18+s4], $0x400, $0x38;
	[tilespmem:$0xD000] =	vst v63  }
0x125: {  	s13 =	sadd.s32 s10, s13  }
0x126: {  	[tilespmem:s19], [sflag:$0x1] =	stream.linear.gather [hbm4b:s13+s4], $0x400, $0x38;
	[tilespmem:$0xD000] =	vst v63  }
0x127: {  	_ =	swait.ge [sflag:s26], $0x1000  }
0x128: {  	[sflag:s26] =	ssyncset.done $0x0  }
0x129: {  	[sflag:s26] =	ssyncadd.s32 $0xFFFFF000  }
0x12a: {  	[spmem:s3] =	stream.indirect.scatter.add.f32 [tilespmem:s21], [sflag:$0x5], $0x20, s25, s20, $0xb8;
	[tilespmem:$0xD000] =	vst v63  }
0x12b: {  	_ =	swait.ge [sflag:s28], $0x1000  }
0x12c: {  	[sflag:s28] =	ssyncset.done $0x0  }
0x12d: {  	s18 =	rddreg [dreg:$0x12];
	[sflag:s28] =	ssyncadd.s32 $0xFFFFF000  }
0x12e: {  	[tilespmem:s22], [sflag:$0x4] =	stream.indirect.gather [spmem:s2], $0x20, s18, s20, $0xb8;
	[tilespmem:$0xD000] =	vst v63  }
0x12f: {  	_ =	swait.ge [sflag:s29], $0x1000  }
0x130: {  	[sflag:s29] =	ssyncset.done $0x0  }
0x131: {  	s18 =	rddreg [dreg:$0x13];
	[sflag:s29] =	ssyncadd.s32 $0xFFFFF000  }
0x132: {  	[spmem:s3] =	stream.indirect.scatter.add.f32 [tilespmem:s22], [sflag:$0x6], $0x20, s18, s20, $0xb8;
	[tilespmem:$0xD000] =	vst v63  }
0x133: {  	_ =	swait.ge [sflag:s30], $0x1000  }
0x134: {  	[sflag:s30] =	ssyncset.done $0x0  }
0x135: {  	s18 =	rddreg [dreg:$0x14];
	[sflag:s30] =	ssyncadd.s32 $0xFFFFF000  }
0x136: {  	[tilespmem:s21], [sflag:$0x3] =	stream.indirect.gather [spmem:s2], $0x20, s18, s20, $0xb8;
	[tilespmem:$0xD000] =	vst v63  }
0x137: {  	_ =	swait.ge [sflag:s26], $0x1000  }
0x138: {  	[sflag:s26] =	ssyncset.done $0x0  }
0x139: {  	s18 =	rddreg [dreg:$0x15];
	[sflag:s26] =	ssyncadd.s32 $0xFFFFF000  }
0x13a: {  	[spmem:s3] =	stream.indirect.scatter.add.f32 [tilespmem:s21], [sflag:$0x5], $0x20, s18, s20, $0xb8;
	[tilespmem:$0xD000] =	vst v63  }
0x13b: {  	_ =	swait.ge [sflag:s28], $0x1000  }
0x13c: {  	[sflag:s28] =	ssyncset.done $0x0  }
0x13d: {  	s18 =	rddreg [dreg:$0x16];
	[sflag:s28] =	ssyncadd.s32 $0xFFFFF000  }
0x13e: {  	[tilespmem:s22], [sflag:$0x4] =	stream.indirect.gather [spmem:s2], $0x20, s18, s20, $0xb8;
	[tilespmem:$0xD000] =	vst v63  }
0x13f: {  	_ =	swait.ge [sflag:s29], $0x1000  }
0x140: {  	[sflag:s29] =	ssyncset.done $0x0  }
0x141: {  	s18 =	rddreg [dreg:$0x17];
	[sflag:s29] =	ssyncadd.s32 $0xFFFFF000  }
0x142: {  	[spmem:s3] =	stream.indirect.scatter.add.f32 [tilespmem:s22], [sflag:$0x6], $0x20, s18, s20, $0xb8;
	[tilespmem:$0xD000] =	vst v63  }
0x143: {  	_ =	swait.ge [sflag:s30], $0x1000  }
0x144: {  	[sflag:s30] =	ssyncset.done $0x0  }
0x145: {  	s18 =	rddreg [dreg:$0x18];
	[sflag:s30] =	ssyncadd.s32 $0xFFFFF000  }
0x146: {  	[tilespmem:s21], [sflag:$0x3] =	stream.indirect.gather [spmem:s2], $0x20, s18, s20, $0xb8;
	[tilespmem:$0xD000] =	vst v63  }
0x147: {  	_ =	swait.ge [sflag:s26], $0x1000  }
0x148: {  	[sflag:s26] =	ssyncset.done $0x0  }
0x149: {  	s18 =	rddreg [dreg:$0x19];
	[sflag:s26] =	ssyncadd.s32 $0xFFFFF000  }
0x14a: {  	[spmem:s3] =	stream.indirect.scatter.add.f32 [tilespmem:s21], [sflag:$0x5], $0x20, s18, s20, $0xb8;
	[tilespmem:$0xD000] =	vst v63  }
0x14b: {  	_ =	swait.ge [sflag:s28], $0x1000  }
0x14c: {  	[sflag:s28] =	ssyncset.done $0x0  }
0x14d: {  	s18 =	rddreg [dreg:$0x1a];
	[sflag:s28] =	ssyncadd.s32 $0xFFFFF000  }
0x14e: {  	[tilespmem:s22], [sflag:$0x4] =	stream.indirect.gather [spmem:s2], $0x20, s18, s20, $0xb8;
	[tilespmem:$0xD000] =	vst v63  }
0x14f: {  	_ =	swait.ge [sflag:s29], $0x1000  }
0x150: {  	[sflag:s29] =	ssyncset.done $0x0  }
0x151: {  	s18 =	rddreg [dreg:$0x1b];
	[sflag:s29] =	ssyncadd.s32 $0xFFFFF000  }
0x152: {  	[spmem:s3] =	stream.indirect.scatter.add.f32 [tilespmem:s22], [sflag:$0x6], $0x20, s18, s20, $0xb8;
	[tilespmem:$0xD000] =	vst v63  }
0x153: {  	_ =	swait.ge [sflag:s30], $0x1000  }
0x154: {  	[sflag:s30] =	ssyncset.done $0x0  }
0x155: {  	[sflag:s30] =	ssyncadd.s32 $0xFFFFF000  }
0x156: {  	[tilespmem:s21], [sflag:$0x3] =	stream.indirect.gather [spmem:s2], $0x20, s0, s20, $0xb8;
	[tilespmem:$0xD000] =	vst v63  }
0x157: {  	_ =	swait.ge [sflag:s26], $0x1000  }
0x158: {  	[sflag:s26] =	ssyncset.done $0x0  }
0x159: {  	[sflag:s26] =	ssyncadd.s32 $0xFFFFF000  }
0x15a: {  	[spmem:s3] =	stream.indirect.scatter.add.f32 [tilespmem:s21], [sflag:$0x5], $0x20, s1, s20, $0xb8;
	[tilespmem:$0xD000] =	vst v63  }
0x15b: {  	_ =	swait.ge [sflag:s28], $0x1000  }
0x15c: {  	[sflag:s28] =	ssyncset.done $0x0  }
0x15d: {  	[sflag:s28] =	ssyncadd.s32 $0xFFFFF000  }
0x15e: {  	[tilespmem:s22], [sflag:$0x4] =	stream.indirect.gather [spmem:s2], $0x20, s6, s20, $0xb8;
	[tilespmem:$0xD000] =	vst v63  }
0x15f: {  	_ =	swait.ge [sflag:s8], $0x400  }
0x160: {  	[sflag:s8] =	ssyncset.done $0x0  }
0x161: {  	[sflag:s8] =	ssyncadd.s32 $0xFFFFFC00  }
0x162: {  	_ =	swait.ge [sflag:s8], $0x400  }
0x163: {  	[sflag:s8] =	ssyncset.done $0x0  }
0x164: {  	p0 =	sne.s32 s12, $0x8;
	[sflag:s8] =	ssyncadd.s32 $0xFFFFFC00  }
.Ltmp0:
0x165: {  	_ =	swait.ge [sflag:s29], $0x1000;
	(pc) =	sbr.rel @p0 .LBB2_2-.Ltmp0, $4  }
0x166: {  	[sflag:s29] =	ssyncset.done $0x0  }
0x167: {  	[sflag:s29] =	ssyncadd.s32 $0xFFFFF000  }
0x168: {  	[spmem:s3] =	stream.indirect.scatter.add.f32 [tilespmem:s22], [sflag:$0x6], $0x20, s9, s20, $0xb8;
	[tilespmem:$0xD000] =	vst v63  }
0x169: {  	s12 =	sadd.s32 $0x2, s12;
	_ =	swait.ge [sflag:s30], $0x1000  }
0x16a: {  	[sflag:s30] =	ssyncset.done $0x0  }
0x16b: {  	[sflag:s30] =	ssyncadd.s32 $0xFFFFF000  }
0x16c: {  	[tilespmem:s21], [sflag:$0x3] =	stream.indirect.gather [spmem:s2], $0x20, s4, s20, $0xb8;
	[tilespmem:$0xD000] =	vst v63  }
0x16d: {  	_ =	swait.ge [sflag:s26], $0x1000  }
0x16e: {  	[sflag:s26] =	ssyncset.done $0x0  }
0x16f: {  	[sflag:s26] =	ssyncadd.s32 $0xFFFFF000  }
0x170: {  	_ =	swait.ge [sflag:s28], $0x1000  }
0x171: {  	[sflag:s28] =	ssyncset.done $0x0  }
0x172: {  	[sflag:s28] =	ssyncadd.s32 $0xFFFFF000  }
0x173: {  	[bflag:$0x0] =	sbarrier.arrive $0xFFFF  }
0x174: {  	s12 =	sld [smem:$0x7F9];
	_ =	sdelay $0x2  }
0x175: {  	[hbm:s12], [sflag:s7] =	dma.local [spmem:s17], $0xA00  }
0x176: {  	_ =	swait.ge [sflag:s16], $0xA00  }
0x177: {  	s23 =	sld [smem:$0x7FA];
	_ =	sdelay $0x1  }
0x178: {  	s11 =	sadd.s32 $0x1, s11  }
0x179: {  	p0 =	sne.s32 s11, s23  }
.Ltmp1:
0x17a: {  	_ = 	snop;
	(pc) =	sbr.rel @p0 .LBB2_1-.Ltmp1, $3  }
0x17b: {  	_ =	sdelay $0x1  }
0x17c: {  	[sflag:s16] =	ssyncset.done $0x0  }
0x17d: {  	[sflag:s16] =	ssyncadd.s32 $0xFFFFF600  }
0x17e: {  	_ =	sfence.sel $0x180000  }
0x17f: {  	[bflag:$0x0] =	sbarrier.arrive $0xFFFF  }
0x180: {  	_ =	strace $0x9000004D  }
0x181: {  	s0 =	stileid.u32;
	[bflag:$0x2] =	sbarrier.arrive $0xFFFF  }
0x182: {  	p0 =	sne.s32 s0, $0x0;
	s0 =	rddreg [dreg:$0x3]  }
0x183: {  	s0 =	sadd.s32 @!p0 $0x100000, s0  }
0x184: {  	[sflag:s0] =	ssyncadd.tile.s32 @!p0 $0x1;
	_ =	shalt  }
.Lfunc_end2:
_tile_overlayer_lowered:
.L_overlay_start_2:
0x185: {  	(tag) =	ssettag $0x2  }
0x186: {  	s0 =	rddreg [dreg:$0x0];
	s2 =	stileid.u32  }
0x187: {  	s1 =	rddreg [dreg:$0x1];
	p0 =	sne.s32 s2, $0x0  }
0x188: {  	s3 =	rddreg [dreg:$0x2];
	[bflag:$0x3] =	sbarrier.arrive $0xFFFF;
	s2 =	simm.s32 @!p0 $0x1C07  }
0x189: {  	[timem:s3], [sflag:s2] =	dma.local @!p0 [hbm:s0], s1  }
0x18a: {  	s0 =	simm.s32 @!p0 $0x7  }
0x18b: {  	_ =	swait.ge @!p0 [sflag:s0], s1  }
0x18c: {  	s1 =	ssub.s32 @!p0 $0x0, s1;
	[sflag:s0] =	ssyncset.done @!p0 $0x0  }
0x18d: {  	[sflag:s0] =	ssyncadd.s32 @!p0 s1  }
0x18e: {  	[bflag:$0x3] =	sbarrier.arrive $0xFFFF  }
0x18f: {  	_ =	shalt  }

// kernel: kernel.8.cloned.1.call-start
scs
__scs_entry_jumppad:
0x0: {  	(pc) =	sbr.rel $0x88, $3  }
0x1: {  	(tag) =	ssettag $0x0;
	lr =	simm.s32 $0x1  }
0x2: {  	[smem:$0x3F9B] =	sst lr;
	_ =	strace $0xD0000000  }
0x3: {  	_ = 	snop  }
0x4: {  	_ = 	snop  }
0x5: {  	_ = 	snop  }
0x6: {  	_ = 	snop  }
0x7: {  	_ = 	snop  }
__scs_overlays_trampoline_lowered:
0x8: {  	[smem:$0x3FAA] =	sst s0  }
0x9: {  	[smem:$0x3FAB] =	sst s1  }
0xa: {  	[smem:$0x3FAC] =	sst s2  }
0xb: {  	[smem:$0x3FAD] =	sst s3  }
0xc: {  	[smem:$0x3FAE] =	sst s4  }
0xd: {  	[smem:$0x3FAF] =	sst s5  }
0xe: {  	[smem:$0x3FB0] =	sst s6  }
0xf: {  	[smem:$0x3FB1] =	sst s7  }
0x10: {  	[smem:$0x3FB2] =	sst s8  }
0x11: {  	[smem:$0x3FB3] =	sst s9;
	s0 =	simm.s32 @!p0 $0x0  }
0x12: {  	s1 =	sld [smem:$0x3F99];
	s0 =	simm.s32 @p0 $0x1  }
0x13: {  	[smem:$0x3FB4] =	sst s0;
	s0 =	simm.s32 @!p1 $0x0  }
0x14: {  	s2 =	sld [smem:$0x3F98];
	s0 =	simm.s32 @p1 $0x1  }
0x15: {  	[smem:$0x3FB5] =	sst s0;
	s0 =	simm.s32 @!p2 $0x0  }
0x16: {  	s3 =	sld [smem:$0x3FDB];
	s0 =	simm.s32 @p2 $0x1  }
0x17: {  	s4 =	simm.s32 $0x1BF5;
	[smem:$0x3FB7] =	sst s0  }
0x18: {  	s0 =	sld [smem:$0x3F9A];
	_ =	swait.ge [sflag:s4], $0x0  }
0x19: {  	s7 =	sld [smem:$0x3F9B]  }
0x1a: {  	s8 =	sadd.s32 $0xFFFFE003, lr  }
0x1b: {  	s9 =	sadd.s32 $0xFFFFFEF7, lr;
	s5 =	simm.s32 $0xFFFFFFFF;
	p2 =	slt.u32 s8, $0xFFFFF086  }
0x1c: {  	p1 =	slt.u32 s9, $0xF7A;
	s5 =	simm.s32 @!p2 $0x0  }
0x1d: {  	s5 =	simm.s32 @p1 $0x1;
	p0 =	seq.s32 s7, s2  }
0x1e: {  	s7 =	smul.u32 @!p0 $0xF7A, s2;
	p2 =	seq.s32 @!p0 s5, $0x0  }
0x1f: {  	s9 =	smul.u32 $0xF7A, s1;
	s8 =	simm.s32 @!p0 $0x1BF5;
	p2 =	por !p2, p0  }
0x20: {  	[sflag:s8] =	ssyncset.s32 @!p0 $0xFFFFF086;
	s6 =	sadd.s32 @!p0 s3, s7;
	s7 =	simm.s32 @!p0 $0x108  }
0x21: {  	s3 =	sadd.s32 s3, s9;
	s6 =	sadd.s32 @!p0 $0x88, s6;
	s7 =	simm.s32 @p2 $0x1082  }
0x22: {  	[simem:s7], [sflag:s8] =	dma.local @!p0 [hbm:s6], $0xF7A  }
0x23: {  	s9 =	sor.u32 $0xD0000000, s2;
	s6 =	simm.s32 $0x108;
	_ =	swait.ge @!p0 [sflag:s8], $0x0  }
0x24: {  	s3 =	sadd.s32 $0x88, s3;
	s6 =	simm.s32 @!p1 $0x1082;
	[sflag:s4] =	ssyncset.s32 $0xFFFFF086  }
0x25: {  	[simem:s6], [sflag:s4] =	dma.local [hbm:s3], $0xF7A  }
0x26: {  	[smem:$0x3F9B] =	sst s1;
	(tag) =	ssettag s2;
	_ =	strace s9  }
0x27: {  	s1 =	sld [smem:$0x3FAB]  }
0x28: {  	s2 =	sld [smem:$0x3FAC]  }
0x29: {  	s4 =	sld [smem:$0x3FAE]  }
0x2a: {  	p0 =	seq.s32 s5, $0x0;
	s5 =	sld [smem:$0x3FAF]  }
0x2b: {  	s6 =	sld [smem:$0x3FB0]  }
0x2c: {  	s7 =	sld [smem:$0x3FB1]  }
0x2d: {  	s3 =	simm.s32 $0x108;
	s8 =	sld [smem:$0x3FB2]  }
0x2e: {  	s3 =	simm.s32 @!p0 $0x1082;
	s9 =	sld [smem:$0x3FB3]  }
0x2f: {  	lr =	sadd.s32 s0, s3;
	s0 =	sld [smem:$0x3FAA]  }
0x30: {  	s3 =	sld [smem:$0x3FAD]  }
0x31: {  	[smem:$0x3FB6] =	sst s10  }
0x32: {  	s10 =	sld [smem:$0x3FB4];
	_ =	sdelay $0x3  }
0x33: {  	p0 =	seq.s32 s10, $0x1;
	s10 =	sld [smem:$0x3FB6];
	_ =	sdelay $0x3  }
0x34: {  	[smem:$0x3FB6] =	sst s10  }
0x35: {  	s10 =	sld [smem:$0x3FB5];
	_ =	sdelay $0x3  }
0x36: {  	p1 =	seq.s32 s10, $0x1;
	s10 =	sld [smem:$0x3FB6];
	_ =	sdelay $0x3  }
0x37: {  	[smem:$0x3FB6] =	sst s10  }
0x38: {  	s10 =	sld [smem:$0x3FB7]  }
0x39: {  	_ = 	snop;
	(pc) =	sbr.ind lr, $3  }
0x3a: {  	_ = 	snop  }
0x3b: {  	_ = 	snop  }
0x3c: {  	p2 =	seq.s32 s10, $0x1;
	s10 =	sld [smem:$0x3FB6]  }
0x3d: {  	_ =	shalt  }
0x3e: {  	_ =	shalt  }
0x3f: {  	_ =	shalt  }
0x40: {  	_ =	shalt  }
0x41: {  	_ =	shalt  }
0x42: {  	_ =	shalt  }
0x43: {  	_ =	shalt  }
0x44: {  	_ =	shalt  }
0x45: {  	_ =	shalt  }
0x46: {  	_ =	shalt  }
0x47: {  	_ =	shalt  }
0x48: {  	_ =	shalt  }
0x49: {  	_ =	shalt  }
0x4a: {  	_ =	shalt  }
0x4b: {  	_ =	shalt  }
0x4c: {  	_ =	shalt  }
0x4d: {  	_ =	shalt  }
0x4e: {  	_ =	shalt  }
0x4f: {  	_ =	shalt  }
0x50: {  	_ =	shalt  }
0x51: {  	_ =	shalt  }
0x52: {  	_ =	shalt  }
0x53: {  	_ =	shalt  }
0x54: {  	_ =	shalt  }
0x55: {  	_ =	shalt  }
0x56: {  	_ =	shalt  }
0x57: {  	_ =	shalt  }
0x58: {  	_ =	shalt  }
0x59: {  	_ =	shalt  }
0x5a: {  	_ =	shalt  }
0x5b: {  	_ =	shalt  }
0x5c: {  	_ =	shalt  }
0x5d: {  	_ =	shalt  }
0x5e: {  	_ =	shalt  }
0x5f: {  	_ =	shalt  }
0x60: {  	_ =	shalt  }
0x61: {  	_ =	shalt  }
0x62: {  	_ =	shalt  }
0x63: {  	_ =	shalt  }
0x64: {  	_ =	shalt  }
0x65: {  	_ =	shalt  }
0x66: {  	_ =	shalt  }
0x67: {  	_ =	shalt  }
0x68: {  	_ =	shalt  }
0x69: {  	_ =	shalt  }
0x6a: {  	_ =	shalt  }
0x6b: {  	_ =	shalt  }
0x6c: {  	_ =	shalt  }
0x6d: {  	_ =	shalt  }
0x6e: {  	_ =	shalt  }
0x6f: {  	_ =	shalt  }
0x70: {  	_ =	shalt  }
0x71: {  	_ =	shalt  }
0x72: {  	_ =	shalt  }
0x73: {  	_ =	shalt  }
0x74: {  	_ =	shalt  }
0x75: {  	_ =	shalt  }
0x76: {  	_ =	shalt  }
0x77: {  	_ =	shalt  }
0x78: {  	_ =	shalt  }
0x79: {  	_ =	shalt  }
0x7a: {  	_ =	shalt  }
0x7b: {  	_ =	shalt  }
0x7c: {  	_ =	shalt  }
0x7d: {  	_ =	shalt  }
0x7e: {  	_ =	shalt  }
0x7f: {  	_ =	shalt  }
0x80: {  	_ =	shalt  }
0x81: {  	_ =	shalt  }
0x82: {  	_ =	shalt  }
0x83: {  	_ =	shalt  }
0x84: {  	_ =	shalt  }
0x85: {  	_ =	shalt  }
0x86: {  	_ =	shalt  }
0x87: {  	_ =	shalt  }
.Lfunc_end0:
.L_simem_size_0:
called_computation_lowered:
.L_overlay_start_0:
0x88: {  	s2 =	sld [smem:$0x3FD9]  }
0x89: {  	s3 =	sld [smem:$0x3FFE];
	_ =	sdelay $0x1  }
0x8a: {  	s1 =	srdreg.scid  }
0x8b: {  	s0 =	sand.u32 $0x1, s1  }
0x8c: {  	s17 =	sshll.u32 s0, $0xA;
	s2 =	sadd.s32 s3, s2  }
0x8d: {  	s2 =	sadd.s32 s2, s17  }
0x8e: {  	[smem:$0x3FC2] =	sst s2  }
0x8f: {  	_ = 	snop  }
0x90: {  	s2 =	sld [smem:$0x3FD0];
	(tm) =	ssettm $0x1  }
0x91: {  	s18 =	sld [smem:$0x3FFB];
	_ =	sdelay $0x3  }
0x92: {  	_ =	strace s18  }
0x93: {  	s3 =	sld [smem:$0x3FFC];
	_ =	sdelay $0x3  }
0x94: {  	_ =	strace s3  }
0x95: {  	s3 =	sld [smem:$0x3FFD];
	_ =	sdelay $0x3  }
0x96: {  	_ =	strace s3  }
0x97: {  	_ =	strace $0x8FFFFFFF  }
0x98: {  	s19 =	sld [smem:$0x3FDB];
	_ =	sdelay $0x1  }
0x99: {  	s4 =	simm.s32 $_scs_section_size  }
0x9a: {  	s5 =	simm.s32 $_size__tile_overlayer_lowered;
	s6 =	simm.s32 $_tile_overlayer_lowered  }
0x9b: {  	s22 =	simm.s32 $0x1BFF;
	s21 =	sshll.u32 s6, $0x1;
	s3 =	sadd.s32 s4, s19  }
0x9c: {  	s7 =	simm.s32 $0x0;
	s20 =	sshll.u32 s5, $0x1;
	s5 =	sadd.s32 s21, s3  }
0x9d: {  	[timem:s7], [sflag:s22] =	dma.local [hbm:s5], s20  }
0x9e: {  	_ =	swait.ge [sflag:s22], s20  }
0x9f: {  	s4 =	ssub.s32 $0x0, s20;
	[sflag:s22] =	ssyncset.done $0x0  }
0xa0: {  	[sflag:s22] =	ssyncadd.s32 s4;
	_ =	sdelay $0x1  }
0xa1: {  	s23 =	simm.s32 $0x1B8B  }
0xa2: {  	_ =	swait.ge [sflag:s23], $0x1  }
0xa3: {  	[sflag:s23] =	ssyncset.done $0x0  }
0xa4: {  	s25 =	simm.s32 $0x1B8E;
	s24 =	sld [smem:$0x3FFE];
	[sflag:s23] =	ssyncadd.s32 $0xFFFFFFFF  }
0xa5: {  	s26 =	simm.s32 $execute0_lowered;
	[smem:$0x3FD2] =	sst s25  }
0xa6: {  	s5 =	sshll.u32 s26, $0x1;
	_ =	strace $0x80000046;
	[dreg:$0x1] =	wrdreg $0xFFFFFFFF  }
0xa7: {  	s28 =	simm.s32 $_size_execute0_lowered;
	s3 =	sadd.s32 s3, s5;
	[dreg:$0x0] =	wrdreg $0x0  }
0xa8: {  	s5 =	sshll.u32 s28, $0x1;
	[dreg:$0x2] =	wrdreg s3  }
0xa9: {  	[dreg:$0x3] =	wrdreg s5  }
0xaa: {  	[dreg:$0x4] =	wrdreg $0xC0  }
0xab: {  	_ =	task [dreg:s7], $0x5FFFF  }
0xac: {  	[dreg:$0x1] =	wrdreg $0xFFFFFFFF  }
0xad: {  	[dreg:$0x0] =	wrdreg $0x60  }
0xae: {  	[dreg:$0x2] =	wrdreg s24  }
0xaf: {  	[dreg:$0x3] =	wrdreg s2  }
0xb0: {  	[dreg:$0x4] =	wrdreg $0x10000  }
0xb1: {  	[dreg:$0x5] =	wrdreg $0x9  }
0xb2: {  	_ =	task.clear_ibuf [dreg:s7], $0x6FFFF;
	_ =	strace $0x90000046  }
0xb3: {  	s29 =	simm.s32 $0x9;
	_ =	strace $0x80000048  }
0xb4: {  	_ =	swait.ge [sflag:s29], $0x1  }
0xb5: {  	[sflag:s29] =	ssyncadd.s32 $0xFFFFFFFF  }
0xb6: {  	_ =	strace $0x90000048  }
0xb7: {  	_ =	sfence  }
0xb8: {  	s30 =	sld [smem:$0x0];
	_ =	sdelay $0x2  }
0xb9: {  	s31 =	sshll.u32 s1, $0xD;
	s1 =	sshrl.u32 s1, $0x2  }
0xba: {  	s3 =	sand.u32 $0x4000, s31;
	s1 =	sadd.s32 s1, s30  }
0xbb: {  	s0 =	sor.u32 s3, s0;
	s1 =	sshll.u32 s1, $0x11  }
0xbc: {  	s0 =	sor.u32 s1, s0  }
0xbd: {  	s0 =	sadd.s32 $0x8F2B, s0  }
0xbe: {  	[sflag:s0] =	ssyncadd.remote.s32 $0x1  }
0xbf: {  	_ =	sfence.sel $0xFFFF  }
0xc0: {  	[dreg:$0x0] =	wrdreg $0xFFFFFFFF;
	(pc) =	sbr.abs _section_cstart, $3  }
0xc1: {  	[dreg:$0x1] =	wrdreg $0xFFFFFFFF  }
0xc2: {  	_ =	task.clear_ibuf [dreg:s7], $0x2FFFF;
	_ =	strace $0x9FFFFFFF  }
0xc3: {  	(tm) =	ssettm $0x7FFFFFFF  }
tec
execute0_lowered:
.L_overlay_start_1:
0x0: {  	(tag) =	ssettag $0x1  }
0x1: {  	s0 =	rddreg [dreg:$0x0]  }
0x2: {  	s1 =	rddreg [dreg:$0x1]  }
0x3: {  	s2 =	rddreg [dreg:$0x2];
	s4 =	srdreg.scid  }
0x4: {  	s13 =	stileid.u32;
	s3 =	simm.s32 $0x0;
	s16 =	simm.s32 $0x1  }
0x5: {  	s28 =	simm.s32 $0x2;
	s29 =	simm.s32 $0x480;
	s30 =	simm.s32 $0x500  }
0x6: {  	s31 =	simm.s32 $0x580;
	s4 =	sand.u32 $0x1, s4;
	s5 =	smul.u32 $0x2800, s13  }
0x7: {  	[smem:$0x7FF] =	sst s3;
	s7 =	sadd.s32 $0x16800, s0;
	s19 =	smul.u32 $0xA, s13  }
0x8: {  	s18 =	sshll.u32 s13, $0x6;
	s21 =	sadd.s32 $0x27100, s2;
	s6 =	smul.u32 $0x28000, s4  }
0x9: {  	_ =	strace $0x80000047;
	[dreg:$0x5] =	wrdreg s7;
	s17 =	ssub.s32 $0x2, s4  }
0xa: {  	s8 =	sshll.u32 s4, $0x4;
	s4 =	smul.u32 $0xA0, s4;
	s14 =	sor.u32 $0x1C05, s18  }
0xb: {  	s7 =	sadd.s32 $0xC800, s0;
	[dreg:$0x7] =	wrdreg s21;
	s18 =	simm.s32 $0x80  }
0xc: {  	s21 =	simm.s32 $0x100;
	s9 =	sshrl.u32 s17, $0x1;
	s8 =	sor.u32 s13, s8  }
0xd: {  	s12 =	sadd.s32 s5, s2;
	s13 =	simm.s32 $0x800;
	s6 =	sadd.s32 s5, s6  }
0xe: {  	s9 =	ssub.s32 s17, s9;
	s11 =	smul.u32 $0xA, s8;
	s5 =	sshrl.u32 s5, $0x3  }
0xf: {  	s20 =	smul.u32 $0x500, s8;
	s4 =	sadd.s32 s19, s4;
	s17 =	simm.s32 $0x400  }
0x10: {  	s19 =	simm.s32 $0x4;
	s8 =	simm.s32 $0x0;
	s6 =	sshrl.u32 s6, $0x3  }
0x11: {  	s1 =	sadd.s32 s1, s5;
	s24 =	sshll.u32 s4, $0x7;
	s25 =	smax.u32 s9, $0x1  }
0x12: {  	s9 =	sshrl.u32 s12, $0x3;
	s12 =	simm.s32 $0x5;
	s4 =	simm.s32 $0x700  }
0x13: {  	s5 =	simm.s32 $0x780;
	s10 =	sadd.s32 s6, s0;
	[dreg:$0x6] =	wrdreg s1  }
0x14: {  	s22 =	sadd.s32 $0x2, s11;
	[dreg:$0x9] =	wrdreg s25;
	s1 =	sor.u32 $0x80, s24  }
0x15: {  	s0 =	sadd.s32 s20, s7;
	s20 =	simm.s32 $0x3;
	s24 =	simm.s32 $0x280  }
0x16: {  	s25 =	simm.s32 $0x300;
	[dreg:$0x4] =	wrdreg s22;
	s23 =	sadd.s32 $0x16A00, s10  }
0x17: {  	[dreg:$0xa] =	wrdreg s0;
	s26 =	sadd.s32 s7, s1;
	s22 =	simm.s32 $0x180  }
0x18: {  	s0 =	simm.s32 $0x600;
	s1 =	simm.s32 $0x680;
	[dreg:$0x8] =	wrdreg s23  }
0x19: {  	[dreg:$0xb] =	wrdreg s26;
	s23 =	simm.s32 $0x200;
	s26 =	simm.s32 $0x380  }
.LBB2_1:
0x1a: {  	s6 =	rddreg [dreg:$0x6]  }
0x1b: {  	[spmem:s9], [sflag:s14] =	dma.local [hbm:s6], $0x500  }
0x1c: {  	_ =	swait.ge [sflag:s12], $0x500  }
0x1d: {  	[sflag:s12] =	ssyncset.done $0x0  }
0x1e: {  	s11 =	smov.u32 s14;
	s14 =	rddreg [dreg:$0x5];
	[sflag:s12] =	ssyncadd.s32 $0xFFFFFB00  }
0x1f: {  	[tilespmem:s13], [sflag:$0x5] =	stream.linear.gather [hbm4b:s14+s3], $0x800, $0x38;
	[tilespmem:$0x3800] =	vst v63  }
0x20: {  	_ =	swait.ge [sflag:s12], $0x800  }
0x21: {  	[sflag:s12] =	ssyncset.done $0x0  }
0x22: {  	[sflag:s12] =	ssyncadd.s32 $0xFFFFF800  }
0x23: {  	[bflag:$0x0] =	sbarrier.arrive $0xFFFF  }
0x24: {  	s15 =	rddreg [dreg:$0xa]  }
0x25: {  	[tilespmem:s3], [sflag:$0x1] =	stream.linear.gather [hbm4b:s15+s3], $0x400, $0x38;
	[tilespmem:$0x3800] =	vst v63  }
0x26: {  	s10 =	smov.u32 s9;
	s9 =	rddreg [dreg:$0x7]  }
0x27: {  	[spmem:s9] =	stream.linear.scatter [tilespmem:s13], [sflag:$0x4], $0x800, $0x38;
	[tilespmem:$0x3800] =	vst v63  }
0x28: {  	_ =	swait.ge [sflag:s16], $0x400  }
0x29: {  	[sflag:s16] =	ssyncset.done $0x0  }
0x2a: {  	s15 =	rddreg [dreg:$0xb];
	[sflag:s16] =	ssyncadd.s32 $0xFFFFFC00  }
0x2b: {  	[tilespmem:s17], [sflag:$0x2] =	stream.linear.gather [hbm4b:s15+s3], $0x400, $0x38;
	[tilespmem:$0x3800] =	vst v63  }
0x2c: {  	_ = 	snop  }
0x2d: {  	[spmem:s2] =	stream.indirect.scatter.add.f32 [tilespmem:s13], [sflag:$0x3], $0x10, s3, s18, $0xb8;
	[tilespmem:$0x3800] =	vst v63  }
0x2e: {  	_ =	swait.ge [sflag:s19], $0x800  }
0x2f: {  	[sflag:s19] =	ssyncset.done $0x0  }
0x30: {  	[sflag:s19] =	ssyncadd.s32 $0xFFFFF800  }
0x31: {  	[spmem:s2] =	stream.indirect.scatter.add.f32 [tilespmem:s13], [sflag:$0x4], $0x10, s18, s18, $0xb8;
	[tilespmem:$0x3800] =	vst v63  }
0x32: {  	_ =	swait.ge [sflag:s20], $0x800  }
0x33: {  	[sflag:s20] =	ssyncset.done $0x0  }
0x34: {  	[sflag:s20] =	ssyncadd.s32 $0xFFFFF800  }
0x35: {  	[spmem:s2] =	stream.indirect.scatter.add.f32 [tilespmem:s13], [sflag:$0x3], $0x10, s21, s18, $0xb8;
	[tilespmem:$0x3800] =	vst v63  }
0x36: {  	_ =	swait.ge [sflag:s19], $0x800  }
0x37: {  	[sflag:s19] =	ssyncset.done $0x0  }
0x38: {  	[sflag:s19] =	ssyncadd.s32 $0xFFFFF800  }
0x39: {  	[spmem:s2] =	stream.indirect.scatter.add.f32 [tilespmem:s13], [sflag:$0x4], $0x10, s22, s18, $0xb8;
	[tilespmem:$0x3800] =	vst v63  }
0x3a: {  	_ =	swait.ge [sflag:s20], $0x800  }
0x3b: {  	[sflag:s20] =	ssyncset.done $0x0  }
0x3c: {  	[sflag:s20] =	ssyncadd.s32 $0xFFFFF800  }
0x3d: {  	[spmem:s2] =	stream.indirect.scatter.add.f32 [tilespmem:s13], [sflag:$0x3], $0x10, s23, s18, $0xb8;
	[tilespmem:$0x3800] =	vst v63  }
0x3e: {  	_ =	swait.ge [sflag:s19], $0x800  }
0x3f: {  	[sflag:s19] =	ssyncset.done $0x0  }
0x40: {  	[sflag:s19] =	ssyncadd.s32 $0xFFFFF800  }
0x41: {  	[spmem:s2] =	stream.indirect.scatter.add.f32 [tilespmem:s13], [sflag:$0x4], $0x10, s24, s18, $0xb8;
	[tilespmem:$0x3800] =	vst v63  }
0x42: {  	_ =	swait.ge [sflag:s20], $0x800  }
0x43: {  	[sflag:s20] =	ssyncset.done $0x0  }
0x44: {  	[sflag:s20] =	ssyncadd.s32 $0xFFFFF800  }
0x45: {  	[spmem:s2] =	stream.indirect.scatter.add.f32 [tilespmem:s13], [sflag:$0x3], $0x10, s25, s18, $0xb8;
	[tilespmem:$0x3800] =	vst v63  }
0x46: {  	_ =	swait.ge [sflag:s19], $0x800  }
0x47: {  	[sflag:s19] =	ssyncset.done $0x0  }
0x48: {  	[sflag:s19] =	ssyncadd.s32 $0xFFFFF800  }
0x49: {  	[spmem:s2] =	stream.indirect.scatter.add.f32 [tilespmem:s13], [sflag:$0x4], $0x10, s26, s18, $0xb8;
	[tilespmem:$0x3800] =	vst v63  }
0x4a: {  	_ =	swait.ge [sflag:s20], $0x800  }
0x4b: {  	[sflag:s20] =	ssyncset.done $0x0  }
0x4c: {  	[sflag:s20] =	ssyncadd.s32 $0xFFFFF800  }
0x4d: {  	_ =	swait.ge [sflag:s28], $0x400  }
0x4e: {  	s6 =	smin.u32 s3, $0x7;
	s14 =	rddreg [dreg:$0x4]  }
0x4f: {  	s9 =	sadd.s32 s6, s14  }
0x50: {  	[sflag:s28] =	ssyncset.done $0x0;
	s9 =	sshll.u32 s9, $0x7  }
0x51: {  	[sflag:s28] =	ssyncadd.s32 $0xFFFFFC00;
	s9 =	sadd.s32 s7, s9  }
0x52: {  	[tilespmem:s3], [sflag:$0x1] =	stream.linear.gather [hbm4b:s9+s3], $0x400, $0x38;
	[tilespmem:$0x3800] =	vst v63  }
0x53: {  	_ = 	snop  }
0x54: {  	[spmem:s2] =	stream.indirect.scatter.add.f32 [tilespmem:s13], [sflag:$0x3], $0x10, s17, s18, $0xb8;
	[tilespmem:$0x3800] =	vst v63  }
0x55: {  	_ =	swait.ge [sflag:s19], $0x800  }
0x56: {  	[sflag:s19] =	ssyncset.done $0x0  }
0x57: {  	[sflag:s19] =	ssyncadd.s32 $0xFFFFF800  }
0x58: {  	[spmem:s2] =	stream.indirect.scatter.add.f32 [tilespmem:s13], [sflag:$0x4], $0x10, s29, s18, $0xb8;
	[tilespmem:$0x3800] =	vst v63  }
0x59: {  	_ =	swait.ge [sflag:s20], $0x800  }
0x5a: {  	[sflag:s20] =	ssyncset.done $0x0  }
0x5b: {  	[sflag:s20] =	ssyncadd.s32 $0xFFFFF800  }
0x5c: {  	[spmem:s2] =	stream.indirect.scatter.add.f32 [tilespmem:s13], [sflag:$0x3], $0x10, s30, s18, $0xb8;
	[tilespmem:$0x3800] =	vst v63  }
0x5d: {  	_ =	swait.ge [sflag:s19], $0x800  }
0x5e: {  	[sflag:s19] =	ssyncset.done $0x0  }
0x5f: {  	[sflag:s19] =	ssyncadd.s32 $0xFFFFF800  }
0x60: {  	[spmem:s2] =	stream.indirect.scatter.add.f32 [tilespmem:s13], [sflag:$0x4], $0x10, s31, s18, $0xb8;
	[tilespmem:$0x3800] =	vst v63  }
0x61: {  	_ =	swait.ge [sflag:s20], $0x800  }
0x62: {  	[sflag:s20] =	ssyncset.done $0x0  }
0x63: {  	[sflag:s20] =	ssyncadd.s32 $0xFFFFF800  }
0x64: {  	[spmem:s2] =	stream.indirect.scatter.add.f32 [tilespmem:s13], [sflag:$0x3], $0x10, s0, s18, $0xb8;
	[tilespmem:$0x3800] =	vst v63  }
0x65: {  	_ =	swait.ge [sflag:s19], $0x800  }
0x66: {  	[sflag:s19] =	ssyncset.done $0x0  }
0x67: {  	[sflag:s19] =	ssyncadd.s32 $0xFFFFF800  }
0x68: {  	[spmem:s2] =	stream.indirect.scatter.add.f32 [tilespmem:s13], [sflag:$0x4], $0x10, s1, s18, $0xb8;
	[tilespmem:$0x3800] =	vst v63  }
0x69: {  	_ =	swait.ge [sflag:s20], $0x800  }
0x6a: {  	[sflag:s20] =	ssyncset.done $0x0  }
0x6b: {  	[sflag:s20] =	ssyncadd.s32 $0xFFFFF800  }
0x6c: {  	[spmem:s2] =	stream.indirect.scatter.add.f32 [tilespmem:s13], [sflag:$0x3], $0x10, s4, s18, $0xb8;
	[tilespmem:$0x3800] =	vst v63  }
0x6d: {  	_ =	swait.ge [sflag:s19], $0x800  }
0x6e: {  	[sflag:s19] =	ssyncset.done $0x0  }
0x6f: {  	[sflag:s19] =	ssyncadd.s32 $0xFFFFF800  }
0x70: {  	[spmem:s2] =	stream.indirect.scatter.add.f32 [tilespmem:s13], [sflag:$0x4], $0x10, s5, s18, $0xb8;
	[tilespmem:$0x3800] =	vst v63  }
0x71: {  	_ =	swait.ge [sflag:s20], $0x800  }
0x72: {  	s9 =	simm.s32 $0x2;
	[sflag:s20] =	ssyncset.done $0x0  }
.LBB2_2:
0x73: {  	[sflag:s20] =	ssyncadd.s32 $0xFFFFF800  }
0x74: {  	_ =	swait.ge [sflag:s16], $0x400  }
0x75: {  	[sflag:s16] =	ssyncset.done $0x0  }
0x76: {  	s15 =	sadd.s32 $0x100, s15;
	[sflag:s16] =	ssyncadd.s32 $0xFFFFFC00  }
0x77: {  	[tilespmem:s17], [sflag:$0x2] =	stream.linear.gather [hbm4b:s15+s3], $0x400, $0x38;
	[tilespmem:$0x3800] =	vst v63  }
0x78: {  	_ = 	snop  }
0x79: {  	[spmem:s2] =	stream.indirect.scatter.add.f32 [tilespmem:s13], [sflag:$0x3], $0x10, s3, s18, $0xb8;
	[tilespmem:$0x3800] =	vst v63  }
0x7a: {  	_ =	swait.ge [sflag:s19], $0x800  }
0x7b: {  	[sflag:s19] =	ssyncset.done $0x0  }
0x7c: {  	[sflag:s19] =	ssyncadd.s32 $0xFFFFF800  }
0x7d: {  	[spmem:s2] =	stream.indirect.scatter.add.f32 [tilespmem:s13], [sflag:$0x4], $0x10, s18, s18, $0xb8;
	[tilespmem:$0x3800] =	vst v63  }
0x7e: {  	_ =	swait.ge [sflag:s20], $0x800  }
0x7f: {  	[sflag:s20] =	ssyncset.done $0x0  }
0x80: {  	[sflag:s20] =	ssyncadd.s32 $0xFFFFF800  }
0x81: {  	[spmem:s2] =	stream.indirect.scatter.add.f32 [tilespmem:s13], [sflag:$0x3], $0x10, s21, s18, $0xb8;
	[tilespmem:$0x3800] =	vst v63  }
0x82: {  	_ =	swait.ge [sflag:s19], $0x800  }
0x83: {  	[sflag:s19] =	ssyncset.done $0x0  }
0x84: {  	[sflag:s19] =	ssyncadd.s32 $0xFFFFF800  }
0x85: {  	[spmem:s2] =	stream.indirect.scatter.add.f32 [tilespmem:s13], [sflag:$0x4], $0x10, s22, s18, $0xb8;
	[tilespmem:$0x3800] =	vst v63  }
0x86: {  	_ =	swait.ge [sflag:s20], $0x800  }
0x87: {  	[sflag:s20] =	ssyncset.done $0x0  }
0x88: {  	[sflag:s20] =	ssyncadd.s32 $0xFFFFF800  }
0x89: {  	[spmem:s2] =	stream.indirect.scatter.add.f32 [tilespmem:s13], [sflag:$0x3], $0x10, s23, s18, $0xb8;
	[tilespmem:$0x3800] =	vst v63  }
0x8a: {  	_ =	swait.ge [sflag:s19], $0x800  }
0x8b: {  	[sflag:s19] =	ssyncset.done $0x0  }
0x8c: {  	[sflag:s19] =	ssyncadd.s32 $0xFFFFF800  }
0x8d: {  	[spmem:s2] =	stream.indirect.scatter.add.f32 [tilespmem:s13], [sflag:$0x4], $0x10, s24, s18, $0xb8;
	[tilespmem:$0x3800] =	vst v63  }
0x8e: {  	_ =	swait.ge [sflag:s20], $0x800  }
0x8f: {  	[sflag:s20] =	ssyncset.done $0x0  }
0x90: {  	[sflag:s20] =	ssyncadd.s32 $0xFFFFF800  }
0x91: {  	[spmem:s2] =	stream.indirect.scatter.add.f32 [tilespmem:s13], [sflag:$0x3], $0x10, s25, s18, $0xb8;
	[tilespmem:$0x3800] =	vst v63  }
0x92: {  	_ =	swait.ge [sflag:s19], $0x800  }
0x93: {  	[sflag:s19] =	ssyncset.done $0x0  }
0x94: {  	[sflag:s19] =	ssyncadd.s32 $0xFFFFF800  }
0x95: {  	[spmem:s2] =	stream.indirect.scatter.add.f32 [tilespmem:s13], [sflag:$0x4], $0x10, s26, s18, $0xb8;
	[tilespmem:$0x3800] =	vst v63  }
0x96: {  	_ =	swait.ge [sflag:s20], $0x800  }
0x97: {  	[sflag:s20] =	ssyncset.done $0x0  }
0x98: {  	[sflag:s20] =	ssyncadd.s32 $0xFFFFF800  }
0x99: {  	s14 =	smov.u32 s9;
	_ =	swait.ge [sflag:s28], $0x400  }
0x9a: {  	s14 =	smin.u32 s14, $0x7;
	s6 =	rddreg [dreg:$0x4]  }
0x9b: {  	s6 =	sadd.s32 s14, s6  }
0x9c: {  	[sflag:s28] =	ssyncset.done $0x0;
	s6 =	sshll.u32 s6, $0x7  }
0x9d: {  	[sflag:s28] =	ssyncadd.s32 $0xFFFFFC00;
	s6 =	sadd.s32 s7, s6  }
0x9e: {  	[tilespmem:s3], [sflag:$0x1] =	stream.linear.gather [hbm4b:s6+s3], $0x400, $0x38;
	[tilespmem:$0x3800] =	vst v63  }
0x9f: {  	_ = 	snop  }
0xa0: {  	[spmem:s2] =	stream.indirect.scatter.add.f32 [tilespmem:s13], [sflag:$0x3], $0x10, s17, s18, $0xb8;
	[tilespmem:$0x3800] =	vst v63  }
0xa1: {  	_ =	swait.ge [sflag:s19], $0x800  }
0xa2: {  	[sflag:s19] =	ssyncset.done $0x0  }
0xa3: {  	[sflag:s19] =	ssyncadd.s32 $0xFFFFF800  }
0xa4: {  	[spmem:s2] =	stream.indirect.scatter.add.f32 [tilespmem:s13], [sflag:$0x4], $0x10, s29, s18, $0xb8;
	[tilespmem:$0x3800] =	vst v63  }
0xa5: {  	_ =	swait.ge [sflag:s20], $0x800  }
0xa6: {  	[sflag:s20] =	ssyncset.done $0x0  }
0xa7: {  	[sflag:s20] =	ssyncadd.s32 $0xFFFFF800  }
0xa8: {  	[spmem:s2] =	stream.indirect.scatter.add.f32 [tilespmem:s13], [sflag:$0x3], $0x10, s30, s18, $0xb8;
	[tilespmem:$0x3800] =	vst v63  }
0xa9: {  	_ =	swait.ge [sflag:s19], $0x800  }
0xaa: {  	[sflag:s19] =	ssyncset.done $0x0  }
0xab: {  	[sflag:s19] =	ssyncadd.s32 $0xFFFFF800  }
0xac: {  	[spmem:s2] =	stream.indirect.scatter.add.f32 [tilespmem:s13], [sflag:$0x4], $0x10, s31, s18, $0xb8;
	[tilespmem:$0x3800] =	vst v63  }
0xad: {  	_ =	swait.ge [sflag:s20], $0x800  }
0xae: {  	[sflag:s20] =	ssyncset.done $0x0  }
0xaf: {  	[sflag:s20] =	ssyncadd.s32 $0xFFFFF800  }
0xb0: {  	[spmem:s2] =	stream.indirect.scatter.add.f32 [tilespmem:s13], [sflag:$0x3], $0x10, s0, s18, $0xb8;
	[tilespmem:$0x3800] =	vst v63  }
0xb1: {  	_ =	swait.ge [sflag:s19], $0x800  }
0xb2: {  	[sflag:s19] =	ssyncset.done $0x0  }
0xb3: {  	[sflag:s19] =	ssyncadd.s32 $0xFFFFF800  }
0xb4: {  	[spmem:s2] =	stream.indirect.scatter.add.f32 [tilespmem:s13], [sflag:$0x4], $0x10, s1, s18, $0xb8;
	[tilespmem:$0x3800] =	vst v63  }
0xb5: {  	_ =	swait.ge [sflag:s20], $0x800  }
0xb6: {  	[sflag:s20] =	ssyncset.done $0x0  }
0xb7: {  	[sflag:s20] =	ssyncadd.s32 $0xFFFFF800  }
0xb8: {  	[spmem:s2] =	stream.indirect.scatter.add.f32 [tilespmem:s13], [sflag:$0x3], $0x10, s4, s18, $0xb8;
	[tilespmem:$0x3800] =	vst v63  }
0xb9: {  	p0 =	sne.s32 s9, $0x8;
	_ =	swait.ge [sflag:s19], $0x800  }
.Ltmp0:
0xba: {  	[sflag:s19] =	ssyncset.done $0x0;
	(pc) =	sbr.rel @p0 .LBB2_2-.Ltmp0, $4  }
0xbb: {  	[sflag:s19] =	ssyncadd.s32 $0xFFFFF800  }
0xbc: {  	[spmem:s2] =	stream.indirect.scatter.add.f32 [tilespmem:s13], [sflag:$0x4], $0x10, s5, s18, $0xb8;
	[tilespmem:$0x3800] =	vst v63  }
0xbd: {  	_ =	swait.ge [sflag:s20], $0x800  }
0xbe: {  	s9 =	sadd.s32 $0x2, s9;
	[sflag:s20] =	ssyncset.done $0x0  }
0xbf: {  	[sflag:s20] =	ssyncadd.s32 $0xFFFFF800  }
0xc0: {  	_ =	swait.ge [sflag:s19], $0x800  }
0xc1: {  	[sflag:s19] =	ssyncset.done $0x0  }
0xc2: {  	[sflag:s19] =	ssyncadd.s32 $0xFFFFF800  }
0xc3: {  	_ =	swait.ge [sflag:s16], $0x400  }
0xc4: {  	[sflag:s16] =	ssyncset.done $0x0  }
0xc5: {  	[sflag:s16] =	ssyncadd.s32 $0xFFFFFC00  }
0xc6: {  	[bflag:$0x0] =	sbarrier.arrive $0xFFFF  }
0xc7: {  	s6 =	rddreg [dreg:$0x8]  }
0xc8: {  	[hbm:s6], [sflag:s11] =	dma.local [spmem:s10], $0x500  }
0xc9: {  	_ =	swait.ge [sflag:s12], $0x500  }
0xca: {  	s8 =	sadd.s32 $0x1, s8;
	s15 =	rddreg [dreg:$0x9]  }
0xcb: {  	p0 =	sne.s32 s8, s15  }
.Ltmp1:
0xcc: {  	_ = 	snop;
	(pc) =	sbr.rel @p0 .LBB2_1-.Ltmp1, $3  }
0xcd: {  	_ =	sdelay $0x1  }
0xce: {  	[sflag:s12] =	ssyncset.done $0x0  }
0xcf: {  	s14 =	smov.u32 s11;
	s9 =	smov.u32 s10;
	[sflag:s12] =	ssyncadd.s32 $0xFFFFFB00  }
0xd0: {  	_ =	sfence.sel $0x180000  }
0xd1: {  	[bflag:$0x0] =	sbarrier.arrive $0xFFFF  }
0xd2: {  	_ =	strace $0x90000047  }
0xd3: {  	s0 =	stileid.u32;
	[bflag:$0x2] =	sbarrier.arrive $0xFFFF  }
0xd4: {  	p0 =	sne.s32 s0, $0x0;
	s0 =	rddreg [dreg:$0x3]  }
0xd5: {  	s0 =	sadd.s32 @!p0 $0x100000, s0  }
0xd6: {  	[sflag:s0] =	ssyncadd.tile.s32 @!p0 $0x1;
	_ =	shalt  }
.Lfunc_end2:
_tile_overlayer_lowered:
.L_overlay_start_2:
0xd7: {  	(tag) =	ssettag $0x2  }
0xd8: {  	s0 =	rddreg [dreg:$0x0];
	s2 =	stileid.u32  }
0xd9: {  	s1 =	rddreg [dreg:$0x1];
	p0 =	sne.s32 s2, $0x0  }
0xda: {  	s3 =	rddreg [dreg:$0x2];
	[bflag:$0x3] =	sbarrier.arrive $0xFFFF;
	s2 =	simm.s32 @!p0 $0x1C05  }
0xdb: {  	[timem:s3], [sflag:s2] =	dma.local @!p0 [hbm:s0], s1  }
0xdc: {  	s0 =	simm.s32 @!p0 $0x5  }
0xdd: {  	_ =	swait.ge @!p0 [sflag:s0], s1  }
0xde: {  	s1 =	ssub.s32 @!p0 $0x0, s1;
	[sflag:s0] =	ssyncset.done @!p0 $0x0  }
0xdf: {  	[sflag:s0] =	ssyncadd.s32 @!p0 s1  }
0xe0: {  	[bflag:$0x3] =	sbarrier.arrive $0xFFFF  }
0xe1: {  	_ =	shalt  }

</sc_bundles>
